<compile_context>
chip_gen: v7x
topology: tpu7x:2x2x1
jax: 0.10.2.dev20260603
libtpu: 0.0.44.dev20260713+nightly
codegen_flags: <defaults>
</compile_context>

<pallas_src>
import dataclasses

import jax
import jax.numpy as jnp
from jax import lax
from jax.experimental import pallas as pl
from jax.experimental.pallas import tpu as pltpu
from jax.experimental.pallas import tpu_sc as plsc

N = 10000
D = 256
C = 64
E = 160000

NSUB = 16
CH = 128
NCH = 88
EPS = NCH * CH
EPAD = EPS * NSUB
ETOT = E + N

STRIPE_A = 640
NPAD_A = STRIPE_A * NSUB

_f32 = jnp.float32
_i32 = jnp.int32



def _dense1_body(x_ref, w_ref, as_ref, ad_ref, h3_ref, sd_ref):
    h = jnp.dot(x_ref[...], w_ref[...], preferred_element_type=_f32)
    h3_ref[0] = h[:, :128]
    h3_ref[1] = h[:, 128:]
    sd_ref[0] = jnp.sum(h * as_ref[...], axis=1)
    sd_ref[1] = jnp.sum(h * ad_ref[...], axis=1)


def _dense1(x, w, a_s, a_d):
    return pl.pallas_call(
        _dense1_body,
        out_shape=(jax.ShapeDtypeStruct((2, N, 128), _f32),
                   jax.ShapeDtypeStruct((2, N), _f32)),
    )(x, w, a_s, a_d)


def _dense2_body(m3_ref, dp_ref, b1_ref, w_ref, as_ref, ad_ref, h3_ref, sd_ref):
    dsum = jnp.sum(dp_ref[...], axis=0)
    iv = jnp.reshape(1.0 / (dsum[0:N] + 1e-16), (N, 1))
    m = jnp.concatenate([m3_ref[0], m3_ref[1]], axis=1) * iv + b1_ref[...]
    x1 = jnp.where(m > 0.0, m, jnp.exp(m) - 1.0)
    h = jnp.dot(x1, w_ref[...], preferred_element_type=_f32)
    h3_ref[0] = h[:, :128]
    h3_ref[1] = h[:, 128:]
    sd_ref[0] = jnp.sum(h * as_ref[...], axis=1)
    sd_ref[1] = jnp.sum(h * ad_ref[...], axis=1)


def _dense2(m3, denp, b1, w, a_s, a_d):
    return pl.pallas_call(
        _dense2_body,
        out_shape=(jax.ShapeDtypeStruct((2, N, 128), _f32),
                   jax.ShapeDtypeStruct((2, N), _f32)),
    )(m3, denp, b1, w, a_s, a_d)


def _final_body(m3_ref, dp_ref, b2_ref, w_ref, cb_ref, logits_ref, x2_ref):
    dsum = jnp.sum(dp_ref[...], axis=0)
    iv = jnp.reshape(1.0 / (dsum[0:N] + 1e-16), (N, 1))
    x2 = jnp.concatenate([m3_ref[0], m3_ref[1]], axis=1) * iv + b2_ref[...]
    x2_ref[...] = x2
    logits_ref[...] = (jnp.dot(x2, w_ref[...], preferred_element_type=_f32)
                       + cb_ref[...])


def _final(m3, denp, b2, clas_layer, clas_bias):
    return pl.pallas_call(
        _final_body,
        out_shape=(jax.ShapeDtypeStruct((N, C), _f32),
                   jax.ShapeDtypeStruct((N, D), _f32)),
    )(m3, denp, b2, clas_layer, clas_bias)



def _att_sc_body(sd_hbm, srci, dsti, denp, exout,
                 svdv, srciv, dstiv, exv, denv2):
    s = lax.axis_index("s")
    z16 = jnp.zeros((16,), _f32)
    zz16 = jnp.zeros((16,), _i32)
    oo16 = jnp.full((16,), 1, _i32)
    iot = lax.iota(_i32, 16)

    pltpu.sync_copy(sd_hbm, svdv)
    pltpu.sync_copy(srci.at[s], srciv)
    pltpu.sync_copy(dsti.at[s], dstiv)

    @pl.loop(0, NPAD_A // CH)
    def _(i):
        for j in range(0, CH, 16):
            denv2[i, pl.ds(j, 16)] = z16

    @pl.loop(0, NCH)
    def _(ch):
        ebase = (s * NCH + ch) * CH

        @pl.loop(0, CH, step=16)
        def _(j):
            si = srciv[ch, pl.ds(j, 16)]
            di = dstiv[ch, pl.ds(j, 16)]
            sval = plsc.load_gather(svdv, [zz16, si])
            dval = plsc.load_gather(svdv, [oo16, di])
            e = sval + dval
            e = jnp.where(e < 0.0, e * 0.2, e)
            ex = jnp.exp(e)
            ex = jnp.where(ebase + j + iot < ETOT, ex, 0.0)
            exv[ch, pl.ds(j, 16)] = ex
            for k in range(16):
                dk = di[k]
                row = lax.shift_right_logical(dk, 7)
                col = lax.bitwise_and(dk, 127)
                wbase = lax.bitwise_and(col, 112)
                pos = lax.bitwise_and(col, 15)
                win = denv2[row, pl.ds(wbase, 16)]
                denv2[row, pl.ds(wbase, 16)] = win + jnp.where(
                    iot == pos, ex[k], 0.0)

    pltpu.sync_copy(denv2, denp.at[s])
    pltpu.sync_copy(exv, exout.at[s])


_sc_params = pltpu.CompilerParams()
if "needs_layout_passes" in pltpu.CompilerParams.__dataclass_fields__:
    _sc_params = dataclasses.replace(_sc_params, needs_layout_passes=False)

_att_sc_kernel = pl.kernel(
    _att_sc_body,
    out_type=(jax.ShapeDtypeStruct((NSUB, NPAD_A // CH, CH), _f32),
              jax.ShapeDtypeStruct((NSUB, NCH, CH), _f32)),
    mesh=plsc.VectorSubcoreMesh(core_axis_name="c", subcore_axis_name="s"),
    compiler_params=_sc_params,
    scratch_types=[
        pltpu.VMEM((2, N), _f32),
        pltpu.VMEM((NCH, CH), _i32),
        pltpu.VMEM((NCH, CH), _i32),
        pltpu.VMEM((NCH, CH), _f32),
        pltpu.VMEM((NPAD_A // CH, CH), _f32),
    ],
)


def _gat_layer(h3, sd, srci, dsti):
    denp, ex = _att_sc_kernel(sd, srci, dsti)
    h = jnp.concatenate([h3[0], h3[1]], axis=1)
    src = srci.reshape(-1)
    dst = dsti.reshape(-1)
    exf = ex.reshape(-1)
    msg = jax.ops.segment_sum(h[src] * exf[:, None], dst, num_segments=N)
    msg3 = jnp.stack([msg[:, :128], msg[:, 128:]], axis=0)
    return msg3, denp.reshape(NSUB, NPAD_A)



def kernel(ft_list, adj_tensor, W1, att1_src, att1_dst, b1,
           W2, att2_src, att2_dst, b2, clas_layer, clas_bias):
    loop = jnp.arange(N, dtype=_i32)
    npad_e = EPAD - ETOT
    src = jnp.concatenate([adj_tensor[0].astype(_i32), loop,
                           jnp.zeros((npad_e,), _i32)])
    dst = jnp.concatenate([adj_tensor[1].astype(_i32), loop,
                           jnp.zeros((npad_e,), _i32)])
    srci = src.reshape(NSUB, NCH, CH)
    dsti = dst.reshape(NSUB, NCH, CH)

    h3_1, sd1 = _dense1(ft_list, W1, att1_src, att1_dst)
    msg1, invden1 = _gat_layer(h3_1, sd1, srci, dsti)
    h3_2, sd2 = _dense2(msg1, invden1, b1, W2, att2_src, att2_dst)
    msg2, invden2 = _gat_layer(h3_2, sd2, srci, dsti)
    logits, x2 = _final(msg2, invden2, b2, clas_layer, clas_bias)
    return (logits, x2)

# --- scband reference (transcript-rebuilt; emitter-appended) ---
"""Pipeline reference for scband-attgnn-5892695130184 (READ-ONLY COPY).

The authoritative reference and input builder live on the scoring server;
editing this copy changes nothing except your own understanding.
"""

import jax, jax.numpy as jnp
import numpy as np

N = 10000
E = 160000
D = 256
C = 64

def _glorot(key, shape):
    fan_in, fan_out = shape[0], shape[-1]
    s = float(np.sqrt(6.0 / (fan_in + fan_out)))
    return jax.random.uniform(key, shape, dtype=jnp.float32, minval=-s, maxval=s)

def setup_inputs(seed: int = 0) -> dict:
    key = jax.random.key(seed)
    ks = jax.random.split(key, 14)
    ft_list = jax.random.normal(ks[0], (N, D), dtype=jnp.float32)
    adj_tensor = jax.random.randint(ks[1], (2, E), 0, N, dtype=jnp.int32)
    W1 = _glorot(ks[2], (D, D))
    att1_src = _glorot(ks[3], (D,))
    att1_dst = _glorot(ks[4], (D,))
    b1 = jnp.zeros((D,), dtype=jnp.float32)
    W2 = _glorot(ks[5], (D, D))
    att2_src = _glorot(ks[6], (D,))
    att2_dst = _glorot(ks[7], (D,))
    b2 = jnp.zeros((D,), dtype=jnp.float32)
    clas_layer = _glorot(ks[8], (D, C))
    clas_bias = _glorot(ks[9], (1, C))
    return {"ft_list": ft_list, "adj_tensor": adj_tensor,
            "W1": W1, "att1_src": att1_src, "att1_dst": att1_dst, "b1": b1,
            "W2": W2, "att2_src": att2_src, "att2_dst": att2_dst, "b2": b2,
            "clas_layer": clas_layer, "clas_bias": clas_bias}

def reference(ft_list, adj_tensor, W1, att1_src, att1_dst, b1, W2, att2_src, att2_dst, b2, clas_layer, clas_bias):
    # GATConv (heads=1) with default add_self_loops=True, as in PyG
    loop = jnp.arange(N, dtype=adj_tensor.dtype)
    src = jnp.concatenate([adj_tensor[0], loop])
    dst = jnp.concatenate([adj_tensor[1], loop])

    def gat(x, W, a_s, a_d, b):
        h = x @ W                                   # [N, D_out]
        e = (h * a_s).sum(-1)[src] + (h * a_d).sum(-1)[dst]
        e = jax.nn.leaky_relu(e, negative_slope=0.2)
        emax = jax.ops.segment_max(e, dst, num_segments=N)
        ex = jnp.exp(e - emax[dst])
        den = jax.ops.segment_sum(ex, dst, num_segments=N)
        alpha = ex / (den[dst] + 1e-16)             # segment softmax over incoming edges
        out = jax.ops.segment_sum(h[src] * alpha[:, None], dst, num_segments=N)
        return out + b

    x1 = jax.nn.elu(gat(ft_list, W1, att1_src, att1_dst, b1))
    # F.dropout with training=False -> identity (eval mode)
    x2 = gat(x1, W2, att2_src, att2_dst, b2)
    logits = x2 @ clas_layer + clas_bias
    return (logits, x2)

if __name__ == "__main__":
    import jax
    _d = setup_inputs()
    print(jax.jit(kernel)(*tuple(_d.values())))

</pallas_src>

<mosaic_0001>
#map = affine_map<(d0, d1) -> (0, 0)>
#map1 = affine_map<(d0, d1) -> (0, 0, 0)>
module attributes {stable_mosaic.version = 14 : i64} {
  func.func @_att_sc_body(%arg0: i32, %arg1: i32, %arg2: memref<2x10000xf32, #tpu.memory_space<hbm>>, %arg3: memref<16x88x128xi32, #tpu.memory_space<hbm>>, %arg4: memref<16x88x128xi32, #tpu.memory_space<hbm>>, %arg5: memref<16x80x128xf32, #tpu.memory_space<hbm>>, %arg6: memref<16x88x128xf32, #tpu.memory_space<hbm>>, %arg7: memref<2x10000xf32, #tpu.memory_space<vmem>>, %arg8: memref<88x128xi32, #tpu.memory_space<vmem>>, %arg9: memref<88x128xi32, #tpu.memory_space<vmem>>, %arg10: memref<88x128xf32, #tpu.memory_space<vmem>>, %arg11: memref<80x128xf32, #tpu.memory_space<vmem>>) attributes {dimension_semantics = [#tpu.dimension_semantics<core_parallel>, #tpu.dimension_semantics<subcore_parallel>], iteration_bounds = array<i64: 2, 16>, scalar_prefetch = 0 : i64, scratch_operands = 5 : i64, tpu.core_type = #tpu.core_type<sc_vector_subcore>, window_params = [{transform_indices = #map}, {transform_indices = #map1}, {transform_indices = #map1}, {transform_indices = #map1}, {transform_indices = #map1}]} {
    %broadcast_in_dim3A = arith.constant 0.000000e+00 : f32
    %broadcast_in_dim3A_0 = vector.broadcast %broadcast_in_dim3A : f32 to vector<16xf32>
    %broadcast_in_dim3A_1 = arith.constant 0 : i32
    %broadcast_in_dim3A_2 = vector.broadcast %broadcast_in_dim3A_1 : i32 to vector<16xi32>
    %broadcast_in_dim3A_3 = arith.constant 1 : i32
    %broadcast_in_dim3A_4 = vector.broadcast %broadcast_in_dim3A_3 : i32 to vector<16xi32>
    %iota3A = tpu.iota {dimensions = array<i32: 0>} : vector<16xi32>
    "tpu.region"() ({
      %run_scoped3A = tpu.sem_alloc : memref<!tpu.dma_semaphore, #tpu.memory_space<semaphore_mem>>
      tpu.enqueue_dma source(%arg2 : memref<2x10000xf32, #tpu.memory_space<hbm>>) target(%arg7 : memref<2x10000xf32, #tpu.memory_space<vmem>>) target_semaphore(%run_scoped3A : memref<!tpu.dma_semaphore, #tpu.memory_space<semaphore_mem>>)
      tpu.wait_dma2 semaphore(%run_scoped3A : memref<!tpu.dma_semaphore, #tpu.memory_space<semaphore_mem>>) src(%arg2 : memref<2x10000xf32, #tpu.memory_space<hbm>>) dst(%arg7 : memref<2x10000xf32, #tpu.memory_space<vmem>>)
      tpu.yield
    }) : () -> ()
    "tpu.region"() ({
      %run_scoped3A = tpu.sem_alloc : memref<!tpu.dma_semaphore, #tpu.memory_space<semaphore_mem>>
      %dma_start3A = arith.constant 0 : i32
      %dma_start3A_14 = arith.constant 0 : i32
      %dma_start3A_15 = tpu.memref_slice %arg3[%arg1, %dma_start3A, %dma_start3A_14] : memref<16x88x128xi32, #tpu.memory_space<hbm>> -> memref<1x88x128xi32, #tpu.memory_space<hbm>>
      %dma_start3A_16 = tpu.memref_squeeze %dma_start3A_15 : memref<1x88x128xi32, #tpu.memory_space<hbm>> -> memref<88x128xi32, #tpu.memory_space<hbm>>
      %dma_start3A_17 = arith.constant 0 : i32
      %dma_start3A_18 = arith.constant 0 : i32
      %dma_start3A_19 = tpu.memref_slice %arg3[%arg1, %dma_start3A_17, %dma_start3A_18] : memref<16x88x128xi32, #tpu.memory_space<hbm>> -> memref<1x88x128xi32, #tpu.memory_space<hbm>>
      %dma_start3A_20 = tpu.memref_squeeze %dma_start3A_19 : memref<1x88x128xi32, #tpu.memory_space<hbm>> -> memref<88x128xi32, #tpu.memory_space<hbm>>
      tpu.enqueue_dma source(%dma_start3A_20 : memref<88x128xi32, #tpu.memory_space<hbm>>) target(%arg8 : memref<88x128xi32, #tpu.memory_space<vmem>>) target_semaphore(%run_scoped3A : memref<!tpu.dma_semaphore, #tpu.memory_space<semaphore_mem>>)
      %dma_wait3A = arith.constant 0 : i32
      %dma_wait3A_21 = arith.constant 0 : i32
      %dma_wait3A_22 = tpu.memref_slice %arg3[%arg1, %dma_wait3A, %dma_wait3A_21] : memref<16x88x128xi32, #tpu.memory_space<hbm>> -> memref<1x88x128xi32, #tpu.memory_space<hbm>>
      %dma_wait3A_23 = tpu.memref_squeeze %dma_wait3A_22 : memref<1x88x128xi32, #tpu.memory_space<hbm>> -> memref<88x128xi32, #tpu.memory_space<hbm>>
      %dma_wait3A_24 = arith.constant 0 : i32
      %dma_wait3A_25 = arith.constant 0 : i32
      %dma_wait3A_26 = tpu.memref_slice %arg3[%arg1, %dma_wait3A_24, %dma_wait3A_25] : memref<16x88x128xi32, #tpu.memory_space<hbm>> -> memref<1x88x128xi32, #tpu.memory_space<hbm>>
      %dma_wait3A_27 = tpu.memref_squeeze %dma_wait3A_26 : memref<1x88x128xi32, #tpu.memory_space<hbm>> -> memref<88x128xi32, #tpu.memory_space<hbm>>
      tpu.wait_dma2 semaphore(%run_scoped3A : memref<!tpu.dma_semaphore, #tpu.memory_space<semaphore_mem>>) src(%dma_wait3A_27 : memref<88x128xi32, #tpu.memory_space<hbm>>) dst(%arg8 : memref<88x128xi32, #tpu.memory_space<vmem>>)
      tpu.yield
    }) : () -> ()
    "tpu.region"() ({
      %run_scoped3A = tpu.sem_alloc : memref<!tpu.dma_semaphore, #tpu.memory_space<semaphore_mem>>
      %dma_start3A = arith.constant 0 : i32
      %dma_start3A_14 = arith.constant 0 : i32
      %dma_start3A_15 = tpu.memref_slice %arg4[%arg1, %dma_start3A, %dma_start3A_14] : memref<16x88x128xi32, #tpu.memory_space<hbm>> -> memref<1x88x128xi32, #tpu.memory_space<hbm>>
      %dma_start3A_16 = tpu.memref_squeeze %dma_start3A_15 : memref<1x88x128xi32, #tpu.memory_space<hbm>> -> memref<88x128xi32, #tpu.memory_space<hbm>>
      %dma_start3A_17 = arith.constant 0 : i32
      %dma_start3A_18 = arith.constant 0 : i32
      %dma_start3A_19 = tpu.memref_slice %arg4[%arg1, %dma_start3A_17, %dma_start3A_18] : memref<16x88x128xi32, #tpu.memory_space<hbm>> -> memref<1x88x128xi32, #tpu.memory_space<hbm>>
      %dma_start3A_20 = tpu.memref_squeeze %dma_start3A_19 : memref<1x88x128xi32, #tpu.memory_space<hbm>> -> memref<88x128xi32, #tpu.memory_space<hbm>>
      tpu.enqueue_dma source(%dma_start3A_20 : memref<88x128xi32, #tpu.memory_space<hbm>>) target(%arg9 : memref<88x128xi32, #tpu.memory_space<vmem>>) target_semaphore(%run_scoped3A : memref<!tpu.dma_semaphore, #tpu.memory_space<semaphore_mem>>)
      %dma_wait3A = arith.constant 0 : i32
      %dma_wait3A_21 = arith.constant 0 : i32
      %dma_wait3A_22 = tpu.memref_slice %arg4[%arg1, %dma_wait3A, %dma_wait3A_21] : memref<16x88x128xi32, #tpu.memory_space<hbm>> -> memref<1x88x128xi32, #tpu.memory_space<hbm>>
      %dma_wait3A_23 = tpu.memref_squeeze %dma_wait3A_22 : memref<1x88x128xi32, #tpu.memory_space<hbm>> -> memref<88x128xi32, #tpu.memory_space<hbm>>
      %dma_wait3A_24 = arith.constant 0 : i32
      %dma_wait3A_25 = arith.constant 0 : i32
      %dma_wait3A_26 = tpu.memref_slice %arg4[%arg1, %dma_wait3A_24, %dma_wait3A_25] : memref<16x88x128xi32, #tpu.memory_space<hbm>> -> memref<1x88x128xi32, #tpu.memory_space<hbm>>
      %dma_wait3A_27 = tpu.memref_squeeze %dma_wait3A_26 : memref<1x88x128xi32, #tpu.memory_space<hbm>> -> memref<88x128xi32, #tpu.memory_space<hbm>>
      tpu.wait_dma2 semaphore(%run_scoped3A : memref<!tpu.dma_semaphore, #tpu.memory_space<semaphore_mem>>) src(%dma_wait3A_27 : memref<88x128xi32, #tpu.memory_space<hbm>>) dst(%arg9 : memref<88x128xi32, #tpu.memory_space<vmem>>)
      tpu.yield
    }) : () -> ()
    %scan3A = arith.constant 0 : i32
    %scan3A_5 = arith.constant 80 : i32
    %scan3A_6 = arith.addi %scan3A, %scan3A_5 : i32
    %scan3A_7 = arith.constant 1 : i32
    scf.for %scan3A_14 = %scan3A to %scan3A_6 step %scan3A_7  : i32 {
      %mul3A = arith.constant 1 : i32
      %mul3A_15 = arith.muli %scan3A_14, %mul3A : i32
      %add3A = arith.constant 0 : i32
      %add3A_16 = arith.addi %add3A, %mul3A_15 : i32
      %swap3A = arith.index_cast %add3A_16 : i32 to index
      %swap3A_17 = arith.constant 0 : index
      %swap3A_18 = tpu.vector_load %arg11[%swap3A, %swap3A_17] {strides = array<i32>} : memref<80x128xf32, #tpu.memory_space<vmem>>, vector<16xf32>,
      tpu.vector_store %arg11[%swap3A, %swap3A_17], %broadcast_in_dim3A_0 {strides = array<i32>} : memref<80x128xf32, #tpu.memory_space<vmem>>, vector<16xf32>,
      %swap3A_19 = arith.index_cast %add3A_16 : i32 to index
      %swap3A_20 = arith.constant 16 : index
      %swap3A_21 = tpu.vector_load %arg11[%swap3A_19, %swap3A_20] {strides = array<i32>} : memref<80x128xf32, #tpu.memory_space<vmem>>, vector<16xf32>,
      tpu.vector_store %arg11[%swap3A_19, %swap3A_20], %broadcast_in_dim3A_0 {strides = array<i32>} : memref<80x128xf32, #tpu.memory_space<vmem>>, vector<16xf32>,
      %swap3A_22 = arith.index_cast %add3A_16 : i32 to index
      %swap3A_23 = arith.constant 32 : index
      %swap3A_24 = tpu.vector_load %arg11[%swap3A_22, %swap3A_23] {strides = array<i32>} : memref<80x128xf32, #tpu.memory_space<vmem>>, vector<16xf32>,
      tpu.vector_store %arg11[%swap3A_22, %swap3A_23], %broadcast_in_dim3A_0 {strides = array<i32>} : memref<80x128xf32, #tpu.memory_space<vmem>>, vector<16xf32>,
      %swap3A_25 = arith.index_cast %add3A_16 : i32 to index
      %swap3A_26 = arith.constant 48 : index
      %swap3A_27 = tpu.vector_load %arg11[%swap3A_25, %swap3A_26] {strides = array<i32>} : memref<80x128xf32, #tpu.memory_space<vmem>>, vector<16xf32>,
      tpu.vector_store %arg11[%swap3A_25, %swap3A_26], %broadcast_in_dim3A_0 {strides = array<i32>} : memref<80x128xf32, #tpu.memory_space<vmem>>, vector<16xf32>,
      %swap3A_28 = arith.index_cast %add3A_16 : i32 to index
      %swap3A_29 = arith.constant 64 : index
      %swap3A_30 = tpu.vector_load %arg11[%swap3A_28, %swap3A_29] {strides = array<i32>} : memref<80x128xf32, #tpu.memory_space<vmem>>, vector<16xf32>,
      tpu.vector_store %arg11[%swap3A_28, %swap3A_29], %broadcast_in_dim3A_0 {strides = array<i32>} : memref<80x128xf32, #tpu.memory_space<vmem>>, vector<16xf32>,
      %swap3A_31 = arith.index_cast %add3A_16 : i32 to index
      %swap3A_32 = arith.constant 80 : index
      %swap3A_33 = tpu.vector_load %arg11[%swap3A_31, %swap3A_32] {strides = array<i32>} : memref<80x128xf32, #tpu.memory_space<vmem>>, vector<16xf32>,
      tpu.vector_store %arg11[%swap3A_31, %swap3A_32], %broadcast_in_dim3A_0 {strides = array<i32>} : memref<80x128xf32, #tpu.memory_space<vmem>>, vector<16xf32>,
      %swap3A_34 = arith.index_cast %add3A_16 : i32 to index
      %swap3A_35 = arith.constant 96 : index
      %swap3A_36 = tpu.vector_load %arg11[%swap3A_34, %swap3A_35] {strides = array<i32>} : memref<80x128xf32, #tpu.memory_space<vmem>>, vector<16xf32>,
      tpu.vector_store %arg11[%swap3A_34, %swap3A_35], %broadcast_in_dim3A_0 {strides = array<i32>} : memref<80x128xf32, #tpu.memory_space<vmem>>, vector<16xf32>,
      %swap3A_37 = arith.index_cast %add3A_16 : i32 to index
      %swap3A_38 = arith.constant 112 : index
      %swap3A_39 = tpu.vector_load %arg11[%swap3A_37, %swap3A_38] {strides = array<i32>} : memref<80x128xf32, #tpu.memory_space<vmem>>, vector<16xf32>,
      tpu.vector_store %arg11[%swap3A_37, %swap3A_38], %broadcast_in_dim3A_0 {strides = array<i32>} : memref<80x128xf32, #tpu.memory_space<vmem>>, vector<16xf32>,
    }
    %scan3A_8 = arith.constant 80 : i32
    %scan3A_9 = arith.constant 0 : i32
    %scan3A_10 = arith.constant 88 : i32
    %scan3A_11 = arith.addi %scan3A_9, %scan3A_10 : i32
    %scan3A_12 = arith.constant 1 : i32
    scf.for %scan3A_14 = %scan3A_9 to %scan3A_11 step %scan3A_12  : i32 {
      %mul3A = arith.constant 1 : i32
      %mul3A_15 = arith.muli %scan3A_14, %mul3A : i32
      %add3A = arith.constant 0 : i32
      %add3A_16 = arith.addi %add3A, %mul3A_15 : i32
      %mul3A_17 = arith.constant 88 : i32
      %mul3A_18 = arith.muli %arg1, %mul3A_17 : i32
      %add3A_19 = arith.addi %mul3A_18, %add3A_16 : i32
      %mul3A_20 = arith.constant 128 : i32
      %mul3A_21 = arith.muli %add3A_19, %mul3A_20 : i32
      %scan3A_22 = arith.constant 0 : i32
      %scan3A_23 = arith.constant 8 : i32
      %scan3A_24 = arith.addi %scan3A_22, %scan3A_23 : i32
      %scan3A_25 = arith.constant 1 : i32
      scf.for %scan3A_27 = %scan3A_22 to %scan3A_24 step %scan3A_25  : i32 {
        %mul3A_28 = arith.constant 16 : i32
        %mul3A_29 = arith.muli %scan3A_27, %mul3A_28 : i32
        %add3A_30 = arith.constant 0 : i32
        %add3A_31 = arith.addi %add3A_30, %mul3A_29 : i32
        %get3A = arith.index_cast %add3A_16 : i32 to index
        %get3A_32 = arith.index_cast %add3A_31 : i32 to index
        %get3A_33 = tpu.vector_load %arg8[%get3A, %get3A_32] {strides = array<i32>} : memref<88x128xi32, #tpu.memory_space<vmem>>, vector<16xi32>,
        %get3A_34 = arith.index_cast %add3A_16 : i32 to index
        %get3A_35 = arith.index_cast %add3A_31 : i32 to index
        %get3A_36 = tpu.vector_load %arg9[%get3A_34, %get3A_35] {strides = array<i32>} : memref<88x128xi32, #tpu.memory_space<vmem>>, vector<16xi32>,
        %gather3A = tpu.vector_load_idx %arg7[%broadcast_in_dim3A_2, %get3A_33] : memref<2x10000xf32, #tpu.memory_space<vmem>>[vector<16xi32>, vector<16xi32>], vector<16xf32>,
        %gather3A_37 = tpu.vector_load_idx %arg7[%broadcast_in_dim3A_4, %get3A_36] : memref<2x10000xf32, #tpu.memory_space<vmem>>[vector<16xi32>, vector<16xi32>], vector<16xf32>,
        %add3A_38 = arith.addf %gather3A, %gather3A_37 : vector<16xf32>
        %lt3A = arith.constant 0.000000e+00 : f32
        %lt3A_39 = vector.broadcast %lt3A : f32 to vector<16xf32>
        %lt3A_40 = arith.cmpf olt, %add3A_38, %lt3A_39 : vector<16xf32>
        %mul3A_41 = arith.constant 2.000000e-01 : f32
        %mul3A_42 = vector.broadcast %mul3A_41 : f32 to vector<16xf32>
        %mul3A_43 = arith.mulf %add3A_38, %mul3A_42 : vector<16xf32>
        %select_n3A = arith.select %lt3A_40, %mul3A_43, %add3A_38 : vector<16xi1>, vector<16xf32>
        %exp3A = math.exp %select_n3A : vector<16xf32>
        %add3A_44 = arith.addi %mul3A_21, %add3A_31 : i32
        %add3A_45 = vector.broadcast %add3A_44 : i32 to vector<16xi32>
        %add3A_46 = arith.addi %add3A_45, %iota3A : vector<16xi32>
        %lt3A_47 = arith.constant 170000 : i32
        %lt3A_48 = vector.broadcast %lt3A_47 : i32 to vector<16xi32>
        %lt3A_49 = arith.cmpi slt, %add3A_46, %lt3A_48 : vector<16xi32>
        %jit3A = arith.constant 0.000000e+00 : f32
        %broadcast_in_dim3A_50 = vector.broadcast %jit3A : f32 to vector<16xf32>
        %select_n3A_51 = arith.select %lt3A_49, %exp3A, %broadcast_in_dim3A_50 : vector<16xi1>, vector<16xf32>
        %swap3A = arith.index_cast %add3A_16 : i32 to index
        %swap3A_52 = arith.index_cast %add3A_31 : i32 to index
        %swap3A_53 = tpu.vector_load %arg10[%swap3A, %swap3A_52] {strides = array<i32>} : memref<88x128xf32, #tpu.memory_space<vmem>>, vector<16xf32>,
        tpu.vector_store %arg10[%swap3A, %swap3A_52], %select_n3A_51 {strides = array<i32>} : memref<88x128xf32, #tpu.memory_space<vmem>>, vector<16xf32>,
        %slice3A = vector.extract_strided_slice %get3A_36 {offsets = [0], sizes = [1], strides = [1]} : vector<16xi32> to vector<1xi32>
        %squeeze3A = vector.extract %slice3A[0] : i32 from vector<1xi32>
        %shift_right_logical3A = arith.constant 7 : i32
        %shift_right_logical3A_54 = arith.shrui %squeeze3A, %shift_right_logical3A : i32
        %and3A = arith.constant 127 : i32
        %and3A_55 = arith.andi %squeeze3A, %and3A : i32
        %and3A_56 = arith.constant 112 : i32
        %and3A_57 = arith.andi %and3A_55, %and3A_56 : i32
        %and3A_58 = arith.constant 15 : i32
        %and3A_59 = arith.andi %and3A_55, %and3A_58 : i32
        %get3A_60 = arith.index_cast %shift_right_logical3A_54 : i32 to index
        %get3A_61 = arith.index_cast %and3A_57 : i32 to index
        %get3A_62 = tpu.vector_load %arg11[%get3A_60, %get3A_61] {strides = array<i32>} : memref<80x128xf32, #tpu.memory_space<vmem>>, vector<16xf32>,
        %eq3A = vector.broadcast %and3A_59 : i32 to vector<16xi32>
        %eq3A_63 = arith.cmpi eq, %iota3A, %eq3A : vector<16xi32>
        %slice3A_64 = vector.extract_strided_slice %select_n3A_51 {offsets = [0], sizes = [1], strides = [1]} : vector<16xf32> to vector<1xf32>
        %squeeze3A_65 = vector.extract %slice3A_64[0] : f32 from vector<1xf32>
        %jit3A_66 = arith.constant 0.000000e+00 : f32
        %broadcast_in_dim3A_67 = vector.broadcast %squeeze3A_65 : f32 to vector<16xf32>
        %broadcast_in_dim3A_68 = vector.broadcast %jit3A_66 : f32 to vector<16xf32>
        %select_n3A_69 = arith.select %eq3A_63, %broadcast_in_dim3A_67, %broadcast_in_dim3A_68 : vector<16xi1>, vector<16xf32>
        %add3A_70 = arith.addf %get3A_62, %select_n3A_69 : vector<16xf32>
        %swap3A_71 = arith.index_cast %shift_right_logical3A_54 : i32 to index
        %swap3A_72 = arith.index_cast %and3A_57 : i32 to index
        %swap3A_73 = tpu.vector_load %arg11[%swap3A_71, %swap3A_72] {strides = array<i32>} : memref<80x128xf32, #tpu.memory_space<vmem>>, vector<16xf32>,
        tpu.vector_store %arg11[%swap3A_71, %swap3A_72], %add3A_70 {strides = array<i32>} : memref<80x128xf32, #tpu.memory_space<vmem>>, vector<16xf32>,
        %slice3A_74 = vector.extract_strided_slice %get3A_36 {offsets = [1], sizes = [1], strides = [1]} : vector<16xi32> to vector<1xi32>
        %squeeze3A_75 = vector.extract %slice3A_74[0] : i32 from vector<1xi32>
        %shift_right_logical3A_76 = arith.constant 7 : i32
        %shift_right_logical3A_77 = arith.shrui %squeeze3A_75, %shift_right_logical3A_76 : i32
        %and3A_78 = arith.constant 127 : i32
        %and3A_79 = arith.andi %squeeze3A_75, %and3A_78 : i32
        %and3A_80 = arith.constant 112 : i32
        %and3A_81 = arith.andi %and3A_79, %and3A_80 : i32
        %and3A_82 = arith.constant 15 : i32
        %and3A_83 = arith.andi %and3A_79, %and3A_82 : i32
        %get3A_84 = arith.index_cast %shift_right_logical3A_77 : i32 to index
        %get3A_85 = arith.index_cast %and3A_81 : i32 to index
        %get3A_86 = tpu.vector_load %arg11[%get3A_84, %get3A_85] {strides = array<i32>} : memref<80x128xf32, #tpu.memory_space<vmem>>, vector<16xf32>,
        %eq3A_87 = vector.broadcast %and3A_83 : i32 to vector<16xi32>
        %eq3A_88 = arith.cmpi eq, %iota3A, %eq3A_87 : vector<16xi32>
        %slice3A_89 = vector.extract_strided_slice %select_n3A_51 {offsets = [1], sizes = [1], strides = [1]} : vector<16xf32> to vector<1xf32>
        %squeeze3A_90 = vector.extract %slice3A_89[0] : f32 from vector<1xf32>
        %jit3A_91 = arith.constant 0.000000e+00 : f32
        %broadcast_in_dim3A_92 = vector.broadcast %squeeze3A_90 : f32 to vector<16xf32>
        %broadcast_in_dim3A_93 = vector.broadcast %jit3A_91 : f32 to vector<16xf32>
        %select_n3A_94 = arith.select %eq3A_88, %broadcast_in_dim3A_92, %broadcast_in_dim3A_93 : vector<16xi1>, vector<16xf32>
        %add3A_95 = arith.addf %get3A_86, %select_n3A_94 : vector<16xf32>
        %swap3A_96 = arith.index_cast %shift_right_logical3A_77 : i32 to index
        %swap3A_97 = arith.index_cast %and3A_81 : i32 to index
        %swap3A_98 = tpu.vector_load %arg11[%swap3A_96, %swap3A_97] {strides = array<i32>} : memref<80x128xf32, #tpu.memory_space<vmem>>, vector<16xf32>,
        tpu.vector_store %arg11[%swap3A_96, %swap3A_97], %add3A_95 {strides = array<i32>} : memref<80x128xf32, #tpu.memory_space<vmem>>, vector<16xf32>,
        %slice3A_99 = vector.extract_strided_slice %get3A_36 {offsets = [2], sizes = [1], strides = [1]} : vector<16xi32> to vector<1xi32>
        %squeeze3A_100 = vector.extract %slice3A_99[0] : i32 from vector<1xi32>
        %shift_right_logical3A_101 = arith.constant 7 : i32
        %shift_right_logical3A_102 = arith.shrui %squeeze3A_100, %shift_right_logical3A_101 : i32
        %and3A_103 = arith.constant 127 : i32
        %and3A_104 = arith.andi %squeeze3A_100, %and3A_103 : i32
        %and3A_105 = arith.constant 112 : i32
        %and3A_106 = arith.andi %and3A_104, %and3A_105 : i32
        %and3A_107 = arith.constant 15 : i32
        %and3A_108 = arith.andi %and3A_104, %and3A_107 : i32
        %get3A_109 = arith.index_cast %shift_right_logical3A_102 : i32 to index
        %get3A_110 = arith.index_cast %and3A_106 : i32 to index
        %get3A_111 = tpu.vector_load %arg11[%get3A_109, %get3A_110] {strides = array<i32>} : memref<80x128xf32, #tpu.memory_space<vmem>>, vector<16xf32>,
        %eq3A_112 = vector.broadcast %and3A_108 : i32 to vector<16xi32>
        %eq3A_113 = arith.cmpi eq, %iota3A, %eq3A_112 : vector<16xi32>
        %slice3A_114 = vector.extract_strided_slice %select_n3A_51 {offsets = [2], sizes = [1], strides = [1]} : vector<16xf32> to vector<1xf32>
        %squeeze3A_115 = vector.extract %slice3A_114[0] : f32 from vector<1xf32>
        %jit3A_116 = arith.constant 0.000000e+00 : f32
        %broadcast_in_dim3A_117 = vector.broadcast %squeeze3A_115 : f32 to vector<16xf32>
        %broadcast_in_dim3A_118 = vector.broadcast %jit3A_116 : f32 to vector<16xf32>
        %select_n3A_119 = arith.select %eq3A_113, %broadcast_in_dim3A_117, %broadcast_in_dim3A_118 : vector<16xi1>, vector<16xf32>
        %add3A_120 = arith.addf %get3A_111, %select_n3A_119 : vector<16xf32>
        %swap3A_121 = arith.index_cast %shift_right_logical3A_102 : i32 to index
        %swap3A_122 = arith.index_cast %and3A_106 : i32 to index
        %swap3A_123 = tpu.vector_load %arg11[%swap3A_121, %swap3A_122] {strides = array<i32>} : memref<80x128xf32, #tpu.memory_space<vmem>>, vector<16xf32>,
        tpu.vector_store %arg11[%swap3A_121, %swap3A_122], %add3A_120 {strides = array<i32>} : memref<80x128xf32, #tpu.memory_space<vmem>>, vector<16xf32>,
        %slice3A_124 = vector.extract_strided_slice %get3A_36 {offsets = [3], sizes = [1], strides = [1]} : vector<16xi32> to vector<1xi32>
        %squeeze3A_125 = vector.extract %slice3A_124[0] : i32 from vector<1xi32>
        %shift_right_logical3A_126 = arith.constant 7 : i32
        %shift_right_logical3A_127 = arith.shrui %squeeze3A_125, %shift_right_logical3A_126 : i32
        %and3A_128 = arith.constant 127 : i32
        %and3A_129 = arith.andi %squeeze3A_125, %and3A_128 : i32
        %and3A_130 = arith.constant 112 : i32
        %and3A_131 = arith.andi %and3A_129, %and3A_130 : i32
        %and3A_132 = arith.constant 15 : i32
        %and3A_133 = arith.andi %and3A_129, %and3A_132 : i32
        %get3A_134 = arith.index_cast %shift_right_logical3A_127 : i32 to index
        %get3A_135 = arith.index_cast %and3A_131 : i32 to index
        %get3A_136 = tpu.vector_load %arg11[%get3A_134, %get3A_135] {strides = array<i32>} : memref<80x128xf32, #tpu.memory_space<vmem>>, vector<16xf32>,
        %eq3A_137 = vector.broadcast %and3A_133 : i32 to vector<16xi32>
        %eq3A_138 = arith.cmpi eq, %iota3A, %eq3A_137 : vector<16xi32>
        %slice3A_139 = vector.extract_strided_slice %select_n3A_51 {offsets = [3], sizes = [1], strides = [1]} : vector<16xf32> to vector<1xf32>
        %squeeze3A_140 = vector.extract %slice3A_139[0] : f32 from vector<1xf32>
        %jit3A_141 = arith.constant 0.000000e+00 : f32
        %broadcast_in_dim3A_142 = vector.broadcast %squeeze3A_140 : f32 to vector<16xf32>
        %broadcast_in_dim3A_143 = vector.broadcast %jit3A_141 : f32 to vector<16xf32>
        %select_n3A_144 = arith.select %eq3A_138, %broadcast_in_dim3A_142, %broadcast_in_dim3A_143 : vector<16xi1>, vector<16xf32>
        %add3A_145 = arith.addf %get3A_136, %select_n3A_144 : vector<16xf32>
        %swap3A_146 = arith.index_cast %shift_right_logical3A_127 : i32 to index
        %swap3A_147 = arith.index_cast %and3A_131 : i32 to index
        %swap3A_148 = tpu.vector_load %arg11[%swap3A_146, %swap3A_147] {strides = array<i32>} : memref<80x128xf32, #tpu.memory_space<vmem>>, vector<16xf32>,
        tpu.vector_store %arg11[%swap3A_146, %swap3A_147], %add3A_145 {strides = array<i32>} : memref<80x128xf32, #tpu.memory_space<vmem>>, vector<16xf32>,
        %slice3A_149 = vector.extract_strided_slice %get3A_36 {offsets = [4], sizes = [1], strides = [1]} : vector<16xi32> to vector<1xi32>
        %squeeze3A_150 = vector.extract %slice3A_149[0] : i32 from vector<1xi32>
        %shift_right_logical3A_151 = arith.constant 7 : i32
        %shift_right_logical3A_152 = arith.shrui %squeeze3A_150, %shift_right_logical3A_151 : i32
        %and3A_153 = arith.constant 127 : i32
        %and3A_154 = arith.andi %squeeze3A_150, %and3A_153 : i32
        %and3A_155 = arith.constant 112 : i32
        %and3A_156 = arith.andi %and3A_154, %and3A_155 : i32
        %and3A_157 = arith.constant 15 : i32
        %and3A_158 = arith.andi %and3A_154, %and3A_157 : i32
        %get3A_159 = arith.index_cast %shift_right_logical3A_152 : i32 to index
        %get3A_160 = arith.index_cast %and3A_156 : i32 to index
        %get3A_161 = tpu.vector_load %arg11[%get3A_159, %get3A_160] {strides = array<i32>} : memref<80x128xf32, #tpu.memory_space<vmem>>, vector<16xf32>,
        %eq3A_162 = vector.broadcast %and3A_158 : i32 to vector<16xi32>
        %eq3A_163 = arith.cmpi eq, %iota3A, %eq3A_162 : vector<16xi32>
        %slice3A_164 = vector.extract_strided_slice %select_n3A_51 {offsets = [4], sizes = [1], strides = [1]} : vector<16xf32> to vector<1xf32>
        %squeeze3A_165 = vector.extract %slice3A_164[0] : f32 from vector<1xf32>
        %jit3A_166 = arith.constant 0.000000e+00 : f32
        %broadcast_in_dim3A_167 = vector.broadcast %squeeze3A_165 : f32 to vector<16xf32>
        %broadcast_in_dim3A_168 = vector.broadcast %jit3A_166 : f32 to vector<16xf32>
        %select_n3A_169 = arith.select %eq3A_163, %broadcast_in_dim3A_167, %broadcast_in_dim3A_168 : vector<16xi1>, vector<16xf32>
        %add3A_170 = arith.addf %get3A_161, %select_n3A_169 : vector<16xf32>
        %swap3A_171 = arith.index_cast %shift_right_logical3A_152 : i32 to index
        %swap3A_172 = arith.index_cast %and3A_156 : i32 to index
        %swap3A_173 = tpu.vector_load %arg11[%swap3A_171, %swap3A_172] {strides = array<i32>} : memref<80x128xf32, #tpu.memory_space<vmem>>, vector<16xf32>,
        tpu.vector_store %arg11[%swap3A_171, %swap3A_172], %add3A_170 {strides = array<i32>} : memref<80x128xf32, #tpu.memory_space<vmem>>, vector<16xf32>,
        %slice3A_174 = vector.extract_strided_slice %get3A_36 {offsets = [5], sizes = [1], strides = [1]} : vector<16xi32> to vector<1xi32>
        %squeeze3A_175 = vector.extract %slice3A_174[0] : i32 from vector<1xi32>
        %shift_right_logical3A_176 = arith.constant 7 : i32
        %shift_right_logical3A_177 = arith.shrui %squeeze3A_175, %shift_right_logical3A_176 : i32
        %and3A_178 = arith.constant 127 : i32
        %and3A_179 = arith.andi %squeeze3A_175, %and3A_178 : i32
        %and3A_180 = arith.constant 112 : i32
        %and3A_181 = arith.andi %and3A_179, %and3A_180 : i32
        %and3A_182 = arith.constant 15 : i32
        %and3A_183 = arith.andi %and3A_179, %and3A_182 : i32
        %get3A_184 = arith.index_cast %shift_right_logical3A_177 : i32 to index
        %get3A_185 = arith.index_cast %and3A_181 : i32 to index
        %get3A_186 = tpu.vector_load %arg11[%get3A_184, %get3A_185] {strides = array<i32>} : memref<80x128xf32, #tpu.memory_space<vmem>>, vector<16xf32>,
        %eq3A_187 = vector.broadcast %and3A_183 : i32 to vector<16xi32>
        %eq3A_188 = arith.cmpi eq, %iota3A, %eq3A_187 : vector<16xi32>
        %slice3A_189 = vector.extract_strided_slice %select_n3A_51 {offsets = [5], sizes = [1], strides = [1]} : vector<16xf32> to vector<1xf32>
        %squeeze3A_190 = vector.extract %slice3A_189[0] : f32 from vector<1xf32>
        %jit3A_191 = arith.constant 0.000000e+00 : f32
        %broadcast_in_dim3A_192 = vector.broadcast %squeeze3A_190 : f32 to vector<16xf32>
        %broadcast_in_dim3A_193 = vector.broadcast %jit3A_191 : f32 to vector<16xf32>
        %select_n3A_194 = arith.select %eq3A_188, %broadcast_in_dim3A_192, %broadcast_in_dim3A_193 : vector<16xi1>, vector<16xf32>
        %add3A_195 = arith.addf %get3A_186, %select_n3A_194 : vector<16xf32>
        %swap3A_196 = arith.index_cast %shift_right_logical3A_177 : i32 to index
        %swap3A_197 = arith.index_cast %and3A_181 : i32 to index
        %swap3A_198 = tpu.vector_load %arg11[%swap3A_196, %swap3A_197] {strides = array<i32>} : memref<80x128xf32, #tpu.memory_space<vmem>>, vector<16xf32>,
        tpu.vector_store %arg11[%swap3A_196, %swap3A_197], %add3A_195 {strides = array<i32>} : memref<80x128xf32, #tpu.memory_space<vmem>>, vector<16xf32>,
        %slice3A_199 = vector.extract_strided_slice %get3A_36 {offsets = [6], sizes = [1], strides = [1]} : vector<16xi32> to vector<1xi32>
        %squeeze3A_200 = vector.extract %slice3A_199[0] : i32 from vector<1xi32>
        %shift_right_logical3A_201 = arith.constant 7 : i32
        %shift_right_logical3A_202 = arith.shrui %squeeze3A_200, %shift_right_logical3A_201 : i32
        %and3A_203 = arith.constant 127 : i32
        %and3A_204 = arith.andi %squeeze3A_200, %and3A_203 : i32
        %and3A_205 = arith.constant 112 : i32
        %and3A_206 = arith.andi %and3A_204, %and3A_205 : i32
        %and3A_207 = arith.constant 15 : i32
        %and3A_208 = arith.andi %and3A_204, %and3A_207 : i32
        %get3A_209 = arith.index_cast %shift_right_logical3A_202 : i32 to index
        %get3A_210 = arith.index_cast %and3A_206 : i32 to index
        %get3A_211 = tpu.vector_load %arg11[%get3A_209, %get3A_210] {strides = array<i32>} : memref<80x128xf32, #tpu.memory_space<vmem>>, vector<16xf32>,
        %eq3A_212 = vector.broadcast %and3A_208 : i32 to vector<16xi32>
        %eq3A_213 = arith.cmpi eq, %iota3A, %eq3A_212 : vector<16xi32>
        %slice3A_214 = vector.extract_strided_slice %select_n3A_51 {offsets = [6], sizes = [1], strides = [1]} : vector<16xf32> to vector<1xf32>
        %squeeze3A_215 = vector.extract %slice3A_214[0] : f32 from vector<1xf32>
        %jit3A_216 = arith.constant 0.000000e+00 : f32
        %broadcast_in_dim3A_217 = vector.broadcast %squeeze3A_215 : f32 to vector<16xf32>
        %broadcast_in_dim3A_218 = vector.broadcast %jit3A_216 : f32 to vector<16xf32>
        %select_n3A_219 = arith.select %eq3A_213, %broadcast_in_dim3A_217, %broadcast_in_dim3A_218 : vector<16xi1>, vector<16xf32>
        %add3A_220 = arith.addf %get3A_211, %select_n3A_219 : vector<16xf32>
        %swap3A_221 = arith.index_cast %shift_right_logical3A_202 : i32 to index
        %swap3A_222 = arith.index_cast %and3A_206 : i32 to index
        %swap3A_223 = tpu.vector_load %arg11[%swap3A_221, %swap3A_222] {strides = array<i32>} : memref<80x128xf32, #tpu.memory_space<vmem>>, vector<16xf32>,
        tpu.vector_store %arg11[%swap3A_221, %swap3A_222], %add3A_220 {strides = array<i32>} : memref<80x128xf32, #tpu.memory_space<vmem>>, vector<16xf32>,
        %slice3A_224 = vector.extract_strided_slice %get3A_36 {offsets = [7], sizes = [1], strides = [1]} : vector<16xi32> to vector<1xi32>
        %squeeze3A_225 = vector.extract %slice3A_224[0] : i32 from vector<1xi32>
        %shift_right_logical3A_226 = arith.constant 7 : i32
        %shift_right_logical3A_227 = arith.shrui %squeeze3A_225, %shift_right_logical3A_226 : i32
        %and3A_228 = arith.constant 127 : i32
        %and3A_229 = arith.andi %squeeze3A_225, %and3A_228 : i32
        %and3A_230 = arith.constant 112 : i32
        %and3A_231 = arith.andi %and3A_229, %and3A_230 : i32
        %and3A_232 = arith.constant 15 : i32
        %and3A_233 = arith.andi %and3A_229, %and3A_232 : i32
        %get3A_234 = arith.index_cast %shift_right_logical3A_227 : i32 to index
        %get3A_235 = arith.index_cast %and3A_231 : i32 to index
        %get3A_236 = tpu.vector_load %arg11[%get3A_234, %get3A_235] {strides = array<i32>} : memref<80x128xf32, #tpu.memory_space<vmem>>, vector<16xf32>,
        %eq3A_237 = vector.broadcast %and3A_233 : i32 to vector<16xi32>
        %eq3A_238 = arith.cmpi eq, %iota3A, %eq3A_237 : vector<16xi32>
        %slice3A_239 = vector.extract_strided_slice %select_n3A_51 {offsets = [7], sizes = [1], strides = [1]} : vector<16xf32> to vector<1xf32>
        %squeeze3A_240 = vector.extract %slice3A_239[0] : f32 from vector<1xf32>
        %jit3A_241 = arith.constant 0.000000e+00 : f32
        %broadcast_in_dim3A_242 = vector.broadcast %squeeze3A_240 : f32 to vector<16xf32>
        %broadcast_in_dim3A_243 = vector.broadcast %jit3A_241 : f32 to vector<16xf32>
        %select_n3A_244 = arith.select %eq3A_238, %broadcast_in_dim3A_242, %broadcast_in_dim3A_243 : vector<16xi1>, vector<16xf32>
        %add3A_245 = arith.addf %get3A_236, %select_n3A_244 : vector<16xf32>
        %swap3A_246 = arith.index_cast %shift_right_logical3A_227 : i32 to index
        %swap3A_247 = arith.index_cast %and3A_231 : i32 to index
        %swap3A_248 = tpu.vector_load %arg11[%swap3A_246, %swap3A_247] {strides = array<i32>} : memref<80x128xf32, #tpu.memory_space<vmem>>, vector<16xf32>,
        tpu.vector_store %arg11[%swap3A_246, %swap3A_247], %add3A_245 {strides = array<i32>} : memref<80x128xf32, #tpu.memory_space<vmem>>, vector<16xf32>,
        %slice3A_249 = vector.extract_strided_slice %get3A_36 {offsets = [8], sizes = [1], strides = [1]} : vector<16xi32> to vector<1xi32>
        %squeeze3A_250 = vector.extract %slice3A_249[0] : i32 from vector<1xi32>
        %shift_right_logical3A_251 = arith.constant 7 : i32
        %shift_right_logical3A_252 = arith.shrui %squeeze3A_250, %shift_right_logical3A_251 : i32
        %and3A_253 = arith.constant 127 : i32
        %and3A_254 = arith.andi %squeeze3A_250, %and3A_253 : i32
        %and3A_255 = arith.constant 112 : i32
        %and3A_256 = arith.andi %and3A_254, %and3A_255 : i32
        %and3A_257 = arith.constant 15 : i32
        %and3A_258 = arith.andi %and3A_254, %and3A_257 : i32
        %get3A_259 = arith.index_cast %shift_right_logical3A_252 : i32 to index
        %get3A_260 = arith.index_cast %and3A_256 : i32 to index
        %get3A_261 = tpu.vector_load %arg11[%get3A_259, %get3A_260] {strides = array<i32>} : memref<80x128xf32, #tpu.memory_space<vmem>>, vector<16xf32>,
        %eq3A_262 = vector.broadcast %and3A_258 : i32 to vector<16xi32>
        %eq3A_263 = arith.cmpi eq, %iota3A, %eq3A_262 : vector<16xi32>
        %slice3A_264 = vector.extract_strided_slice %select_n3A_51 {offsets = [8], sizes = [1], strides = [1]} : vector<16xf32> to vector<1xf32>
        %squeeze3A_265 = vector.extract %slice3A_264[0] : f32 from vector<1xf32>
        %jit3A_266 = arith.constant 0.000000e+00 : f32
        %broadcast_in_dim3A_267 = vector.broadcast %squeeze3A_265 : f32 to vector<16xf32>
        %broadcast_in_dim3A_268 = vector.broadcast %jit3A_266 : f32 to vector<16xf32>
        %select_n3A_269 = arith.select %eq3A_263, %broadcast_in_dim3A_267, %broadcast_in_dim3A_268 : vector<16xi1>, vector<16xf32>
        %add3A_270 = arith.addf %get3A_261, %select_n3A_269 : vector<16xf32>
        %swap3A_271 = arith.index_cast %shift_right_logical3A_252 : i32 to index
        %swap3A_272 = arith.index_cast %and3A_256 : i32 to index
        %swap3A_273 = tpu.vector_load %arg11[%swap3A_271, %swap3A_272] {strides = array<i32>} : memref<80x128xf32, #tpu.memory_space<vmem>>, vector<16xf32>,
        tpu.vector_store %arg11[%swap3A_271, %swap3A_272], %add3A_270 {strides = array<i32>} : memref<80x128xf32, #tpu.memory_space<vmem>>, vector<16xf32>,
        %slice3A_274 = vector.extract_strided_slice %get3A_36 {offsets = [9], sizes = [1], strides = [1]} : vector<16xi32> to vector<1xi32>
        %squeeze3A_275 = vector.extract %slice3A_274[0] : i32 from vector<1xi32>
        %shift_right_logical3A_276 = arith.constant 7 : i32
        %shift_right_logical3A_277 = arith.shrui %squeeze3A_275, %shift_right_logical3A_276 : i32
        %and3A_278 = arith.constant 127 : i32
        %and3A_279 = arith.andi %squeeze3A_275, %and3A_278 : i32
        %and3A_280 = arith.constant 112 : i32
        %and3A_281 = arith.andi %and3A_279, %and3A_280 : i32
        %and3A_282 = arith.constant 15 : i32
        %and3A_283 = arith.andi %and3A_279, %and3A_282 : i32
        %get3A_284 = arith.index_cast %shift_right_logical3A_277 : i32 to index
        %get3A_285 = arith.index_cast %and3A_281 : i32 to index
        %get3A_286 = tpu.vector_load %arg11[%get3A_284, %get3A_285] {strides = array<i32>} : memref<80x128xf32, #tpu.memory_space<vmem>>, vector<16xf32>,
        %eq3A_287 = vector.broadcast %and3A_283 : i32 to vector<16xi32>
        %eq3A_288 = arith.cmpi eq, %iota3A, %eq3A_287 : vector<16xi32>
        %slice3A_289 = vector.extract_strided_slice %select_n3A_51 {offsets = [9], sizes = [1], strides = [1]} : vector<16xf32> to vector<1xf32>
        %squeeze3A_290 = vector.extract %slice3A_289[0] : f32 from vector<1xf32>
        %jit3A_291 = arith.constant 0.000000e+00 : f32
        %broadcast_in_dim3A_292 = vector.broadcast %squeeze3A_290 : f32 to vector<16xf32>
        %broadcast_in_dim3A_293 = vector.broadcast %jit3A_291 : f32 to vector<16xf32>
        %select_n3A_294 = arith.select %eq3A_288, %broadcast_in_dim3A_292, %broadcast_in_dim3A_293 : vector<16xi1>, vector<16xf32>
        %add3A_295 = arith.addf %get3A_286, %select_n3A_294 : vector<16xf32>
        %swap3A_296 = arith.index_cast %shift_right_logical3A_277 : i32 to index
        %swap3A_297 = arith.index_cast %and3A_281 : i32 to index
        %swap3A_298 = tpu.vector_load %arg11[%swap3A_296, %swap3A_297] {strides = array<i32>} : memref<80x128xf32, #tpu.memory_space<vmem>>, vector<16xf32>,
        tpu.vector_store %arg11[%swap3A_296, %swap3A_297], %add3A_295 {strides = array<i32>} : memref<80x128xf32, #tpu.memory_space<vmem>>, vector<16xf32>,
        %slice3A_299 = vector.extract_strided_slice %get3A_36 {offsets = [10], sizes = [1], strides = [1]} : vector<16xi32> to vector<1xi32>
        %squeeze3A_300 = vector.extract %slice3A_299[0] : i32 from vector<1xi32>
        %shift_right_logical3A_301 = arith.constant 7 : i32
        %shift_right_logical3A_302 = arith.shrui %squeeze3A_300, %shift_right_logical3A_301 : i32
        %and3A_303 = arith.constant 127 : i32
        %and3A_304 = arith.andi %squeeze3A_300, %and3A_303 : i32
        %and3A_305 = arith.constant 112 : i32
        %and3A_306 = arith.andi %and3A_304, %and3A_305 : i32
        %and3A_307 = arith.constant 15 : i32
        %and3A_308 = arith.andi %and3A_304, %and3A_307 : i32
        %get3A_309 = arith.index_cast %shift_right_logical3A_302 : i32 to index
        %get3A_310 = arith.index_cast %and3A_306 : i32 to index
        %get3A_311 = tpu.vector_load %arg11[%get3A_309, %get3A_310] {strides = array<i32>} : memref<80x128xf32, #tpu.memory_space<vmem>>, vector<16xf32>,
        %eq3A_312 = vector.broadcast %and3A_308 : i32 to vector<16xi32>
        %eq3A_313 = arith.cmpi eq, %iota3A, %eq3A_312 : vector<16xi32>
        %slice3A_314 = vector.extract_strided_slice %select_n3A_51 {offsets = [10], sizes = [1], strides = [1]} : vector<16xf32> to vector<1xf32>
        %squeeze3A_315 = vector.extract %slice3A_314[0] : f32 from vector<1xf32>
        %jit3A_316 = arith.constant 0.000000e+00 : f32
        %broadcast_in_dim3A_317 = vector.broadcast %squeeze3A_315 : f32 to vector<16xf32>
        %broadcast_in_dim3A_318 = vector.broadcast %jit3A_316 : f32 to vector<16xf32>
        %select_n3A_319 = arith.select %eq3A_313, %broadcast_in_dim3A_317, %broadcast_in_dim3A_318 : vector<16xi1>, vector<16xf32>
        %add3A_320 = arith.addf %get3A_311, %select_n3A_319 : vector<16xf32>
        %swap3A_321 = arith.index_cast %shift_right_logical3A_302 : i32 to index
        %swap3A_322 = arith.index_cast %and3A_306 : i32 to index
        %swap3A_323 = tpu.vector_load %arg11[%swap3A_321, %swap3A_322] {strides = array<i32>} : memref<80x128xf32, #tpu.memory_space<vmem>>, vector<16xf32>,
        tpu.vector_store %arg11[%swap3A_321, %swap3A_322], %add3A_320 {strides = array<i32>} : memref<80x128xf32, #tpu.memory_space<vmem>>, vector<16xf32>,
        %slice3A_324 = vector.extract_strided_slice %get3A_36 {offsets = [11], sizes = [1], strides = [1]} : vector<16xi32> to vector<1xi32>
        %squeeze3A_325 = vector.extract %slice3A_324[0] : i32 from vector<1xi32>
        %shift_right_logical3A_326 = arith.constant 7 : i32
        %shift_right_logical3A_327 = arith.shrui %squeeze3A_325, %shift_right_logical3A_326 : i32
        %and3A_328 = arith.constant 127 : i32
        %and3A_329 = arith.andi %squeeze3A_325, %and3A_328 : i32
        %and3A_330 = arith.constant 112 : i32
        %and3A_331 = arith.andi %and3A_329, %and3A_330 : i32
        %and3A_332 = arith.constant 15 : i32
        %and3A_333 = arith.andi %and3A_329, %and3A_332 : i32
        %get3A_334 = arith.index_cast %shift_right_logical3A_327 : i32 to index
        %get3A_335 = arith.index_cast %and3A_331 : i32 to index
        %get3A_336 = tpu.vector_load %arg11[%get3A_334, %get3A_335] {strides = array<i32>} : memref<80x128xf32, #tpu.memory_space<vmem>>, vector<16xf32>,
        %eq3A_337 = vector.broadcast %and3A_333 : i32 to vector<16xi32>
        %eq3A_338 = arith.cmpi eq, %iota3A, %eq3A_337 : vector<16xi32>
        %slice3A_339 = vector.extract_strided_slice %select_n3A_51 {offsets = [11], sizes = [1], strides = [1]} : vector<16xf32> to vector<1xf32>
        %squeeze3A_340 = vector.extract %slice3A_339[0] : f32 from vector<1xf32>
        %jit3A_341 = arith.constant 0.000000e+00 : f32
        %broadcast_in_dim3A_342 = vector.broadcast %squeeze3A_340 : f32 to vector<16xf32>
        %broadcast_in_dim3A_343 = vector.broadcast %jit3A_341 : f32 to vector<16xf32>
        %select_n3A_344 = arith.select %eq3A_338, %broadcast_in_dim3A_342, %broadcast_in_dim3A_343 : vector<16xi1>, vector<16xf32>
        %add3A_345 = arith.addf %get3A_336, %select_n3A_344 : vector<16xf32>
        %swap3A_346 = arith.index_cast %shift_right_logical3A_327 : i32 to index
        %swap3A_347 = arith.index_cast %and3A_331 : i32 to index
        %swap3A_348 = tpu.vector_load %arg11[%swap3A_346, %swap3A_347] {strides = array<i32>} : memref<80x128xf32, #tpu.memory_space<vmem>>, vector<16xf32>,
        tpu.vector_store %arg11[%swap3A_346, %swap3A_347], %add3A_345 {strides = array<i32>} : memref<80x128xf32, #tpu.memory_space<vmem>>, vector<16xf32>,
        %slice3A_349 = vector.extract_strided_slice %get3A_36 {offsets = [12], sizes = [1], strides = [1]} : vector<16xi32> to vector<1xi32>
        %squeeze3A_350 = vector.extract %slice3A_349[0] : i32 from vector<1xi32>
        %shift_right_logical3A_351 = arith.constant 7 : i32
        %shift_right_logical3A_352 = arith.shrui %squeeze3A_350, %shift_right_logical3A_351 : i32
        %and3A_353 = arith.constant 127 : i32
        %and3A_354 = arith.andi %squeeze3A_350, %and3A_353 : i32
        %and3A_355 = arith.constant 112 : i32
        %and3A_356 = arith.andi %and3A_354, %and3A_355 : i32
        %and3A_357 = arith.constant 15 : i32
        %and3A_358 = arith.andi %and3A_354, %and3A_357 : i32
        %get3A_359 = arith.index_cast %shift_right_logical3A_352 : i32 to index
        %get3A_360 = arith.index_cast %and3A_356 : i32 to index
        %get3A_361 = tpu.vector_load %arg11[%get3A_359, %get3A_360] {strides = array<i32>} : memref<80x128xf32, #tpu.memory_space<vmem>>, vector<16xf32>,
        %eq3A_362 = vector.broadcast %and3A_358 : i32 to vector<16xi32>
        %eq3A_363 = arith.cmpi eq, %iota3A, %eq3A_362 : vector<16xi32>
        %slice3A_364 = vector.extract_strided_slice %select_n3A_51 {offsets = [12], sizes = [1], strides = [1]} : vector<16xf32> to vector<1xf32>
        %squeeze3A_365 = vector.extract %slice3A_364[0] : f32 from vector<1xf32>
        %jit3A_366 = arith.constant 0.000000e+00 : f32
        %broadcast_in_dim3A_367 = vector.broadcast %squeeze3A_365 : f32 to vector<16xf32>
        %broadcast_in_dim3A_368 = vector.broadcast %jit3A_366 : f32 to vector<16xf32>
        %select_n3A_369 = arith.select %eq3A_363, %broadcast_in_dim3A_367, %broadcast_in_dim3A_368 : vector<16xi1>, vector<16xf32>
        %add3A_370 = arith.addf %get3A_361, %select_n3A_369 : vector<16xf32>
        %swap3A_371 = arith.index_cast %shift_right_logical3A_352 : i32 to index
        %swap3A_372 = arith.index_cast %and3A_356 : i32 to index
        %swap3A_373 = tpu.vector_load %arg11[%swap3A_371, %swap3A_372] {strides = array<i32>} : memref<80x128xf32, #tpu.memory_space<vmem>>, vector<16xf32>,
        tpu.vector_store %arg11[%swap3A_371, %swap3A_372], %add3A_370 {strides = array<i32>} : memref<80x128xf32, #tpu.memory_space<vmem>>, vector<16xf32>,
        %slice3A_374 = vector.extract_strided_slice %get3A_36 {offsets = [13], sizes = [1], strides = [1]} : vector<16xi32> to vector<1xi32>
        %squeeze3A_375 = vector.extract %slice3A_374[0] : i32 from vector<1xi32>
        %shift_right_logical3A_376 = arith.constant 7 : i32
        %shift_right_logical3A_377 = arith.shrui %squeeze3A_375, %shift_right_logical3A_376 : i32
        %and3A_378 = arith.constant 127 : i32
        %and3A_379 = arith.andi %squeeze3A_375, %and3A_378 : i32
        %and3A_380 = arith.constant 112 : i32
        %and3A_381 = arith.andi %and3A_379, %and3A_380 : i32
        %and3A_382 = arith.constant 15 : i32
        %and3A_383 = arith.andi %and3A_379, %and3A_382 : i32
        %get3A_384 = arith.index_cast %shift_right_logical3A_377 : i32 to index
        %get3A_385 = arith.index_cast %and3A_381 : i32 to index
        %get3A_386 = tpu.vector_load %arg11[%get3A_384, %get3A_385] {strides = array<i32>} : memref<80x128xf32, #tpu.memory_space<vmem>>, vector<16xf32>,
        %eq3A_387 = vector.broadcast %and3A_383 : i32 to vector<16xi32>
        %eq3A_388 = arith.cmpi eq, %iota3A, %eq3A_387 : vector<16xi32>
        %slice3A_389 = vector.extract_strided_slice %select_n3A_51 {offsets = [13], sizes = [1], strides = [1]} : vector<16xf32> to vector<1xf32>
        %squeeze3A_390 = vector.extract %slice3A_389[0] : f32 from vector<1xf32>
        %jit3A_391 = arith.constant 0.000000e+00 : f32
        %broadcast_in_dim3A_392 = vector.broadcast %squeeze3A_390 : f32 to vector<16xf32>
        %broadcast_in_dim3A_393 = vector.broadcast %jit3A_391 : f32 to vector<16xf32>
        %select_n3A_394 = arith.select %eq3A_388, %broadcast_in_dim3A_392, %broadcast_in_dim3A_393 : vector<16xi1>, vector<16xf32>
        %add3A_395 = arith.addf %get3A_386, %select_n3A_394 : vector<16xf32>
        %swap3A_396 = arith.index_cast %shift_right_logical3A_377 : i32 to index
        %swap3A_397 = arith.index_cast %and3A_381 : i32 to index
        %swap3A_398 = tpu.vector_load %arg11[%swap3A_396, %swap3A_397] {strides = array<i32>} : memref<80x128xf32, #tpu.memory_space<vmem>>, vector<16xf32>,
        tpu.vector_store %arg11[%swap3A_396, %swap3A_397], %add3A_395 {strides = array<i32>} : memref<80x128xf32, #tpu.memory_space<vmem>>, vector<16xf32>,
        %slice3A_399 = vector.extract_strided_slice %get3A_36 {offsets = [14], sizes = [1], strides = [1]} : vector<16xi32> to vector<1xi32>
        %squeeze3A_400 = vector.extract %slice3A_399[0] : i32 from vector<1xi32>
        %shift_right_logical3A_401 = arith.constant 7 : i32
        %shift_right_logical3A_402 = arith.shrui %squeeze3A_400, %shift_right_logical3A_401 : i32
        %and3A_403 = arith.constant 127 : i32
        %and3A_404 = arith.andi %squeeze3A_400, %and3A_403 : i32
        %and3A_405 = arith.constant 112 : i32
        %and3A_406 = arith.andi %and3A_404, %and3A_405 : i32
        %and3A_407 = arith.constant 15 : i32
        %and3A_408 = arith.andi %and3A_404, %and3A_407 : i32
        %get3A_409 = arith.index_cast %shift_right_logical3A_402 : i32 to index
        %get3A_410 = arith.index_cast %and3A_406 : i32 to index
        %get3A_411 = tpu.vector_load %arg11[%get3A_409, %get3A_410] {strides = array<i32>} : memref<80x128xf32, #tpu.memory_space<vmem>>, vector<16xf32>,
        %eq3A_412 = vector.broadcast %and3A_408 : i32 to vector<16xi32>
        %eq3A_413 = arith.cmpi eq, %iota3A, %eq3A_412 : vector<16xi32>
        %slice3A_414 = vector.extract_strided_slice %select_n3A_51 {offsets = [14], sizes = [1], strides = [1]} : vector<16xf32> to vector<1xf32>
        %squeeze3A_415 = vector.extract %slice3A_414[0] : f32 from vector<1xf32>
        %jit3A_416 = arith.constant 0.000000e+00 : f32
        %broadcast_in_dim3A_417 = vector.broadcast %squeeze3A_415 : f32 to vector<16xf32>
        %broadcast_in_dim3A_418 = vector.broadcast %jit3A_416 : f32 to vector<16xf32>
        %select_n3A_419 = arith.select %eq3A_413, %broadcast_in_dim3A_417, %broadcast_in_dim3A_418 : vector<16xi1>, vector<16xf32>
        %add3A_420 = arith.addf %get3A_411, %select_n3A_419 : vector<16xf32>
        %swap3A_421 = arith.index_cast %shift_right_logical3A_402 : i32 to index
        %swap3A_422 = arith.index_cast %and3A_406 : i32 to index
        %swap3A_423 = tpu.vector_load %arg11[%swap3A_421, %swap3A_422] {strides = array<i32>} : memref<80x128xf32, #tpu.memory_space<vmem>>, vector<16xf32>,
        tpu.vector_store %arg11[%swap3A_421, %swap3A_422], %add3A_420 {strides = array<i32>} : memref<80x128xf32, #tpu.memory_space<vmem>>, vector<16xf32>,
        %slice3A_424 = vector.extract_strided_slice %get3A_36 {offsets = [15], sizes = [1], strides = [1]} : vector<16xi32> to vector<1xi32>
        %squeeze3A_425 = vector.extract %slice3A_424[0] : i32 from vector<1xi32>
        %shift_right_logical3A_426 = arith.constant 7 : i32
        %shift_right_logical3A_427 = arith.shrui %squeeze3A_425, %shift_right_logical3A_426 : i32
        %and3A_428 = arith.constant 127 : i32
        %and3A_429 = arith.andi %squeeze3A_425, %and3A_428 : i32
        %and3A_430 = arith.constant 112 : i32
        %and3A_431 = arith.andi %and3A_429, %and3A_430 : i32
        %and3A_432 = arith.constant 15 : i32
        %and3A_433 = arith.andi %and3A_429, %and3A_432 : i32
        %get3A_434 = arith.index_cast %shift_right_logical3A_427 : i32 to index
        %get3A_435 = arith.index_cast %and3A_431 : i32 to index
        %get3A_436 = tpu.vector_load %arg11[%get3A_434, %get3A_435] {strides = array<i32>} : memref<80x128xf32, #tpu.memory_space<vmem>>, vector<16xf32>,
        %eq3A_437 = vector.broadcast %and3A_433 : i32 to vector<16xi32>
        %eq3A_438 = arith.cmpi eq, %iota3A, %eq3A_437 : vector<16xi32>
        %slice3A_439 = vector.extract_strided_slice %select_n3A_51 {offsets = [15], sizes = [1], strides = [1]} : vector<16xf32> to vector<1xf32>
        %squeeze3A_440 = vector.extract %slice3A_439[0] : f32 from vector<1xf32>
        %jit3A_441 = arith.constant 0.000000e+00 : f32
        %broadcast_in_dim3A_442 = vector.broadcast %squeeze3A_440 : f32 to vector<16xf32>
        %broadcast_in_dim3A_443 = vector.broadcast %jit3A_441 : f32 to vector<16xf32>
        %select_n3A_444 = arith.select %eq3A_438, %broadcast_in_dim3A_442, %broadcast_in_dim3A_443 : vector<16xi1>, vector<16xf32>
        %add3A_445 = arith.addf %get3A_436, %select_n3A_444 : vector<16xf32>
        %swap3A_446 = arith.index_cast %shift_right_logical3A_427 : i32 to index
        %swap3A_447 = arith.index_cast %and3A_431 : i32 to index
        %swap3A_448 = tpu.vector_load %arg11[%swap3A_446, %swap3A_447] {strides = array<i32>} : memref<80x128xf32, #tpu.memory_space<vmem>>, vector<16xf32>,
        tpu.vector_store %arg11[%swap3A_446, %swap3A_447], %add3A_445 {strides = array<i32>} : memref<80x128xf32, #tpu.memory_space<vmem>>, vector<16xf32>,
      }
      %scan3A_26 = arith.constant 8 : i32
    }
    %scan3A_13 = arith.constant 88 : i32
    "tpu.region"() ({
      %run_scoped3A = tpu.sem_alloc : memref<!tpu.dma_semaphore, #tpu.memory_space<semaphore_mem>>
      %dma_start3A = arith.constant 0 : i32
      %dma_start3A_14 = arith.constant 0 : i32
      %dma_start3A_15 = tpu.memref_slice %arg5[%arg1, %dma_start3A, %dma_start3A_14] : memref<16x80x128xf32, #tpu.memory_space<hbm>> -> memref<1x80x128xf32, #tpu.memory_space<hbm>>
      %dma_start3A_16 = tpu.memref_squeeze %dma_start3A_15 : memref<1x80x128xf32, #tpu.memory_space<hbm>> -> memref<80x128xf32, #tpu.memory_space<hbm>>
      %dma_start3A_17 = arith.constant 0 : i32
      %dma_start3A_18 = arith.constant 0 : i32
      %dma_start3A_19 = tpu.memref_slice %arg5[%arg1, %dma_start3A_17, %dma_start3A_18] : memref<16x80x128xf32, #tpu.memory_space<hbm>> -> memref<1x80x128xf32, #tpu.memory_space<hbm>>
      %dma_start3A_20 = tpu.memref_squeeze %dma_start3A_19 : memref<1x80x128xf32, #tpu.memory_space<hbm>> -> memref<80x128xf32, #tpu.memory_space<hbm>>
      tpu.enqueue_dma source(%arg11 : memref<80x128xf32, #tpu.memory_space<vmem>>) target(%dma_start3A_20 : memref<80x128xf32, #tpu.memory_space<hbm>>) target_semaphore(%run_scoped3A : memref<!tpu.dma_semaphore, #tpu.memory_space<semaphore_mem>>)
      %dma_wait3A = arith.constant 0 : i32
      %dma_wait3A_21 = arith.constant 0 : i32
      %dma_wait3A_22 = tpu.memref_slice %arg5[%arg1, %dma_wait3A, %dma_wait3A_21] : memref<16x80x128xf32, #tpu.memory_space<hbm>> -> memref<1x80x128xf32, #tpu.memory_space<hbm>>
      %dma_wait3A_23 = tpu.memref_squeeze %dma_wait3A_22 : memref<1x80x128xf32, #tpu.memory_space<hbm>> -> memref<80x128xf32, #tpu.memory_space<hbm>>
      %dma_wait3A_24 = arith.constant 0 : i32
      %dma_wait3A_25 = arith.constant 0 : i32
      %dma_wait3A_26 = tpu.memref_slice %arg5[%arg1, %dma_wait3A_24, %dma_wait3A_25] : memref<16x80x128xf32, #tpu.memory_space<hbm>> -> memref<1x80x128xf32, #tpu.memory_space<hbm>>
      %dma_wait3A_27 = tpu.memref_squeeze %dma_wait3A_26 : memref<1x80x128xf32, #tpu.memory_space<hbm>> -> memref<80x128xf32, #tpu.memory_space<hbm>>
      tpu.wait_dma2 semaphore(%run_scoped3A : memref<!tpu.dma_semaphore, #tpu.memory_space<semaphore_mem>>) src(%arg11 : memref<80x128xf32, #tpu.memory_space<vmem>>) dst(%dma_wait3A_27 : memref<80x128xf32, #tpu.memory_space<hbm>>)
      tpu.yield
    }) : () -> ()
    "tpu.region"() ({
      %run_scoped3A = tpu.sem_alloc : memref<!tpu.dma_semaphore, #tpu.memory_space<semaphore_mem>>
      %dma_start3A = arith.constant 0 : i32
      %dma_start3A_14 = arith.constant 0 : i32
      %dma_start3A_15 = tpu.memref_slice %arg6[%arg1, %dma_start3A, %dma_start3A_14] : memref<16x88x128xf32, #tpu.memory_space<hbm>> -> memref<1x88x128xf32, #tpu.memory_space<hbm>>
      %dma_start3A_16 = tpu.memref_squeeze %dma_start3A_15 : memref<1x88x128xf32, #tpu.memory_space<hbm>> -> memref<88x128xf32, #tpu.memory_space<hbm>>
      %dma_start3A_17 = arith.constant 0 : i32
      %dma_start3A_18 = arith.constant 0 : i32
      %dma_start3A_19 = tpu.memref_slice %arg6[%arg1, %dma_start3A_17, %dma_start3A_18] : memref<16x88x128xf32, #tpu.memory_space<hbm>> -> memref<1x88x128xf32, #tpu.memory_space<hbm>>
      %dma_start3A_20 = tpu.memref_squeeze %dma_start3A_19 : memref<1x88x128xf32, #tpu.memory_space<hbm>> -> memref<88x128xf32, #tpu.memory_space<hbm>>
      tpu.enqueue_dma source(%arg10 : memref<88x128xf32, #tpu.memory_space<vmem>>) target(%dma_start3A_20 : memref<88x128xf32, #tpu.memory_space<hbm>>) target_semaphore(%run_scoped3A : memref<!tpu.dma_semaphore, #tpu.memory_space<semaphore_mem>>)
      %dma_wait3A = arith.constant 0 : i32
      %dma_wait3A_21 = arith.constant 0 : i32
      %dma_wait3A_22 = tpu.memref_slice %arg6[%arg1, %dma_wait3A, %dma_wait3A_21] : memref<16x88x128xf32, #tpu.memory_space<hbm>> -> memref<1x88x128xf32, #tpu.memory_space<hbm>>
      %dma_wait3A_23 = tpu.memref_squeeze %dma_wait3A_22 : memref<1x88x128xf32, #tpu.memory_space<hbm>> -> memref<88x128xf32, #tpu.memory_space<hbm>>
      %dma_wait3A_24 = arith.constant 0 : i32
      %dma_wait3A_25 = arith.constant 0 : i32
      %dma_wait3A_26 = tpu.memref_slice %arg6[%arg1, %dma_wait3A_24, %dma_wait3A_25] : memref<16x88x128xf32, #tpu.memory_space<hbm>> -> memref<1x88x128xf32, #tpu.memory_space<hbm>>
      %dma_wait3A_27 = tpu.memref_squeeze %dma_wait3A_26 : memref<1x88x128xf32, #tpu.memory_space<hbm>> -> memref<88x128xf32, #tpu.memory_space<hbm>>
      tpu.wait_dma2 semaphore(%run_scoped3A : memref<!tpu.dma_semaphore, #tpu.memory_space<semaphore_mem>>) src(%arg10 : memref<88x128xf32, #tpu.memory_space<vmem>>) dst(%dma_wait3A_27 : memref<88x128xf32, #tpu.memory_space<hbm>>)
      tpu.yield
    }) : () -> ()
    return
  }
}

#map = affine_map<(d0, d1) -> (0, 0)>
#map1 = affine_map<(d0, d1) -> (0, 0, 0)>
module attributes {stable_mosaic.version = 14 : i64} {
  func.func @_att_sc_body(%arg0: i32, %arg1: i32, %arg2: memref<2x10000xf32, #tpu.memory_space<hbm>>, %arg3: memref<16x88x128xi32, #tpu.memory_space<hbm>>, %arg4: memref<16x88x128xi32, #tpu.memory_space<hbm>>, %arg5: memref<16x80x128xf32, #tpu.memory_space<hbm>>, %arg6: memref<16x88x128xf32, #tpu.memory_space<hbm>>, %arg7: memref<2x10000xf32, #tpu.memory_space<vmem>>, %arg8: memref<88x128xi32, #tpu.memory_space<vmem>>, %arg9: memref<88x128xi32, #tpu.memory_space<vmem>>, %arg10: memref<88x128xf32, #tpu.memory_space<vmem>>, %arg11: memref<80x128xf32, #tpu.memory_space<vmem>>) attributes {dimension_semantics = [#tpu.dimension_semantics<core_parallel>, #tpu.dimension_semantics<subcore_parallel>], iteration_bounds = array<i64: 2, 16>, scalar_prefetch = 0 : i64, scratch_operands = 5 : i64, tpu.core_type = #tpu.core_type<sc_vector_subcore>, window_params = [{transform_indices = #map}, {transform_indices = #map1}, {transform_indices = #map1}, {transform_indices = #map1}, {transform_indices = #map1}]} {
    %broadcast_in_dim3A = arith.constant 0.000000e+00 : f32
    %broadcast_in_dim3A_0 = vector.broadcast %broadcast_in_dim3A : f32 to vector<16xf32>
    %broadcast_in_dim3A_1 = arith.constant 0 : i32
    %broadcast_in_dim3A_2 = vector.broadcast %broadcast_in_dim3A_1 : i32 to vector<16xi32>
    %broadcast_in_dim3A_3 = arith.constant 1 : i32
    %broadcast_in_dim3A_4 = vector.broadcast %broadcast_in_dim3A_3 : i32 to vector<16xi32>
    %iota3A = tpu.iota {dimensions = array<i32: 0>} : vector<16xi32>
    "tpu.region"() ({
      %run_scoped3A = tpu.sem_alloc : memref<!tpu.dma_semaphore, #tpu.memory_space<semaphore_mem>>
      tpu.enqueue_dma source(%arg2 : memref<2x10000xf32, #tpu.memory_space<hbm>>) target(%arg7 : memref<2x10000xf32, #tpu.memory_space<vmem>>) target_semaphore(%run_scoped3A : memref<!tpu.dma_semaphore, #tpu.memory_space<semaphore_mem>>)
      tpu.wait_dma2 semaphore(%run_scoped3A : memref<!tpu.dma_semaphore, #tpu.memory_space<semaphore_mem>>) src(%arg2 : memref<2x10000xf32, #tpu.memory_space<hbm>>) dst(%arg7 : memref<2x10000xf32, #tpu.memory_space<vmem>>)
      tpu.yield
    }) : () -> ()
    "tpu.region"() ({
      %run_scoped3A = tpu.sem_alloc : memref<!tpu.dma_semaphore, #tpu.memory_space<semaphore_mem>>
      %dma_start3A = arith.constant 0 : i32
      %dma_start3A_14 = arith.constant 0 : i32
      %dma_start3A_15 = tpu.memref_slice %arg3[%arg1, %dma_start3A, %dma_start3A_14] : memref<16x88x128xi32, #tpu.memory_space<hbm>> -> memref<1x88x128xi32, #tpu.memory_space<hbm>>
      %dma_start3A_16 = tpu.memref_squeeze %dma_start3A_15 : memref<1x88x128xi32, #tpu.memory_space<hbm>> -> memref<88x128xi32, #tpu.memory_space<hbm>>
      %dma_start3A_17 = arith.constant 0 : i32
      %dma_start3A_18 = arith.constant 0 : i32
      %dma_start3A_19 = tpu.memref_slice %arg3[%arg1, %dma_start3A_17, %dma_start3A_18] : memref<16x88x128xi32, #tpu.memory_space<hbm>> -> memref<1x88x128xi32, #tpu.memory_space<hbm>>
      %dma_start3A_20 = tpu.memref_squeeze %dma_start3A_19 : memref<1x88x128xi32, #tpu.memory_space<hbm>> -> memref<88x128xi32, #tpu.memory_space<hbm>>
      tpu.enqueue_dma source(%dma_start3A_20 : memref<88x128xi32, #tpu.memory_space<hbm>>) target(%arg8 : memref<88x128xi32, #tpu.memory_space<vmem>>) target_semaphore(%run_scoped3A : memref<!tpu.dma_semaphore, #tpu.memory_space<semaphore_mem>>)
      %dma_wait3A = arith.constant 0 : i32
      %dma_wait3A_21 = arith.constant 0 : i32
      %dma_wait3A_22 = tpu.memref_slice %arg3[%arg1, %dma_wait3A, %dma_wait3A_21] : memref<16x88x128xi32, #tpu.memory_space<hbm>> -> memref<1x88x128xi32, #tpu.memory_space<hbm>>
      %dma_wait3A_23 = tpu.memref_squeeze %dma_wait3A_22 : memref<1x88x128xi32, #tpu.memory_space<hbm>> -> memref<88x128xi32, #tpu.memory_space<hbm>>
      %dma_wait3A_24 = arith.constant 0 : i32
      %dma_wait3A_25 = arith.constant 0 : i32
      %dma_wait3A_26 = tpu.memref_slice %arg3[%arg1, %dma_wait3A_24, %dma_wait3A_25] : memref<16x88x128xi32, #tpu.memory_space<hbm>> -> memref<1x88x128xi32, #tpu.memory_space<hbm>>
      %dma_wait3A_27 = tpu.memref_squeeze %dma_wait3A_26 : memref<1x88x128xi32, #tpu.memory_space<hbm>> -> memref<88x128xi32, #tpu.memory_space<hbm>>
      tpu.wait_dma2 semaphore(%run_scoped3A : memref<!tpu.dma_semaphore, #tpu.memory_space<semaphore_mem>>) src(%dma_wait3A_27 : memref<88x128xi32, #tpu.memory_space<hbm>>) dst(%arg8 : memref<88x128xi32, #tpu.memory_space<vmem>>)
      tpu.yield
    }) : () -> ()
    "tpu.region"() ({
      %run_scoped3A = tpu.sem_alloc : memref<!tpu.dma_semaphore, #tpu.memory_space<semaphore_mem>>
      %dma_start3A = arith.constant 0 : i32
      %dma_start3A_14 = arith.constant 0 : i32
      %dma_start3A_15 = tpu.memref_slice %arg4[%arg1, %dma_start3A, %dma_start3A_14] : memref<16x88x128xi32, #tpu.memory_space<hbm>> -> memref<1x88x128xi32, #tpu.memory_space<hbm>>
      %dma_start3A_16 = tpu.memref_squeeze %dma_start3A_15 : memref<1x88x128xi32, #tpu.memory_space<hbm>> -> memref<88x128xi32, #tpu.memory_space<hbm>>
      %dma_start3A_17 = arith.constant 0 : i32
      %dma_start3A_18 = arith.constant 0 : i32
      %dma_start3A_19 = tpu.memref_slice %arg4[%arg1, %dma_start3A_17, %dma_start3A_18] : memref<16x88x128xi32, #tpu.memory_space<hbm>> -> memref<1x88x128xi32, #tpu.memory_space<hbm>>
      %dma_start3A_20 = tpu.memref_squeeze %dma_start3A_19 : memref<1x88x128xi32, #tpu.memory_space<hbm>> -> memref<88x128xi32, #tpu.memory_space<hbm>>
      tpu.enqueue_dma source(%dma_start3A_20 : memref<88x128xi32, #tpu.memory_space<hbm>>) target(%arg9 : memref<88x128xi32, #tpu.memory_space<vmem>>) target_semaphore(%run_scoped3A : memref<!tpu.dma_semaphore, #tpu.memory_space<semaphore_mem>>)
      %dma_wait3A = arith.constant 0 : i32
      %dma_wait3A_21 = arith.constant 0 : i32
      %dma_wait3A_22 = tpu.memref_slice %arg4[%arg1, %dma_wait3A, %dma_wait3A_21] : memref<16x88x128xi32, #tpu.memory_space<hbm>> -> memref<1x88x128xi32, #tpu.memory_space<hbm>>
      %dma_wait3A_23 = tpu.memref_squeeze %dma_wait3A_22 : memref<1x88x128xi32, #tpu.memory_space<hbm>> -> memref<88x128xi32, #tpu.memory_space<hbm>>
      %dma_wait3A_24 = arith.constant 0 : i32
      %dma_wait3A_25 = arith.constant 0 : i32
      %dma_wait3A_26 = tpu.memref_slice %arg4[%arg1, %dma_wait3A_24, %dma_wait3A_25] : memref<16x88x128xi32, #tpu.memory_space<hbm>> -> memref<1x88x128xi32, #tpu.memory_space<hbm>>
      %dma_wait3A_27 = tpu.memref_squeeze %dma_wait3A_26 : memref<1x88x128xi32, #tpu.memory_space<hbm>> -> memref<88x128xi32, #tpu.memory_space<hbm>>
      tpu.wait_dma2 semaphore(%run_scoped3A : memref<!tpu.dma_semaphore, #tpu.memory_space<semaphore_mem>>) src(%dma_wait3A_27 : memref<88x128xi32, #tpu.memory_space<hbm>>) dst(%arg9 : memref<88x128xi32, #tpu.memory_space<vmem>>)
      tpu.yield
    }) : () -> ()
    %scan3A = arith.constant 0 : i32
    %scan3A_5 = arith.constant 80 : i32
    %scan3A_6 = arith.addi %scan3A, %scan3A_5 : i32
    %scan3A_7 = arith.constant 1 : i32
    scf.for %scan3A_14 = %scan3A to %scan3A_6 step %scan3A_7  : i32 {
      %mul3A = arith.constant 1 : i32
      %mul3A_15 = arith.muli %scan3A_14, %mul3A : i32
      %add3A = arith.constant 0 : i32
      %add3A_16 = arith.addi %add3A, %mul3A_15 : i32
      %swap3A = arith.index_cast %add3A_16 : i32 to index
      %swap3A_17 = arith.constant 0 : index
      %swap3A_18 = tpu.vector_load %arg11[%swap3A, %swap3A_17] {strides = array<i32>} : memref<80x128xf32, #tpu.memory_space<vmem>>, vector<16xf32>,
      tpu.vector_store %arg11[%swap3A, %swap3A_17], %broadcast_in_dim3A_0 {strides = array<i32>} : memref<80x128xf32, #tpu.memory_space<vmem>>, vector<16xf32>,
      %swap3A_19 = arith.index_cast %add3A_16 : i32 to index
      %swap3A_20 = arith.constant 16 : index
      %swap3A_21 = tpu.vector_load %arg11[%swap3A_19, %swap3A_20] {strides = array<i32>} : memref<80x128xf32, #tpu.memory_space<vmem>>, vector<16xf32>,
      tpu.vector_store %arg11[%swap3A_19, %swap3A_20], %broadcast_in_dim3A_0 {strides = array<i32>} : memref<80x128xf32, #tpu.memory_space<vmem>>, vector<16xf32>,
      %swap3A_22 = arith.index_cast %add3A_16 : i32 to index
      %swap3A_23 = arith.constant 32 : index
      %swap3A_24 = tpu.vector_load %arg11[%swap3A_22, %swap3A_23] {strides = array<i32>} : memref<80x128xf32, #tpu.memory_space<vmem>>, vector<16xf32>,
      tpu.vector_store %arg11[%swap3A_22, %swap3A_23], %broadcast_in_dim3A_0 {strides = array<i32>} : memref<80x128xf32, #tpu.memory_space<vmem>>, vector<16xf32>,
      %swap3A_25 = arith.index_cast %add3A_16 : i32 to index
      %swap3A_26 = arith.constant 48 : index
      %swap3A_27 = tpu.vector_load %arg11[%swap3A_25, %swap3A_26] {strides = array<i32>} : memref<80x128xf32, #tpu.memory_space<vmem>>, vector<16xf32>,
      tpu.vector_store %arg11[%swap3A_25, %swap3A_26], %broadcast_in_dim3A_0 {strides = array<i32>} : memref<80x128xf32, #tpu.memory_space<vmem>>, vector<16xf32>,
      %swap3A_28 = arith.index_cast %add3A_16 : i32 to index
      %swap3A_29 = arith.constant 64 : index
      %swap3A_30 = tpu.vector_load %arg11[%swap3A_28, %swap3A_29] {strides = array<i32>} : memref<80x128xf32, #tpu.memory_space<vmem>>, vector<16xf32>,
      tpu.vector_store %arg11[%swap3A_28, %swap3A_29], %broadcast_in_dim3A_0 {strides = array<i32>} : memref<80x128xf32, #tpu.memory_space<vmem>>, vector<16xf32>,
      %swap3A_31 = arith.index_cast %add3A_16 : i32 to index
      %swap3A_32 = arith.constant 80 : index
      %swap3A_33 = tpu.vector_load %arg11[%swap3A_31, %swap3A_32] {strides = array<i32>} : memref<80x128xf32, #tpu.memory_space<vmem>>, vector<16xf32>,
      tpu.vector_store %arg11[%swap3A_31, %swap3A_32], %broadcast_in_dim3A_0 {strides = array<i32>} : memref<80x128xf32, #tpu.memory_space<vmem>>, vector<16xf32>,
      %swap3A_34 = arith.index_cast %add3A_16 : i32 to index
      %swap3A_35 = arith.constant 96 : index
      %swap3A_36 = tpu.vector_load %arg11[%swap3A_34, %swap3A_35] {strides = array<i32>} : memref<80x128xf32, #tpu.memory_space<vmem>>, vector<16xf32>,
      tpu.vector_store %arg11[%swap3A_34, %swap3A_35], %broadcast_in_dim3A_0 {strides = array<i32>} : memref<80x128xf32, #tpu.memory_space<vmem>>, vector<16xf32>,
      %swap3A_37 = arith.index_cast %add3A_16 : i32 to index
      %swap3A_38 = arith.constant 112 : index
      %swap3A_39 = tpu.vector_load %arg11[%swap3A_37, %swap3A_38] {strides = array<i32>} : memref<80x128xf32, #tpu.memory_space<vmem>>, vector<16xf32>,
      tpu.vector_store %arg11[%swap3A_37, %swap3A_38], %broadcast_in_dim3A_0 {strides = array<i32>} : memref<80x128xf32, #tpu.memory_space<vmem>>, vector<16xf32>,
    }
    %scan3A_8 = arith.constant 80 : i32
    %scan3A_9 = arith.constant 0 : i32
    %scan3A_10 = arith.constant 88 : i32
    %scan3A_11 = arith.addi %scan3A_9, %scan3A_10 : i32
    %scan3A_12 = arith.constant 1 : i32
    scf.for %scan3A_14 = %scan3A_9 to %scan3A_11 step %scan3A_12  : i32 {
      %mul3A = arith.constant 1 : i32
      %mul3A_15 = arith.muli %scan3A_14, %mul3A : i32
      %add3A = arith.constant 0 : i32
      %add3A_16 = arith.addi %add3A, %mul3A_15 : i32
      %mul3A_17 = arith.constant 88 : i32
      %mul3A_18 = arith.muli %arg1, %mul3A_17 : i32
      %add3A_19 = arith.addi %mul3A_18, %add3A_16 : i32
      %mul3A_20 = arith.constant 128 : i32
      %mul3A_21 = arith.muli %add3A_19, %mul3A_20 : i32
      %scan3A_22 = arith.constant 0 : i32
      %scan3A_23 = arith.constant 8 : i32
      %scan3A_24 = arith.addi %scan3A_22, %scan3A_23 : i32
      %scan3A_25 = arith.constant 1 : i32
      scf.for %scan3A_27 = %scan3A_22 to %scan3A_24 step %scan3A_25  : i32 {
        %mul3A_28 = arith.constant 16 : i32
        %mul3A_29 = arith.muli %scan3A_27, %mul3A_28 : i32
        %add3A_30 = arith.constant 0 : i32
        %add3A_31 = arith.addi %add3A_30, %mul3A_29 : i32
        %get3A = arith.index_cast %add3A_16 : i32 to index
        %get3A_32 = arith.index_cast %add3A_31 : i32 to index
        %get3A_33 = tpu.vector_load %arg8[%get3A, %get3A_32] {strides = array<i32>} : memref<88x128xi32, #tpu.memory_space<vmem>>, vector<16xi32>,
        %get3A_34 = arith.index_cast %add3A_16 : i32 to index
        %get3A_35 = arith.index_cast %add3A_31 : i32 to index
        %get3A_36 = tpu.vector_load %arg9[%get3A_34, %get3A_35] {strides = array<i32>} : memref<88x128xi32, #tpu.memory_space<vmem>>, vector<16xi32>,
        %gather3A = tpu.vector_load_idx %arg7[%broadcast_in_dim3A_2, %get3A_33] : memref<2x10000xf32, #tpu.memory_space<vmem>>[vector<16xi32>, vector<16xi32>], vector<16xf32>,
        %gather3A_37 = tpu.vector_load_idx %arg7[%broadcast_in_dim3A_4, %get3A_36] : memref<2x10000xf32, #tpu.memory_space<vmem>>[vector<16xi32>, vector<16xi32>], vector<16xf32>,
        %add3A_38 = arith.addf %gather3A, %gather3A_37 : vector<16xf32>
        %lt3A = arith.constant 0.000000e+00 : f32
        %lt3A_39 = vector.broadcast %lt3A : f32 to vector<16xf32>
        %lt3A_40 = arith.cmpf olt, %add3A_38, %lt3A_39 : vector<16xf32>
        %mul3A_41 = arith.constant 2.000000e-01 : f32
        %mul3A_42 = vector.broadcast %mul3A_41 : f32 to vector<16xf32>
        %mul3A_43 = arith.mulf %add3A_38, %mul3A_42 : vector<16xf32>
        %select_n3A = arith.select %lt3A_40, %mul3A_43, %add3A_38 : vector<16xi1>, vector<16xf32>
        %exp3A = math.exp %select_n3A : vector<16xf32>
        %add3A_44 = arith.addi %mul3A_21, %add3A_31 : i32
        %add3A_45 = vector.broadcast %add3A_44 : i32 to vector<16xi32>
        %add3A_46 = arith.addi %add3A_45, %iota3A : vector<16xi32>
        %lt3A_47 = arith.constant 170000 : i32
        %lt3A_48 = vector.broadcast %lt3A_47 : i32 to vector<16xi32>
        %lt3A_49 = arith.cmpi slt, %add3A_46, %lt3A_48 : vector<16xi32>
        %jit3A = arith.constant 0.000000e+00 : f32
        %broadcast_in_dim3A_50 = vector.broadcast %jit3A : f32 to vector<16xf32>
        %select_n3A_51 = arith.select %lt3A_49, %exp3A, %broadcast_in_dim3A_50 : vector<16xi1>, vector<16xf32>
        %swap3A = arith.index_cast %add3A_16 : i32 to index
        %swap3A_52 = arith.index_cast %add3A_31 : i32 to index
        %swap3A_53 = tpu.vector_load %arg10[%swap3A, %swap3A_52] {strides = array<i32>} : memref<88x128xf32, #tpu.memory_space<vmem>>, vector<16xf32>,
        tpu.vector_store %arg10[%swap3A, %swap3A_52], %select_n3A_51 {strides = array<i32>} : memref<88x128xf32, #tpu.memory_space<vmem>>, vector<16xf32>,
        %slice3A = vector.extract_strided_slice %get3A_36 {offsets = [0], sizes = [1], strides = [1]} : vector<16xi32> to vector<1xi32>
        %squeeze3A = vector.extract %slice3A[0] : i32 from vector<1xi32>
        %shift_right_logical3A = arith.constant 7 : i32
        %shift_right_logical3A_54 = arith.shrui %squeeze3A, %shift_right_logical3A : i32
        %and3A = arith.constant 127 : i32
        %and3A_55 = arith.andi %squeeze3A, %and3A : i32
        %and3A_56 = arith.constant 112 : i32
        %and3A_57 = arith.andi %and3A_55, %and3A_56 : i32
        %and3A_58 = arith.constant 15 : i32
        %and3A_59 = arith.andi %and3A_55, %and3A_58 : i32
        %get3A_60 = arith.index_cast %shift_right_logical3A_54 : i32 to index
        %get3A_61 = arith.index_cast %and3A_57 : i32 to index
        %get3A_62 = tpu.vector_load %arg11[%get3A_60, %get3A_61] {strides = array<i32>} : memref<80x128xf32, #tpu.memory_space<vmem>>, vector<16xf32>,
        %eq3A = vector.broadcast %and3A_59 : i32 to vector<16xi32>
        %eq3A_63 = arith.cmpi eq, %iota3A, %eq3A : vector<16xi32>
        %slice3A_64 = vector.extract_strided_slice %select_n3A_51 {offsets = [0], sizes = [1], strides = [1]} : vector<16xf32> to vector<1xf32>
        %squeeze3A_65 = vector.extract %slice3A_64[0] : f32 from vector<1xf32>
        %jit3A_66 = arith.constant 0.000000e+00 : f32
        %broadcast_in_dim3A_67 = vector.broadcast %squeeze3A_65 : f32 to vector<16xf32>
        %broadcast_in_dim3A_68 = vector.broadcast %jit3A_66 : f32 to vector<16xf32>
        %select_n3A_69 = arith.select %eq3A_63, %broadcast_in_dim3A_67, %broadcast_in_dim3A_68 : vector<16xi1>, vector<16xf32>
        %add3A_70 = arith.addf %get3A_62, %select_n3A_69 : vector<16xf32>
        %swap3A_71 = arith.index_cast %shift_right_logical3A_54 : i32 to index
        %swap3A_72 = arith.index_cast %and3A_57 : i32 to index
        %swap3A_73 = tpu.vector_load %arg11[%swap3A_71, %swap3A_72] {strides = array<i32>} : memref<80x128xf32, #tpu.memory_space<vmem>>, vector<16xf32>,
        tpu.vector_store %arg11[%swap3A_71, %swap3A_72], %add3A_70 {strides = array<i32>} : memref<80x128xf32, #tpu.memory_space<vmem>>, vector<16xf32>,
        %slice3A_74 = vector.extract_strided_slice %get3A_36 {offsets = [1], sizes = [1], strides = [1]} : vector<16xi32> to vector<1xi32>
        %squeeze3A_75 = vector.extract %slice3A_74[0] : i32 from vector<1xi32>
        %shift_right_logical3A_76 = arith.constant 7 : i32
        %shift_right_logical3A_77 = arith.shrui %squeeze3A_75, %shift_right_logical3A_76 : i32
        %and3A_78 = arith.constant 127 : i32
        %and3A_79 = arith.andi %squeeze3A_75, %and3A_78 : i32
        %and3A_80 = arith.constant 112 : i32
        %and3A_81 = arith.andi %and3A_79, %and3A_80 : i32
        %and3A_82 = arith.constant 15 : i32
        %and3A_83 = arith.andi %and3A_79, %and3A_82 : i32
        %get3A_84 = arith.index_cast %shift_right_logical3A_77 : i32 to index
        %get3A_85 = arith.index_cast %and3A_81 : i32 to index
        %get3A_86 = tpu.vector_load %arg11[%get3A_84, %get3A_85] {strides = array<i32>} : memref<80x128xf32, #tpu.memory_space<vmem>>, vector<16xf32>,
        %eq3A_87 = vector.broadcast %and3A_83 : i32 to vector<16xi32>
        %eq3A_88 = arith.cmpi eq, %iota3A, %eq3A_87 : vector<16xi32>
        %slice3A_89 = vector.extract_strided_slice %select_n3A_51 {offsets = [1], sizes = [1], strides = [1]} : vector<16xf32> to vector<1xf32>
        %squeeze3A_90 = vector.extract %slice3A_89[0] : f32 from vector<1xf32>
        %jit3A_91 = arith.constant 0.000000e+00 : f32
        %broadcast_in_dim3A_92 = vector.broadcast %squeeze3A_90 : f32 to vector<16xf32>
        %broadcast_in_dim3A_93 = vector.broadcast %jit3A_91 : f32 to vector<16xf32>
        %select_n3A_94 = arith.select %eq3A_88, %broadcast_in_dim3A_92, %broadcast_in_dim3A_93 : vector<16xi1>, vector<16xf32>
        %add3A_95 = arith.addf %get3A_86, %select_n3A_94 : vector<16xf32>
        %swap3A_96 = arith.index_cast %shift_right_logical3A_77 : i32 to index
        %swap3A_97 = arith.index_cast %and3A_81 : i32 to index
        %swap3A_98 = tpu.vector_load %arg11[%swap3A_96, %swap3A_97] {strides = array<i32>} : memref<80x128xf32, #tpu.memory_space<vmem>>, vector<16xf32>,
        tpu.vector_store %arg11[%swap3A_96, %swap3A_97], %add3A_95 {strides = array<i32>} : memref<80x128xf32, #tpu.memory_space<vmem>>, vector<16xf32>,
        %slice3A_99 = vector.extract_strided_slice %get3A_36 {offsets = [2], sizes = [1], strides = [1]} : vector<16xi32> to vector<1xi32>
        %squeeze3A_100 = vector.extract %slice3A_99[0] : i32 from vector<1xi32>
        %shift_right_logical3A_101 = arith.constant 7 : i32
        %shift_right_logical3A_102 = arith.shrui %squeeze3A_100, %shift_right_logical3A_101 : i32
        %and3A_103 = arith.constant 127 : i32
        %and3A_104 = arith.andi %squeeze3A_100, %and3A_103 : i32
        %and3A_105 = arith.constant 112 : i32
        %and3A_106 = arith.andi %and3A_104, %and3A_105 : i32
        %and3A_107 = arith.constant 15 : i32
        %and3A_108 = arith.andi %and3A_104, %and3A_107 : i32
        %get3A_109 = arith.index_cast %shift_right_logical3A_102 : i32 to index
        %get3A_110 = arith.index_cast %and3A_106 : i32 to index
        %get3A_111 = tpu.vector_load %arg11[%get3A_109, %get3A_110] {strides = array<i32>} : memref<80x128xf32, #tpu.memory_space<vmem>>, vector<16xf32>,
        %eq3A_112 = vector.broadcast %and3A_108 : i32 to vector<16xi32>
        %eq3A_113 = arith.cmpi eq, %iota3A, %eq3A_112 : vector<16xi32>
        %slice3A_114 = vector.extract_strided_slice %select_n3A_51 {offsets = [2], sizes = [1], strides = [1]} : vector<16xf32> to vector<1xf32>
        %squeeze3A_115 = vector.extract %slice3A_114[0] : f32 from vector<1xf32>
        %jit3A_116 = arith.constant 0.000000e+00 : f32
        %broadcast_in_dim3A_117 = vector.broadcast %squeeze3A_115 : f32 to vector<16xf32>
        %broadcast_in_dim3A_118 = vector.broadcast %jit3A_116 : f32 to vector<16xf32>
        %select_n3A_119 = arith.select %eq3A_113, %broadcast_in_dim3A_117, %broadcast_in_dim3A_118 : vector<16xi1>, vector<16xf32>
        %add3A_120 = arith.addf %get3A_111, %select_n3A_119 : vector<16xf32>
        %swap3A_121 = arith.index_cast %shift_right_logical3A_102 : i32 to index
        %swap3A_122 = arith.index_cast %and3A_106 : i32 to index
        %swap3A_123 = tpu.vector_load %arg11[%swap3A_121, %swap3A_122] {strides = array<i32>} : memref<80x128xf32, #tpu.memory_space<vmem>>, vector<16xf32>,
        tpu.vector_store %arg11[%swap3A_121, %swap3A_122], %add3A_120 {strides = array<i32>} : memref<80x128xf32, #tpu.memory_space<vmem>>, vector<16xf32>,
        %slice3A_124 = vector.extract_strided_slice %get3A_36 {offsets = [3], sizes = [1], strides = [1]} : vector<16xi32> to vector<1xi32>
        %squeeze3A_125 = vector.extract %slice3A_124[0] : i32 from vector<1xi32>
        %shift_right_logical3A_126 = arith.constant 7 : i32
        %shift_right_logical3A_127 = arith.shrui %squeeze3A_125, %shift_right_logical3A_126 : i32
        %and3A_128 = arith.constant 127 : i32
        %and3A_129 = arith.andi %squeeze3A_125, %and3A_128 : i32
        %and3A_130 = arith.constant 112 : i32
        %and3A_131 = arith.andi %and3A_129, %and3A_130 : i32
        %and3A_132 = arith.constant 15 : i32
        %and3A_133 = arith.andi %and3A_129, %and3A_132 : i32
        %get3A_134 = arith.index_cast %shift_right_logical3A_127 : i32 to index
        %get3A_135 = arith.index_cast %and3A_131 : i32 to index
        %get3A_136 = tpu.vector_load %arg11[%get3A_134, %get3A_135] {strides = array<i32>} : memref<80x128xf32, #tpu.memory_space<vmem>>, vector<16xf32>,
        %eq3A_137 = vector.broadcast %and3A_133 : i32 to vector<16xi32>
        %eq3A_138 = arith.cmpi eq, %iota3A, %eq3A_137 : vector<16xi32>
        %slice3A_139 = vector.extract_strided_slice %select_n3A_51 {offsets = [3], sizes = [1], strides = [1]} : vector<16xf32> to vector<1xf32>
        %squeeze3A_140 = vector.extract %slice3A_139[0] : f32 from vector<1xf32>
        %jit3A_141 = arith.constant 0.000000e+00 : f32
        %broadcast_in_dim3A_142 = vector.broadcast %squeeze3A_140 : f32 to vector<16xf32>
        %broadcast_in_dim3A_143 = vector.broadcast %jit3A_141 : f32 to vector<16xf32>
        %select_n3A_144 = arith.select %eq3A_138, %broadcast_in_dim3A_142, %broadcast_in_dim3A_143 : vector<16xi1>, vector<16xf32>
        %add3A_145 = arith.addf %get3A_136, %select_n3A_144 : vector<16xf32>
        %swap3A_146 = arith.index_cast %shift_right_logical3A_127 : i32 to index
        %swap3A_147 = arith.index_cast %and3A_131 : i32 to index
        %swap3A_148 = tpu.vector_load %arg11[%swap3A_146, %swap3A_147] {strides = array<i32>} : memref<80x128xf32, #tpu.memory_space<vmem>>, vector<16xf32>,
        tpu.vector_store %arg11[%swap3A_146, %swap3A_147], %add3A_145 {strides = array<i32>} : memref<80x128xf32, #tpu.memory_space<vmem>>, vector<16xf32>,
        %slice3A_149 = vector.extract_strided_slice %get3A_36 {offsets = [4], sizes = [1], strides = [1]} : vector<16xi32> to vector<1xi32>
        %squeeze3A_150 = vector.extract %slice3A_149[0] : i32 from vector<1xi32>
        %shift_right_logical3A_151 = arith.constant 7 : i32
        %shift_right_logical3A_152 = arith.shrui %squeeze3A_150, %shift_right_logical3A_151 : i32
        %and3A_153 = arith.constant 127 : i32
        %and3A_154 = arith.andi %squeeze3A_150, %and3A_153 : i32
        %and3A_155 = arith.constant 112 : i32
        %and3A_156 = arith.andi %and3A_154, %and3A_155 : i32
        %and3A_157 = arith.constant 15 : i32
        %and3A_158 = arith.andi %and3A_154, %and3A_157 : i32
        %get3A_159 = arith.index_cast %shift_right_logical3A_152 : i32 to index
        %get3A_160 = arith.index_cast %and3A_156 : i32 to index
        %get3A_161 = tpu.vector_load %arg11[%get3A_159, %get3A_160] {strides = array<i32>} : memref<80x128xf32, #tpu.memory_space<vmem>>, vector<16xf32>,
        %eq3A_162 = vector.broadcast %and3A_158 : i32 to vector<16xi32>
        %eq3A_163 = arith.cmpi eq, %iota3A, %eq3A_162 : vector<16xi32>
        %slice3A_164 = vector.extract_strided_slice %select_n3A_51 {offsets = [4], sizes = [1], strides = [1]} : vector<16xf32> to vector<1xf32>
        %squeeze3A_165 = vector.extract %slice3A_164[0] : f32 from vector<1xf32>
        %jit3A_166 = arith.constant 0.000000e+00 : f32
        %broadcast_in_dim3A_167 = vector.broadcast %squeeze3A_165 : f32 to vector<16xf32>
        %broadcast_in_dim3A_168 = vector.broadcast %jit3A_166 : f32 to vector<16xf32>
        %select_n3A_169 = arith.select %eq3A_163, %broadcast_in_dim3A_167, %broadcast_in_dim3A_168 : vector<16xi1>, vector<16xf32>
        %add3A_170 = arith.addf %get3A_161, %select_n3A_169 : vector<16xf32>
        %swap3A_171 = arith.index_cast %shift_right_logical3A_152 : i32 to index
        %swap3A_172 = arith.index_cast %and3A_156 : i32 to index
        %swap3A_173 = tpu.vector_load %arg11[%swap3A_171, %swap3A_172] {strides = array<i32>} : memref<80x128xf32, #tpu.memory_space<vmem>>, vector<16xf32>,
        tpu.vector_store %arg11[%swap3A_171, %swap3A_172], %add3A_170 {strides = array<i32>} : memref<80x128xf32, #tpu.memory_space<vmem>>, vector<16xf32>,
        %slice3A_174 = vector.extract_strided_slice %get3A_36 {offsets = [5], sizes = [1], strides = [1]} : vector<16xi32> to vector<1xi32>
        %squeeze3A_175 = vector.extract %slice3A_174[0] : i32 from vector<1xi32>
        %shift_right_logical3A_176 = arith.constant 7 : i32
        %shift_right_logical3A_177 = arith.shrui %squeeze3A_175, %shift_right_logical3A_176 : i32
        %and3A_178 = arith.constant 127 : i32
        %and3A_179 = arith.andi %squeeze3A_175, %and3A_178 : i32
        %and3A_180 = arith.constant 112 : i32
        %and3A_181 = arith.andi %and3A_179, %and3A_180 : i32
        %and3A_182 = arith.constant 15 : i32
        %and3A_183 = arith.andi %and3A_179, %and3A_182 : i32
        %get3A_184 = arith.index_cast %shift_right_logical3A_177 : i32 to index
        %get3A_185 = arith.index_cast %and3A_181 : i32 to index
        %get3A_186 = tpu.vector_load %arg11[%get3A_184, %get3A_185] {strides = array<i32>} : memref<80x128xf32, #tpu.memory_space<vmem>>, vector<16xf32>,
        %eq3A_187 = vector.broadcast %and3A_183 : i32 to vector<16xi32>
        %eq3A_188 = arith.cmpi eq, %iota3A, %eq3A_187 : vector<16xi32>
        %slice3A_189 = vector.extract_strided_slice %select_n3A_51 {offsets = [5], sizes = [1], strides = [1]} : vector<16xf32> to vector<1xf32>
        %squeeze3A_190 = vector.extract %slice3A_189[0] : f32 from vector<1xf32>
        %jit3A_191 = arith.constant 0.000000e+00 : f32
        %broadcast_in_dim3A_192 = vector.broadcast %squeeze3A_190 : f32 to vector<16xf32>
        %broadcast_in_dim3A_193 = vector.broadcast %jit3A_191 : f32 to vector<16xf32>
        %select_n3A_194 = arith.select %eq3A_188, %broadcast_in_dim3A_192, %broadcast_in_dim3A_193 : vector<16xi1>, vector<16xf32>
        %add3A_195 = arith.addf %get3A_186, %select_n3A_194 : vector<16xf32>
        %swap3A_196 = arith.index_cast %shift_right_logical3A_177 : i32 to index
        %swap3A_197 = arith.index_cast %and3A_181 : i32 to index
        %swap3A_198 = tpu.vector_load %arg11[%swap3A_196, %swap3A_197] {strides = array<i32>} : memref<80x128xf32, #tpu.memory_space<vmem>>, vector<16xf32>,
        tpu.vector_store %arg11[%swap3A_196, %swap3A_197], %add3A_195 {strides = array<i32>} : memref<80x128xf32, #tpu.memory_space<vmem>>, vector<16xf32>,
        %slice3A_199 = vector.extract_strided_slice %get3A_36 {offsets = [6], sizes = [1], strides = [1]} : vector<16xi32> to vector<1xi32>
        %squeeze3A_200 = vector.extract %slice3A_199[0] : i32 from vector<1xi32>
        %shift_right_logical3A_201 = arith.constant 7 : i32
        %shift_right_logical3A_202 = arith.shrui %squeeze3A_200, %shift_right_logical3A_201 : i32
        %and3A_203 = arith.constant 127 : i32
        %and3A_204 = arith.andi %squeeze3A_200, %and3A_203 : i32
        %and3A_205 = arith.constant 112 : i32
        %and3A_206 = arith.andi %and3A_204, %and3A_205 : i32
        %and3A_207 = arith.constant 15 : i32
        %and3A_208 = arith.andi %and3A_204, %and3A_207 : i32
        %get3A_209 = arith.index_cast %shift_right_logical3A_202 : i32 to index
        %get3A_210 = arith.index_cast %and3A_206 : i32 to index
        %get3A_211 = tpu.vector_load %arg11[%get3A_209, %get3A_210] {strides = array<i32>} : memref<80x128xf32, #tpu.memory_space<vmem>>, vector<16xf32>,
        %eq3A_212 = vector.broadcast %and3A_208 : i32 to vector<16xi32>
        %eq3A_213 = arith.cmpi eq, %iota3A, %eq3A_212 : vector<16xi32>
        %slice3A_214 = vector.extract_strided_slice %select_n3A_51 {offsets = [6], sizes = [1], strides = [1]} : vector<16xf32> to vector<1xf32>
        %squeeze3A_215 = vector.extract %slice3A_214[0] : f32 from vector<1xf32>
        %jit3A_216 = arith.constant 0.000000e+00 : f32
        %broadcast_in_dim3A_217 = vector.broadcast %squeeze3A_215 : f32 to vector<16xf32>
        %broadcast_in_dim3A_218 = vector.broadcast %jit3A_216 : f32 to vector<16xf32>
        %select_n3A_219 = arith.select %eq3A_213, %broadcast_in_dim3A_217, %broadcast_in_dim3A_218 : vector<16xi1>, vector<16xf32>
        %add3A_220 = arith.addf %get3A_211, %select_n3A_219 : vector<16xf32>
        %swap3A_221 = arith.index_cast %shift_right_logical3A_202 : i32 to index
        %swap3A_222 = arith.index_cast %and3A_206 : i32 to index
        %swap3A_223 = tpu.vector_load %arg11[%swap3A_221, %swap3A_222] {strides = array<i32>} : memref<80x128xf32, #tpu.memory_space<vmem>>, vector<16xf32>,
        tpu.vector_store %arg11[%swap3A_221, %swap3A_222], %add3A_220 {strides = array<i32>} : memref<80x128xf32, #tpu.memory_space<vmem>>, vector<16xf32>,
        %slice3A_224 = vector.extract_strided_slice %get3A_36 {offsets = [7], sizes = [1], strides = [1]} : vector<16xi32> to vector<1xi32>
        %squeeze3A_225 = vector.extract %slice3A_224[0] : i32 from vector<1xi32>
        %shift_right_logical3A_226 = arith.constant 7 : i32
        %shift_right_logical3A_227 = arith.shrui %squeeze3A_225, %shift_right_logical3A_226 : i32
        %and3A_228 = arith.constant 127 : i32
        %and3A_229 = arith.andi %squeeze3A_225, %and3A_228 : i32
        %and3A_230 = arith.constant 112 : i32
        %and3A_231 = arith.andi %and3A_229, %and3A_230 : i32
        %and3A_232 = arith.constant 15 : i32
        %and3A_233 = arith.andi %and3A_229, %and3A_232 : i32
        %get3A_234 = arith.index_cast %shift_right_logical3A_227 : i32 to index
        %get3A_235 = arith.index_cast %and3A_231 : i32 to index
        %get3A_236 = tpu.vector_load %arg11[%get3A_234, %get3A_235] {strides = array<i32>} : memref<80x128xf32, #tpu.memory_space<vmem>>, vector<16xf32>,
        %eq3A_237 = vector.broadcast %and3A_233 : i32 to vector<16xi32>
        %eq3A_238 = arith.cmpi eq, %iota3A, %eq3A_237 : vector<16xi32>
        %slice3A_239 = vector.extract_strided_slice %select_n3A_51 {offsets = [7], sizes = [1], strides = [1]} : vector<16xf32> to vector<1xf32>
        %squeeze3A_240 = vector.extract %slice3A_239[0] : f32 from vector<1xf32>
        %jit3A_241 = arith.constant 0.000000e+00 : f32
        %broadcast_in_dim3A_242 = vector.broadcast %squeeze3A_240 : f32 to vector<16xf32>
        %broadcast_in_dim3A_243 = vector.broadcast %jit3A_241 : f32 to vector<16xf32>
        %select_n3A_244 = arith.select %eq3A_238, %broadcast_in_dim3A_242, %broadcast_in_dim3A_243 : vector<16xi1>, vector<16xf32>
        %add3A_245 = arith.addf %get3A_236, %select_n3A_244 : vector<16xf32>
        %swap3A_246 = arith.index_cast %shift_right_logical3A_227 : i32 to index
        %swap3A_247 = arith.index_cast %and3A_231 : i32 to index
        %swap3A_248 = tpu.vector_load %arg11[%swap3A_246, %swap3A_247] {strides = array<i32>} : memref<80x128xf32, #tpu.memory_space<vmem>>, vector<16xf32>,
        tpu.vector_store %arg11[%swap3A_246, %swap3A_247], %add3A_245 {strides = array<i32>} : memref<80x128xf32, #tpu.memory_space<vmem>>, vector<16xf32>,
        %slice3A_249 = vector.extract_strided_slice %get3A_36 {offsets = [8], sizes = [1], strides = [1]} : vector<16xi32> to vector<1xi32>
        %squeeze3A_250 = vector.extract %slice3A_249[0] : i32 from vector<1xi32>
        %shift_right_logical3A_251 = arith.constant 7 : i32
        %shift_right_logical3A_252 = arith.shrui %squeeze3A_250, %shift_right_logical3A_251 : i32
        %and3A_253 = arith.constant 127 : i32
        %and3A_254 = arith.andi %squeeze3A_250, %and3A_253 : i32
        %and3A_255 = arith.constant 112 : i32
        %and3A_256 = arith.andi %and3A_254, %and3A_255 : i32
        %and3A_257 = arith.constant 15 : i32
        %and3A_258 = arith.andi %and3A_254, %and3A_257 : i32
        %get3A_259 = arith.index_cast %shift_right_logical3A_252 : i32 to index
        %get3A_260 = arith.index_cast %and3A_256 : i32 to index
        %get3A_261 = tpu.vector_load %arg11[%get3A_259, %get3A_260] {strides = array<i32>} : memref<80x128xf32, #tpu.memory_space<vmem>>, vector<16xf32>,
        %eq3A_262 = vector.broadcast %and3A_258 : i32 to vector<16xi32>
        %eq3A_263 = arith.cmpi eq, %iota3A, %eq3A_262 : vector<16xi32>
        %slice3A_264 = vector.extract_strided_slice %select_n3A_51 {offsets = [8], sizes = [1], strides = [1]} : vector<16xf32> to vector<1xf32>
        %squeeze3A_265 = vector.extract %slice3A_264[0] : f32 from vector<1xf32>
        %jit3A_266 = arith.constant 0.000000e+00 : f32
        %broadcast_in_dim3A_267 = vector.broadcast %squeeze3A_265 : f32 to vector<16xf32>
        %broadcast_in_dim3A_268 = vector.broadcast %jit3A_266 : f32 to vector<16xf32>
        %select_n3A_269 = arith.select %eq3A_263, %broadcast_in_dim3A_267, %broadcast_in_dim3A_268 : vector<16xi1>, vector<16xf32>
        %add3A_270 = arith.addf %get3A_261, %select_n3A_269 : vector<16xf32>
        %swap3A_271 = arith.index_cast %shift_right_logical3A_252 : i32 to index
        %swap3A_272 = arith.index_cast %and3A_256 : i32 to index
        %swap3A_273 = tpu.vector_load %arg11[%swap3A_271, %swap3A_272] {strides = array<i32>} : memref<80x128xf32, #tpu.memory_space<vmem>>, vector<16xf32>,
        tpu.vector_store %arg11[%swap3A_271, %swap3A_272], %add3A_270 {strides = array<i32>} : memref<80x128xf32, #tpu.memory_space<vmem>>, vector<16xf32>,
        %slice3A_274 = vector.extract_strided_slice %get3A_36 {offsets = [9], sizes = [1], strides = [1]} : vector<16xi32> to vector<1xi32>
        %squeeze3A_275 = vector.extract %slice3A_274[0] : i32 from vector<1xi32>
        %shift_right_logical3A_276 = arith.constant 7 : i32
        %shift_right_logical3A_277 = arith.shrui %squeeze3A_275, %shift_right_logical3A_276 : i32
        %and3A_278 = arith.constant 127 : i32
        %and3A_279 = arith.andi %squeeze3A_275, %and3A_278 : i32
        %and3A_280 = arith.constant 112 : i32
        %and3A_281 = arith.andi %and3A_279, %and3A_280 : i32
        %and3A_282 = arith.constant 15 : i32
        %and3A_283 = arith.andi %and3A_279, %and3A_282 : i32
        %get3A_284 = arith.index_cast %shift_right_logical3A_277 : i32 to index
        %get3A_285 = arith.index_cast %and3A_281 : i32 to index
        %get3A_286 = tpu.vector_load %arg11[%get3A_284, %get3A_285] {strides = array<i32>} : memref<80x128xf32, #tpu.memory_space<vmem>>, vector<16xf32>,
        %eq3A_287 = vector.broadcast %and3A_283 : i32 to vector<16xi32>
        %eq3A_288 = arith.cmpi eq, %iota3A, %eq3A_287 : vector<16xi32>
        %slice3A_289 = vector.extract_strided_slice %select_n3A_51 {offsets = [9], sizes = [1], strides = [1]} : vector<16xf32> to vector<1xf32>
        %squeeze3A_290 = vector.extract %slice3A_289[0] : f32 from vector<1xf32>
        %jit3A_291 = arith.constant 0.000000e+00 : f32
        %broadcast_in_dim3A_292 = vector.broadcast %squeeze3A_290 : f32 to vector<16xf32>
        %broadcast_in_dim3A_293 = vector.broadcast %jit3A_291 : f32 to vector<16xf32>
        %select_n3A_294 = arith.select %eq3A_288, %broadcast_in_dim3A_292, %broadcast_in_dim3A_293 : vector<16xi1>, vector<16xf32>
        %add3A_295 = arith.addf %get3A_286, %select_n3A_294 : vector<16xf32>
        %swap3A_296 = arith.index_cast %shift_right_logical3A_277 : i32 to index
        %swap3A_297 = arith.index_cast %and3A_281 : i32 to index
        %swap3A_298 = tpu.vector_load %arg11[%swap3A_296, %swap3A_297] {strides = array<i32>} : memref<80x128xf32, #tpu.memory_space<vmem>>, vector<16xf32>,
        tpu.vector_store %arg11[%swap3A_296, %swap3A_297], %add3A_295 {strides = array<i32>} : memref<80x128xf32, #tpu.memory_space<vmem>>, vector<16xf32>,
        %slice3A_299 = vector.extract_strided_slice %get3A_36 {offsets = [10], sizes = [1], strides = [1]} : vector<16xi32> to vector<1xi32>
        %squeeze3A_300 = vector.extract %slice3A_299[0] : i32 from vector<1xi32>
        %shift_right_logical3A_301 = arith.constant 7 : i32
        %shift_right_logical3A_302 = arith.shrui %squeeze3A_300, %shift_right_logical3A_301 : i32
        %and3A_303 = arith.constant 127 : i32
        %and3A_304 = arith.andi %squeeze3A_300, %and3A_303 : i32
        %and3A_305 = arith.constant 112 : i32
        %and3A_306 = arith.andi %and3A_304, %and3A_305 : i32
        %and3A_307 = arith.constant 15 : i32
        %and3A_308 = arith.andi %and3A_304, %and3A_307 : i32
        %get3A_309 = arith.index_cast %shift_right_logical3A_302 : i32 to index
        %get3A_310 = arith.index_cast %and3A_306 : i32 to index
        %get3A_311 = tpu.vector_load %arg11[%get3A_309, %get3A_310] {strides = array<i32>} : memref<80x128xf32, #tpu.memory_space<vmem>>, vector<16xf32>,
        %eq3A_312 = vector.broadcast %and3A_308 : i32 to vector<16xi32>
        %eq3A_313 = arith.cmpi eq, %iota3A, %eq3A_312 : vector<16xi32>
        %slice3A_314 = vector.extract_strided_slice %select_n3A_51 {offsets = [10], sizes = [1], strides = [1]} : vector<16xf32> to vector<1xf32>
        %squeeze3A_315 = vector.extract %slice3A_314[0] : f32 from vector<1xf32>
        %jit3A_316 = arith.constant 0.000000e+00 : f32
        %broadcast_in_dim3A_317 = vector.broadcast %squeeze3A_315 : f32 to vector<16xf32>
        %broadcast_in_dim3A_318 = vector.broadcast %jit3A_316 : f32 to vector<16xf32>
        %select_n3A_319 = arith.select %eq3A_313, %broadcast_in_dim3A_317, %broadcast_in_dim3A_318 : vector<16xi1>, vector<16xf32>
        %add3A_320 = arith.addf %get3A_311, %select_n3A_319 : vector<16xf32>
        %swap3A_321 = arith.index_cast %shift_right_logical3A_302 : i32 to index
        %swap3A_322 = arith.index_cast %and3A_306 : i32 to index
        %swap3A_323 = tpu.vector_load %arg11[%swap3A_321, %swap3A_322] {strides = array<i32>} : memref<80x128xf32, #tpu.memory_space<vmem>>, vector<16xf32>,
        tpu.vector_store %arg11[%swap3A_321, %swap3A_322], %add3A_320 {strides = array<i32>} : memref<80x128xf32, #tpu.memory_space<vmem>>, vector<16xf32>,
        %slice3A_324 = vector.extract_strided_slice %get3A_36 {offsets = [11], sizes = [1], strides = [1]} : vector<16xi32> to vector<1xi32>
        %squeeze3A_325 = vector.extract %slice3A_324[0] : i32 from vector<1xi32>
        %shift_right_logical3A_326 = arith.constant 7 : i32
        %shift_right_logical3A_327 = arith.shrui %squeeze3A_325, %shift_right_logical3A_326 : i32
        %and3A_328 = arith.constant 127 : i32
        %and3A_329 = arith.andi %squeeze3A_325, %and3A_328 : i32
        %and3A_330 = arith.constant 112 : i32
        %and3A_331 = arith.andi %and3A_329, %and3A_330 : i32
        %and3A_332 = arith.constant 15 : i32
        %and3A_333 = arith.andi %and3A_329, %and3A_332 : i32
        %get3A_334 = arith.index_cast %shift_right_logical3A_327 : i32 to index
        %get3A_335 = arith.index_cast %and3A_331 : i32 to index
        %get3A_336 = tpu.vector_load %arg11[%get3A_334, %get3A_335] {strides = array<i32>} : memref<80x128xf32, #tpu.memory_space<vmem>>, vector<16xf32>,
        %eq3A_337 = vector.broadcast %and3A_333 : i32 to vector<16xi32>
        %eq3A_338 = arith.cmpi eq, %iota3A, %eq3A_337 : vector<16xi32>
        %slice3A_339 = vector.extract_strided_slice %select_n3A_51 {offsets = [11], sizes = [1], strides = [1]} : vector<16xf32> to vector<1xf32>
        %squeeze3A_340 = vector.extract %slice3A_339[0] : f32 from vector<1xf32>
        %jit3A_341 = arith.constant 0.000000e+00 : f32
        %broadcast_in_dim3A_342 = vector.broadcast %squeeze3A_340 : f32 to vector<16xf32>
        %broadcast_in_dim3A_343 = vector.broadcast %jit3A_341 : f32 to vector<16xf32>
        %select_n3A_344 = arith.select %eq3A_338, %broadcast_in_dim3A_342, %broadcast_in_dim3A_343 : vector<16xi1>, vector<16xf32>
        %add3A_345 = arith.addf %get3A_336, %select_n3A_344 : vector<16xf32>
        %swap3A_346 = arith.index_cast %shift_right_logical3A_327 : i32 to index
        %swap3A_347 = arith.index_cast %and3A_331 : i32 to index
        %swap3A_348 = tpu.vector_load %arg11[%swap3A_346, %swap3A_347] {strides = array<i32>} : memref<80x128xf32, #tpu.memory_space<vmem>>, vector<16xf32>,
        tpu.vector_store %arg11[%swap3A_346, %swap3A_347], %add3A_345 {strides = array<i32>} : memref<80x128xf32, #tpu.memory_space<vmem>>, vector<16xf32>,
        %slice3A_349 = vector.extract_strided_slice %get3A_36 {offsets = [12], sizes = [1], strides = [1]} : vector<16xi32> to vector<1xi32>
        %squeeze3A_350 = vector.extract %slice3A_349[0] : i32 from vector<1xi32>
        %shift_right_logical3A_351 = arith.constant 7 : i32
        %shift_right_logical3A_352 = arith.shrui %squeeze3A_350, %shift_right_logical3A_351 : i32
        %and3A_353 = arith.constant 127 : i32
        %and3A_354 = arith.andi %squeeze3A_350, %and3A_353 : i32
        %and3A_355 = arith.constant 112 : i32
        %and3A_356 = arith.andi %and3A_354, %and3A_355 : i32
        %and3A_357 = arith.constant 15 : i32
        %and3A_358 = arith.andi %and3A_354, %and3A_357 : i32
        %get3A_359 = arith.index_cast %shift_right_logical3A_352 : i32 to index
        %get3A_360 = arith.index_cast %and3A_356 : i32 to index
        %get3A_361 = tpu.vector_load %arg11[%get3A_359, %get3A_360] {strides = array<i32>} : memref<80x128xf32, #tpu.memory_space<vmem>>, vector<16xf32>,
        %eq3A_362 = vector.broadcast %and3A_358 : i32 to vector<16xi32>
        %eq3A_363 = arith.cmpi eq, %iota3A, %eq3A_362 : vector<16xi32>
        %slice3A_364 = vector.extract_strided_slice %select_n3A_51 {offsets = [12], sizes = [1], strides = [1]} : vector<16xf32> to vector<1xf32>
        %squeeze3A_365 = vector.extract %slice3A_364[0] : f32 from vector<1xf32>
        %jit3A_366 = arith.constant 0.000000e+00 : f32
        %broadcast_in_dim3A_367 = vector.broadcast %squeeze3A_365 : f32 to vector<16xf32>
        %broadcast_in_dim3A_368 = vector.broadcast %jit3A_366 : f32 to vector<16xf32>
        %select_n3A_369 = arith.select %eq3A_363, %broadcast_in_dim3A_367, %broadcast_in_dim3A_368 : vector<16xi1>, vector<16xf32>
        %add3A_370 = arith.addf %get3A_361, %select_n3A_369 : vector<16xf32>
        %swap3A_371 = arith.index_cast %shift_right_logical3A_352 : i32 to index
        %swap3A_372 = arith.index_cast %and3A_356 : i32 to index
        %swap3A_373 = tpu.vector_load %arg11[%swap3A_371, %swap3A_372] {strides = array<i32>} : memref<80x128xf32, #tpu.memory_space<vmem>>, vector<16xf32>,
        tpu.vector_store %arg11[%swap3A_371, %swap3A_372], %add3A_370 {strides = array<i32>} : memref<80x128xf32, #tpu.memory_space<vmem>>, vector<16xf32>,
        %slice3A_374 = vector.extract_strided_slice %get3A_36 {offsets = [13], sizes = [1], strides = [1]} : vector<16xi32> to vector<1xi32>
        %squeeze3A_375 = vector.extract %slice3A_374[0] : i32 from vector<1xi32>
        %shift_right_logical3A_376 = arith.constant 7 : i32
        %shift_right_logical3A_377 = arith.shrui %squeeze3A_375, %shift_right_logical3A_376 : i32
        %and3A_378 = arith.constant 127 : i32
        %and3A_379 = arith.andi %squeeze3A_375, %and3A_378 : i32
        %and3A_380 = arith.constant 112 : i32
        %and3A_381 = arith.andi %and3A_379, %and3A_380 : i32
        %and3A_382 = arith.constant 15 : i32
        %and3A_383 = arith.andi %and3A_379, %and3A_382 : i32
        %get3A_384 = arith.index_cast %shift_right_logical3A_377 : i32 to index
        %get3A_385 = arith.index_cast %and3A_381 : i32 to index
        %get3A_386 = tpu.vector_load %arg11[%get3A_384, %get3A_385] {strides = array<i32>} : memref<80x128xf32, #tpu.memory_space<vmem>>, vector<16xf32>,
        %eq3A_387 = vector.broadcast %and3A_383 : i32 to vector<16xi32>
        %eq3A_388 = arith.cmpi eq, %iota3A, %eq3A_387 : vector<16xi32>
        %slice3A_389 = vector.extract_strided_slice %select_n3A_51 {offsets = [13], sizes = [1], strides = [1]} : vector<16xf32> to vector<1xf32>
        %squeeze3A_390 = vector.extract %slice3A_389[0] : f32 from vector<1xf32>
        %jit3A_391 = arith.constant 0.000000e+00 : f32
        %broadcast_in_dim3A_392 = vector.broadcast %squeeze3A_390 : f32 to vector<16xf32>
        %broadcast_in_dim3A_393 = vector.broadcast %jit3A_391 : f32 to vector<16xf32>
        %select_n3A_394 = arith.select %eq3A_388, %broadcast_in_dim3A_392, %broadcast_in_dim3A_393 : vector<16xi1>, vector<16xf32>
        %add3A_395 = arith.addf %get3A_386, %select_n3A_394 : vector<16xf32>
        %swap3A_396 = arith.index_cast %shift_right_logical3A_377 : i32 to index
        %swap3A_397 = arith.index_cast %and3A_381 : i32 to index
        %swap3A_398 = tpu.vector_load %arg11[%swap3A_396, %swap3A_397] {strides = array<i32>} : memref<80x128xf32, #tpu.memory_space<vmem>>, vector<16xf32>,
        tpu.vector_store %arg11[%swap3A_396, %swap3A_397], %add3A_395 {strides = array<i32>} : memref<80x128xf32, #tpu.memory_space<vmem>>, vector<16xf32>,
        %slice3A_399 = vector.extract_strided_slice %get3A_36 {offsets = [14], sizes = [1], strides = [1]} : vector<16xi32> to vector<1xi32>
        %squeeze3A_400 = vector.extract %slice3A_399[0] : i32 from vector<1xi32>
        %shift_right_logical3A_401 = arith.constant 7 : i32
        %shift_right_logical3A_402 = arith.shrui %squeeze3A_400, %shift_right_logical3A_401 : i32
        %and3A_403 = arith.constant 127 : i32
        %and3A_404 = arith.andi %squeeze3A_400, %and3A_403 : i32
        %and3A_405 = arith.constant 112 : i32
        %and3A_406 = arith.andi %and3A_404, %and3A_405 : i32
        %and3A_407 = arith.constant 15 : i32
        %and3A_408 = arith.andi %and3A_404, %and3A_407 : i32
        %get3A_409 = arith.index_cast %shift_right_logical3A_402 : i32 to index
        %get3A_410 = arith.index_cast %and3A_406 : i32 to index
        %get3A_411 = tpu.vector_load %arg11[%get3A_409, %get3A_410] {strides = array<i32>} : memref<80x128xf32, #tpu.memory_space<vmem>>, vector<16xf32>,
        %eq3A_412 = vector.broadcast %and3A_408 : i32 to vector<16xi32>
        %eq3A_413 = arith.cmpi eq, %iota3A, %eq3A_412 : vector<16xi32>
        %slice3A_414 = vector.extract_strided_slice %select_n3A_51 {offsets = [14], sizes = [1], strides = [1]} : vector<16xf32> to vector<1xf32>
        %squeeze3A_415 = vector.extract %slice3A_414[0] : f32 from vector<1xf32>
        %jit3A_416 = arith.constant 0.000000e+00 : f32
        %broadcast_in_dim3A_417 = vector.broadcast %squeeze3A_415 : f32 to vector<16xf32>
        %broadcast_in_dim3A_418 = vector.broadcast %jit3A_416 : f32 to vector<16xf32>
        %select_n3A_419 = arith.select %eq3A_413, %broadcast_in_dim3A_417, %broadcast_in_dim3A_418 : vector<16xi1>, vector<16xf32>
        %add3A_420 = arith.addf %get3A_411, %select_n3A_419 : vector<16xf32>
        %swap3A_421 = arith.index_cast %shift_right_logical3A_402 : i32 to index
        %swap3A_422 = arith.index_cast %and3A_406 : i32 to index
        %swap3A_423 = tpu.vector_load %arg11[%swap3A_421, %swap3A_422] {strides = array<i32>} : memref<80x128xf32, #tpu.memory_space<vmem>>, vector<16xf32>,
        tpu.vector_store %arg11[%swap3A_421, %swap3A_422], %add3A_420 {strides = array<i32>} : memref<80x128xf32, #tpu.memory_space<vmem>>, vector<16xf32>,
        %slice3A_424 = vector.extract_strided_slice %get3A_36 {offsets = [15], sizes = [1], strides = [1]} : vector<16xi32> to vector<1xi32>
        %squeeze3A_425 = vector.extract %slice3A_424[0] : i32 from vector<1xi32>
        %shift_right_logical3A_426 = arith.constant 7 : i32
        %shift_right_logical3A_427 = arith.shrui %squeeze3A_425, %shift_right_logical3A_426 : i32
        %and3A_428 = arith.constant 127 : i32
        %and3A_429 = arith.andi %squeeze3A_425, %and3A_428 : i32
        %and3A_430 = arith.constant 112 : i32
        %and3A_431 = arith.andi %and3A_429, %and3A_430 : i32
        %and3A_432 = arith.constant 15 : i32
        %and3A_433 = arith.andi %and3A_429, %and3A_432 : i32
        %get3A_434 = arith.index_cast %shift_right_logical3A_427 : i32 to index
        %get3A_435 = arith.index_cast %and3A_431 : i32 to index
        %get3A_436 = tpu.vector_load %arg11[%get3A_434, %get3A_435] {strides = array<i32>} : memref<80x128xf32, #tpu.memory_space<vmem>>, vector<16xf32>,
        %eq3A_437 = vector.broadcast %and3A_433 : i32 to vector<16xi32>
        %eq3A_438 = arith.cmpi eq, %iota3A, %eq3A_437 : vector<16xi32>
        %slice3A_439 = vector.extract_strided_slice %select_n3A_51 {offsets = [15], sizes = [1], strides = [1]} : vector<16xf32> to vector<1xf32>
        %squeeze3A_440 = vector.extract %slice3A_439[0] : f32 from vector<1xf32>
        %jit3A_441 = arith.constant 0.000000e+00 : f32
        %broadcast_in_dim3A_442 = vector.broadcast %squeeze3A_440 : f32 to vector<16xf32>
        %broadcast_in_dim3A_443 = vector.broadcast %jit3A_441 : f32 to vector<16xf32>
        %select_n3A_444 = arith.select %eq3A_438, %broadcast_in_dim3A_442, %broadcast_in_dim3A_443 : vector<16xi1>, vector<16xf32>
        %add3A_445 = arith.addf %get3A_436, %select_n3A_444 : vector<16xf32>
        %swap3A_446 = arith.index_cast %shift_right_logical3A_427 : i32 to index
        %swap3A_447 = arith.index_cast %and3A_431 : i32 to index
        %swap3A_448 = tpu.vector_load %arg11[%swap3A_446, %swap3A_447] {strides = array<i32>} : memref<80x128xf32, #tpu.memory_space<vmem>>, vector<16xf32>,
        tpu.vector_store %arg11[%swap3A_446, %swap3A_447], %add3A_445 {strides = array<i32>} : memref<80x128xf32, #tpu.memory_space<vmem>>, vector<16xf32>,
      }
      %scan3A_26 = arith.constant 8 : i32
    }
    %scan3A_13 = arith.constant 88 : i32
    "tpu.region"() ({
      %run_scoped3A = tpu.sem_alloc : memref<!tpu.dma_semaphore, #tpu.memory_space<semaphore_mem>>
      %dma_start3A = arith.constant 0 : i32
      %dma_start3A_14 = arith.constant 0 : i32
      %dma_start3A_15 = tpu.memref_slice %arg5[%arg1, %dma_start3A, %dma_start3A_14] : memref<16x80x128xf32, #tpu.memory_space<hbm>> -> memref<1x80x128xf32, #tpu.memory_space<hbm>>
      %dma_start3A_16 = tpu.memref_squeeze %dma_start3A_15 : memref<1x80x128xf32, #tpu.memory_space<hbm>> -> memref<80x128xf32, #tpu.memory_space<hbm>>
      %dma_start3A_17 = arith.constant 0 : i32
      %dma_start3A_18 = arith.constant 0 : i32
      %dma_start3A_19 = tpu.memref_slice %arg5[%arg1, %dma_start3A_17, %dma_start3A_18] : memref<16x80x128xf32, #tpu.memory_space<hbm>> -> memref<1x80x128xf32, #tpu.memory_space<hbm>>
      %dma_start3A_20 = tpu.memref_squeeze %dma_start3A_19 : memref<1x80x128xf32, #tpu.memory_space<hbm>> -> memref<80x128xf32, #tpu.memory_space<hbm>>
      tpu.enqueue_dma source(%arg11 : memref<80x128xf32, #tpu.memory_space<vmem>>) target(%dma_start3A_20 : memref<80x128xf32, #tpu.memory_space<hbm>>) target_semaphore(%run_scoped3A : memref<!tpu.dma_semaphore, #tpu.memory_space<semaphore_mem>>)
      %dma_wait3A = arith.constant 0 : i32
      %dma_wait3A_21 = arith.constant 0 : i32
      %dma_wait3A_22 = tpu.memref_slice %arg5[%arg1, %dma_wait3A, %dma_wait3A_21] : memref<16x80x128xf32, #tpu.memory_space<hbm>> -> memref<1x80x128xf32, #tpu.memory_space<hbm>>
      %dma_wait3A_23 = tpu.memref_squeeze %dma_wait3A_22 : memref<1x80x128xf32, #tpu.memory_space<hbm>> -> memref<80x128xf32, #tpu.memory_space<hbm>>
      %dma_wait3A_24 = arith.constant 0 : i32
      %dma_wait3A_25 = arith.constant 0 : i32
      %dma_wait3A_26 = tpu.memref_slice %arg5[%arg1, %dma_wait3A_24, %dma_wait3A_25] : memref<16x80x128xf32, #tpu.memory_space<hbm>> -> memref<1x80x128xf32, #tpu.memory_space<hbm>>
      %dma_wait3A_27 = tpu.memref_squeeze %dma_wait3A_26 : memref<1x80x128xf32, #tpu.memory_space<hbm>> -> memref<80x128xf32, #tpu.memory_space<hbm>>
      tpu.wait_dma2 semaphore(%run_scoped3A : memref<!tpu.dma_semaphore, #tpu.memory_space<semaphore_mem>>) src(%arg11 : memref<80x128xf32, #tpu.memory_space<vmem>>) dst(%dma_wait3A_27 : memref<80x128xf32, #tpu.memory_space<hbm>>)
      tpu.yield
    }) : () -> ()
    "tpu.region"() ({
      %run_scoped3A = tpu.sem_alloc : memref<!tpu.dma_semaphore, #tpu.memory_space<semaphore_mem>>
      %dma_start3A = arith.constant 0 : i32
      %dma_start3A_14 = arith.constant 0 : i32
      %dma_start3A_15 = tpu.memref_slice %arg6[%arg1, %dma_start3A, %dma_start3A_14] : memref<16x88x128xf32, #tpu.memory_space<hbm>> -> memref<1x88x128xf32, #tpu.memory_space<hbm>>
      %dma_start3A_16 = tpu.memref_squeeze %dma_start3A_15 : memref<1x88x128xf32, #tpu.memory_space<hbm>> -> memref<88x128xf32, #tpu.memory_space<hbm>>
      %dma_start3A_17 = arith.constant 0 : i32
      %dma_start3A_18 = arith.constant 0 : i32
      %dma_start3A_19 = tpu.memref_slice %arg6[%arg1, %dma_start3A_17, %dma_start3A_18] : memref<16x88x128xf32, #tpu.memory_space<hbm>> -> memref<1x88x128xf32, #tpu.memory_space<hbm>>
      %dma_start3A_20 = tpu.memref_squeeze %dma_start3A_19 : memref<1x88x128xf32, #tpu.memory_space<hbm>> -> memref<88x128xf32, #tpu.memory_space<hbm>>
      tpu.enqueue_dma source(%arg10 : memref<88x128xf32, #tpu.memory_space<vmem>>) target(%dma_start3A_20 : memref<88x128xf32, #tpu.memory_space<hbm>>) target_semaphore(%run_scoped3A : memref<!tpu.dma_semaphore, #tpu.memory_space<semaphore_mem>>)
      %dma_wait3A = arith.constant 0 : i32
      %dma_wait3A_21 = arith.constant 0 : i32
      %dma_wait3A_22 = tpu.memref_slice %arg6[%arg1, %dma_wait3A, %dma_wait3A_21] : memref<16x88x128xf32, #tpu.memory_space<hbm>> -> memref<1x88x128xf32, #tpu.memory_space<hbm>>
      %dma_wait3A_23 = tpu.memref_squeeze %dma_wait3A_22 : memref<1x88x128xf32, #tpu.memory_space<hbm>> -> memref<88x128xf32, #tpu.memory_space<hbm>>
      %dma_wait3A_24 = arith.constant 0 : i32
      %dma_wait3A_25 = arith.constant 0 : i32
      %dma_wait3A_26 = tpu.memref_slice %arg6[%arg1, %dma_wait3A_24, %dma_wait3A_25] : memref<16x88x128xf32, #tpu.memory_space<hbm>> -> memref<1x88x128xf32, #tpu.memory_space<hbm>>
      %dma_wait3A_27 = tpu.memref_squeeze %dma_wait3A_26 : memref<1x88x128xf32, #tpu.memory_space<hbm>> -> memref<88x128xf32, #tpu.memory_space<hbm>>
      tpu.wait_dma2 semaphore(%run_scoped3A : memref<!tpu.dma_semaphore, #tpu.memory_space<semaphore_mem>>) src(%arg10 : memref<88x128xf32, #tpu.memory_space<vmem>>) dst(%dma_wait3A_27 : memref<88x128xf32, #tpu.memory_space<hbm>>)
      tpu.yield
    }) : () -> ()
    return
  }
}

module attributes {stable_mosaic.version = 14 : i64} {
  func.func @_dense1_body(%arg0: memref<10000x256xf32, #tpu.memory_space<vmem>>, %arg1: memref<256x256xf32, #tpu.memory_space<vmem>>, %arg2: memref<256xf32, #tpu.memory_space<vmem>>, %arg3: memref<256xf32, #tpu.memory_space<vmem>>, %arg4: memref<2x10000x128xf32, #tpu.memory_space<vmem>>, %arg5: memref<2x10000xf32, #tpu.memory_space<vmem>>) attributes {dimension_semantics = [], scalar_prefetch = 0 : i64, scratch_operands = 0 : i64, tpu.core_type = #tpu.core_type<tc>} {
    %get3A = arith.constant 0 : index
    %get3A_0 = arith.constant 0 : index
    %get3A_1 = vector.load %arg0[%get3A, %get3A_0] : memref<10000x256xf32, #tpu.memory_space<vmem>>, vector<10000x256xf32>
    %get3A_2 = arith.constant 0 : index
    %get3A_3 = arith.constant 0 : index
    %get3A_4 = vector.load %arg1[%get3A_2, %get3A_3] : memref<256x256xf32, #tpu.memory_space<vmem>>, vector<256x256xf32>
    %dot_general3A = arith.constant dense<0.000000e+00> : vector<10000x256xf32>
    %dot_general3A_5 = tpu.matmul %get3A_1, %get3A_4, %dot_general3A {dimension_numbers = #tpu.dot_dimension_numbers<[1], [0], [0], [1], [0, 0, 1, 1], [], []>, transpose_lhs_hint = false} : vector<10000x256xf32>, vector<256x256xf32>, vector<10000x256xf32> -> vector<10000x256xf32>
    %slice3A = vector.extract_strided_slice %dot_general3A_5 {offsets = [0, 0], sizes = [10000, 128], strides = [1, 1]} : vector<10000x256xf32> to vector<10000x128xf32>
    %swap3A = arith.constant 0 : index
    %swap3A_6 = arith.constant 0 : index
    %swap3A_7 = arith.constant 0 : index
    %swap3A_8 = vector.load %arg4[%swap3A, %swap3A_6, %swap3A_7] : memref<2x10000x128xf32, #tpu.memory_space<vmem>>, vector<1x10000x128xf32>
    %swap3A_9 = vector.shape_cast %swap3A_8 : vector<1x10000x128xf32> to vector<10000x128xf32>
    %swap3A_10 = vector.shape_cast %slice3A : vector<10000x128xf32> to vector<1x10000x128xf32>
    tpu.vector_store %arg4[%swap3A, %swap3A_6, %swap3A_7], %swap3A_10 {strides = array<i32>} : memref<2x10000x128xf32, #tpu.memory_space<vmem>>, vector<1x10000x128xf32>,
    %slice3A_11 = vector.extract_strided_slice %dot_general3A_5 {offsets = [0, 128], sizes = [10000, 128], strides = [1, 1]} : vector<10000x256xf32> to vector<10000x128xf32>
    %swap3A_12 = arith.constant 1 : index
    %swap3A_13 = arith.constant 0 : index
    %swap3A_14 = arith.constant 0 : index
    %swap3A_15 = vector.load %arg4[%swap3A_12, %swap3A_13, %swap3A_14] : memref<2x10000x128xf32, #tpu.memory_space<vmem>>, vector<1x10000x128xf32>
    %swap3A_16 = vector.shape_cast %swap3A_15 : vector<1x10000x128xf32> to vector<10000x128xf32>
    %swap3A_17 = vector.shape_cast %slice3A_11 : vector<10000x128xf32> to vector<1x10000x128xf32>
    tpu.vector_store %arg4[%swap3A_12, %swap3A_13, %swap3A_14], %swap3A_17 {strides = array<i32>} : memref<2x10000x128xf32, #tpu.memory_space<vmem>>, vector<1x10000x128xf32>,
    %get3A_18 = arith.constant 0 : index
    %get3A_19 = vector.load %arg2[%get3A_18] : memref<256xf32, #tpu.memory_space<vmem>>, vector<256xf32>
    %broadcast_in_dim3A = vector.shape_cast %get3A_19 : vector<256xf32> to vector<1x256xf32>
    %mul3A = vector.broadcast %broadcast_in_dim3A : vector<1x256xf32> to vector<10000x256xf32>
    %mul3A_20 = arith.mulf %dot_general3A_5, %mul3A : vector<10000x256xf32>
    %reduce_sum3A = arith.constant dense<0.000000e+00> : vector<10000xf32>
    %reduce_sum3A_21 = vector.multi_reduction <add>, %mul3A_20, %reduce_sum3A [1] : vector<10000x256xf32> to vector<10000xf32>
    %swap3A_22 = arith.constant 0 : index
    %swap3A_23 = arith.constant 0 : index
    %swap3A_24 = vector.load %arg5[%swap3A_22, %swap3A_23] : memref<2x10000xf32, #tpu.memory_space<vmem>>, vector<1x10000xf32>
    %swap3A_25 = vector.shape_cast %swap3A_24 : vector<1x10000xf32> to vector<10000xf32>
    %swap3A_26 = vector.shape_cast %reduce_sum3A_21 : vector<10000xf32> to vector<1x10000xf32>
    tpu.vector_store %arg5[%swap3A_22, %swap3A_23], %swap3A_26 {strides = array<i32>} : memref<2x10000xf32, #tpu.memory_space<vmem>>, vector<1x10000xf32>,
    %get3A_27 = arith.constant 0 : index
    %get3A_28 = vector.load %arg3[%get3A_27] : memref<256xf32, #tpu.memory_space<vmem>>, vector<256xf32>
    %broadcast_in_dim3A_29 = vector.shape_cast %get3A_28 : vector<256xf32> to vector<1x256xf32>
    %mul3A_30 = vector.broadcast %broadcast_in_dim3A_29 : vector<1x256xf32> to vector<10000x256xf32>
    %mul3A_31 = arith.mulf %dot_general3A_5, %mul3A_30 : vector<10000x256xf32>
    %reduce_sum3A_32 = arith.constant dense<0.000000e+00> : vector<10000xf32>
    %reduce_sum3A_33 = vector.multi_reduction <add>, %mul3A_31, %reduce_sum3A_32 [1] : vector<10000x256xf32> to vector<10000xf32>
    %swap3A_34 = arith.constant 1 : index
    %swap3A_35 = arith.constant 0 : index
    %swap3A_36 = vector.load %arg5[%swap3A_34, %swap3A_35] : memref<2x10000xf32, #tpu.memory_space<vmem>>, vector<1x10000xf32>
    %swap3A_37 = vector.shape_cast %swap3A_36 : vector<1x10000xf32> to vector<10000xf32>
    %swap3A_38 = vector.shape_cast %reduce_sum3A_33 : vector<10000xf32> to vector<1x10000xf32>
    tpu.vector_store %arg5[%swap3A_34, %swap3A_35], %swap3A_38 {strides = array<i32>} : memref<2x10000xf32, #tpu.memory_space<vmem>>, vector<1x10000xf32>,
    return
  }
}

module attributes {stable_mosaic.version = 14 : i64} {
  func.func @_dense2_body(%arg0: memref<2x10000x128xf32, #tpu.memory_space<vmem>>, %arg1: memref<16x10240xf32, #tpu.memory_space<vmem>>, %arg2: memref<256xf32, #tpu.memory_space<vmem>>, %arg3: memref<256x256xf32, #tpu.memory_space<vmem>>, %arg4: memref<256xf32, #tpu.memory_space<vmem>>, %arg5: memref<256xf32, #tpu.memory_space<vmem>>, %arg6: memref<2x10000x128xf32, #tpu.memory_space<vmem>>, %arg7: memref<2x10000xf32, #tpu.memory_space<vmem>>) attributes {dimension_semantics = [], scalar_prefetch = 0 : i64, scratch_operands = 0 : i64, tpu.core_type = #tpu.core_type<tc>} {
    %get3A = arith.constant 0 : index
    %get3A_0 = arith.constant 0 : index
    %get3A_1 = vector.load %arg1[%get3A, %get3A_0] : memref<16x10240xf32, #tpu.memory_space<vmem>>, vector<16x10240xf32>
    %reduce_sum3A = arith.constant dense<0.000000e+00> : vector<10240xf32>
    %reduce_sum3A_2 = vector.multi_reduction <add>, %get3A_1, %reduce_sum3A [0] : vector<16x10240xf32> to vector<10240xf32>
    %slice3A = vector.extract_strided_slice %reduce_sum3A_2 {offsets = [0], sizes = [10000], strides = [1]} : vector<10240xf32> to vector<10000xf32>
    %add3A = arith.constant 1.000000e-16 : f32
    %add3A_3 = vector.broadcast %add3A : f32 to vector<10000xf32>
    %add3A_4 = arith.addf %slice3A, %add3A_3 : vector<10000xf32>
    %div3A = arith.constant 1.000000e+00 : f32
    %div3A_5 = vector.broadcast %div3A : f32 to vector<10000xf32>
    %div3A_6 = arith.divf %div3A_5, %add3A_4 : vector<10000xf32>
    %reshape3A = vector.shape_cast %div3A_6 : vector<10000xf32> to vector<10000x1xf32>
    %get3A_7 = arith.constant 0 : index
    %get3A_8 = arith.constant 0 : index
    %get3A_9 = arith.constant 0 : index
    %get3A_10 = vector.load %arg0[%get3A_7, %get3A_8, %get3A_9] : memref<2x10000x128xf32, #tpu.memory_space<vmem>>, vector<1x10000x128xf32>
    %get3A_11 = vector.shape_cast %get3A_10 : vector<1x10000x128xf32> to vector<10000x128xf32>
    %get3A_12 = arith.constant 1 : index
    %get3A_13 = arith.constant 0 : index
    %get3A_14 = arith.constant 0 : index
    %get3A_15 = vector.load %arg0[%get3A_12, %get3A_13, %get3A_14] : memref<2x10000x128xf32, #tpu.memory_space<vmem>>, vector<1x10000x128xf32>
    %get3A_16 = vector.shape_cast %get3A_15 : vector<1x10000x128xf32> to vector<10000x128xf32>
    %concatenate3A = tpu.concatenate %get3A_11, %get3A_16 in 1 : vector<10000x128xf32>, vector<10000x128xf32> -> vector<10000x256xf32>
    %mul3A = vector.broadcast %reshape3A : vector<10000x1xf32> to vector<10000x256xf32>
    %mul3A_17 = arith.mulf %concatenate3A, %mul3A : vector<10000x256xf32>
    %get3A_18 = arith.constant 0 : index
    %get3A_19 = vector.load %arg2[%get3A_18] : memref<256xf32, #tpu.memory_space<vmem>>, vector<256xf32>
    %broadcast_in_dim3A = vector.shape_cast %get3A_19 : vector<256xf32> to vector<1x256xf32>
    %add3A_20 = vector.broadcast %broadcast_in_dim3A : vector<1x256xf32> to vector<10000x256xf32>
    %add3A_21 = arith.addf %mul3A_17, %add3A_20 : vector<10000x256xf32>
    %gt3A = arith.constant 0.000000e+00 : f32
    %gt3A_22 = vector.broadcast %gt3A : f32 to vector<10000x256xf32>
    %gt3A_23 = arith.cmpf ogt, %add3A_21, %gt3A_22 : vector<10000x256xf32>
    %exp3A = math.exp %add3A_21 : vector<10000x256xf32>
    %sub3A = arith.constant 1.000000e+00 : f32
    %sub3A_24 = vector.broadcast %sub3A : f32 to vector<10000x256xf32>
    %sub3A_25 = arith.subf %exp3A, %sub3A_24 : vector<10000x256xf32>
    %select_n3A = arith.select %gt3A_23, %add3A_21, %sub3A_25 : vector<10000x256xi1>, vector<10000x256xf32>
    %get3A_26 = arith.constant 0 : index
    %get3A_27 = arith.constant 0 : index
    %get3A_28 = vector.load %arg3[%get3A_26, %get3A_27] : memref<256x256xf32, #tpu.memory_space<vmem>>, vector<256x256xf32>
    %dot_general3A = arith.constant dense<0.000000e+00> : vector<10000x256xf32>
    %dot_general3A_29 = tpu.matmul %select_n3A, %get3A_28, %dot_general3A {dimension_numbers = #tpu.dot_dimension_numbers<[1], [0], [0], [1], [0, 0, 1, 1], [], []>, transpose_lhs_hint = false} : vector<10000x256xf32>, vector<256x256xf32>, vector<10000x256xf32> -> vector<10000x256xf32>
    %slice3A_30 = vector.extract_strided_slice %dot_general3A_29 {offsets = [0, 0], sizes = [10000, 128], strides = [1, 1]} : vector<10000x256xf32> to vector<10000x128xf32>
    %swap3A = arith.constant 0 : index
    %swap3A_31 = arith.constant 0 : index
    %swap3A_32 = arith.constant 0 : index
    %swap3A_33 = vector.load %arg6[%swap3A, %swap3A_31, %swap3A_32] : memref<2x10000x128xf32, #tpu.memory_space<vmem>>, vector<1x10000x128xf32>
    %swap3A_34 = vector.shape_cast %swap3A_33 : vector<1x10000x128xf32> to vector<10000x128xf32>
    %swap3A_35 = vector.shape_cast %slice3A_30 : vector<10000x128xf32> to vector<1x10000x128xf32>
    tpu.vector_store %arg6[%swap3A, %swap3A_31, %swap3A_32], %swap3A_35 {strides = array<i32>} : memref<2x10000x128xf32, #tpu.memory_space<vmem>>, vector<1x10000x128xf32>,
    %slice3A_36 = vector.extract_strided_slice %dot_general3A_29 {offsets = [0, 128], sizes = [10000, 128], strides = [1, 1]} : vector<10000x256xf32> to vector<10000x128xf32>
    %swap3A_37 = arith.constant 1 : index
    %swap3A_38 = arith.constant 0 : index
    %swap3A_39 = arith.constant 0 : index
    %swap3A_40 = vector.load %arg6[%swap3A_37, %swap3A_38, %swap3A_39] : memref<2x10000x128xf32, #tpu.memory_space<vmem>>, vector<1x10000x128xf32>
    %swap3A_41 = vector.shape_cast %swap3A_40 : vector<1x10000x128xf32> to vector<10000x128xf32>
    %swap3A_42 = vector.shape_cast %slice3A_36 : vector<10000x128xf32> to vector<1x10000x128xf32>
    tpu.vector_store %arg6[%swap3A_37, %swap3A_38, %swap3A_39], %swap3A_42 {strides = array<i32>} : memref<2x10000x128xf32, #tpu.memory_space<vmem>>, vector<1x10000x128xf32>,
    %get3A_43 = arith.constant 0 : index
    %get3A_44 = vector.load %arg4[%get3A_43] : memref<256xf32, #tpu.memory_space<vmem>>, vector<256xf32>
    %broadcast_in_dim3A_45 = vector.shape_cast %get3A_44 : vector<256xf32> to vector<1x256xf32>
    %mul3A_46 = vector.broadcast %broadcast_in_dim3A_45 : vector<1x256xf32> to vector<10000x256xf32>
    %mul3A_47 = arith.mulf %dot_general3A_29, %mul3A_46 : vector<10000x256xf32>
    %reduce_sum3A_48 = arith.constant dense<0.000000e+00> : vector<10000xf32>
    %reduce_sum3A_49 = vector.multi_reduction <add>, %mul3A_47, %reduce_sum3A_48 [1] : vector<10000x256xf32> to vector<10000xf32>
    %swap3A_50 = arith.constant 0 : index
    %swap3A_51 = arith.constant 0 : index
    %swap3A_52 = vector.load %arg7[%swap3A_50, %swap3A_51] : memref<2x10000xf32, #tpu.memory_space<vmem>>, vector<1x10000xf32>
    %swap3A_53 = vector.shape_cast %swap3A_52 : vector<1x10000xf32> to vector<10000xf32>
    %swap3A_54 = vector.shape_cast %reduce_sum3A_49 : vector<10000xf32> to vector<1x10000xf32>
    tpu.vector_store %arg7[%swap3A_50, %swap3A_51], %swap3A_54 {strides = array<i32>} : memref<2x10000xf32, #tpu.memory_space<vmem>>, vector<1x10000xf32>,
    %get3A_55 = arith.constant 0 : index
    %get3A_56 = vector.load %arg5[%get3A_55] : memref<256xf32, #tpu.memory_space<vmem>>, vector<256xf32>
    %broadcast_in_dim3A_57 = vector.shape_cast %get3A_56 : vector<256xf32> to vector<1x256xf32>
    %mul3A_58 = vector.broadcast %broadcast_in_dim3A_57 : vector<1x256xf32> to vector<10000x256xf32>
    %mul3A_59 = arith.mulf %dot_general3A_29, %mul3A_58 : vector<10000x256xf32>
    %reduce_sum3A_60 = arith.constant dense<0.000000e+00> : vector<10000xf32>
    %reduce_sum3A_61 = vector.multi_reduction <add>, %mul3A_59, %reduce_sum3A_60 [1] : vector<10000x256xf32> to vector<10000xf32>
    %swap3A_62 = arith.constant 1 : index
    %swap3A_63 = arith.constant 0 : index
    %swap3A_64 = vector.load %arg7[%swap3A_62, %swap3A_63] : memref<2x10000xf32, #tpu.memory_space<vmem>>, vector<1x10000xf32>
    %swap3A_65 = vector.shape_cast %swap3A_64 : vector<1x10000xf32> to vector<10000xf32>
    %swap3A_66 = vector.shape_cast %reduce_sum3A_61 : vector<10000xf32> to vector<1x10000xf32>
    tpu.vector_store %arg7[%swap3A_62, %swap3A_63], %swap3A_66 {strides = array<i32>} : memref<2x10000xf32, #tpu.memory_space<vmem>>, vector<1x10000xf32>,
    return
  }
}

module attributes {stable_mosaic.version = 14 : i64} {
  func.func @_final_body(%arg0: memref<2x10000x128xf32, #tpu.memory_space<vmem>>, %arg1: memref<16x10240xf32, #tpu.memory_space<vmem>>, %arg2: memref<256xf32, #tpu.memory_space<vmem>>, %arg3: memref<256x64xf32, #tpu.memory_space<vmem>>, %arg4: memref<1x64xf32, #tpu.memory_space<vmem>>, %arg5: memref<10000x64xf32, #tpu.memory_space<vmem>>, %arg6: memref<10000x256xf32, #tpu.memory_space<vmem>>) attributes {dimension_semantics = [], scalar_prefetch = 0 : i64, scratch_operands = 0 : i64, tpu.core_type = #tpu.core_type<tc>} {
    %get3A = arith.constant 0 : index
    %get3A_0 = arith.constant 0 : index
    %get3A_1 = vector.load %arg1[%get3A, %get3A_0] : memref<16x10240xf32, #tpu.memory_space<vmem>>, vector<16x10240xf32>
    %reduce_sum3A = arith.constant dense<0.000000e+00> : vector<10240xf32>
    %reduce_sum3A_2 = vector.multi_reduction <add>, %get3A_1, %reduce_sum3A [0] : vector<16x10240xf32> to vector<10240xf32>
    %slice3A = vector.extract_strided_slice %reduce_sum3A_2 {offsets = [0], sizes = [10000], strides = [1]} : vector<10240xf32> to vector<10000xf32>
    %add3A = arith.constant 1.000000e-16 : f32
    %add3A_3 = vector.broadcast %add3A : f32 to vector<10000xf32>
    %add3A_4 = arith.addf %slice3A, %add3A_3 : vector<10000xf32>
    %div3A = arith.constant 1.000000e+00 : f32
    %div3A_5 = vector.broadcast %div3A : f32 to vector<10000xf32>
    %div3A_6 = arith.divf %div3A_5, %add3A_4 : vector<10000xf32>
    %reshape3A = vector.shape_cast %div3A_6 : vector<10000xf32> to vector<10000x1xf32>
    %get3A_7 = arith.constant 0 : index
    %get3A_8 = arith.constant 0 : index
    %get3A_9 = arith.constant 0 : index
    %get3A_10 = vector.load %arg0[%get3A_7, %get3A_8, %get3A_9] : memref<2x10000x128xf32, #tpu.memory_space<vmem>>, vector<1x10000x128xf32>
    %get3A_11 = vector.shape_cast %get3A_10 : vector<1x10000x128xf32> to vector<10000x128xf32>
    %get3A_12 = arith.constant 1 : index
    %get3A_13 = arith.constant 0 : index
    %get3A_14 = arith.constant 0 : index
    %get3A_15 = vector.load %arg0[%get3A_12, %get3A_13, %get3A_14] : memref<2x10000x128xf32, #tpu.memory_space<vmem>>, vector<1x10000x128xf32>
    %get3A_16 = vector.shape_cast %get3A_15 : vector<1x10000x128xf32> to vector<10000x128xf32>
    %concatenate3A = tpu.concatenate %get3A_11, %get3A_16 in 1 : vector<10000x128xf32>, vector<10000x128xf32> -> vector<10000x256xf32>
    %mul3A = vector.broadcast %reshape3A : vector<10000x1xf32> to vector<10000x256xf32>
    %mul3A_17 = arith.mulf %concatenate3A, %mul3A : vector<10000x256xf32>
    %get3A_18 = arith.constant 0 : index
    %get3A_19 = vector.load %arg2[%get3A_18] : memref<256xf32, #tpu.memory_space<vmem>>, vector<256xf32>
    %broadcast_in_dim3A = vector.shape_cast %get3A_19 : vector<256xf32> to vector<1x256xf32>
    %add3A_20 = vector.broadcast %broadcast_in_dim3A : vector<1x256xf32> to vector<10000x256xf32>
    %add3A_21 = arith.addf %mul3A_17, %add3A_20 : vector<10000x256xf32>
    %swap3A = arith.constant 0 : index
    %swap3A_22 = arith.constant 0 : index
    %swap3A_23 = vector.load %arg6[%swap3A, %swap3A_22] : memref<10000x256xf32, #tpu.memory_space<vmem>>, vector<10000x256xf32>
    tpu.vector_store %arg6[%swap3A, %swap3A_22], %add3A_21 {strides = array<i32>} : memref<10000x256xf32, #tpu.memory_space<vmem>>, vector<10000x256xf32>,
    %get3A_24 = arith.constant 0 : index
    %get3A_25 = arith.constant 0 : index
    %get3A_26 = vector.load %arg3[%get3A_24, %get3A_25] : memref<256x64xf32, #tpu.memory_space<vmem>>, vector<256x64xf32>
    %dot_general3A = arith.constant dense<0.000000e+00> : vector<10000x64xf32>
    %dot_general3A_27 = tpu.matmul %add3A_21, %get3A_26, %dot_general3A {dimension_numbers = #tpu.dot_dimension_numbers<[1], [0], [0], [1], [0, 0, 1, 1], [], []>, transpose_lhs_hint = false} : vector<10000x256xf32>, vector<256x64xf32>, vector<10000x64xf32> -> vector<10000x64xf32>
    %get3A_28 = arith.constant 0 : index
    %get3A_29 = arith.constant 0 : index
    %get3A_30 = vector.load %arg4[%get3A_28, %get3A_29] : memref<1x64xf32, #tpu.memory_space<vmem>>, vector<1x64xf32>
    %add3A_31 = vector.broadcast %get3A_30 : vector<1x64xf32> to vector<10000x64xf32>
    %add3A_32 = arith.addf %dot_general3A_27, %add3A_31 : vector<10000x64xf32>
    %swap3A_33 = arith.constant 0 : index
    %swap3A_34 = arith.constant 0 : index
    %swap3A_35 = vector.load %arg5[%swap3A_33, %swap3A_34] : memref<10000x64xf32, #tpu.memory_space<vmem>>, vector<10000x64xf32>
    tpu.vector_store %arg5[%swap3A_33, %swap3A_34], %add3A_32 {strides = array<i32>} : memref<10000x64xf32, #tpu.memory_space<vmem>>, vector<10000x64xf32>,
    return
  }
}

</mosaic_0001>

<sc_bundles>
// kernel: kernel.10.cloned.1.call-start
scs
__scs_entry_jumppad:
0x0: {  	(pc) =	sbr.rel $0x88, $3  }
0x1: {  	(tag) =	ssettag $0x0;
	lr =	simm.s32 $0x1  }
0x2: {  	[smem:$0x3F95] =	sst lr;
	_ =	strace $0xD0000000  }
0x3: {  	_ = 	snop  }
0x4: {  	_ = 	snop  }
0x5: {  	_ = 	snop  }
0x6: {  	_ = 	snop  }
0x7: {  	_ = 	snop  }
__scs_overlays_trampoline_lowered:
0x8: {  	[smem:$0x3FA4] =	sst s0  }
0x9: {  	[smem:$0x3FA5] =	sst s1  }
0xa: {  	[smem:$0x3FA6] =	sst s2  }
0xb: {  	[smem:$0x3FA7] =	sst s3  }
0xc: {  	[smem:$0x3FA8] =	sst s4  }
0xd: {  	[smem:$0x3FA9] =	sst s5  }
0xe: {  	[smem:$0x3FAA] =	sst s6  }
0xf: {  	[smem:$0x3FAB] =	sst s7  }
0x10: {  	[smem:$0x3FAC] =	sst s8  }
0x11: {  	[smem:$0x3FAD] =	sst s9;
	s0 =	simm.s32 @!p0 $0x0  }
0x12: {  	s1 =	sld [smem:$0x3F93];
	s0 =	simm.s32 @p0 $0x1  }
0x13: {  	[smem:$0x3FAE] =	sst s0;
	s0 =	simm.s32 @!p1 $0x0  }
0x14: {  	s2 =	sld [smem:$0x3F92];
	s0 =	simm.s32 @p1 $0x1  }
0x15: {  	[smem:$0x3FAF] =	sst s0;
	s0 =	simm.s32 @!p2 $0x0  }
0x16: {  	s3 =	sld [smem:$0x3FDB];
	s0 =	simm.s32 @p2 $0x1  }
0x17: {  	s4 =	simm.s32 $0x1BF5;
	[smem:$0x3FB1] =	sst s0  }
0x18: {  	s0 =	sld [smem:$0x3F94];
	_ =	swait.ge [sflag:s4], $0x0  }
0x19: {  	s7 =	sld [smem:$0x3F95]  }
0x1a: {  	s8 =	sadd.s32 $0xFFFFE003, lr  }
0x1b: {  	s9 =	sadd.s32 $0xFFFFFEF7, lr;
	s5 =	simm.s32 $0xFFFFFFFF;
	p2 =	slt.u32 s8, $0xFFFFF086  }
0x1c: {  	p1 =	slt.u32 s9, $0xF7A;
	s5 =	simm.s32 @!p2 $0x0  }
0x1d: {  	s5 =	simm.s32 @p1 $0x1;
	p0 =	seq.s32 s7, s2  }
0x1e: {  	s7 =	smul.u32 @!p0 $0xF7A, s2;
	p2 =	seq.s32 @!p0 s5, $0x0  }
0x1f: {  	s9 =	smul.u32 $0xF7A, s1;
	s8 =	simm.s32 @!p0 $0x1BF5;
	p2 =	por !p2, p0  }
0x20: {  	[sflag:s8] =	ssyncset.s32 @!p0 $0xFFFFF086;
	s6 =	sadd.s32 @!p0 s3, s7;
	s7 =	simm.s32 @!p0 $0x108  }
0x21: {  	s3 =	sadd.s32 s3, s9;
	s6 =	sadd.s32 @!p0 $0x88, s6;
	s7 =	simm.s32 @p2 $0x1082  }
0x22: {  	[simem:s7], [sflag:s8] =	dma.local @!p0 [hbm:s6], $0xF7A  }
0x23: {  	s9 =	sor.u32 $0xD0000000, s2;
	s6 =	simm.s32 $0x108;
	_ =	swait.ge @!p0 [sflag:s8], $0x0  }
0x24: {  	s3 =	sadd.s32 $0x88, s3;
	s6 =	simm.s32 @!p1 $0x1082;
	[sflag:s4] =	ssyncset.s32 $0xFFFFF086  }
0x25: {  	[simem:s6], [sflag:s4] =	dma.local [hbm:s3], $0xF7A  }
0x26: {  	[smem:$0x3F95] =	sst s1;
	(tag) =	ssettag s2;
	_ =	strace s9  }
0x27: {  	s1 =	sld [smem:$0x3FA5]  }
0x28: {  	s2 =	sld [smem:$0x3FA6]  }
0x29: {  	s4 =	sld [smem:$0x3FA8]  }
0x2a: {  	p0 =	seq.s32 s5, $0x0;
	s5 =	sld [smem:$0x3FA9]  }
0x2b: {  	s6 =	sld [smem:$0x3FAA]  }
0x2c: {  	s7 =	sld [smem:$0x3FAB]  }
0x2d: {  	s3 =	simm.s32 $0x108;
	s8 =	sld [smem:$0x3FAC]  }
0x2e: {  	s3 =	simm.s32 @!p0 $0x1082;
	s9 =	sld [smem:$0x3FAD]  }
0x2f: {  	lr =	sadd.s32 s0, s3;
	s0 =	sld [smem:$0x3FA4]  }
0x30: {  	s3 =	sld [smem:$0x3FA7]  }
0x31: {  	[smem:$0x3FB0] =	sst s10  }
0x32: {  	s10 =	sld [smem:$0x3FAE];
	_ =	sdelay $0x3  }
0x33: {  	p0 =	seq.s32 s10, $0x1;
	s10 =	sld [smem:$0x3FB0];
	_ =	sdelay $0x3  }
0x34: {  	[smem:$0x3FB0] =	sst s10  }
0x35: {  	s10 =	sld [smem:$0x3FAF];
	_ =	sdelay $0x3  }
0x36: {  	p1 =	seq.s32 s10, $0x1;
	s10 =	sld [smem:$0x3FB0];
	_ =	sdelay $0x3  }
0x37: {  	[smem:$0x3FB0] =	sst s10  }
0x38: {  	s10 =	sld [smem:$0x3FB1]  }
0x39: {  	_ = 	snop;
	(pc) =	sbr.ind lr, $3  }
0x3a: {  	_ = 	snop  }
0x3b: {  	_ = 	snop  }
0x3c: {  	p2 =	seq.s32 s10, $0x1;
	s10 =	sld [smem:$0x3FB0]  }
0x3d: {  	_ =	shalt  }
0x3e: {  	_ =	shalt  }
0x3f: {  	_ =	shalt  }
0x40: {  	_ =	shalt  }
0x41: {  	_ =	shalt  }
0x42: {  	_ =	shalt  }
0x43: {  	_ =	shalt  }
0x44: {  	_ =	shalt  }
0x45: {  	_ =	shalt  }
0x46: {  	_ =	shalt  }
0x47: {  	_ =	shalt  }
0x48: {  	_ =	shalt  }
0x49: {  	_ =	shalt  }
0x4a: {  	_ =	shalt  }
0x4b: {  	_ =	shalt  }
0x4c: {  	_ =	shalt  }
0x4d: {  	_ =	shalt  }
0x4e: {  	_ =	shalt  }
0x4f: {  	_ =	shalt  }
0x50: {  	_ =	shalt  }
0x51: {  	_ =	shalt  }
0x52: {  	_ =	shalt  }
0x53: {  	_ =	shalt  }
0x54: {  	_ =	shalt  }
0x55: {  	_ =	shalt  }
0x56: {  	_ =	shalt  }
0x57: {  	_ =	shalt  }
0x58: {  	_ =	shalt  }
0x59: {  	_ =	shalt  }
0x5a: {  	_ =	shalt  }
0x5b: {  	_ =	shalt  }
0x5c: {  	_ =	shalt  }
0x5d: {  	_ =	shalt  }
0x5e: {  	_ =	shalt  }
0x5f: {  	_ =	shalt  }
0x60: {  	_ =	shalt  }
0x61: {  	_ =	shalt  }
0x62: {  	_ =	shalt  }
0x63: {  	_ =	shalt  }
0x64: {  	_ =	shalt  }
0x65: {  	_ =	shalt  }
0x66: {  	_ =	shalt  }
0x67: {  	_ =	shalt  }
0x68: {  	_ =	shalt  }
0x69: {  	_ =	shalt  }
0x6a: {  	_ =	shalt  }
0x6b: {  	_ =	shalt  }
0x6c: {  	_ =	shalt  }
0x6d: {  	_ =	shalt  }
0x6e: {  	_ =	shalt  }
0x6f: {  	_ =	shalt  }
0x70: {  	_ =	shalt  }
0x71: {  	_ =	shalt  }
0x72: {  	_ =	shalt  }
0x73: {  	_ =	shalt  }
0x74: {  	_ =	shalt  }
0x75: {  	_ =	shalt  }
0x76: {  	_ =	shalt  }
0x77: {  	_ =	shalt  }
0x78: {  	_ =	shalt  }
0x79: {  	_ =	shalt  }
0x7a: {  	_ =	shalt  }
0x7b: {  	_ =	shalt  }
0x7c: {  	_ =	shalt  }
0x7d: {  	_ =	shalt  }
0x7e: {  	_ =	shalt  }
0x7f: {  	_ =	shalt  }
0x80: {  	_ =	shalt  }
0x81: {  	_ =	shalt  }
0x82: {  	_ =	shalt  }
0x83: {  	_ =	shalt  }
0x84: {  	_ =	shalt  }
0x85: {  	_ =	shalt  }
0x86: {  	_ =	shalt  }
0x87: {  	_ =	shalt  }
.Lfunc_end0:
.L_simem_size_0:
called_computation.3_lowered:
.L_overlay_start_0:
0x88: {  	s2 =	sld [smem:$0x3FD9]  }
0x89: {  	s3 =	sld [smem:$0x3FFE];
	_ =	sdelay $0x1  }
0x8a: {  	s1 =	srdreg.scid  }
0x8b: {  	s0 =	sand.u32 $0x1, s1  }
0x8c: {  	s14 =	sshll.u32 s0, $0xA;
	s2 =	sadd.s32 s3, s2  }
0x8d: {  	s2 =	sadd.s32 s2, s14  }
0x8e: {  	[smem:$0x3FBC] =	sst s2  }
0x8f: {  	_ = 	snop  }
0x90: {  	s2 =	sld [smem:$0x3FD0];
	_ =	sdelay $0x2  }
0x91: {  	s15 =	simm.s32 $0xB;
	s4 =	simm.s32 $0x10  }
0x92: {  	[smem:s4], [sflag:s15] =	dma.local [hbm:s2], $0x1  }
0x93: {  	_ =	swait.eq [sflag:s15], $0x1  }
0x94: {  	[sflag:s15] =	ssyncset.done $0x0  }
0x95: {  	[sflag:s15] =	ssyncadd.s32 $0xFFFFFFFF  }
0x96: {  	s16 =	sld [smem:$0x10];
	(tm) =	ssettm $0x1  }
0x97: {  	s17 =	sld [smem:$0x3FFB];
	_ =	sdelay $0x3  }
0x98: {  	_ =	strace s17  }
0x99: {  	s3 =	sld [smem:$0x3FFC];
	_ =	sdelay $0x3  }
0x9a: {  	_ =	strace s3  }
0x9b: {  	s3 =	sld [smem:$0x3FFD];
	_ =	sdelay $0x3  }
0x9c: {  	_ =	strace s3  }
0x9d: {  	_ =	strace $0x8FFFFFFF  }
0x9e: {  	s18 =	sld [smem:$0x3FDB];
	_ =	sdelay $0x1  }
0x9f: {  	s19 =	simm.s32 $_scs_section_size  }
0xa0: {  	s5 =	simm.s32 $_size__tile_overlayer_lowered;
	s6 =	simm.s32 $_tile_overlayer_lowered  }
0xa1: {  	s22 =	simm.s32 $0x1BFF;
	s21 =	sshll.u32 s6, $0x1;
	s3 =	sadd.s32 s19, s18  }
0xa2: {  	s7 =	simm.s32 $0x0;
	s20 =	sshll.u32 s5, $0x1;
	s5 =	sadd.s32 s21, s3  }
0xa3: {  	[timem:s7], [sflag:s22] =	dma.local [hbm:s5], s20  }
0xa4: {  	_ =	swait.ge [sflag:s22], s20  }
0xa5: {  	s4 =	ssub.s32 $0x0, s20;
	[sflag:s22] =	ssyncset.done $0x0  }
0xa6: {  	[sflag:s22] =	ssyncadd.s32 s4;
	_ =	sdelay $0x1  }
0xa7: {  	s23 =	simm.s32 $0x1B8B  }
0xa8: {  	_ =	swait.ge [sflag:s23], $0x1  }
0xa9: {  	[sflag:s23] =	ssyncset.done $0x0  }
0xaa: {  	s25 =	simm.s32 $0x1B8E;
	s24 =	sld [smem:$0x3FFE];
	[sflag:s23] =	ssyncadd.s32 $0xFFFFFFFF  }
0xab: {  	s26 =	simm.s32 $execute0_lowered;
	[smem:$0x3FD2] =	sst s25  }
0xac: {  	s5 =	sshll.u32 s26, $0x1;
	_ =	strace $0x8000004F;
	[dreg:$0x1] =	wrdreg $0xFFFFFFFF  }
0xad: {  	s28 =	simm.s32 $_size_execute0_lowered;
	s3 =	sadd.s32 s3, s5;
	[dreg:$0x0] =	wrdreg $0x0  }
0xae: {  	s5 =	sshll.u32 s28, $0x1;
	[dreg:$0x2] =	wrdreg s3  }
0xaf: {  	[dreg:$0x3] =	wrdreg s5  }
0xb0: {  	[dreg:$0x4] =	wrdreg $0xC0  }
0xb1: {  	_ =	task [dreg:s7], $0x5FFFF  }
0xb2: {  	[dreg:$0x1] =	wrdreg $0xFFFFFFFF  }
0xb3: {  	[dreg:$0x0] =	wrdreg $0x60  }
0xb4: {  	[dreg:$0x2] =	wrdreg s24  }
0xb5: {  	[dreg:$0x3] =	wrdreg s16  }
0xb6: {  	[dreg:$0x4] =	wrdreg $0x9  }
0xb7: {  	_ =	task.clear_ibuf [dreg:s7], $0x5FFFF;
	_ =	strace $0x9000004F  }
0xb8: {  	s29 =	simm.s32 $0x9;
	_ =	strace $0x80000051  }
0xb9: {  	_ =	swait.ge [sflag:s29], $0x1  }
0xba: {  	[sflag:s29] =	ssyncadd.s32 $0xFFFFFFFF  }
0xbb: {  	_ =	strace $0x90000051  }
0xbc: {  	_ =	sfence  }
0xbd: {  	s30 =	sld [smem:$0x0];
	_ =	sdelay $0x2  }
0xbe: {  	s31 =	sshll.u32 s1, $0xD;
	s1 =	sshrl.u32 s1, $0x2  }
0xbf: {  	s3 =	sand.u32 $0x4000, s31;
	s1 =	sadd.s32 s1, s30  }
0xc0: {  	s0 =	sor.u32 s3, s0;
	s1 =	sshll.u32 s1, $0x11  }
0xc1: {  	s0 =	sor.u32 s1, s0  }
0xc2: {  	s0 =	sadd.s32 $0x8F2B, s0  }
0xc3: {  	[sflag:s0] =	ssyncadd.remote.s32 $0x1  }
0xc4: {  	_ =	sfence.sel $0xFFFF  }
0xc5: {  	[dreg:$0x0] =	wrdreg $0xFFFFFFFF;
	(pc) =	sbr.abs _section_cstart, $3  }
0xc6: {  	[dreg:$0x1] =	wrdreg $0xFFFFFFFF  }
0xc7: {  	_ =	task.clear_ibuf [dreg:s7], $0x2FFFF;
	_ =	strace $0x9FFFFFFF  }
0xc8: {  	(tm) =	ssettm $0x7FFFFFFF  }
0xc9: {  	_ =	shalt  }
tec
execute0_lowered:
.L_overlay_start_1:
0x0: {  	(tag) =	ssettag $0x1  }
0x1: {  	s0 =	rddreg [dreg:$0x0]  }
0x2: {  	s1 =	rddreg [dreg:$0x1];
	s9 =	stileid.u32  }
0x3: {  	s3 =	srdreg.scid;
	s2 =	simm.s32 $0x0;
	s10 =	simm.s32 $0x1  }
0x4: {  	s15 =	simm.s32 $0x0;
	s4 =	smul.u32 $0x500, s9;
	s3 =	sand.u32 $0x1, s3  }
0x5: {  	[smem:$0x7FF] =	sst s2;
	s5 =	smul.u32 $0x580, s9;
	s6 =	sadd.s32 $0x8200, s0  }
0x6: {  	s9 =	smul.u32 $0x2C00, s9;
	s3 =	ssub.s32 $0x2, s3;
	_ =	strace $0x80000050  }
0x7: {  	[dreg:$0x3] =	wrdreg s6;
	s30 =	sshrl.u32 s3, $0x1;
	s4 =	sadd.s32 s4, s0  }
0x8: {  	s0 =	sadd.s32 s5, s0;
	s1 =	sadd.s32 s1, s5;
	s3 =	ssub.s32 s3, s30  }
0x9: {  	s31 =	sadd.s32 $0x2A00, s0;
	[dreg:$0x5] =	wrdreg s1;
	s6 =	sadd.s32 $0x8C00, s4  }
0xa: {  	v0 =	vimm.f32 $0.0e+00;
	v1 =	vlaneseq.u32;
	s7 =	sadd.s32 $0x1E400, s0;
	[dreg:$0x4] =	wrdreg s31;
	s8 =	smax.u32 s3, $0x1  }
.LBB2_1:
0xb: {  	s0 =	rddreg [dreg:$0x3]  }
0xc: {  	[tilespmem:s2], [sflag:$0x1] =	stream.linear.gather [hbm4b:s0+s2], $0x4F00, $0x38;
	[tilespmem:$0xFB00] =	vst v63  }
0xd: {  	_ =	swait.ge [sflag:s10], $0x4F00  }
0xe: {  	[sflag:s10] =	ssyncset.done $0x0  }
0xf: {  	s1 =	simm.s32 $0x4F00;
	s29 =	rddreg [dreg:$0x4];
	[sflag:s10] =	ssyncadd.s32 $0xFFFFB100  }
0x10: {  	[tilespmem:s1], [sflag:$0x1] =	stream.linear.gather [hbm4b:s29+s2], $0x2C00, $0x38;
	[tilespmem:$0xFB00] =	vst v63  }
0x11: {  	_ =	swait.ge [sflag:s10], $0x2C00  }
0x12: {  	[sflag:s10] =	ssyncset.done $0x0  }
0x13: {  	s31 =	simm.s32 $0x7B00;
	s30 =	rddreg [dreg:$0x5];
	[sflag:s10] =	ssyncadd.s32 $0xFFFFD400  }
0x14: {  	[tilespmem:s31], [sflag:$0x1] =	stream.linear.gather [hbm4b:s30+s2], $0x2C00, $0x38;
	[tilespmem:$0xFB00] =	vst v63  }
0x15: {  	_ =	swait.ge [sflag:s10], $0x2C00  }
0x16: {  	[sflag:s10] =	ssyncset.done $0x0  }
0x17: {  	s0 =	simm.s32 $0x0;
	s1 =	simm.s32 $0x200;
	[sflag:s10] =	ssyncadd.s32 $0xFFFFD400  }
.LBB2_2:
0x18: {  	p0 =	sne.s32 s1, $0x9E00;
	[tilespmem:s0+$0xD370] =	vst v0  }
0x19: {  	[tilespmem:s0+$0xD300] =	vst v0  }
0x1a: {  	[tilespmem:s0+$0xD310] =	vst v0  }
.Ltmp0:
0x1b: {  	[tilespmem:s0+$0xD320] =	vst v0;
	(pc) =	sbr.rel @p0 .LBB2_2-.Ltmp0, $4  }
0x1c: {  	[tilespmem:s0+$0xD330] =	vst v0  }
0x1d: {  	[tilespmem:s0+$0xD340] =	vst v0  }
0x1e: {  	[tilespmem:s0+$0xD350] =	vst v0  }
0x1f: {  	[tilespmem:s0+$0xD360] =	vst v0;
	s0 =	sshra.s32 s1, $0x2;
	s1 =	sadd.s32 $0x200, s1  }
0x20: {  	[tilespmem:s0+$0xD370] =	vst v0  }
0x21: {  	[tilespmem:s0+$0xD300] =	vst v0  }
0x22: {  	[tilespmem:s0+$0xD310] =	vst v0  }
0x23: {  	[tilespmem:s0+$0xD320] =	vst v0  }
0x24: {  	[tilespmem:s0+$0xD330] =	vst v0  }
0x25: {  	[tilespmem:s0+$0xD340] =	vst v0  }
0x26: {  	[tilespmem:s0+$0xD350] =	vst v0;
	s16 =	simm.s32 $0x0;
	s17 =	simm.s32 $0xA700  }
0x27: {  	[tilespmem:s0+$0xD360] =	vst v0;
	s18 =	simm.s32 $0x7B00;
	s19 =	simm.s32 $0x4F00;
	s20 =	smov.u32 s9  }
.LBB2_4:
0x28: {  	v2 =	vmov s18;
	_ =	sdelay $0x1  }
0x29: {  	v3 =	vmov s19;
	_ =	sdelay $0x1  }
0x2a: {  	s0 =	simm.s32 $0x0  }
0x2b: {  	v6 =	vld.idx.msk [tilespmem:v2+s0+$0x0 ss:$0x1], $0xffff;
	_ =	sdelay $0x1  }
0x2c: {  	v4 =	vld.idx.msk [tilespmem:v3+s0+$0x0 ss:$0x1], $0xffff;
	_ =	sdelay $0x2  }
0x2d: {  	v5 =	vshll.u32 v6, $0x1  }
0x2e: {  	v7 =	vand.u32 $0x7F, v6;
	v5 =	vand.u32 $0xFFFFFF00, v5  }
0x2f: {  	v8 =	vshll.u32 v4, $0x1;
	v5 =	vor.u32 v5, v7  }
0x30: {  	v4 =	vand.u32 $0x7F, v4;
	v7 =	vand.u32 $0xFFFFFF00, v8;
	v5 =	vor.u32 $0x80, v5  }
0x31: {  	v4 =	vor.u32 v4, v7;
	_ =	sdelay $0x3  }
0x32: {  	v5 =	vld.idx.msk [tilespmem:v5+s2+$0x0], $0xffff  }
0x33: {  	v4 =	vld.idx.msk [tilespmem:v4+s2+$0x0], $0xffff;
	_ =	sdelay $0x4  }
0x34: {  	v4 =	vadd.f32 v5, v4;
	_ =	sdelay $0x1  }
0x35: {  	(v2sf) =	vpush v6, $0x0;
	v5 =	vmul.f32 $2.000000030e-01, v4  }
0x36: {  	vm0 =	vlt.f32 v4, $0.0e+00  }
0x37: {  	v4 =	vsel vm0, v5, v4  }
0x38: {  	v4 =	vmul.f32 $1.442695020e+00, v4;
	_ =	sdelay $0x1  }
0x39: {  	(erf) = vpow2.f32 v4;
	_ =	sdelay $0x2  }
0x3a: {  	(v2sf) =	vpush v6, $0x1;
	_ =	sdelay $0x2  }
0x3b: {  	v4 =	vmov s17;
	_ =	sdelay $0x2  }
0x3c: {  	p0 =	slt.u32 s20, $0x29810;
	v5 =	vpop (erf)  }
0x3d: {  	s1 =	spop (v2sf);
	v5 =	vpsel !p0, $0x0, v5  }
0x3e: {  	(v2sf) =	vpush v6, $0x2;
	s3 =	sand.u32 $0xFFFFFFF0, s1;
	[tilespmem:v4+s0+$0x0 ss:$0x1] =	vst.idx.msk $0xffff, v5  }
0x3f: {  	v7 =	vld [tilespmem:s3+$0xD300]  }
0x40: {  	s12 =	sand.u32 $0xF, s1  }
0x41: {  	v37 =	vmov s12;
	v9 =	vbroadcast v5, $0x0  }
0x42: {  	vm12 =	veq.s32 v37, v1  }
0x43: {  	v8 =	vnsel vm12, $0x0, v9  }
0x44: {  	v7 =	vadd.f32 v8, v7  }
0x45: {  	s13 =	spop (v2sf)  }
0x46: {  	(v2sf) =	vpush v6, $0x3;
	s14 =	sand.u32 $0xFFFFFFF0, s13;
	[tilespmem:s3+$0xD300] =	vst v7  }
0x47: {  	v7 =	vld [tilespmem:s14+$0xD300]  }
0x48: {  	s0 =	sand.u32 $0xF, s13  }
0x49: {  	v39 =	vbroadcast v5, $0x1;
	v38 =	vmov s0  }
0x4a: {  	vm13 =	veq.s32 v38, v1  }
0x4b: {  	v8 =	vnsel vm13, $0x0, v39  }
0x4c: {  	v7 =	vadd.f32 v8, v7  }
0x4d: {  	s21 =	spop (v2sf)  }
0x4e: {  	(v2sf) =	vpush v6, $0x4;
	s22 =	sand.u32 $0xFFFFFFF0, s21;
	[tilespmem:s14+$0xD300] =	vst v7  }
0x4f: {  	v7 =	vld [tilespmem:s22+$0xD300]  }
0x50: {  	s0 =	sand.u32 $0xF, s21  }
0x51: {  	v41 =	vbroadcast v5, $0x2;
	v40 =	vmov s0  }
0x52: {  	vm14 =	veq.s32 v40, v1  }
0x53: {  	v8 =	vnsel vm14, $0x0, v41  }
0x54: {  	v7 =	vadd.f32 v8, v7  }
0x55: {  	s23 =	spop (v2sf)  }
0x56: {  	(v2sf) =	vpush v6, $0x5;
	s24 =	sand.u32 $0xFFFFFFF0, s23;
	[tilespmem:s22+$0xD300] =	vst v7  }
0x57: {  	v7 =	vld [tilespmem:s24+$0xD300]  }
0x58: {  	s0 =	sand.u32 $0xF, s23  }
0x59: {  	v43 =	vbroadcast v5, $0x3;
	v42 =	vmov s0  }
0x5a: {  	vm15 =	veq.s32 v42, v1  }
0x5b: {  	v8 =	vnsel vm15, $0x0, v43  }
0x5c: {  	v7 =	vadd.f32 v8, v7  }
0x5d: {  	s25 =	spop (v2sf)  }
0x5e: {  	(v2sf) =	vpush v6, $0x6;
	s26 =	sand.u32 $0xFFFFFFF0, s25;
	[tilespmem:s24+$0xD300] =	vst v7  }
0x5f: {  	v7 =	vld [tilespmem:s26+$0xD300]  }
0x60: {  	s0 =	sand.u32 $0xF, s25  }
0x61: {  	v45 =	vbroadcast v5, $0x4;
	v44 =	vmov s0  }
0x62: {  	vm4 =	veq.s32 v44, v1  }
0x63: {  	v8 =	vnsel vm4, $0x0, v45  }
0x64: {  	v7 =	vadd.f32 v7, v8  }
0x65: {  	s28 =	spop (v2sf)  }
0x66: {  	(v2sf) =	vpush v6, $0x7;
	s29 =	sand.u32 $0xFFFFFFF0, s28;
	[tilespmem:s26+$0xD300] =	vst v7  }
0x67: {  	v7 =	vld [tilespmem:s29+$0xD300]  }
0x68: {  	s0 =	sand.u32 $0xF, s28  }
0x69: {  	v47 =	vbroadcast v5, $0x5;
	v46 =	vmov s0  }
0x6a: {  	vm5 =	veq.s32 v46, v1  }
0x6b: {  	v8 =	vnsel vm5, $0x0, v47  }
0x6c: {  	v7 =	vadd.f32 v7, v8  }
0x6d: {  	s30 =	spop (v2sf)  }
0x6e: {  	(v2sf) =	vpush v6, $0x8;
	s31 =	sand.u32 $0xFFFFFFF0, s30;
	[tilespmem:s29+$0xD300] =	vst v7  }
0x6f: {  	v7 =	vld [tilespmem:s31+$0xD300]  }
0x70: {  	s0 =	sand.u32 $0xF, s30  }
0x71: {  	v49 =	vbroadcast v5, $0x6;
	v48 =	vmov s0  }
0x72: {  	vm6 =	veq.s32 v48, v1  }
0x73: {  	v8 =	vnsel vm6, $0x0, v49  }
0x74: {  	v7 =	vadd.f32 v7, v8  }
0x75: {  	s1 =	spop (v2sf)  }
0x76: {  	(v2sf) =	vpush v6, $0x9;
	s4 =	sand.u32 $0xFFFFFFF0, s1;
	[tilespmem:s31+$0xD300] =	vst v7  }
0x77: {  	v7 =	vld [tilespmem:s4+$0xD300]  }
0x78: {  	s0 =	sand.u32 $0xF, s1  }
0x79: {  	v51 =	vbroadcast v5, $0x7;
	v50 =	vmov s0  }
0x7a: {  	vm7 =	veq.s32 v50, v1  }
0x7b: {  	v8 =	vnsel vm7, $0x0, v51  }
0x7c: {  	v7 =	vadd.f32 v7, v8  }
0x7d: {  	s5 =	spop (v2sf)  }
0x7e: {  	(v2sf) =	vpush v6, $0xA;
	s11 =	sand.u32 $0xFFFFFFF0, s5;
	[tilespmem:s4+$0xD300] =	vst v7  }
0x7f: {  	v7 =	vld [tilespmem:s11+$0xD300]  }
0x80: {  	s0 =	sand.u32 $0xF, s5  }
0x81: {  	v53 =	vbroadcast v5, $0x8;
	v52 =	vmov s0  }
0x82: {  	vm8 =	veq.s32 v52, v1  }
0x83: {  	v8 =	vnsel vm8, $0x0, v53  }
0x84: {  	v7 =	vadd.f32 v7, v8  }
0x85: {  	s12 =	spop (v2sf)  }
0x86: {  	(v2sf) =	vpush v6, $0xB;
	s13 =	sand.u32 $0xFFFFFFF0, s12;
	[tilespmem:s11+$0xD300] =	vst v7  }
0x87: {  	v7 =	vld [tilespmem:s13+$0xD300]  }
0x88: {  	s0 =	sand.u32 $0xF, s12  }
0x89: {  	v55 =	vbroadcast v5, $0x9;
	v54 =	vmov s0  }
0x8a: {  	vm9 =	veq.s32 v54, v1  }
0x8b: {  	v8 =	vnsel vm9, $0x0, v55  }
0x8c: {  	v7 =	vadd.f32 v7, v8  }
0x8d: {  	s14 =	spop (v2sf)  }
0x8e: {  	(v2sf) =	vpush v6, $0xC;
	s21 =	sand.u32 $0xFFFFFFF0, s14;
	[tilespmem:s13+$0xD300] =	vst v7  }
0x8f: {  	v7 =	vld [tilespmem:s21+$0xD300]  }
0x90: {  	s0 =	sand.u32 $0xF, s14  }
0x91: {  	v57 =	vbroadcast v5, $0xA;
	v56 =	vmov s0  }
0x92: {  	vm10 =	veq.s32 v56, v1  }
0x93: {  	v8 =	vnsel vm10, $0x0, v57  }
0x94: {  	v7 =	vadd.f32 v7, v8  }
0x95: {  	s22 =	spop (v2sf)  }
0x96: {  	(v2sf) =	vpush v6, $0xD;
	s23 =	sand.u32 $0xFFFFFFF0, s22;
	[tilespmem:s21+$0xD300] =	vst v7  }
0x97: {  	v7 =	vld [tilespmem:s23+$0xD300]  }
0x98: {  	s0 =	sand.u32 $0xF, s22  }
0x99: {  	v59 =	vbroadcast v5, $0xB;
	v58 =	vmov s0  }
0x9a: {  	vm11 =	veq.s32 v58, v1  }
0x9b: {  	v8 =	vnsel vm11, $0x0, v59  }
0x9c: {  	v7 =	vadd.f32 v7, v8  }
0x9d: {  	s24 =	spop (v2sf)  }
0x9e: {  	(v2sf) =	vpush v6, $0xE;
	s25 =	sand.u32 $0xFFFFFFF0, s24;
	[tilespmem:s23+$0xD300] =	vst v7  }
0x9f: {  	v7 =	vld [tilespmem:s25+$0xD300]  }
0xa0: {  	s0 =	sand.u32 $0xF, s24  }
0xa1: {  	v61 =	vbroadcast v5, $0xC;
	v60 =	vmov s0  }
0xa2: {  	vm12 =	veq.s32 v60, v1  }
0xa3: {  	v8 =	vnsel vm12, $0x0, v61  }
0xa4: {  	v7 =	vadd.f32 v7, v8  }
0xa5: {  	s26 =	spop (v2sf)  }
0xa6: {  	(v2sf) =	vpush v6, $0xF;
	s28 =	sand.u32 $0xFFFFFFF0, s26;
	[tilespmem:s25+$0xD300] =	vst v7  }
0xa7: {  	v6 =	vld [tilespmem:s28+$0xD300]  }
0xa8: {  	s0 =	sand.u32 $0xF, s26  }
0xa9: {  	v62 =	vbroadcast v5, $0xD;
	v7 =	vmov s0  }
0xaa: {  	vm13 =	veq.s32 v7, v1  }
0xab: {  	v7 =	vnsel vm13, $0x0, v62  }
0xac: {  	v6 =	vadd.f32 v6, v7  }
0xad: {  	s29 =	spop (v2sf)  }
0xae: {  	s30 =	sand.u32 $0xFFFFFFF0, s29;
	[tilespmem:s28+$0xD300] =	vst v6  }
0xaf: {  	v6 =	vld [tilespmem:s30+$0xD300]  }
0xb0: {  	s0 =	sand.u32 $0xF, s29  }
0xb1: {  	v63 =	vbroadcast v5, $0xE;
	v7 =	vmov s0  }
0xb2: {  	vm14 =	veq.s32 v7, v1  }
0xb3: {  	v7 =	vnsel vm14, $0x0, v63  }
0xb4: {  	v6 =	vadd.f32 v6, v7  }
0xb5: {  	s31 =	spop (v2sf)  }
0xb6: {  	s0 =	sand.u32 $0xFFFFFFF0, s31;
	[tilespmem:s30+$0xD300] =	vst v6  }
0xb7: {  	v6 =	vld [tilespmem:s0+$0xD300]  }
0xb8: {  	s1 =	sand.u32 $0xF, s31  }
0xb9: {  	v5 =	vbroadcast v5, $0xF;
	v7 =	vmov s1  }
0xba: {  	vm15 =	veq.s32 v7, v1  }
0xbb: {  	v5 =	vnsel vm15, $0x0, v5  }
0xbc: {  	s22 =	smov.u32 s20;
	s21 =	simm.s32 $0x40;
	v5 =	vadd.f32 v6, v5  }
.LBB2_5:
0xbd: {  	p0 =	sne.s32 s21, $0x1C0  }
0xbe: {  	s22 =	sadd.s32 $0x10, s22;
	s1 =	smov.u32 s21;
	s21 =	sadd.s32 $0x40, s21  }
0xbf: {  	s23 =	sshra.s32 s1, $0x2;
	[tilespmem:s0+$0xD300] =	vst v5  }
0xc0: {  	v5 =	vld.idx.msk [tilespmem:v2+s23+$0x0 ss:$0x1], $0xffff  }
0xc1: {  	v6 =	vld.idx.msk [tilespmem:v3+s23+$0x0 ss:$0x1], $0xffff;
	_ =	sdelay $0x4  }
0xc2: {  	v7 =	vshll.u32 v5, $0x1;
	(v2sf) =	vpush v5, $0x0  }
0xc3: {  	v9 =	vand.u32 $0x7F, v5;
	v8 =	vshll.u32 v6, $0x1;
	v7 =	vand.u32 $0xFFFFFF00, v7  }
0xc4: {  	v6 =	vand.u32 $0x7F, v6;
	v8 =	vand.u32 $0xFFFFFF00, v8;
	v7 =	vor.u32 v7, v9  }
0xc5: {  	v6 =	vor.u32 v6, v8;
	v7 =	vor.u32 $0x80, v7;
	(v2sf) =	vpush v5, $0x1  }
0xc6: {  	(v2sf) =	vpush v5, $0x2  }
0xc7: {  	(v2sf) =	vpush v5, $0x3  }
0xc8: {  	(v2sf) =	vpush v5, $0x4  }
0xc9: {  	(v2sf) =	vpush v5, $0x5  }
0xca: {  	v7 =	vld.idx.msk [tilespmem:v7+s2+$0x0], $0xffff;
	(v2sf) =	vpush v5, $0x6  }
0xcb: {  	v6 =	vld.idx.msk [tilespmem:v6+s2+$0x0], $0xffff;
	(v2sf) =	vpush v5, $0x7  }
0xcc: {  	(v2sf) =	vpush v5, $0x8  }
0xcd: {  	(v2sf) =	vpush v5, $0x9  }
0xce: {  	(v2sf) =	vpush v5, $0xA  }
0xcf: {  	(v2sf) =	vpush v5, $0xB  }
0xd0: {  	(v2sf) =	vpush v5, $0xC  }
0xd1: {  	v6 =	vadd.f32 v7, v6;
	s4 =	spop (v2sf);
	(v2sf) =	vpush v5, $0xD  }
0xd2: {  	s0 =	sand.u32 $0xF, s4;
	(v2sf) =	vpush v5, $0xE  }
0xd3: {  	vm0 =	vlt.f32 v6, $0.0e+00;
	v7 =	vmul.f32 $2.000000030e-01, v6;
	v8 =	vmov s0  }
0xd4: {  	s3 =	spop (v2sf);
	(v2sf) =	vpush v5, $0xF  }
0xd5: {  	v5 =	vsel vm0, v7, v6;
	s0 =	sand.u32 $0xF, s3;
	s14 =	spop (v2sf)  }
0xd6: {  	v5 =	vmul.f32 $1.442695020e+00, v5;
	v23 =	vmov s0;
	s0 =	sand.u32 $0xF, s14;
	s13 =	spop (v2sf)  }
0xd7: {  	v24 =	vmov s0;
	s0 =	sand.u32 $0xF, s13;
	s12 =	spop (v2sf)  }
0xd8: {  	v25 =	vmov s0;
	s0 =	sand.u32 $0xF, s12;
	(erf) = vpow2.f32 v5;
	s11 =	spop (v2sf)  }
0xd9: {  	v26 =	vmov s0;
	s0 =	sand.u32 $0xF, s11;
	s1 =	spop (v2sf)  }
0xda: {  	v21 =	vmov s0;
	s24 =	sand.u32 $0xF, s1;
	s0 =	spop (v2sf)  }
0xdb: {  	v19 =	vmov s24;
	s24 =	sand.u32 $0xF, s0;
	s31 =	spop (v2sf)  }
0xdc: {  	v18 =	vmov s24;
	s24 =	sand.u32 $0xF, s31;
	s30 =	spop (v2sf)  }
0xdd: {  	v16 =	vmov s24;
	s24 =	sand.u32 $0xF, s30;
	s29 =	spop (v2sf)  }
0xde: {  	v14 =	vmov s24;
	s24 =	sand.u32 $0xF, s29;
	s28 =	spop (v2sf)  }
0xdf: {  	v12 =	vmov s24;
	s24 =	sand.u32 $0xF, s28;
	s26 =	spop (v2sf)  }
0xe0: {  	p1 =	slt.u32 s22, $0x29810;
	v10 =	vmov s24;
	s24 =	sand.u32 $0xF, s26;
	s25 =	spop (v2sf)  }
0xe1: {  	v9 =	vmov s24;
	s5 =	sand.u32 $0xF, s25;
	v5 =	vpop (erf);
	s24 =	spop (v2sf)  }
0xe2: {  	s4 =	sand.u32 $0xFFFFFFF0, s4;
	v27 =	vpsel !p1, $0x0, v5;
	v7 =	vmov s5;
	s5 =	sand.u32 $0xF, s24  }
0xe3: {  	[tilespmem:v4+s23+$0x0 ss:$0x1] =	vst.idx.msk $0xffff, v27;
	v11 =	vbroadcast v27, $0x0;
	v28 =	vbroadcast v27, $0x1;
	v6 =	vmov s5;
	s23 =	spop (v2sf)  }
0xe4: {  	v29 =	vbroadcast v27, $0x2;
	v30 =	vbroadcast v27, $0x3;
	v13 =	vld [tilespmem:s4+$0xD300];
	s5 =	sand.u32 $0xF, s23  }
0xe5: {  	v31 =	vbroadcast v27, $0x4;
	v32 =	vbroadcast v27, $0x5;
	v5 =	vmov s5  }
0xe6: {  	vm0 =	veq.s32 v8, v1;
	v33 =	vbroadcast v27, $0x6;
	v34 =	vbroadcast v27, $0x7  }
0xe7: {  	v35 =	vbroadcast v27, $0x8;
	v22 =	vbroadcast v27, $0x9;
	v8 =	vnsel vm0, $0x0, v11  }
0xe8: {  	v20 =	vbroadcast v27, $0xA;
	v17 =	vbroadcast v27, $0xB  }
0xe9: {  	v15 =	vbroadcast v27, $0xC;
	v36 =	vadd.f32 v8, v13;
	v13 =	vbroadcast v27, $0xD  }
0xea: {  	s3 =	sand.u32 $0xFFFFFFF0, s3;
	v11 =	vbroadcast v27, $0xE;
	v8 =	vbroadcast v27, $0xF  }
0xeb: {  	[tilespmem:s4+$0xD300] =	vst v36  }
0xec: {  	v27 =	vld [tilespmem:s3+$0xD300];
	_ =	sdelay $0x1  }
0xed: {  	vm0 =	veq.s32 v23, v1  }
0xee: {  	v23 =	vnsel vm0, $0x0, v28;
	_ =	sdelay $0x1  }
0xef: {  	v23 =	vadd.f32 v23, v27  }
0xf0: {  	s4 =	sand.u32 $0xFFFFFFF0, s14  }
0xf1: {  	[tilespmem:s3+$0xD300] =	vst v23  }
0xf2: {  	v23 =	vld [tilespmem:s4+$0xD300];
	_ =	sdelay $0x1  }
0xf3: {  	vm0 =	veq.s32 v24, v1  }
0xf4: {  	v24 =	vnsel vm0, $0x0, v29;
	_ =	sdelay $0x1  }
0xf5: {  	v23 =	vadd.f32 v24, v23  }
0xf6: {  	s3 =	sand.u32 $0xFFFFFFF0, s13  }
0xf7: {  	[tilespmem:s4+$0xD300] =	vst v23  }
0xf8: {  	v23 =	vld [tilespmem:s3+$0xD300];
	_ =	sdelay $0x1  }
0xf9: {  	vm0 =	veq.s32 v25, v1  }
0xfa: {  	v24 =	vnsel vm0, $0x0, v30;
	_ =	sdelay $0x1  }
0xfb: {  	v23 =	vadd.f32 v24, v23  }
0xfc: {  	s4 =	sand.u32 $0xFFFFFFF0, s12  }
0xfd: {  	[tilespmem:s3+$0xD300] =	vst v23  }
0xfe: {  	v23 =	vld [tilespmem:s4+$0xD300];
	_ =	sdelay $0x1  }
0xff: {  	vm0 =	veq.s32 v26, v1  }
0x100: {  	v24 =	vnsel vm0, $0x0, v31;
	_ =	sdelay $0x1  }
0x101: {  	v23 =	vadd.f32 v23, v24  }
0x102: {  	s3 =	sand.u32 $0xFFFFFFF0, s11  }
0x103: {  	[tilespmem:s4+$0xD300] =	vst v23  }
0x104: {  	v23 =	vld [tilespmem:s3+$0xD300];
	_ =	sdelay $0x1  }
0x105: {  	vm0 =	veq.s32 v21, v1  }
0x106: {  	v21 =	vnsel vm0, $0x0, v32;
	_ =	sdelay $0x1  }
0x107: {  	v21 =	vadd.f32 v23, v21  }
0x108: {  	s1 =	sand.u32 $0xFFFFFFF0, s1  }
0x109: {  	[tilespmem:s3+$0xD300] =	vst v21  }
0x10a: {  	v21 =	vld [tilespmem:s1+$0xD300];
	_ =	sdelay $0x1  }
0x10b: {  	vm0 =	veq.s32 v19, v1  }
0x10c: {  	v19 =	vnsel vm0, $0x0, v33;
	_ =	sdelay $0x1  }
0x10d: {  	v19 =	vadd.f32 v21, v19  }
0x10e: {  	s0 =	sand.u32 $0xFFFFFFF0, s0  }
0x10f: {  	[tilespmem:s1+$0xD300] =	vst v19  }
0x110: {  	v19 =	vld [tilespmem:s0+$0xD300];
	_ =	sdelay $0x1  }
0x111: {  	vm0 =	veq.s32 v18, v1  }
0x112: {  	v18 =	vnsel vm0, $0x0, v34;
	_ =	sdelay $0x1  }
0x113: {  	v18 =	vadd.f32 v19, v18  }
0x114: {  	s1 =	sand.u32 $0xFFFFFFF0, s31  }
0x115: {  	[tilespmem:s0+$0xD300] =	vst v18  }
0x116: {  	v18 =	vld [tilespmem:s1+$0xD300];
	_ =	sdelay $0x1  }
0x117: {  	vm0 =	veq.s32 v16, v1  }
0x118: {  	v16 =	vnsel vm0, $0x0, v35;
	_ =	sdelay $0x1  }
0x119: {  	v16 =	vadd.f32 v18, v16  }
0x11a: {  	s0 =	sand.u32 $0xFFFFFFF0, s30  }
0x11b: {  	[tilespmem:s1+$0xD300] =	vst v16  }
0x11c: {  	v16 =	vld [tilespmem:s0+$0xD300];
	_ =	sdelay $0x1  }
0x11d: {  	vm0 =	veq.s32 v14, v1  }
0x11e: {  	v14 =	vnsel vm0, $0x0, v22;
	_ =	sdelay $0x1  }
0x11f: {  	v14 =	vadd.f32 v16, v14  }
0x120: {  	s1 =	sand.u32 $0xFFFFFFF0, s29  }
0x121: {  	[tilespmem:s0+$0xD300] =	vst v14  }
0x122: {  	v14 =	vld [tilespmem:s1+$0xD300];
	_ =	sdelay $0x1  }
0x123: {  	vm0 =	veq.s32 v12, v1  }
0x124: {  	v12 =	vnsel vm0, $0x0, v20;
	_ =	sdelay $0x1  }
0x125: {  	v12 =	vadd.f32 v14, v12  }
0x126: {  	s0 =	sand.u32 $0xFFFFFFF0, s28  }
0x127: {  	[tilespmem:s1+$0xD300] =	vst v12  }
0x128: {  	v12 =	vld [tilespmem:s0+$0xD300];
	_ =	sdelay $0x1  }
0x129: {  	vm0 =	veq.s32 v10, v1  }
0x12a: {  	v10 =	vnsel vm0, $0x0, v17;
	_ =	sdelay $0x1  }
0x12b: {  	v10 =	vadd.f32 v12, v10  }
0x12c: {  	s1 =	sand.u32 $0xFFFFFFF0, s26  }
0x12d: {  	[tilespmem:s0+$0xD300] =	vst v10  }
0x12e: {  	v10 =	vld [tilespmem:s1+$0xD300];
	_ =	sdelay $0x1  }
0x12f: {  	vm0 =	veq.s32 v9, v1  }
0x130: {  	v9 =	vnsel vm0, $0x0, v15;
	_ =	sdelay $0x1  }
0x131: {  	v9 =	vadd.f32 v10, v9  }
0x132: {  	s0 =	sand.u32 $0xFFFFFFF0, s25  }
0x133: {  	[tilespmem:s1+$0xD300] =	vst v9  }
0x134: {  	v9 =	vld [tilespmem:s0+$0xD300];
	_ =	sdelay $0x1  }
0x135: {  	vm0 =	veq.s32 v7, v1  }
0x136: {  	v7 =	vnsel vm0, $0x0, v13;
	_ =	sdelay $0x1  }
0x137: {  	v7 =	vadd.f32 v9, v7  }
0x138: {  	s1 =	sand.u32 $0xFFFFFFF0, s24  }
0x139: {  	[tilespmem:s0+$0xD300] =	vst v7  }
0x13a: {  	v7 =	vld [tilespmem:s1+$0xD300];
	_ =	sdelay $0x1  }
0x13b: {  	vm0 =	veq.s32 v6, v1  }
0x13c: {  	v6 =	vnsel vm0, $0x0, v11;
	_ =	sdelay $0x1  }
0x13d: {  	v6 =	vadd.f32 v7, v6  }
0x13e: {  	s0 =	sand.u32 $0xFFFFFFF0, s23  }
0x13f: {  	[tilespmem:s1+$0xD300] =	vst v6  }
0x140: {  	v6 =	vld [tilespmem:s0+$0xD300]  }
.Ltmp1:
0x141: {  	(pc) =	sbr.rel @p0 .LBB2_5-.Ltmp1, $3  }
0x142: {  	vm0 =	veq.s32 v5, v1  }
0x143: {  	v5 =	vnsel vm0, $0x0, v8;
	_ =	sdelay $0x1  }
0x144: {  	v5 =	vadd.f32 v6, v5  }
0x145: {  	s16 =	sadd.s32 $0x1, s16  }
0x146: {  	p0 =	sne.s32 s16, $0x58  }
.Ltmp2:
0x147: {  	_ = 	snop;
	(pc) =	sbr.rel @p0 .LBB2_4-.Ltmp2, $3  }
0x148: {  	_ =	sdelay $0x1  }
0x149: {  	s20 =	sadd.s32 $0x80, s20  }
0x14a: {  	s17 =	sadd.s32 $0x80, s17;
	s18 =	sadd.s32 $0x80, s18;
	s19 =	sadd.s32 $0x80, s19;
	[tilespmem:s0+$0xD300] =	vst v5  }
0x14b: {  	s0 =	simm.s32 $0xD300  }
0x14c: {  	[hbm4b:s6+s2] =	stream.linear.scatter [tilespmem:s0], [sflag:$0x1], $0x2800, $0x38;
	[tilespmem:$0xFB00] =	vst v63  }
0x14d: {  	s15 =	sadd.s32 $0x1, s15;
	_ =	swait.ge [sflag:s10], $0x2800  }
0x14e: {  	p0 =	sne.s32 s15, s8;
	[sflag:s10] =	ssyncset.done $0x0  }
.Ltmp3:
0x14f: {  	s31 =	simm.s32 $0xA700;
	[sflag:s10] =	ssyncadd.s32 $0xFFFFD800;
	(pc) =	sbr.rel @p0 .LBB2_1-.Ltmp3, $4  }
0x150: {  	[hbm4b:s7+s2] =	stream.linear.scatter [tilespmem:s31], [sflag:$0x1], $0x2C00, $0x38;
	[tilespmem:$0xFB00] =	vst v63  }
0x151: {  	_ =	swait.ge [sflag:s10], $0x2C00  }
0x152: {  	[sflag:s10] =	ssyncset.done $0x0  }
0x153: {  	[sflag:s10] =	ssyncadd.s32 $0xFFFFD400  }
0x154: {  	_ =	sfence.sel $0x180000  }
0x155: {  	[bflag:$0x0] =	sbarrier.arrive $0xFFFF  }
0x156: {  	_ =	strace $0x90000050  }
0x157: {  	s0 =	stileid.u32;
	[bflag:$0x2] =	sbarrier.arrive $0xFFFF  }
0x158: {  	p0 =	sne.s32 s0, $0x0;
	s0 =	rddreg [dreg:$0x2]  }
0x159: {  	s0 =	sadd.s32 @!p0 $0x100000, s0  }
0x15a: {  	[sflag:s0] =	ssyncadd.tile.s32 @!p0 $0x1;
	_ =	shalt  }
.Lfunc_end2:
_tile_overlayer_lowered:
.L_overlay_start_2:
0x15b: {  	(tag) =	ssettag $0x2  }
0x15c: {  	s0 =	rddreg [dreg:$0x0];
	s2 =	stileid.u32  }
0x15d: {  	s1 =	rddreg [dreg:$0x1];
	p0 =	sne.s32 s2, $0x0  }
0x15e: {  	s3 =	rddreg [dreg:$0x2];
	[bflag:$0x3] =	sbarrier.arrive $0xFFFF;
	s2 =	simm.s32 @!p0 $0x1C01  }
0x15f: {  	[timem:s3], [sflag:s2] =	dma.local @!p0 [hbm:s0], s1  }
0x160: {  	s0 =	simm.s32 @!p0 $0x1  }
0x161: {  	_ =	swait.ge @!p0 [sflag:s0], s1  }
0x162: {  	s1 =	ssub.s32 @!p0 $0x0, s1;
	[sflag:s0] =	ssyncset.done @!p0 $0x0  }
0x163: {  	[sflag:s0] =	ssyncadd.s32 @!p0 s1  }
0x164: {  	[bflag:$0x3] =	sbarrier.arrive $0xFFFF  }
0x165: {  	_ =	shalt  }

// kernel: kernel.7.cloned.1.call-start
scs
__scs_entry_jumppad:
0x0: {  	(pc) =	sbr.rel $0x88, $3  }
0x1: {  	(tag) =	ssettag $0x0;
	lr =	simm.s32 $0x1  }
0x2: {  	[smem:$0x3F95] =	sst lr;
	_ =	strace $0xD0000000  }
0x3: {  	_ = 	snop  }
0x4: {  	_ = 	snop  }
0x5: {  	_ = 	snop  }
0x6: {  	_ = 	snop  }
0x7: {  	_ = 	snop  }
__scs_overlays_trampoline_lowered:
0x8: {  	[smem:$0x3FA4] =	sst s0  }
0x9: {  	[smem:$0x3FA5] =	sst s1  }
0xa: {  	[smem:$0x3FA6] =	sst s2  }
0xb: {  	[smem:$0x3FA7] =	sst s3  }
0xc: {  	[smem:$0x3FA8] =	sst s4  }
0xd: {  	[smem:$0x3FA9] =	sst s5  }
0xe: {  	[smem:$0x3FAA] =	sst s6  }
0xf: {  	[smem:$0x3FAB] =	sst s7  }
0x10: {  	[smem:$0x3FAC] =	sst s8  }
0x11: {  	[smem:$0x3FAD] =	sst s9;
	s0 =	simm.s32 @!p0 $0x0  }
0x12: {  	s1 =	sld [smem:$0x3F93];
	s0 =	simm.s32 @p0 $0x1  }
0x13: {  	[smem:$0x3FAE] =	sst s0;
	s0 =	simm.s32 @!p1 $0x0  }
0x14: {  	s2 =	sld [smem:$0x3F92];
	s0 =	simm.s32 @p1 $0x1  }
0x15: {  	[smem:$0x3FAF] =	sst s0;
	s0 =	simm.s32 @!p2 $0x0  }
0x16: {  	s3 =	sld [smem:$0x3FDB];
	s0 =	simm.s32 @p2 $0x1  }
0x17: {  	s4 =	simm.s32 $0x1BF5;
	[smem:$0x3FB1] =	sst s0  }
0x18: {  	s0 =	sld [smem:$0x3F94];
	_ =	swait.ge [sflag:s4], $0x0  }
0x19: {  	s7 =	sld [smem:$0x3F95]  }
0x1a: {  	s8 =	sadd.s32 $0xFFFFE003, lr  }
0x1b: {  	s9 =	sadd.s32 $0xFFFFFEF7, lr;
	s5 =	simm.s32 $0xFFFFFFFF;
	p2 =	slt.u32 s8, $0xFFFFF086  }
0x1c: {  	p1 =	slt.u32 s9, $0xF7A;
	s5 =	simm.s32 @!p2 $0x0  }
0x1d: {  	s5 =	simm.s32 @p1 $0x1;
	p0 =	seq.s32 s7, s2  }
0x1e: {  	s7 =	smul.u32 @!p0 $0xF7A, s2;
	p2 =	seq.s32 @!p0 s5, $0x0  }
0x1f: {  	s9 =	smul.u32 $0xF7A, s1;
	s8 =	simm.s32 @!p0 $0x1BF5;
	p2 =	por !p2, p0  }
0x20: {  	[sflag:s8] =	ssyncset.s32 @!p0 $0xFFFFF086;
	s6 =	sadd.s32 @!p0 s3, s7;
	s7 =	simm.s32 @!p0 $0x108  }
0x21: {  	s3 =	sadd.s32 s3, s9;
	s6 =	sadd.s32 @!p0 $0x88, s6;
	s7 =	simm.s32 @p2 $0x1082  }
0x22: {  	[simem:s7], [sflag:s8] =	dma.local @!p0 [hbm:s6], $0xF7A  }
0x23: {  	s9 =	sor.u32 $0xD0000000, s2;
	s6 =	simm.s32 $0x108;
	_ =	swait.ge @!p0 [sflag:s8], $0x0  }
0x24: {  	s3 =	sadd.s32 $0x88, s3;
	s6 =	simm.s32 @!p1 $0x1082;
	[sflag:s4] =	ssyncset.s32 $0xFFFFF086  }
0x25: {  	[simem:s6], [sflag:s4] =	dma.local [hbm:s3], $0xF7A  }
0x26: {  	[smem:$0x3F95] =	sst s1;
	(tag) =	ssettag s2;
	_ =	strace s9  }
0x27: {  	s1 =	sld [smem:$0x3FA5]  }
0x28: {  	s2 =	sld [smem:$0x3FA6]  }
0x29: {  	s4 =	sld [smem:$0x3FA8]  }
0x2a: {  	p0 =	seq.s32 s5, $0x0;
	s5 =	sld [smem:$0x3FA9]  }
0x2b: {  	s6 =	sld [smem:$0x3FAA]  }
0x2c: {  	s7 =	sld [smem:$0x3FAB]  }
0x2d: {  	s3 =	simm.s32 $0x108;
	s8 =	sld [smem:$0x3FAC]  }
0x2e: {  	s3 =	simm.s32 @!p0 $0x1082;
	s9 =	sld [smem:$0x3FAD]  }
0x2f: {  	lr =	sadd.s32 s0, s3;
	s0 =	sld [smem:$0x3FA4]  }
0x30: {  	s3 =	sld [smem:$0x3FA7]  }
0x31: {  	[smem:$0x3FB0] =	sst s10  }
0x32: {  	s10 =	sld [smem:$0x3FAE];
	_ =	sdelay $0x3  }
0x33: {  	p0 =	seq.s32 s10, $0x1;
	s10 =	sld [smem:$0x3FB0];
	_ =	sdelay $0x3  }
0x34: {  	[smem:$0x3FB0] =	sst s10  }
0x35: {  	s10 =	sld [smem:$0x3FAF];
	_ =	sdelay $0x3  }
0x36: {  	p1 =	seq.s32 s10, $0x1;
	s10 =	sld [smem:$0x3FB0];
	_ =	sdelay $0x3  }
0x37: {  	[smem:$0x3FB0] =	sst s10  }
0x38: {  	s10 =	sld [smem:$0x3FB1]  }
0x39: {  	_ = 	snop;
	(pc) =	sbr.ind lr, $3  }
0x3a: {  	_ = 	snop  }
0x3b: {  	_ = 	snop  }
0x3c: {  	p2 =	seq.s32 s10, $0x1;
	s10 =	sld [smem:$0x3FB0]  }
0x3d: {  	_ =	shalt  }
0x3e: {  	_ =	shalt  }
0x3f: {  	_ =	shalt  }
0x40: {  	_ =	shalt  }
0x41: {  	_ =	shalt  }
0x42: {  	_ =	shalt  }
0x43: {  	_ =	shalt  }
0x44: {  	_ =	shalt  }
0x45: {  	_ =	shalt  }
0x46: {  	_ =	shalt  }
0x47: {  	_ =	shalt  }
0x48: {  	_ =	shalt  }
0x49: {  	_ =	shalt  }
0x4a: {  	_ =	shalt  }
0x4b: {  	_ =	shalt  }
0x4c: {  	_ =	shalt  }
0x4d: {  	_ =	shalt  }
0x4e: {  	_ =	shalt  }
0x4f: {  	_ =	shalt  }
0x50: {  	_ =	shalt  }
0x51: {  	_ =	shalt  }
0x52: {  	_ =	shalt  }
0x53: {  	_ =	shalt  }
0x54: {  	_ =	shalt  }
0x55: {  	_ =	shalt  }
0x56: {  	_ =	shalt  }
0x57: {  	_ =	shalt  }
0x58: {  	_ =	shalt  }
0x59: {  	_ =	shalt  }
0x5a: {  	_ =	shalt  }
0x5b: {  	_ =	shalt  }
0x5c: {  	_ =	shalt  }
0x5d: {  	_ =	shalt  }
0x5e: {  	_ =	shalt  }
0x5f: {  	_ =	shalt  }
0x60: {  	_ =	shalt  }
0x61: {  	_ =	shalt  }
0x62: {  	_ =	shalt  }
0x63: {  	_ =	shalt  }
0x64: {  	_ =	shalt  }
0x65: {  	_ =	shalt  }
0x66: {  	_ =	shalt  }
0x67: {  	_ =	shalt  }
0x68: {  	_ =	shalt  }
0x69: {  	_ =	shalt  }
0x6a: {  	_ =	shalt  }
0x6b: {  	_ =	shalt  }
0x6c: {  	_ =	shalt  }
0x6d: {  	_ =	shalt  }
0x6e: {  	_ =	shalt  }
0x6f: {  	_ =	shalt  }
0x70: {  	_ =	shalt  }
0x71: {  	_ =	shalt  }
0x72: {  	_ =	shalt  }
0x73: {  	_ =	shalt  }
0x74: {  	_ =	shalt  }
0x75: {  	_ =	shalt  }
0x76: {  	_ =	shalt  }
0x77: {  	_ =	shalt  }
0x78: {  	_ =	shalt  }
0x79: {  	_ =	shalt  }
0x7a: {  	_ =	shalt  }
0x7b: {  	_ =	shalt  }
0x7c: {  	_ =	shalt  }
0x7d: {  	_ =	shalt  }
0x7e: {  	_ =	shalt  }
0x7f: {  	_ =	shalt  }
0x80: {  	_ =	shalt  }
0x81: {  	_ =	shalt  }
0x82: {  	_ =	shalt  }
0x83: {  	_ =	shalt  }
0x84: {  	_ =	shalt  }
0x85: {  	_ =	shalt  }
0x86: {  	_ =	shalt  }
0x87: {  	_ =	shalt  }
.Lfunc_end0:
.L_simem_size_0:
called_computation.2_lowered:
.L_overlay_start_0:
0x88: {  	s2 =	sld [smem:$0x3FD9]  }
0x89: {  	s3 =	sld [smem:$0x3FFE];
	_ =	sdelay $0x1  }
0x8a: {  	s1 =	srdreg.scid  }
0x8b: {  	s0 =	sand.u32 $0x1, s1  }
0x8c: {  	s14 =	sshll.u32 s0, $0xA;
	s2 =	sadd.s32 s3, s2  }
0x8d: {  	s2 =	sadd.s32 s2, s14  }
0x8e: {  	[smem:$0x3FBC] =	sst s2  }
0x8f: {  	_ = 	snop  }
0x90: {  	s2 =	sld [smem:$0x3FD0];
	_ =	sdelay $0x2  }
0x91: {  	s15 =	simm.s32 $0xB;
	s4 =	simm.s32 $0x10  }
0x92: {  	[smem:s4], [sflag:s15] =	dma.local [hbm:s2], $0x1  }
0x93: {  	_ =	swait.eq [sflag:s15], $0x1  }
0x94: {  	[sflag:s15] =	ssyncset.done $0x0  }
0x95: {  	s16 =	sld [smem:$0x10];
	[sflag:s15] =	ssyncadd.s32 $0xFFFFFFFF  }
0x96: {  	s17 =	sld [smem:$0x11];
	(tm) =	ssettm $0x1  }
0x97: {  	s18 =	sld [smem:$0x3FFB];
	_ =	sdelay $0x3  }
0x98: {  	_ =	strace s18  }
0x99: {  	s4 =	sld [smem:$0x3FFC];
	_ =	sdelay $0x3  }
0x9a: {  	_ =	strace s4  }
0x9b: {  	s4 =	sld [smem:$0x3FFD];
	_ =	sdelay $0x3  }
0x9c: {  	_ =	strace s4  }
0x9d: {  	_ =	strace $0x8FFFFFFF  }
0x9e: {  	s19 =	sld [smem:$0x3FDB];
	_ =	sdelay $0x1  }
0x9f: {  	s5 =	simm.s32 $_scs_section_size  }
0xa0: {  	s6 =	simm.s32 $_size__tile_overlayer_lowered;
	s7 =	simm.s32 $_tile_overlayer_lowered  }
0xa1: {  	s22 =	simm.s32 $0x1BFF;
	s21 =	sshll.u32 s7, $0x1;
	s4 =	sadd.s32 s5, s19  }
0xa2: {  	s8 =	simm.s32 $0x0;
	s20 =	sshll.u32 s6, $0x1;
	s6 =	sadd.s32 s21, s4  }
0xa3: {  	[timem:s8], [sflag:s22] =	dma.local [hbm:s6], s20  }
0xa4: {  	_ =	swait.ge [sflag:s22], s20  }
0xa5: {  	s5 =	ssub.s32 $0x0, s20;
	[sflag:s22] =	ssyncset.done $0x0  }
0xa6: {  	[sflag:s22] =	ssyncadd.s32 s5;
	_ =	sdelay $0x1  }
0xa7: {  	s23 =	simm.s32 $0x1B8B  }
0xa8: {  	_ =	swait.ge [sflag:s23], $0x1  }
0xa9: {  	[sflag:s23] =	ssyncset.done $0x0  }
0xaa: {  	s25 =	simm.s32 $0x1B8E;
	s24 =	sld [smem:$0x3FFE];
	[sflag:s23] =	ssyncadd.s32 $0xFFFFFFFF  }
0xab: {  	s26 =	simm.s32 $execute0_lowered;
	[smem:$0x3FD2] =	sst s25  }
0xac: {  	s6 =	sshll.u32 s26, $0x1;
	_ =	strace $0x80000046;
	[dreg:$0x1] =	wrdreg $0xFFFFFFFF  }
0xad: {  	s28 =	simm.s32 $_size_execute0_lowered;
	s4 =	sadd.s32 s4, s6;
	[dreg:$0x0] =	wrdreg $0x0  }
0xae: {  	s6 =	sshll.u32 s28, $0x1;
	[dreg:$0x2] =	wrdreg s4  }
0xaf: {  	[dreg:$0x3] =	wrdreg s6  }
0xb0: {  	[dreg:$0x4] =	wrdreg $0xC0  }
0xb1: {  	_ =	task [dreg:s8], $0x5FFFF  }
0xb2: {  	[dreg:$0x1] =	wrdreg $0xFFFFFFFF  }
0xb3: {  	[dreg:$0x0] =	wrdreg $0x60  }
0xb4: {  	[dreg:$0x2] =	wrdreg s24  }
0xb5: {  	[dreg:$0x3] =	wrdreg s16  }
0xb6: {  	[dreg:$0x4] =	wrdreg s17  }
0xb7: {  	[dreg:$0x5] =	wrdreg $0x9  }
0xb8: {  	_ =	task.clear_ibuf [dreg:s8], $0x6FFFF;
	_ =	strace $0x90000046  }
0xb9: {  	s29 =	simm.s32 $0x9;
	_ =	strace $0x80000048  }
0xba: {  	_ =	swait.ge [sflag:s29], $0x1  }
0xbb: {  	[sflag:s29] =	ssyncadd.s32 $0xFFFFFFFF  }
0xbc: {  	_ =	strace $0x90000048  }
0xbd: {  	_ =	sfence  }
0xbe: {  	s30 =	sld [smem:$0x0];
	_ =	sdelay $0x2  }
0xbf: {  	s31 =	sshll.u32 s1, $0xD;
	s1 =	sshrl.u32 s1, $0x2  }
0xc0: {  	s3 =	sand.u32 $0x4000, s31;
	s1 =	sadd.s32 s1, s30  }
0xc1: {  	s0 =	sor.u32 s3, s0;
	s1 =	sshll.u32 s1, $0x11  }
0xc2: {  	s0 =	sor.u32 s1, s0  }
0xc3: {  	s0 =	sadd.s32 $0x8F2B, s0  }
0xc4: {  	[sflag:s0] =	ssyncadd.remote.s32 $0x1  }
0xc5: {  	_ =	sfence.sel $0xFFFF  }
0xc6: {  	[dreg:$0x0] =	wrdreg $0xFFFFFFFF;
	(pc) =	sbr.abs _section_cstart, $3  }
0xc7: {  	[dreg:$0x1] =	wrdreg $0xFFFFFFFF  }
0xc8: {  	_ =	task.clear_ibuf [dreg:s8], $0x2FFFF;
	_ =	strace $0x9FFFFFFF  }
0xc9: {  	(tm) =	ssettm $0x7FFFFFFF  }
tec
execute0_lowered:
.L_overlay_start_1:
0x0: {  	(tag) =	ssettag $0x1  }
0x1: {  	s0 =	rddreg [dreg:$0x0]  }
0x2: {  	s1 =	rddreg [dreg:$0x1]  }
0x3: {  	s3 =	rddreg [dreg:$0x2];
	s9 =	stileid.u32  }
0x4: {  	s4 =	srdreg.scid;
	s2 =	simm.s32 $0x0;
	s10 =	simm.s32 $0x1  }
0x5: {  	s15 =	simm.s32 $0x0;
	s7 =	smul.u32 $0x580, s9;
	s4 =	sand.u32 $0x1, s4  }
0x6: {  	[smem:$0x7FF] =	sst s2;
	s5 =	smul.u32 $0x500, s9;
	s6 =	sadd.s32 $0x8200, s0  }
0x7: {  	s9 =	smul.u32 $0x2C00, s9;
	s4 =	ssub.s32 $0x2, s4;
	_ =	strace $0x80000047  }
0x8: {  	[dreg:$0x4] =	wrdreg s6;
	s30 =	sshrl.u32 s4, $0x1;
	s8 =	sadd.s32 s7, s0  }
0x9: {  	s0 =	sadd.s32 s5, s0;
	s1 =	sadd.s32 s1, s7;
	s7 =	sadd.s32 s3, s7  }
0xa: {  	s4 =	ssub.s32 s4, s30;
	s31 =	sadd.s32 $0x2A00, s8;
	[dreg:$0x6] =	wrdreg s1  }
0xb: {  	v0 =	vimm.f32 $0.0e+00;
	v1 =	vlaneseq.u32;
	s6 =	sadd.s32 $0x8C00, s0;
	[dreg:$0x5] =	wrdreg s31;
	s8 =	smax.u32 s4, $0x1  }
.LBB2_1:
0xc: {  	s0 =	rddreg [dreg:$0x4]  }
0xd: {  	[tilespmem:s2], [sflag:$0x1] =	stream.linear.gather [hbm4b:s0+s2], $0x4F00, $0x38;
	[tilespmem:$0xFB00] =	vst v63  }
0xe: {  	_ =	swait.ge [sflag:s10], $0x4F00  }
0xf: {  	[sflag:s10] =	ssyncset.done $0x0  }
0x10: {  	s1 =	simm.s32 $0x4F00;
	s29 =	rddreg [dreg:$0x5];
	[sflag:s10] =	ssyncadd.s32 $0xFFFFB100  }
0x11: {  	[tilespmem:s1], [sflag:$0x1] =	stream.linear.gather [hbm4b:s29+s2], $0x2C00, $0x38;
	[tilespmem:$0xFB00] =	vst v63  }
0x12: {  	_ =	swait.ge [sflag:s10], $0x2C00  }
0x13: {  	[sflag:s10] =	ssyncset.done $0x0  }
0x14: {  	s31 =	simm.s32 $0x7B00;
	s30 =	rddreg [dreg:$0x6];
	[sflag:s10] =	ssyncadd.s32 $0xFFFFD400  }
0x15: {  	[tilespmem:s31], [sflag:$0x1] =	stream.linear.gather [hbm4b:s30+s2], $0x2C00, $0x38;
	[tilespmem:$0xFB00] =	vst v63  }
0x16: {  	_ =	swait.ge [sflag:s10], $0x2C00  }
0x17: {  	[sflag:s10] =	ssyncset.done $0x0  }
0x18: {  	s0 =	simm.s32 $0x0;
	s1 =	simm.s32 $0x200;
	[sflag:s10] =	ssyncadd.s32 $0xFFFFD400  }
.LBB2_2:
0x19: {  	p0 =	sne.s32 s1, $0x9E00;
	[tilespmem:s0+$0xD370] =	vst v0  }
0x1a: {  	[tilespmem:s0+$0xD300] =	vst v0  }
0x1b: {  	[tilespmem:s0+$0xD310] =	vst v0  }
.Ltmp0:
0x1c: {  	[tilespmem:s0+$0xD320] =	vst v0;
	(pc) =	sbr.rel @p0 .LBB2_2-.Ltmp0, $4  }
0x1d: {  	[tilespmem:s0+$0xD330] =	vst v0  }
0x1e: {  	[tilespmem:s0+$0xD340] =	vst v0  }
0x1f: {  	[tilespmem:s0+$0xD350] =	vst v0  }
0x20: {  	[tilespmem:s0+$0xD360] =	vst v0;
	s0 =	sshra.s32 s1, $0x2;
	s1 =	sadd.s32 $0x200, s1  }
0x21: {  	[tilespmem:s0+$0xD370] =	vst v0  }
0x22: {  	[tilespmem:s0+$0xD300] =	vst v0  }
0x23: {  	[tilespmem:s0+$0xD310] =	vst v0  }
0x24: {  	[tilespmem:s0+$0xD320] =	vst v0  }
0x25: {  	[tilespmem:s0+$0xD330] =	vst v0  }
0x26: {  	[tilespmem:s0+$0xD340] =	vst v0  }
0x27: {  	[tilespmem:s0+$0xD350] =	vst v0;
	s16 =	simm.s32 $0x0;
	s17 =	simm.s32 $0xA700  }
0x28: {  	[tilespmem:s0+$0xD360] =	vst v0;
	s18 =	simm.s32 $0x7B00;
	s19 =	simm.s32 $0x4F00;
	s20 =	smov.u32 s9  }
.LBB2_4:
0x29: {  	v2 =	vmov s18;
	_ =	sdelay $0x1  }
0x2a: {  	v3 =	vmov s19;
	_ =	sdelay $0x1  }
0x2b: {  	s0 =	simm.s32 $0x0  }
0x2c: {  	v6 =	vld.idx.msk [tilespmem:v2+s0+$0x0 ss:$0x1], $0xffff;
	_ =	sdelay $0x1  }
0x2d: {  	v4 =	vld.idx.msk [tilespmem:v3+s0+$0x0 ss:$0x1], $0xffff;
	_ =	sdelay $0x2  }
0x2e: {  	v5 =	vshll.u32 v6, $0x1  }
0x2f: {  	v7 =	vand.u32 $0x7F, v6;
	v5 =	vand.u32 $0xFFFFFF00, v5  }
0x30: {  	v8 =	vshll.u32 v4, $0x1;
	v5 =	vor.u32 v5, v7  }
0x31: {  	v4 =	vand.u32 $0x7F, v4;
	v7 =	vand.u32 $0xFFFFFF00, v8;
	v5 =	vor.u32 $0x80, v5  }
0x32: {  	v4 =	vor.u32 v4, v7;
	_ =	sdelay $0x3  }
0x33: {  	v5 =	vld.idx.msk [tilespmem:v5+s2+$0x0], $0xffff  }
0x34: {  	v4 =	vld.idx.msk [tilespmem:v4+s2+$0x0], $0xffff;
	_ =	sdelay $0x4  }
0x35: {  	v4 =	vadd.f32 v5, v4;
	_ =	sdelay $0x1  }
0x36: {  	(v2sf) =	vpush v6, $0x0;
	v5 =	vmul.f32 $2.000000030e-01, v4  }
0x37: {  	vm0 =	vlt.f32 v4, $0.0e+00  }
0x38: {  	v4 =	vsel vm0, v5, v4  }
0x39: {  	v4 =	vmul.f32 $1.442695020e+00, v4;
	_ =	sdelay $0x1  }
0x3a: {  	(erf) = vpow2.f32 v4;
	_ =	sdelay $0x2  }
0x3b: {  	(v2sf) =	vpush v6, $0x1;
	_ =	sdelay $0x2  }
0x3c: {  	v4 =	vmov s17;
	_ =	sdelay $0x2  }
0x3d: {  	p0 =	slt.u32 s20, $0x29810;
	v5 =	vpop (erf)  }
0x3e: {  	s1 =	spop (v2sf);
	v5 =	vpsel !p0, $0x0, v5  }
0x3f: {  	(v2sf) =	vpush v6, $0x2;
	s3 =	sand.u32 $0xFFFFFFF0, s1;
	[tilespmem:v4+s0+$0x0 ss:$0x1] =	vst.idx.msk $0xffff, v5  }
0x40: {  	v7 =	vld [tilespmem:s3+$0xD300]  }
0x41: {  	s12 =	sand.u32 $0xF, s1  }
0x42: {  	v37 =	vmov s12;
	v9 =	vbroadcast v5, $0x0  }
0x43: {  	vm12 =	veq.s32 v37, v1  }
0x44: {  	v8 =	vnsel vm12, $0x0, v9  }
0x45: {  	v7 =	vadd.f32 v8, v7  }
0x46: {  	s13 =	spop (v2sf)  }
0x47: {  	(v2sf) =	vpush v6, $0x3;
	s14 =	sand.u32 $0xFFFFFFF0, s13;
	[tilespmem:s3+$0xD300] =	vst v7  }
0x48: {  	v7 =	vld [tilespmem:s14+$0xD300]  }
0x49: {  	s0 =	sand.u32 $0xF, s13  }
0x4a: {  	v39 =	vbroadcast v5, $0x1;
	v38 =	vmov s0  }
0x4b: {  	vm13 =	veq.s32 v38, v1  }
0x4c: {  	v8 =	vnsel vm13, $0x0, v39  }
0x4d: {  	v7 =	vadd.f32 v8, v7  }
0x4e: {  	s21 =	spop (v2sf)  }
0x4f: {  	(v2sf) =	vpush v6, $0x4;
	s22 =	sand.u32 $0xFFFFFFF0, s21;
	[tilespmem:s14+$0xD300] =	vst v7  }
0x50: {  	v7 =	vld [tilespmem:s22+$0xD300]  }
0x51: {  	s0 =	sand.u32 $0xF, s21  }
0x52: {  	v41 =	vbroadcast v5, $0x2;
	v40 =	vmov s0  }
0x53: {  	vm14 =	veq.s32 v40, v1  }
0x54: {  	v8 =	vnsel vm14, $0x0, v41  }
0x55: {  	v7 =	vadd.f32 v8, v7  }
0x56: {  	s23 =	spop (v2sf)  }
0x57: {  	(v2sf) =	vpush v6, $0x5;
	s24 =	sand.u32 $0xFFFFFFF0, s23;
	[tilespmem:s22+$0xD300] =	vst v7  }
0x58: {  	v7 =	vld [tilespmem:s24+$0xD300]  }
0x59: {  	s0 =	sand.u32 $0xF, s23  }
0x5a: {  	v43 =	vbroadcast v5, $0x3;
	v42 =	vmov s0  }
0x5b: {  	vm15 =	veq.s32 v42, v1  }
0x5c: {  	v8 =	vnsel vm15, $0x0, v43  }
0x5d: {  	v7 =	vadd.f32 v8, v7  }
0x5e: {  	s25 =	spop (v2sf)  }
0x5f: {  	(v2sf) =	vpush v6, $0x6;
	s26 =	sand.u32 $0xFFFFFFF0, s25;
	[tilespmem:s24+$0xD300] =	vst v7  }
0x60: {  	v7 =	vld [tilespmem:s26+$0xD300]  }
0x61: {  	s0 =	sand.u32 $0xF, s25  }
0x62: {  	v45 =	vbroadcast v5, $0x4;
	v44 =	vmov s0  }
0x63: {  	vm4 =	veq.s32 v44, v1  }
0x64: {  	v8 =	vnsel vm4, $0x0, v45  }
0x65: {  	v7 =	vadd.f32 v7, v8  }
0x66: {  	s28 =	spop (v2sf)  }
0x67: {  	(v2sf) =	vpush v6, $0x7;
	s29 =	sand.u32 $0xFFFFFFF0, s28;
	[tilespmem:s26+$0xD300] =	vst v7  }
0x68: {  	v7 =	vld [tilespmem:s29+$0xD300]  }
0x69: {  	s0 =	sand.u32 $0xF, s28  }
0x6a: {  	v47 =	vbroadcast v5, $0x5;
	v46 =	vmov s0  }
0x6b: {  	vm5 =	veq.s32 v46, v1  }
0x6c: {  	v8 =	vnsel vm5, $0x0, v47  }
0x6d: {  	v7 =	vadd.f32 v7, v8  }
0x6e: {  	s30 =	spop (v2sf)  }
0x6f: {  	(v2sf) =	vpush v6, $0x8;
	s31 =	sand.u32 $0xFFFFFFF0, s30;
	[tilespmem:s29+$0xD300] =	vst v7  }
0x70: {  	v7 =	vld [tilespmem:s31+$0xD300]  }
0x71: {  	s0 =	sand.u32 $0xF, s30  }
0x72: {  	v49 =	vbroadcast v5, $0x6;
	v48 =	vmov s0  }
0x73: {  	vm6 =	veq.s32 v48, v1  }
0x74: {  	v8 =	vnsel vm6, $0x0, v49  }
0x75: {  	v7 =	vadd.f32 v7, v8  }
0x76: {  	s1 =	spop (v2sf)  }
0x77: {  	(v2sf) =	vpush v6, $0x9;
	s4 =	sand.u32 $0xFFFFFFF0, s1;
	[tilespmem:s31+$0xD300] =	vst v7  }
0x78: {  	v7 =	vld [tilespmem:s4+$0xD300]  }
0x79: {  	s0 =	sand.u32 $0xF, s1  }
0x7a: {  	v51 =	vbroadcast v5, $0x7;
	v50 =	vmov s0  }
0x7b: {  	vm7 =	veq.s32 v50, v1  }
0x7c: {  	v8 =	vnsel vm7, $0x0, v51  }
0x7d: {  	v7 =	vadd.f32 v7, v8  }
0x7e: {  	s5 =	spop (v2sf)  }
0x7f: {  	(v2sf) =	vpush v6, $0xA;
	s11 =	sand.u32 $0xFFFFFFF0, s5;
	[tilespmem:s4+$0xD300] =	vst v7  }
0x80: {  	v7 =	vld [tilespmem:s11+$0xD300]  }
0x81: {  	s0 =	sand.u32 $0xF, s5  }
0x82: {  	v53 =	vbroadcast v5, $0x8;
	v52 =	vmov s0  }
0x83: {  	vm8 =	veq.s32 v52, v1  }
0x84: {  	v8 =	vnsel vm8, $0x0, v53  }
0x85: {  	v7 =	vadd.f32 v7, v8  }
0x86: {  	s12 =	spop (v2sf)  }
0x87: {  	(v2sf) =	vpush v6, $0xB;
	s13 =	sand.u32 $0xFFFFFFF0, s12;
	[tilespmem:s11+$0xD300] =	vst v7  }
0x88: {  	v7 =	vld [tilespmem:s13+$0xD300]  }
0x89: {  	s0 =	sand.u32 $0xF, s12  }
0x8a: {  	v55 =	vbroadcast v5, $0x9;
	v54 =	vmov s0  }
0x8b: {  	vm9 =	veq.s32 v54, v1  }
0x8c: {  	v8 =	vnsel vm9, $0x0, v55  }
0x8d: {  	v7 =	vadd.f32 v7, v8  }
0x8e: {  	s14 =	spop (v2sf)  }
0x8f: {  	(v2sf) =	vpush v6, $0xC;
	s21 =	sand.u32 $0xFFFFFFF0, s14;
	[tilespmem:s13+$0xD300] =	vst v7  }
0x90: {  	v7 =	vld [tilespmem:s21+$0xD300]  }
0x91: {  	s0 =	sand.u32 $0xF, s14  }
0x92: {  	v57 =	vbroadcast v5, $0xA;
	v56 =	vmov s0  }
0x93: {  	vm10 =	veq.s32 v56, v1  }
0x94: {  	v8 =	vnsel vm10, $0x0, v57  }
0x95: {  	v7 =	vadd.f32 v7, v8  }
0x96: {  	s22 =	spop (v2sf)  }
0x97: {  	(v2sf) =	vpush v6, $0xD;
	s23 =	sand.u32 $0xFFFFFFF0, s22;
	[tilespmem:s21+$0xD300] =	vst v7  }
0x98: {  	v7 =	vld [tilespmem:s23+$0xD300]  }
0x99: {  	s0 =	sand.u32 $0xF, s22  }
0x9a: {  	v59 =	vbroadcast v5, $0xB;
	v58 =	vmov s0  }
0x9b: {  	vm11 =	veq.s32 v58, v1  }
0x9c: {  	v8 =	vnsel vm11, $0x0, v59  }
0x9d: {  	v7 =	vadd.f32 v7, v8  }
0x9e: {  	s24 =	spop (v2sf)  }
0x9f: {  	(v2sf) =	vpush v6, $0xE;
	s25 =	sand.u32 $0xFFFFFFF0, s24;
	[tilespmem:s23+$0xD300] =	vst v7  }
0xa0: {  	v7 =	vld [tilespmem:s25+$0xD300]  }
0xa1: {  	s0 =	sand.u32 $0xF, s24  }
0xa2: {  	v61 =	vbroadcast v5, $0xC;
	v60 =	vmov s0  }
0xa3: {  	vm12 =	veq.s32 v60, v1  }
0xa4: {  	v8 =	vnsel vm12, $0x0, v61  }
0xa5: {  	v7 =	vadd.f32 v7, v8  }
0xa6: {  	s26 =	spop (v2sf)  }
0xa7: {  	(v2sf) =	vpush v6, $0xF;
	s28 =	sand.u32 $0xFFFFFFF0, s26;
	[tilespmem:s25+$0xD300] =	vst v7  }
0xa8: {  	v6 =	vld [tilespmem:s28+$0xD300]  }
0xa9: {  	s0 =	sand.u32 $0xF, s26  }
0xaa: {  	v62 =	vbroadcast v5, $0xD;
	v7 =	vmov s0  }
0xab: {  	vm13 =	veq.s32 v7, v1  }
0xac: {  	v7 =	vnsel vm13, $0x0, v62  }
0xad: {  	v6 =	vadd.f32 v6, v7  }
0xae: {  	s29 =	spop (v2sf)  }
0xaf: {  	s30 =	sand.u32 $0xFFFFFFF0, s29;
	[tilespmem:s28+$0xD300] =	vst v6  }
0xb0: {  	v6 =	vld [tilespmem:s30+$0xD300]  }
0xb1: {  	s0 =	sand.u32 $0xF, s29  }
0xb2: {  	v63 =	vbroadcast v5, $0xE;
	v7 =	vmov s0  }
0xb3: {  	vm14 =	veq.s32 v7, v1  }
0xb4: {  	v7 =	vnsel vm14, $0x0, v63  }
0xb5: {  	v6 =	vadd.f32 v6, v7  }
0xb6: {  	s31 =	spop (v2sf)  }
0xb7: {  	s0 =	sand.u32 $0xFFFFFFF0, s31;
	[tilespmem:s30+$0xD300] =	vst v6  }
0xb8: {  	v6 =	vld [tilespmem:s0+$0xD300]  }
0xb9: {  	s1 =	sand.u32 $0xF, s31  }
0xba: {  	v5 =	vbroadcast v5, $0xF;
	v7 =	vmov s1  }
0xbb: {  	vm15 =	veq.s32 v7, v1  }
0xbc: {  	v5 =	vnsel vm15, $0x0, v5  }
0xbd: {  	s22 =	smov.u32 s20;
	s21 =	simm.s32 $0x40;
	v5 =	vadd.f32 v6, v5  }
.LBB2_5:
0xbe: {  	p0 =	sne.s32 s21, $0x1C0  }
0xbf: {  	s22 =	sadd.s32 $0x10, s22;
	s1 =	smov.u32 s21;
	s21 =	sadd.s32 $0x40, s21  }
0xc0: {  	s23 =	sshra.s32 s1, $0x2;
	[tilespmem:s0+$0xD300] =	vst v5  }
0xc1: {  	v5 =	vld.idx.msk [tilespmem:v2+s23+$0x0 ss:$0x1], $0xffff  }
0xc2: {  	v6 =	vld.idx.msk [tilespmem:v3+s23+$0x0 ss:$0x1], $0xffff;
	_ =	sdelay $0x4  }
0xc3: {  	v7 =	vshll.u32 v5, $0x1;
	(v2sf) =	vpush v5, $0x0  }
0xc4: {  	v9 =	vand.u32 $0x7F, v5;
	v8 =	vshll.u32 v6, $0x1;
	v7 =	vand.u32 $0xFFFFFF00, v7  }
0xc5: {  	v6 =	vand.u32 $0x7F, v6;
	v8 =	vand.u32 $0xFFFFFF00, v8;
	v7 =	vor.u32 v7, v9  }
0xc6: {  	v6 =	vor.u32 v6, v8;
	v7 =	vor.u32 $0x80, v7;
	(v2sf) =	vpush v5, $0x1  }
0xc7: {  	(v2sf) =	vpush v5, $0x2  }
0xc8: {  	(v2sf) =	vpush v5, $0x3  }
0xc9: {  	(v2sf) =	vpush v5, $0x4  }
0xca: {  	(v2sf) =	vpush v5, $0x5  }
0xcb: {  	v7 =	vld.idx.msk [tilespmem:v7+s2+$0x0], $0xffff;
	(v2sf) =	vpush v5, $0x6  }
0xcc: {  	v6 =	vld.idx.msk [tilespmem:v6+s2+$0x0], $0xffff;
	(v2sf) =	vpush v5, $0x7  }
0xcd: {  	(v2sf) =	vpush v5, $0x8  }
0xce: {  	(v2sf) =	vpush v5, $0x9  }
0xcf: {  	(v2sf) =	vpush v5, $0xA  }
0xd0: {  	(v2sf) =	vpush v5, $0xB  }
0xd1: {  	(v2sf) =	vpush v5, $0xC  }
0xd2: {  	v6 =	vadd.f32 v7, v6;
	s4 =	spop (v2sf);
	(v2sf) =	vpush v5, $0xD  }
0xd3: {  	s0 =	sand.u32 $0xF, s4;
	(v2sf) =	vpush v5, $0xE  }
0xd4: {  	vm0 =	vlt.f32 v6, $0.0e+00;
	v7 =	vmul.f32 $2.000000030e-01, v6;
	v8 =	vmov s0  }
0xd5: {  	s3 =	spop (v2sf);
	(v2sf) =	vpush v5, $0xF  }
0xd6: {  	v5 =	vsel vm0, v7, v6;
	s0 =	sand.u32 $0xF, s3;
	s14 =	spop (v2sf)  }
0xd7: {  	v5 =	vmul.f32 $1.442695020e+00, v5;
	v23 =	vmov s0;
	s0 =	sand.u32 $0xF, s14;
	s13 =	spop (v2sf)  }
0xd8: {  	v24 =	vmov s0;
	s0 =	sand.u32 $0xF, s13;
	s12 =	spop (v2sf)  }
0xd9: {  	v25 =	vmov s0;
	s0 =	sand.u32 $0xF, s12;
	(erf) = vpow2.f32 v5;
	s11 =	spop (v2sf)  }
0xda: {  	v26 =	vmov s0;
	s0 =	sand.u32 $0xF, s11;
	s1 =	spop (v2sf)  }
0xdb: {  	v21 =	vmov s0;
	s24 =	sand.u32 $0xF, s1;
	s0 =	spop (v2sf)  }
0xdc: {  	v19 =	vmov s24;
	s24 =	sand.u32 $0xF, s0;
	s31 =	spop (v2sf)  }
0xdd: {  	v18 =	vmov s24;
	s24 =	sand.u32 $0xF, s31;
	s30 =	spop (v2sf)  }
0xde: {  	v16 =	vmov s24;
	s24 =	sand.u32 $0xF, s30;
	s29 =	spop (v2sf)  }
0xdf: {  	v14 =	vmov s24;
	s24 =	sand.u32 $0xF, s29;
	s28 =	spop (v2sf)  }
0xe0: {  	v12 =	vmov s24;
	s24 =	sand.u32 $0xF, s28;
	s26 =	spop (v2sf)  }
0xe1: {  	p1 =	slt.u32 s22, $0x29810;
	v10 =	vmov s24;
	s24 =	sand.u32 $0xF, s26;
	s25 =	spop (v2sf)  }
0xe2: {  	v9 =	vmov s24;
	s5 =	sand.u32 $0xF, s25;
	v5 =	vpop (erf);
	s24 =	spop (v2sf)  }
0xe3: {  	s4 =	sand.u32 $0xFFFFFFF0, s4;
	v27 =	vpsel !p1, $0x0, v5;
	v7 =	vmov s5;
	s5 =	sand.u32 $0xF, s24  }
0xe4: {  	[tilespmem:v4+s23+$0x0 ss:$0x1] =	vst.idx.msk $0xffff, v27;
	v11 =	vbroadcast v27, $0x0;
	v28 =	vbroadcast v27, $0x1;
	v6 =	vmov s5;
	s23 =	spop (v2sf)  }
0xe5: {  	v29 =	vbroadcast v27, $0x2;
	v30 =	vbroadcast v27, $0x3;
	v13 =	vld [tilespmem:s4+$0xD300];
	s5 =	sand.u32 $0xF, s23  }
0xe6: {  	v31 =	vbroadcast v27, $0x4;
	v32 =	vbroadcast v27, $0x5;
	v5 =	vmov s5  }
0xe7: {  	vm0 =	veq.s32 v8, v1;
	v33 =	vbroadcast v27, $0x6;
	v34 =	vbroadcast v27, $0x7  }
0xe8: {  	v35 =	vbroadcast v27, $0x8;
	v22 =	vbroadcast v27, $0x9;
	v8 =	vnsel vm0, $0x0, v11  }
0xe9: {  	v20 =	vbroadcast v27, $0xA;
	v17 =	vbroadcast v27, $0xB  }
0xea: {  	v15 =	vbroadcast v27, $0xC;
	v36 =	vadd.f32 v8, v13;
	v13 =	vbroadcast v27, $0xD  }
0xeb: {  	s3 =	sand.u32 $0xFFFFFFF0, s3;
	v11 =	vbroadcast v27, $0xE;
	v8 =	vbroadcast v27, $0xF  }
0xec: {  	[tilespmem:s4+$0xD300] =	vst v36  }
0xed: {  	v27 =	vld [tilespmem:s3+$0xD300];
	_ =	sdelay $0x1  }
0xee: {  	vm0 =	veq.s32 v23, v1  }
0xef: {  	v23 =	vnsel vm0, $0x0, v28;
	_ =	sdelay $0x1  }
0xf0: {  	v23 =	vadd.f32 v23, v27  }
0xf1: {  	s4 =	sand.u32 $0xFFFFFFF0, s14  }
0xf2: {  	[tilespmem:s3+$0xD300] =	vst v23  }
0xf3: {  	v23 =	vld [tilespmem:s4+$0xD300];
	_ =	sdelay $0x1  }
0xf4: {  	vm0 =	veq.s32 v24, v1  }
0xf5: {  	v24 =	vnsel vm0, $0x0, v29;
	_ =	sdelay $0x1  }
0xf6: {  	v23 =	vadd.f32 v24, v23  }
0xf7: {  	s3 =	sand.u32 $0xFFFFFFF0, s13  }
0xf8: {  	[tilespmem:s4+$0xD300] =	vst v23  }
0xf9: {  	v23 =	vld [tilespmem:s3+$0xD300];
	_ =	sdelay $0x1  }
0xfa: {  	vm0 =	veq.s32 v25, v1  }
0xfb: {  	v24 =	vnsel vm0, $0x0, v30;
	_ =	sdelay $0x1  }
0xfc: {  	v23 =	vadd.f32 v24, v23  }
0xfd: {  	s4 =	sand.u32 $0xFFFFFFF0, s12  }
0xfe: {  	[tilespmem:s3+$0xD300] =	vst v23  }
0xff: {  	v23 =	vld [tilespmem:s4+$0xD300];
	_ =	sdelay $0x1  }
0x100: {  	vm0 =	veq.s32 v26, v1  }
0x101: {  	v24 =	vnsel vm0, $0x0, v31;
	_ =	sdelay $0x1  }
0x102: {  	v23 =	vadd.f32 v23, v24  }
0x103: {  	s3 =	sand.u32 $0xFFFFFFF0, s11  }
0x104: {  	[tilespmem:s4+$0xD300] =	vst v23  }
0x105: {  	v23 =	vld [tilespmem:s3+$0xD300];
	_ =	sdelay $0x1  }
0x106: {  	vm0 =	veq.s32 v21, v1  }
0x107: {  	v21 =	vnsel vm0, $0x0, v32;
	_ =	sdelay $0x1  }
0x108: {  	v21 =	vadd.f32 v23, v21  }
0x109: {  	s1 =	sand.u32 $0xFFFFFFF0, s1  }
0x10a: {  	[tilespmem:s3+$0xD300] =	vst v21  }
0x10b: {  	v21 =	vld [tilespmem:s1+$0xD300];
	_ =	sdelay $0x1  }
0x10c: {  	vm0 =	veq.s32 v19, v1  }
0x10d: {  	v19 =	vnsel vm0, $0x0, v33;
	_ =	sdelay $0x1  }
0x10e: {  	v19 =	vadd.f32 v21, v19  }
0x10f: {  	s0 =	sand.u32 $0xFFFFFFF0, s0  }
0x110: {  	[tilespmem:s1+$0xD300] =	vst v19  }
0x111: {  	v19 =	vld [tilespmem:s0+$0xD300];
	_ =	sdelay $0x1  }
0x112: {  	vm0 =	veq.s32 v18, v1  }
0x113: {  	v18 =	vnsel vm0, $0x0, v34;
	_ =	sdelay $0x1  }
0x114: {  	v18 =	vadd.f32 v19, v18  }
0x115: {  	s1 =	sand.u32 $0xFFFFFFF0, s31  }
0x116: {  	[tilespmem:s0+$0xD300] =	vst v18  }
0x117: {  	v18 =	vld [tilespmem:s1+$0xD300];
	_ =	sdelay $0x1  }
0x118: {  	vm0 =	veq.s32 v16, v1  }
0x119: {  	v16 =	vnsel vm0, $0x0, v35;
	_ =	sdelay $0x1  }
0x11a: {  	v16 =	vadd.f32 v18, v16  }
0x11b: {  	s0 =	sand.u32 $0xFFFFFFF0, s30  }
0x11c: {  	[tilespmem:s1+$0xD300] =	vst v16  }
0x11d: {  	v16 =	vld [tilespmem:s0+$0xD300];
	_ =	sdelay $0x1  }
0x11e: {  	vm0 =	veq.s32 v14, v1  }
0x11f: {  	v14 =	vnsel vm0, $0x0, v22;
	_ =	sdelay $0x1  }
0x120: {  	v14 =	vadd.f32 v16, v14  }
0x121: {  	s1 =	sand.u32 $0xFFFFFFF0, s29  }
0x122: {  	[tilespmem:s0+$0xD300] =	vst v14  }
0x123: {  	v14 =	vld [tilespmem:s1+$0xD300];
	_ =	sdelay $0x1  }
0x124: {  	vm0 =	veq.s32 v12, v1  }
0x125: {  	v12 =	vnsel vm0, $0x0, v20;
	_ =	sdelay $0x1  }
0x126: {  	v12 =	vadd.f32 v14, v12  }
0x127: {  	s0 =	sand.u32 $0xFFFFFFF0, s28  }
0x128: {  	[tilespmem:s1+$0xD300] =	vst v12  }
0x129: {  	v12 =	vld [tilespmem:s0+$0xD300];
	_ =	sdelay $0x1  }
0x12a: {  	vm0 =	veq.s32 v10, v1  }
0x12b: {  	v10 =	vnsel vm0, $0x0, v17;
	_ =	sdelay $0x1  }
0x12c: {  	v10 =	vadd.f32 v12, v10  }
0x12d: {  	s1 =	sand.u32 $0xFFFFFFF0, s26  }
0x12e: {  	[tilespmem:s0+$0xD300] =	vst v10  }
0x12f: {  	v10 =	vld [tilespmem:s1+$0xD300];
	_ =	sdelay $0x1  }
0x130: {  	vm0 =	veq.s32 v9, v1  }
0x131: {  	v9 =	vnsel vm0, $0x0, v15;
	_ =	sdelay $0x1  }
0x132: {  	v9 =	vadd.f32 v10, v9  }
0x133: {  	s0 =	sand.u32 $0xFFFFFFF0, s25  }
0x134: {  	[tilespmem:s1+$0xD300] =	vst v9  }
0x135: {  	v9 =	vld [tilespmem:s0+$0xD300];
	_ =	sdelay $0x1  }
0x136: {  	vm0 =	veq.s32 v7, v1  }
0x137: {  	v7 =	vnsel vm0, $0x0, v13;
	_ =	sdelay $0x1  }
0x138: {  	v7 =	vadd.f32 v9, v7  }
0x139: {  	s1 =	sand.u32 $0xFFFFFFF0, s24  }
0x13a: {  	[tilespmem:s0+$0xD300] =	vst v7  }
0x13b: {  	v7 =	vld [tilespmem:s1+$0xD300];
	_ =	sdelay $0x1  }
0x13c: {  	vm0 =	veq.s32 v6, v1  }
0x13d: {  	v6 =	vnsel vm0, $0x0, v11;
	_ =	sdelay $0x1  }
0x13e: {  	v6 =	vadd.f32 v7, v6  }
0x13f: {  	s0 =	sand.u32 $0xFFFFFFF0, s23  }
0x140: {  	[tilespmem:s1+$0xD300] =	vst v6  }
0x141: {  	v6 =	vld [tilespmem:s0+$0xD300]  }
.Ltmp1:
0x142: {  	(pc) =	sbr.rel @p0 .LBB2_5-.Ltmp1, $3  }
0x143: {  	vm0 =	veq.s32 v5, v1  }
0x144: {  	v5 =	vnsel vm0, $0x0, v8;
	_ =	sdelay $0x1  }
0x145: {  	v5 =	vadd.f32 v6, v5  }
0x146: {  	s16 =	sadd.s32 $0x1, s16  }
0x147: {  	p0 =	sne.s32 s16, $0x58  }
.Ltmp2:
0x148: {  	_ = 	snop;
	(pc) =	sbr.rel @p0 .LBB2_4-.Ltmp2, $3  }
0x149: {  	_ =	sdelay $0x1  }
0x14a: {  	s20 =	sadd.s32 $0x80, s20  }
0x14b: {  	s17 =	sadd.s32 $0x80, s17;
	s18 =	sadd.s32 $0x80, s18;
	s19 =	sadd.s32 $0x80, s19;
	[tilespmem:s0+$0xD300] =	vst v5  }
0x14c: {  	s0 =	simm.s32 $0xD300  }
0x14d: {  	[hbm4b:s6+s2] =	stream.linear.scatter [tilespmem:s0], [sflag:$0x1], $0x2800, $0x38;
	[tilespmem:$0xFB00] =	vst v63  }
0x14e: {  	s15 =	sadd.s32 $0x1, s15;
	_ =	swait.ge [sflag:s10], $0x2800  }
0x14f: {  	p0 =	sne.s32 s15, s8;
	[sflag:s10] =	ssyncset.done $0x0  }
.Ltmp3:
0x150: {  	s31 =	simm.s32 $0xA700;
	[sflag:s10] =	ssyncadd.s32 $0xFFFFD800;
	(pc) =	sbr.rel @p0 .LBB2_1-.Ltmp3, $4  }
0x151: {  	[hbm4b:s7+s2] =	stream.linear.scatter [tilespmem:s31], [sflag:$0x1], $0x2C00, $0x38;
	[tilespmem:$0xFB00] =	vst v63  }
0x152: {  	_ =	swait.ge [sflag:s10], $0x2C00  }
0x153: {  	[sflag:s10] =	ssyncset.done $0x0  }
0x154: {  	[sflag:s10] =	ssyncadd.s32 $0xFFFFD400  }
0x155: {  	_ =	sfence.sel $0x180000  }
0x156: {  	[bflag:$0x0] =	sbarrier.arrive $0xFFFF  }
0x157: {  	_ =	strace $0x90000047  }
0x158: {  	s0 =	stileid.u32;
	[bflag:$0x2] =	sbarrier.arrive $0xFFFF  }
0x159: {  	p0 =	sne.s32 s0, $0x0;
	s0 =	rddreg [dreg:$0x3]  }
0x15a: {  	s0 =	sadd.s32 @!p0 $0x100000, s0  }
0x15b: {  	[sflag:s0] =	ssyncadd.tile.s32 @!p0 $0x1;
	_ =	shalt  }
.Lfunc_end2:
_tile_overlayer_lowered:
.L_overlay_start_2:
0x15c: {  	(tag) =	ssettag $0x2  }
0x15d: {  	s0 =	rddreg [dreg:$0x0];
	s2 =	stileid.u32  }
0x15e: {  	s1 =	rddreg [dreg:$0x1];
	p0 =	sne.s32 s2, $0x0  }
0x15f: {  	s3 =	rddreg [dreg:$0x2];
	[bflag:$0x3] =	sbarrier.arrive $0xFFFF;
	s2 =	simm.s32 @!p0 $0x1C01  }
0x160: {  	[timem:s3], [sflag:s2] =	dma.local @!p0 [hbm:s0], s1  }
0x161: {  	s0 =	simm.s32 @!p0 $0x1  }
0x162: {  	_ =	swait.ge @!p0 [sflag:s0], s1  }
0x163: {  	s1 =	ssub.s32 @!p0 $0x0, s1;
	[sflag:s0] =	ssyncset.done @!p0 $0x0  }
0x164: {  	[sflag:s0] =	ssyncadd.s32 @!p0 s1  }
0x165: {  	[bflag:$0x3] =	sbarrier.arrive $0xFFFF  }
0x166: {  	_ =	shalt  }

// kernel: scatter_offload_async_start.1
scs
__scs_entry_jumppad:
0x0: {  	(pc) =	sbr.rel $0x88, $3  }
0x1: {  	(tag) =	ssettag $0x0;
	lr =	simm.s32 $0x1  }
0x2: {  	[smem:$0x3F95] =	sst lr;
	_ =	strace $0xD0000000  }
0x3: {  	_ = 	snop  }
0x4: {  	_ = 	snop  }
0x5: {  	_ = 	snop  }
0x6: {  	_ = 	snop  }
0x7: {  	_ = 	snop  }
__scs_overlays_trampoline_lowered:
0x8: {  	[smem:$0x3FA4] =	sst s0  }
0x9: {  	[smem:$0x3FA5] =	sst s1  }
0xa: {  	[smem:$0x3FA6] =	sst s2  }
0xb: {  	[smem:$0x3FA7] =	sst s3  }
0xc: {  	[smem:$0x3FA8] =	sst s4  }
0xd: {  	[smem:$0x3FA9] =	sst s5  }
0xe: {  	[smem:$0x3FAA] =	sst s6  }
0xf: {  	[smem:$0x3FAB] =	sst s7  }
0x10: {  	[smem:$0x3FAC] =	sst s8  }
0x11: {  	[smem:$0x3FAD] =	sst s9;
	s0 =	simm.s32 @!p0 $0x0  }
0x12: {  	s1 =	sld [smem:$0x3F93];
	s0 =	simm.s32 @p0 $0x1  }
0x13: {  	[smem:$0x3FAE] =	sst s0;
	s0 =	simm.s32 @!p1 $0x0  }
0x14: {  	s2 =	sld [smem:$0x3F92];
	s0 =	simm.s32 @p1 $0x1  }
0x15: {  	[smem:$0x3FAF] =	sst s0;
	s0 =	simm.s32 @!p2 $0x0  }
0x16: {  	s3 =	sld [smem:$0x3FDB];
	s0 =	simm.s32 @p2 $0x1  }
0x17: {  	s4 =	simm.s32 $0x1BF5;
	[smem:$0x3FB1] =	sst s0  }
0x18: {  	s0 =	sld [smem:$0x3F94];
	_ =	swait.ge [sflag:s4], $0x0  }
0x19: {  	s7 =	sld [smem:$0x3F95]  }
0x1a: {  	s8 =	sadd.s32 $0xFFFFE003, lr  }
0x1b: {  	s9 =	sadd.s32 $0xFFFFFEF7, lr;
	s5 =	simm.s32 $0xFFFFFFFF;
	p2 =	slt.u32 s8, $0xFFFFF086  }
0x1c: {  	p1 =	slt.u32 s9, $0xF7A;
	s5 =	simm.s32 @!p2 $0x0  }
0x1d: {  	s5 =	simm.s32 @p1 $0x1;
	p0 =	seq.s32 s7, s2  }
0x1e: {  	s7 =	smul.u32 @!p0 $0xF7A, s2;
	p2 =	seq.s32 @!p0 s5, $0x0  }
0x1f: {  	s9 =	smul.u32 $0xF7A, s1;
	s8 =	simm.s32 @!p0 $0x1BF5;
	p2 =	por !p2, p0  }
0x20: {  	[sflag:s8] =	ssyncset.s32 @!p0 $0xFFFFF086;
	s6 =	sadd.s32 @!p0 s3, s7;
	s7 =	simm.s32 @!p0 $0x108  }
0x21: {  	s3 =	sadd.s32 s3, s9;
	s6 =	sadd.s32 @!p0 $0x88, s6;
	s7 =	simm.s32 @p2 $0x1082  }
0x22: {  	[simem:s7], [sflag:s8] =	dma.local @!p0 [hbm:s6], $0xF7A  }
0x23: {  	s9 =	sor.u32 $0xD0000000, s2;
	s6 =	simm.s32 $0x108;
	_ =	swait.ge @!p0 [sflag:s8], $0x0  }
0x24: {  	s3 =	sadd.s32 $0x88, s3;
	s6 =	simm.s32 @!p1 $0x1082;
	[sflag:s4] =	ssyncset.s32 $0xFFFFF086  }
0x25: {  	[simem:s6], [sflag:s4] =	dma.local [hbm:s3], $0xF7A  }
0x26: {  	[smem:$0x3F95] =	sst s1;
	(tag) =	ssettag s2;
	_ =	strace s9  }
0x27: {  	s1 =	sld [smem:$0x3FA5]  }
0x28: {  	s2 =	sld [smem:$0x3FA6]  }
0x29: {  	s4 =	sld [smem:$0x3FA8]  }
0x2a: {  	p0 =	seq.s32 s5, $0x0;
	s5 =	sld [smem:$0x3FA9]  }
0x2b: {  	s6 =	sld [smem:$0x3FAA]  }
0x2c: {  	s7 =	sld [smem:$0x3FAB]  }
0x2d: {  	s3 =	simm.s32 $0x108;
	s8 =	sld [smem:$0x3FAC]  }
0x2e: {  	s3 =	simm.s32 @!p0 $0x1082;
	s9 =	sld [smem:$0x3FAD]  }
0x2f: {  	lr =	sadd.s32 s0, s3;
	s0 =	sld [smem:$0x3FA4]  }
0x30: {  	s3 =	sld [smem:$0x3FA7]  }
0x31: {  	[smem:$0x3FB0] =	sst s10  }
0x32: {  	s10 =	sld [smem:$0x3FAE];
	_ =	sdelay $0x3  }
0x33: {  	p0 =	seq.s32 s10, $0x1;
	s10 =	sld [smem:$0x3FB0];
	_ =	sdelay $0x3  }
0x34: {  	[smem:$0x3FB0] =	sst s10  }
0x35: {  	s10 =	sld [smem:$0x3FAF];
	_ =	sdelay $0x3  }
0x36: {  	p1 =	seq.s32 s10, $0x1;
	s10 =	sld [smem:$0x3FB0];
	_ =	sdelay $0x3  }
0x37: {  	[smem:$0x3FB0] =	sst s10  }
0x38: {  	s10 =	sld [smem:$0x3FB1]  }
0x39: {  	_ = 	snop;
	(pc) =	sbr.ind lr, $3  }
0x3a: {  	_ = 	snop  }
0x3b: {  	_ = 	snop  }
0x3c: {  	p2 =	seq.s32 s10, $0x1;
	s10 =	sld [smem:$0x3FB0]  }
0x3d: {  	_ =	shalt  }
0x3e: {  	_ =	shalt  }
0x3f: {  	_ =	shalt  }
0x40: {  	_ =	shalt  }
0x41: {  	_ =	shalt  }
0x42: {  	_ =	shalt  }
0x43: {  	_ =	shalt  }
0x44: {  	_ =	shalt  }
0x45: {  	_ =	shalt  }
0x46: {  	_ =	shalt  }
0x47: {  	_ =	shalt  }
0x48: {  	_ =	shalt  }
0x49: {  	_ =	shalt  }
0x4a: {  	_ =	shalt  }
0x4b: {  	_ =	shalt  }
0x4c: {  	_ =	shalt  }
0x4d: {  	_ =	shalt  }
0x4e: {  	_ =	shalt  }
0x4f: {  	_ =	shalt  }
0x50: {  	_ =	shalt  }
0x51: {  	_ =	shalt  }
0x52: {  	_ =	shalt  }
0x53: {  	_ =	shalt  }
0x54: {  	_ =	shalt  }
0x55: {  	_ =	shalt  }
0x56: {  	_ =	shalt  }
0x57: {  	_ =	shalt  }
0x58: {  	_ =	shalt  }
0x59: {  	_ =	shalt  }
0x5a: {  	_ =	shalt  }
0x5b: {  	_ =	shalt  }
0x5c: {  	_ =	shalt  }
0x5d: {  	_ =	shalt  }
0x5e: {  	_ =	shalt  }
0x5f: {  	_ =	shalt  }
0x60: {  	_ =	shalt  }
0x61: {  	_ =	shalt  }
0x62: {  	_ =	shalt  }
0x63: {  	_ =	shalt  }
0x64: {  	_ =	shalt  }
0x65: {  	_ =	shalt  }
0x66: {  	_ =	shalt  }
0x67: {  	_ =	shalt  }
0x68: {  	_ =	shalt  }
0x69: {  	_ =	shalt  }
0x6a: {  	_ =	shalt  }
0x6b: {  	_ =	shalt  }
0x6c: {  	_ =	shalt  }
0x6d: {  	_ =	shalt  }
0x6e: {  	_ =	shalt  }
0x6f: {  	_ =	shalt  }
0x70: {  	_ =	shalt  }
0x71: {  	_ =	shalt  }
0x72: {  	_ =	shalt  }
0x73: {  	_ =	shalt  }
0x74: {  	_ =	shalt  }
0x75: {  	_ =	shalt  }
0x76: {  	_ =	shalt  }
0x77: {  	_ =	shalt  }
0x78: {  	_ =	shalt  }
0x79: {  	_ =	shalt  }
0x7a: {  	_ =	shalt  }
0x7b: {  	_ =	shalt  }
0x7c: {  	_ =	shalt  }
0x7d: {  	_ =	shalt  }
0x7e: {  	_ =	shalt  }
0x7f: {  	_ =	shalt  }
0x80: {  	_ =	shalt  }
0x81: {  	_ =	shalt  }
0x82: {  	_ =	shalt  }
0x83: {  	_ =	shalt  }
0x84: {  	_ =	shalt  }
0x85: {  	_ =	shalt  }
0x86: {  	_ =	shalt  }
0x87: {  	_ =	shalt  }
.Lfunc_end0:
.L_simem_size_0:
called_computation.1_lowered:
.L_overlay_start_0:
0x88: {  	s2 =	sld [smem:$0x3FD9]  }
0x89: {  	s3 =	sld [smem:$0x3FFE];
	_ =	sdelay $0x1  }
0x8a: {  	s1 =	srdreg.scid  }
0x8b: {  	s0 =	sand.u32 $0x1, s1  }
0x8c: {  	s13 =	sshll.u32 s0, $0xA;
	s2 =	sadd.s32 s3, s2  }
0x8d: {  	s2 =	sadd.s32 s2, s13  }
0x8e: {  	[smem:$0x3FBC] =	sst s2  }
0x8f: {  	_ = 	snop  }
0x90: {  	s2 =	sld [smem:$0x3FD0];
	_ =	sdelay $0x2  }
0x91: {  	s14 =	simm.s32 $0xB;
	s4 =	simm.s32 $0x10  }
0x92: {  	[smem:s4], [sflag:s14] =	dma.local [hbm:s2], $0x1  }
0x93: {  	_ =	swait.eq [sflag:s14], $0x1  }
0x94: {  	[sflag:s14] =	ssyncset.done $0x0  }
0x95: {  	[sflag:s14] =	ssyncadd.s32 $0xFFFFFFFF  }
0x96: {  	s15 =	sld [smem:$0x11];
	(tm) =	ssettm $0x1  }
0x97: {  	s16 =	sld [smem:$0x3FFB];
	_ =	sdelay $0x3  }
0x98: {  	_ =	strace s16  }
0x99: {  	s3 =	sld [smem:$0x3FFC];
	_ =	sdelay $0x3  }
0x9a: {  	_ =	strace s3  }
0x9b: {  	s3 =	sld [smem:$0x3FFD];
	_ =	sdelay $0x3  }
0x9c: {  	_ =	strace s3  }
0x9d: {  	_ =	strace $0x8FFFFFFF  }
0x9e: {  	s17 =	sld [smem:$0x3FDB];
	_ =	sdelay $0x1  }
0x9f: {  	s18 =	simm.s32 $_scs_section_size  }
0xa0: {  	s5 =	simm.s32 $_size__tile_overlayer_lowered;
	s6 =	simm.s32 $_tile_overlayer_lowered  }
0xa1: {  	s21 =	simm.s32 $0x1BFF;
	s20 =	sshll.u32 s6, $0x1;
	s3 =	sadd.s32 s18, s17  }
0xa2: {  	s7 =	simm.s32 $0x0;
	s19 =	sshll.u32 s5, $0x1;
	s5 =	sadd.s32 s20, s3  }
0xa3: {  	[timem:s7], [sflag:s21] =	dma.local [hbm:s5], s19  }
0xa4: {  	_ =	swait.ge [sflag:s21], s19  }
0xa5: {  	s4 =	ssub.s32 $0x0, s19;
	[sflag:s21] =	ssyncset.done $0x0  }
0xa6: {  	[sflag:s21] =	ssyncadd.s32 s4;
	_ =	sdelay $0x1  }
0xa7: {  	s22 =	simm.s32 $0x1B8B  }
0xa8: {  	_ =	swait.ge [sflag:s22], $0x1  }
0xa9: {  	[sflag:s22] =	ssyncset.done $0x0  }
0xaa: {  	s23 =	sld [smem:$0x3FFE];
	[sflag:s22] =	ssyncadd.s32 $0xFFFFFFFF  }
0xab: {  	s25 =	simm.s32 $0x1B8E;
	s24 =	sld [smem:$0x0]  }
0xac: {  	s26 =	simm.s32 $execute0_lowered;
	[smem:$0x3FD2] =	sst s25  }
0xad: {  	s6 =	sshll.u32 s26, $0x1;
	_ =	strace $0x80000052;
	[dreg:$0x1] =	wrdreg $0xFFFFFFFF  }
0xae: {  	s28 =	simm.s32 $_size_execute0_lowered;
	s3 =	sadd.s32 s3, s6;
	[dreg:$0x0] =	wrdreg $0x0  }
0xaf: {  	s6 =	sshll.u32 s28, $0x1;
	[dreg:$0x2] =	wrdreg s3  }
0xb0: {  	[dreg:$0x3] =	wrdreg s6  }
0xb1: {  	[dreg:$0x4] =	wrdreg $0xC0  }
0xb2: {  	_ =	task [dreg:s7], $0x5FFFF  }
0xb3: {  	[dreg:$0x1] =	wrdreg $0xFFFFFFFF  }
0xb4: {  	[dreg:$0x0] =	wrdreg $0x60  }
0xb5: {  	[dreg:$0x2] =	wrdreg s15  }
0xb6: {  	[dreg:$0x3] =	wrdreg s23  }
0xb7: {  	[dreg:$0x4] =	wrdreg s1  }
0xb8: {  	[dreg:$0x5] =	wrdreg s24  }
0xb9: {  	[dreg:$0x6] =	wrdreg $0x9  }
0xba: {  	_ =	task.clear_ibuf [dreg:s7], $0x7FFFF;
	_ =	strace $0x90000052  }
0xbb: {  	s29 =	simm.s32 $0x9;
	_ =	strace $0x80000054  }
0xbc: {  	_ =	swait.ge [sflag:s29], $0x1  }
0xbd: {  	[sflag:s29] =	ssyncadd.s32 $0xFFFFFFFF  }
0xbe: {  	_ =	strace $0x90000054  }
0xbf: {  	_ =	sfence  }
0xc0: {  	s30 =	sld [smem:$0x0];
	_ =	sdelay $0x2  }
0xc1: {  	s31 =	sshll.u32 s1, $0xD;
	s1 =	sshrl.u32 s1, $0x2  }
0xc2: {  	s3 =	sand.u32 $0x4000, s31;
	s1 =	sadd.s32 s1, s30  }
0xc3: {  	s0 =	sor.u32 s3, s0;
	s1 =	sshll.u32 s1, $0x11  }
0xc4: {  	s0 =	sor.u32 s1, s0  }
0xc5: {  	s0 =	sadd.s32 $0x8F2B, s0  }
0xc6: {  	[sflag:s0] =	ssyncadd.remote.s32 $0x1  }
0xc7: {  	_ =	sfence.sel $0xFFFF  }
0xc8: {  	[dreg:$0x0] =	wrdreg $0xFFFFFFFF;
	(pc) =	sbr.abs _section_cstart, $3  }
0xc9: {  	[dreg:$0x1] =	wrdreg $0xFFFFFFFF  }
0xca: {  	_ =	task.clear_ibuf [dreg:s7], $0x2FFFF;
	_ =	strace $0x9FFFFFFF  }
0xcb: {  	(tm) =	ssettm $0x7FFFFFFF  }
tec
execute0_lowered:
.L_overlay_start_1:
0x0: {  	(tag) =	ssettag $0x1  }
0x1: {  	s1 =	rddreg [dreg:$0x0]  }
0x2: {  	s2 =	rddreg [dreg:$0x1]  }
0x3: {  	s3 =	rddreg [dreg:$0x2];
	_ =	strace $0x80000053;
	s0 =	simm.s32 $0x1  }
0x4: {  	s5 =	simm.s32 $0x208;
	v0 =	vimm.s32 $0x0;
	[sflag:s0] =	ssyncpa.u1 $0x0  }
0x5: {  	[tilespmem:s5+$0x70] =	vst v0  }
0x6: {  	[tilespmem:s5+$0x60] =	vst v0  }
0x7: {  	[tilespmem:s5+$0x50] =	vst v0  }
0x8: {  	[tilespmem:s5+$0x40] =	vst v0  }
0x9: {  	[tilespmem:s5+$0x30] =	vst v0  }
0xa: {  	s0 =	sadd.s32 $0xDC00, s2;
	s6 =	sadd.s32 $0x23C00, s2;
	[tilespmem:s5+$0x20] =	vst v0  }
0xb: {  	s4 =	sadd.s32 $0x13400, s2;
	s10 =	sand.u32 $0x1, s3;
	s2 =	simm.s32 $0x40;
	[tilespmem:s5+$0x10] =	vst v0  }
.LBB2_1:
0xc: {  	s2 =	sadd.s32 $0x40, s2;
	[tilespmem:s5+$0x0] =	vst v0;
	s5 =	sadd.s32 $0x80, s5  }
0xd: {  	p0 =	slt.u32 s2, $0x3880;
	[tilespmem:s5+$0x70] =	vst v0  }
0xe: {  	[tilespmem:s5+$0x60] =	vst v0  }
.Ltmp0:
0xf: {  	[tilespmem:s5+$0x50] =	vst v0;
	(pc) =	sbr.rel @p0 .LBB2_1-.Ltmp0, $4  }
0x10: {  	[tilespmem:s5+$0x40] =	vst v0  }
0x11: {  	[tilespmem:s5+$0x30] =	vst v0  }
0x12: {  	[tilespmem:s5+$0x20] =	vst v0  }
0x13: {  	[tilespmem:s5+$0x10] =	vst v0  }
0x14: {  	s11 =	stileid.u32  }
0x15: {  	s2 =	smul.u32 $0x32, s11  }
0x16: {  	s3 =	smin.u32 s11, $0x5  }
0x17: {  	s2 =	sadd.s32 s3, s2  }
0x18: {  	p0 =	slt.u32 s11, $0x5;
	s20 =	smul.u32 $0x70, s2;
	s2 =	simm.s32 $0x1650  }
0x19: {  	s2 =	simm.s32 @!p0 $0x15E0  }
0x1a: {  	s2 =	sadd.s32 s2, s20  }
0x1b: {  	s8 =	smin.u32 s2, $0x16000  }
0x1c: {  	s26 =	simm.s32 $0x2;
	s2 =	ssub.s32 s8, s20  }
0x1d: {  	s9 =	simm.s32 $0x9;
	s29 =	simm.s32 $0xA;
	p0 =	sgt.s32 s2, $0x0  }
0x1e: {  	s30 =	simm.s32 $0xB;
	s31 =	smul.u32 $0x2C00, s10;
	s2 =	simm.s32 @!p0 $0x0  }
0x1f: {  	[dreg:$0x5] =	wrdreg s10;
	s12 =	simm.s32 $0x1;
	s25 =	smulhi.u32 $0x92492493, s2  }
0x20: {  	s24 =	simm.s32 $0x0;
	p1 =	por $0x0, $0x0;
	s18 =	simm.s32 $0x80  }
0x21: {  	s19 =	simm.s32 $0x400;
	s17 =	simm.s32 $0xC;
	s3 =	sshrl.u32 s25, $0x6  }
0x22: {  	s21 =	simm.s32 $0x0;
	s23 =	simm.s32 $0x0;
	s28 =	smul.u32 $0x70, s3  }
.Ltmp1:
0x23: {  	[tilespmem:s5+$0x0] =	vst v0;
	v0 =	vimm.s32 $0xFFFFFFFF;
	[sflag:s26] =	ssyncpa.u1 $0x0;
	s16 =	sshll.u32 s11, $0x9;
	(pc) =	sbr.rel .LBB2_3-.Ltmp1, $4  }
0x24: {  	[tilespmem:$0xE408] =	vst v0;
	[sflag:s9] =	ssyncpa.u1 $0x0;
	p0 =	sne.s32 s2, s28;
	s2 =	simm.s32 $0x1  }
0x25: {  	s14 =	sadd.s32 s31, s4;
	[sflag:s29] =	ssyncpa.u1 $0x0;
	s2 =	simm.s32 @!p0 $0x0  }
0x26: {  	s15 =	sadd.s32 s31, s0;
	[sflag:s30] =	ssyncpa.u1 $0x0;
	s13 =	sadd.s32 s2, s3  }
0x27: {  	v0 =	vlaneseq.u32;
	s22 =	smov.u32 s20;
	p0 =	por $0x1, $0x1;
	s11 =	sadd.s32 $0x1, s13  }
.LBB2_24:
0x28: {  	s2 =	sshrl.u32 s4, $0x2  }
.LBB2_26:
0x29: {  	_ =	swait.ge [sflag:s17], s2  }
0x2a: {  	s31 =	ssub.s32 $0x0, s2;
	v1 =	vmov s26;
	vm0 =	veq.s32 v0, $0x0;
	[sflag:s17] =	ssyncset.done $0x0  }
0x2b: {  	vm15 =	veq.s32 v0, $0x2;
	v1 =	vsel vm0, s0, v1;
	[sflag:s17] =	ssyncadd.s32 s31  }
0x2c: {  	v1 =	vsel vm15, s24, v1;
	[sflag:s17] =	ssyncpa.u1 $0x1  }
0x2d: {  	[tilespmem:$0xE408] =	vst v1  }
.LBB2_27:
0x2e: {  	s0 =	sadd.s32 $0x70, s22  }
0x2f: {  	s2 =	smov.u32 s20;
	p2 =	slt.s32 s0, s8  }
0x30: {  	s2 =	smov.u32 @p2 s0;
	p2 =	sne.s32 s23, s11  }
.Ltmp2:
0x31: {  	_ = 	snop;
	(pc) =	sbr.rel @!p2 .LBB2_28-.Ltmp2, $4  }
0x32: {  	_ = 	snop  }
0x33: {  	s24 =	smov.u32 s21  }
0x34: {  	s31 =	sadd.s32 $0x1, s23;
	s21 =	smov.u32 s22;
	p0 =	por !p0, !p0  }
0x35: {  	p1 =	por !p1, !p1;
	s23 =	smov.u32 s31;
	s22 =	smov.u32 s2  }
.LBB2_3:
0x36: {  	p2 =	sge.u32 s23, s13  }
0x37: {  	s0 =	smulhi.u32 @!p2 $0xAAAAAAAB, s23  }
0x38: {  	s2 =	smov.u32 s22;
	p3 =	sgt.s32 @!p2 s22, $0x15F90  }
0x39: {  	s3 =	sshra.s32 @!p2 s22, $0x1F;
	p3 =	por !p3, p2;
	s0 =	sshrl.u32 @!p2 s0, $0x1  }
0x3a: {  	s3 =	sand.u32 @!p2 s3, s22;
	s2 =	simm.s32 @p3 $0x15F90;
	s0 =	smul.u32 @!p2 $0x3, s0  }
0x3b: {  	s2 =	ssub.s32 @!p2 s2, s3  }
0x3c: {  	s2 =	sadd.s32 @!p2 $0xFFFEA070, s2;
	s0 =	ssub.s32 @!p2 s23, s0  }
0x3d: {  	s3 =	sshll.u32 @!p2 s2, $0x2;
	p3 =	sgt.s32 @!p2 s2, $0x6F;
	s0 =	smul.u32 @!p2 $0x1C0, s0  }
0x3e: {  	s4 =	sand.u32 @!p2 $0x7, s22;
	s2 =	ssub.s32 @!p2 $0x1C0, s3;
	p3 =	por !p3, p2  }
0x3f: {  	s3 =	sshrl.u32 @!p2 s22, $0x3;
	s2 =	sshrl.u32 @!p2 s2, $0x2;
	s0 =	sshrl.u32 @!p2 s0, $0x2  }
0x40: {  	s3 =	sadd.s32 @!p2 s3, s14;
	s2 =	simm.s32 @!p3 $0x0;
	s0 =	sadd.s32 @!p2 $0x10448, s0  }
0x41: {  	[tilespmem:s0], [sflag:$0xA] =	stream.linear.gather @!p2 [hbm4b:s3+s4], s2, $0x38;
	[tilespmem:$0x1E678] =	vst v63  }
0x42: {  	s2 =	sadd.s32 $0xFFFFFFFF, s23  }
0x43: {  	p2 =	sge.u32 s2, s13  }
0x44: {  	p3 =	sgt.s32 @!p2 s21, $0x15F90  }
0x45: {  	s0 =	smov.u32 s21;
	s3 =	sshra.s32 @!p2 s21, $0x1F;
	p3 =	por !p3, p2  }
0x46: {  	s3 =	sand.u32 @!p2 s3, s21;
	s0 =	simm.s32 @p3 $0x15F90  }
0x47: {  	s0 =	ssub.s32 @!p2 s0, s3  }
0x48: {  	s0 =	sadd.s32 @!p2 $0xFFFEA070, s0  }
0x49: {  	s3 =	sshll.u32 @!p2 s0, $0x2  }
0x4a: {  	p3 =	sgt.s32 @!p2 s0, $0x6F;
	s0 =	ssub.s32 @!p2 $0x1C0, s3  }
0x4b: {  	p3 =	por !p3, p2;
	s0 =	sshrl.u32 @!p2 s0, $0x2  }
0x4c: {  	s4 =	simm.s32 @!p2 $0xA;
	s3 =	sand.u32 @!p2 $0x1, s2;
	s0 =	simm.s32 @!p3 $0x0  }
0x4d: {  	s3 =	smul.u32 @!p2 $0x1C0, s3;
	_ =	swait.ge @!p2 [sflag:s4], s0  }
0x4e: {  	s5 =	ssub.s32 @!p2 $0x0, s0;
	[sflag:s4] =	ssyncset.done @!p2 $0x0  }
0x4f: {  	s3 =	sshrl.u32 @!p2 s3, $0x2;
	[sflag:s4] =	ssyncadd.s32 @!p2 s5;
	s4 =	sshrl.u32 @!p2 s21, $0x3  }
0x50: {  	s3 =	sadd.s32 @!p2 $0x10598, s3;
	s5 =	sand.u32 @!p2 $0x7, s21;
	s4 =	sadd.s32 @!p2 s4, s15  }
0x51: {  	[tilespmem:s3], [sflag:$0xB] =	stream.linear.gather @!p2 [hbm4b:s4+s5], s0, $0x38;
	[tilespmem:$0x1E678] =	vst v63  }
0x52: {  	s0 =	ssub.s32 @!p2 $0x16000, s21  }
0x53: {  	p3 =	slt.s32 @!p2 s0, $0x1  }
0x54: {  	p3 =	por p2, p3  }
.Ltmp3:
0x55: {  	_ = 	snop;
	(pc) =	sbr.rel @p3 .LBB2_9-.Ltmp3, $1  }
0x56: {  	_ =	sdelay $0x3  }
0x57: {  	s3 =	smulhi.u32 $0xAAAAAAAB, s2;
	_ =	sdelay $0x1  }
0x58: {  	s3 =	sshrl.u32 s3, $0x1  }
0x59: {  	s3 =	smul.u32 $0x3, s3;
	_ =	sdelay $0x1  }
0x5a: {  	s30 =	ssub.s32 s2, s3  }
0x5b: {  	s4 =	simm.s32 $0x1;
	s2 =	smul.u32 $0x1C0, s30  }
.Ltmp4:
0x5c: {  	s4 =	simm.s32 @!p0 $0x0;
	(pc) =	sbr.rel .LBB2_6-.Ltmp4, $4  }
0x5d: {  	s31 =	smul.u32 $0x1C000, s4  }
0x5e: {  	p3 =	slt.s32 @!p2 s0, $0x70;
	s2 =	sshrl.u32 s2, $0x2  }
0x5f: {  	p2 =	por !p3, p2;
	s3 =	sshrl.u32 s31, $0x2;
	s5 =	sadd.s32 $0x10448, s2  }
0x60: {  	s0 =	simm.s32 @p2 $0x70;
	s4 =	sor.u32 $0x10678, s3;
	s2 =	simm.s32 $0x0;
	v1 =	vmov s5  }
.LBB2_5:
0x61: {  	p2 =	sge.s32 s2, s0  }
.Ltmp5:
0x62: {  	_ = 	snop;
	(pc) =	sbr.rel @p2 .LBB2_9-.Ltmp5, $2  }
0x63: {  	_ =	sdelay $0x2  }
0x64: {  	s4 =	sadd.s32 $0x1000, s4  }
.LBB2_6:
0x65: {  	p2 =	sle.s32 s0, s2  }
.Ltmp6:
0x66: {  	_ = 	snop;
	(pc) =	sbr.rel @p2 .LBB2_5-.Ltmp6, $2  }
0x67: {  	_ =	sdelay $0x2  }
0x68: {  	s5 =	smov.u32 s2;
	s2 =	sadd.s32 $0x10, s2  }
0x69: {  	s3 =	ssub.s32 s0, s5  }
0x6a: {  	p2 =	slt.s32 s3, $0x10  }
0x6b: {  	s3 =	simm.s32 @!p2 $0x10  }
0x6c: {  	v2 =	vmov s3  }
0x6d: {  	vm0 =	vgt.s32 v2, v0;
	_ =	sdelay $0x5  }
0x6e: {  	v2 =	vld.idx.msk [tilespmem:v1+s5+$0x0 ss:$0x1], vm0;
	_ =	sdelay $0x2  }
0x6f: {  	p2 =	slt.s32 s2, s0;
	s3 =	smov.u32 s0  }
0x70: {  	s9 =	smov.u32 s4;
	s25 =	simm.s32 $0x0;
	s3 =	smov.u32 @p2 s2  }
.LBB2_8:
0x71: {  	(v2sf) =	vpush v2, s25;
	_ =	sdelay $0xe  }
0x72: {  	s25 =	sadd.s32 $0x1, s25;
	s10 =	spop (v2sf)  }
0x73: {  	s31 =	sadd.s32 s25, s5;
	s26 =	sshll.u32 s10, $0x8;
	s10 =	sshll.u32 s10, $0x7  }
0x74: {  	p2 =	slt.s32 s31, s3;
	s26 =	sand.u32 $0xFFFFF800, s26;
	s10 =	sand.u32 $0x380, s10  }
.Ltmp7:
0x75: {  	s10 =	sor.u32 s10, s26;
	(pc) =	sbr.rel @p2 .LBB2_8-.Ltmp7, $4  }
0x76: {  	s10 =	sshrl.u32 s10, $0x3  }
0x77: {  	s10 =	sadd.s32 s6, s10  }
0x78: {  	[tilespmem:s9], [sflag:$0x9] =	stream.strided.gather [hbm4b:s10+s18], $0x100, s19, s18, $0x38;
	[tilespmem:$0x1E678] =	vst v63  }
0x79: {  	s9 =	sadd.s32 $0x100, s9  }
.Ltmp8:
0x7a: {  	_ = 	snop;
	(pc) =	sbr.rel .LBB2_5-.Ltmp8, $1  }
0x7b: {  	_ =	sdelay $0x3  }
.LBB2_9:
0x7c: {  	p2 =	slt.u32 s23, $0x2  }
.Ltmp9:
0x7d: {  	_ = 	snop;
	(pc) =	sbr.rel @p2 .LBB2_27-.Ltmp9, $1  }
0x7e: {  	_ =	sdelay $0x3  }
0x7f: {  	p2 =	sgt.s32 s24, $0x15F90  }
0x80: {  	s0 =	smov.u32 s24;
	s2 =	sshra.s32 s24, $0x1F;
	s3 =	ssub.s32 $0x16000, s24  }
0x81: {  	s0 =	simm.s32 @!p2 $0x15F90;
	s2 =	sand.u32 s2, s24;
	p2 =	slt.s32 s3, $0x70  }
0x82: {  	s0 =	ssub.s32 s0, s2;
	s3 =	simm.s32 @!p2 $0x70  }
0x83: {  	s0 =	sadd.s32 $0xFFFEA070, s0;
	s9 =	sshll.u32 s3, $0x8  }
0x84: {  	s26 =	simm.s32 $0x9;
	s10 =	sshll.u32 s0, $0x2;
	s2 =	sand.u32 $0x3FFFFF00, s9  }
0x85: {  	p2 =	sgt.s32 s0, $0x6F;
	s25 =	ssub.s32 $0x1C0, s10;
	_ =	swait.ge [sflag:s26], s2  }
0x86: {  	s2 =	ssub.s32 $0x0, s2;
	[sflag:s26] =	ssyncset.done $0x0;
	s0 =	sshrl.u32 s25, $0x2  }
0x87: {  	s29 =	simm.s32 $0xB;
	[sflag:s26] =	ssyncadd.s32 s2;
	s0 =	simm.s32 @p2 $0x0  }
0x88: {  	_ =	swait.ge [sflag:s29], s0  }
0x89: {  	s0 =	ssub.s32 $0x0, s0;
	[sflag:s29] =	ssyncset.done $0x0  }
0x8a: {  	[sflag:s29] =	ssyncadd.s32 s0  }
0x8b: {  	v1 =	vld [tilespmem:$0xE408];
	_ =	sdelay $0x4  }
0x8c: {  	(v2sf) =	vpush v1, $0x0  }
0x8d: {  	(v2sf) =	vpush v1, $0x1  }
0x8e: {  	(v2sf) =	vpush v1, $0x2;
	_ =	sdelay $0x3  }
0x8f: {  	s0 =	sadd.s32 $0x70, s24  }
0x90: {  	s2 =	ssub.s32 $0x2C000, s24;
	p2 =	slt.s32 s8, s0  }
0x91: {  	s0 =	smov.u32 @p2 s8;
	p2 =	sgt.s32 s2, $0x0  }
0x92: {  	s0 =	ssub.s32 s0, s24;
	s2 =	simm.s32 @!p2 $0x0  }
0x93: {  	p2 =	slt.s32 s2, s0  }
0x94: {  	s0 =	smov.u32 @p2 s2  }
0x95: {  	s4 =	simm.s32 $0x1;
	p2 =	slt.s32 s0, $0x1  }
.Ltmp10:
0x96: {  	s4 =	simm.s32 @!p1 $0x0;
	(pc) =	sbr.rel @p2 .LBB2_14-.Ltmp10, $4  }
0x97: {  	s30 =	smul.u32 $0x1C0, s4  }
0x98: {  	s5 =	spop (v2sf)  }
0x99: {  	s31 =	sshrl.u32 s30, $0x2;
	s28 =	spop (v2sf)  }
0x9a: {  	s25 =	sadd.s32 $0x10598, s31;
	s24 =	spop (v2sf)  }
0x9b: {  	s2 =	smin.u32 s0, $0x10  }
0x9c: {  	v1 =	vmov s2  }
0x9d: {  	vm1 =	vgt.u32 v1, v0  }
0x9e: {  	p3 =	sgt.s32 s0, $0x10  }
.Ltmp11:
0x9f: {  	_ = 	snop;
	(pc) =	sbr.rel @!p3 .LBB2_13-.Ltmp11, $2  }
0xa0: {  	_ =	sdelay $0x2  }
0xa1: {  	s26 =	simm.s32 $0x10;
	s29 =	sadd.s32 $0xFFFFFFF0, s0;
	s2 =	smov.u32 s25;
	vm0 =	vmmov vm1;
	v1 =	vld.msk [tilespmem:s25+$0x0 ss:$0x1], vm1  }
.LBB2_12:
0xa2: {  	s3 =	smin.u32 s29, $0x10;
	s26 =	sadd.s32 $0x10, s26  }
0xa3: {  	v2 =	vmov s3;
	p3 =	slt.s32 s26, s0  }
0xa4: {  	vm1 =	vgt.u32 v2, v0;
	_ =	sdelay $0x1  }
0xa5: {  	v2 =	vshll.u32 v1, $0x5;
	v1 =	vshll.u32 v1, $0x4  }
.Ltmp12:
0xa6: {  	v2 =	vand.u32 $0xFFFFFF00, v2;
	v1 =	vand.u32 $0x70, v1;
	(pc) =	sbr.rel @p3 .LBB2_12-.Ltmp12, $4  }
0xa7: {  	v1 =	vor.u32 v1, v2  }
0xa8: {  	[tilespmem:s2+$0x0] =	vst.msk vm0, v1;
	s2 =	sadd.s32 $0x10, s2;
	vm0 =	vmmov vm1  }
0xa9: {  	v1 =	vld.msk [tilespmem:s2+$0x0 ss:$0x1], vm1  }
0xaa: {  	s29 =	sadd.s32 $0xFFFFFFF0, s29  }
.LBB2_13:
0xab: {  	_ =	sdelay $0x3  }
0xac: {  	v2 =	vshll.u32 v1, $0x5;
	v1 =	vshll.u32 v1, $0x4  }
0xad: {  	v2 =	vand.u32 $0xFFFFFF00, v2;
	v1 =	vand.u32 $0x70, v1  }
0xae: {  	v1 =	vor.u32 v1, v2  }
0xaf: {  	[tilespmem:s2+$0x0] =	vst.msk vm0, v1  }
.LBB2_14:
0xb0: {  	s2 =	sand.u32 $0x1, s23  }
0xb1: {  	s2 =	smul.u32 $0x70, s2  }
0xb2: {  	p3 =	sne.s32 s28, $0xFFFFFFFF  }
0xb3: {  	v1 =	vld.msk @!p3 [tilespmem:s2+$0x10598], $0x1;
	_ =	sdelay $0x4  }
0xb4: {  	(v2sf) =	vpush @!p3 v1, $0x0;
	_ =	sdelay $0xc  }
.Ltmp13:
0xb5: {  	_ = 	snop;
	(pc) =	sbr.rel @p2 .LBB2_25-.Ltmp13, $4  }
0xb6: {  	_ = 	snop  }
0xb7: {  	s31 =	spop @!p3 (v2sf)  }
0xb8: {  	s24 =	simm.s32 @!p3 $0x0;
	s26 =	smov.u32 s31  }
0xb9: {  	[sflag:s17] =	ssyncpa.u1 $0x0;
	s31 =	smov.u32 @p3 s5;
	s26 =	smov.u32 @p3 s28  }
0xba: {  	v1 =	vld.msk [tilespmem:s25+$0x0], $0x1;
	_ =	sdelay $0x4  }
0xbb: {  	(v2sf) =	vpush v1, $0x0;
	_ =	sdelay $0xe  }
0xbc: {  	s7 =	smov.u32 s11;
	s5 =	spop (v2sf)  }
0xbd: {  	s17 =	smov.u32 s15;
	s2 =	smul.u32 $0x1C000, s4;
	p2 =	seq.s32 s31, s5  }
0xbe: {  	s3 =	smov.u32 s31;
	s29 =	ssub.s32 $0x0, s0;
	p3 =	sgt.s32 @!p2 s31, $0x0  }
0xbf: {  	s30 =	simm.s32 $0x0;
	s2 =	sshrl.u32 s2, $0x2;
	p3 =	por !p3, p2  }
0xc0: {  	s0 =	sadd.s32 $0x1, s29;
	s28 =	sor.u32 $0x106F8, s2;
	s3 =	simm.s32 @p3 $0x0  }
0xc1: {  	s2 =	simm.s32 @!p2 $0x1;
	p3 =	seq.s32 s0, $0x0;
	s3 =	smin.u32 @!p2 s3, $0x4E170  }
.Ltmp14:
0xc2: {  	s4 =	simm.s32 @!p2 $0x7308;
	s9 =	sand.u32 @!p2 $0x7FFF8, s3;
	(pc) =	sbr.rel @p3 .LBB2_17-.Ltmp14, $4  }
0xc3: {  	s10 =	sadd.s32 @!p2 $0x80, s3;
	s11 =	sadd.s32 @!p2 s1, s9;
	s9 =	sand.u32 @!p2 $0x7, s3  }
0xc4: {  	[tilespmem:s4], [sflag:$0x2] =	stream.linear.gather @!p2 [hbm4b:s11+s9], $0x80, $0x38;
	[tilespmem:$0x1E678] =	vst v63  }
0xc5: {  	s15 =	smov.u32 s14;
	s2 =	smov.u32 @p2 s30;
	s4 =	sand.u32 @!p2 $0xFFFF8, s10  }
0xc6: {  	s3 =	simm.s32 @!p2 $0x7388;
	s10 =	sadd.s32 @!p2 s1, s4;
	s4 =	sadd.s32 $0x1, s25  }
.LBB2_16:
0xc7: {  	s11 =	smov.u32 s2  }
0xc8: {  	[tilespmem:s3], [sflag:$0x2] =	stream.linear.gather @!p2 [hbm4b:s10+s9], $0x80, $0x38;
	[tilespmem:$0x1E678] =	vst v63  }
0xc9: {  	s0 =	sadd.s32 $0x1, s0;
	s9 =	smov.u32 s5;
	v1 =	vld.msk [tilespmem:s4+$0x0], $0x1  }
0xca: {  	p3 =	seq.s32 s0, $0x0;
	_ =	sdelay $0x3  }
0xcb: {  	(v2sf) =	vpush v1, $0x0;
	_ =	sdelay $0xe  }
0xcc: {  	s5 =	spop (v2sf)  }
0xcd: {  	p2 =	seq.s32 s9, s5  }
0xce: {  	p4 =	sgt.s32 @!p2 s9, $0x0;
	s3 =	sshll.u32 @!p2 s2, $0xA;
	s2 =	sadd.s32 @!p2 $0x1, s2  }
0xcf: {  	p4 =	por !p4, p2;
	s3 =	sshra.s32 @!p2 s3, $0x2;
	s2 =	smov.u32 @p2 s11  }
0xd0: {  	s9 =	simm.s32 @p4 $0x0;
	s10 =	sadd.s32 @!p2 $0x7308, s3;
	s3 =	sadd.s32 @!p2 $0x7388, s3  }
.Ltmp15:
0xd1: {  	s9 =	smin.u32 @!p2 s9, $0x4E170;
	(pc) =	sbr.rel @!p3 .LBB2_16-.Ltmp15, $4  }
0xd2: {  	s11 =	sand.u32 @!p2 $0x7FFF8, s9;
	s14 =	sadd.s32 @!p2 $0x80, s9  }
0xd3: {  	s9 =	sand.u32 @!p2 $0x7, s9;
	s11 =	sadd.s32 @!p2 s1, s11;
	s14 =	sand.u32 @!p2 $0xFFFF8, s14  }
0xd4: {  	[tilespmem:s10], [sflag:$0x2] =	stream.linear.gather @!p2 [hbm4b:s11+s9], $0x80, $0x38;
	[tilespmem:$0x1E678] =	vst v63  }
0xd5: {  	s4 =	sadd.s32 $0x1, s4;
	s10 =	sadd.s32 @!p2 s1, s14  }
.LBB2_17:
0xd6: {  	[tilespmem:s3], [sflag:$0x2] =	stream.linear.gather @!p2 [hbm4b:s10+s9], $0x80, $0x38;
	[tilespmem:$0x1E678] =	vst v63  }
0xd7: {  	s0 =	sshll.u32 s2, $0x8  }
.Ltmp16:
0xd8: {  	s14 =	simm.s32 $0x2;
	s0 =	sand.u32 $0x3FFFFF00, s0;
	(pc) =	sbr.rel .LBB2_18-.Ltmp16, $4  }
0xd9: {  	_ =	swait.ge [sflag:s14], s0  }
0xda: {  	s0 =	ssub.s32 $0x0, s0;
	[sflag:s14] =	ssyncset.done $0x0  }
0xdb: {  	s4 =	simm.s32 $0x0;
	s11 =	smov.u32 s7;
	[sflag:s14] =	ssyncadd.s32 s0  }
0xdc: {  	s14 =	smov.u32 s15;
	s15 =	smov.u32 s17;
	s17 =	simm.s32 $0xC  }
.LBB2_19:
0xdd: {  	v1 =	vld [tilespmem:s28+$0xFFFFFF80];
	_ =	sdelay $0x4  }
0xde: {  	[tilespmem:s5+$0x208] =	vst.add.f32.msk $0xffff, v1  }
0xdf: {  	v1 =	vld [tilespmem:s28+$0xFFFFFF90];
	_ =	sdelay $0x4  }
0xe0: {  	[tilespmem:s5+$0x218] =	vst.add.f32.msk $0xffff, v1  }
0xe1: {  	v1 =	vld [tilespmem:s28+$0xFFFFFFA0];
	_ =	sdelay $0x4  }
0xe2: {  	[tilespmem:s5+$0x228] =	vst.add.f32.msk $0xffff, v1  }
0xe3: {  	v1 =	vld [tilespmem:s28+$0xFFFFFFB0];
	_ =	sdelay $0x4  }
0xe4: {  	[tilespmem:s5+$0x238] =	vst.add.f32.msk $0xffff, v1  }
0xe5: {  	v1 =	vld [tilespmem:s28+$0xFFFFFFC0];
	_ =	sdelay $0x4  }
0xe6: {  	[tilespmem:s5+$0x248] =	vst.add.f32.msk $0xffff, v1  }
0xe7: {  	v1 =	vld [tilespmem:s28+$0xFFFFFFD0];
	_ =	sdelay $0x4  }
0xe8: {  	[tilespmem:s5+$0x258] =	vst.add.f32.msk $0xffff, v1  }
0xe9: {  	v1 =	vld [tilespmem:s28+$0xFFFFFFE0];
	_ =	sdelay $0x4  }
0xea: {  	[tilespmem:s5+$0x268] =	vst.add.f32.msk $0xffff, v1  }
0xeb: {  	v1 =	vld [tilespmem:s28+$0xFFFFFFF0];
	_ =	sdelay $0x4  }
0xec: {  	[tilespmem:s5+$0x278] =	vst.add.f32.msk $0xffff, v1  }
0xed: {  	v1 =	vld [tilespmem:s28+$0x0];
	_ =	sdelay $0x4  }
0xee: {  	[tilespmem:s5+$0x288] =	vst.add.f32.msk $0xffff, v1  }
0xef: {  	v1 =	vld [tilespmem:s28+$0x10];
	_ =	sdelay $0x4  }
0xf0: {  	[tilespmem:s5+$0x298] =	vst.add.f32.msk $0xffff, v1  }
0xf1: {  	v1 =	vld [tilespmem:s28+$0x20];
	_ =	sdelay $0x4  }
0xf2: {  	[tilespmem:s5+$0x2A8] =	vst.add.f32.msk $0xffff, v1  }
0xf3: {  	v1 =	vld [tilespmem:s28+$0x30];
	_ =	sdelay $0x4  }
0xf4: {  	[tilespmem:s5+$0x2B8] =	vst.add.f32.msk $0xffff, v1  }
0xf5: {  	v1 =	vld [tilespmem:s28+$0x40];
	_ =	sdelay $0x4  }
0xf6: {  	[tilespmem:s5+$0x2C8] =	vst.add.f32.msk $0xffff, v1  }
0xf7: {  	v1 =	vld [tilespmem:s28+$0x50];
	_ =	sdelay $0x4  }
0xf8: {  	[tilespmem:s5+$0x2D8] =	vst.add.f32.msk $0xffff, v1  }
0xf9: {  	v1 =	vld [tilespmem:s28+$0x60];
	_ =	sdelay $0x4  }
0xfa: {  	[tilespmem:s5+$0x2E8] =	vst.add.f32.msk $0xffff, v1  }
0xfb: {  	v1 =	vld [tilespmem:s28+$0x70];
	_ =	sdelay $0x4  }
0xfc: {  	[tilespmem:s5+$0x2F8] =	vst.add.f32.msk $0xffff, v1  }
.LBB2_23:
0xfd: {  	s29 =	sadd.s32 $0x1, s29  }
0xfe: {  	p2 =	seq.s32 s29, $0x0  }
.Ltmp17:
0xff: {  	_ = 	snop;
	(pc) =	sbr.rel @p2 .LBB2_24-.Ltmp17, $2  }
0x100: {  	_ =	sdelay $0x2  }
0x101: {  	s25 =	sadd.s32 $0x1, s25;
	s28 =	sadd.s32 $0x100, s28;
	s31 =	smov.u32 s0  }
.LBB2_18:
0x102: {  	v1 =	vld.msk [tilespmem:s25+$0x0], $0x1;
	_ =	sdelay $0x4  }
0x103: {  	(v2sf) =	vpush v1, $0x0;
	_ =	sdelay $0xe  }
0x104: {  	s0 =	spop (v2sf)  }
0x105: {  	p2 =	sne.s32 s31, s0  }
.Ltmp18:
0x106: {  	_ = 	snop;
	(pc) =	sbr.rel @!p2 .LBB2_19-.Ltmp18, $3  }
0x107: {  	_ =	sdelay $0x1  }
0x108: {  	s2 =	sshll.u32 s24, $0xA  }
0x109: {  	s5 =	sshra.s32 s2, $0x2  }
0x10a: {  	p2 =	seq.s32 s31, s26  }
.Ltmp19:
0x10b: {  	_ = 	snop;
	(pc) =	sbr.rel @!p2 .LBB2_21-.Ltmp19, $1  }
0x10c: {  	_ =	sdelay $0x3  }
.Ltmp20:
0x10d: {  	s2 =	sadd.s32 $0x208, s5;
	(pc) =	sbr.rel .LBB2_22-.Ltmp20, $4  }
0x10e: {  	[spmem:s16] =	stream.linear.scatter [tilespmem:s2], [sflag:$0x1], $0x100, $0x38;
	[tilespmem:$0x1E678] =	vst v63  }
0x10f: {  	_ =	swait.ge [sflag:s12], $0x100  }
0x110: {  	[sflag:s12] =	ssyncset.done $0x0  }
0x111: {  	[sflag:s12] =	ssyncadd.s32 $0xFFFFFF00  }
.LBB2_21:
0x112: {  	s2 =	sshll.u32 s30, $0xA  }
0x113: {  	s2 =	sshra.s32 s2, $0x2  }
0x114: {  	v1 =	vld [tilespmem:s2+$0x7308];
	_ =	sdelay $0x4  }
0x115: {  	[tilespmem:s5+$0x208] =	vst.add.f32.msk $0xffff, v1  }
0x116: {  	v1 =	vld [tilespmem:s2+$0x7318];
	_ =	sdelay $0x4  }
0x117: {  	[tilespmem:s5+$0x218] =	vst.add.f32.msk $0xffff, v1  }
0x118: {  	v1 =	vld [tilespmem:s2+$0x7328];
	_ =	sdelay $0x4  }
0x119: {  	[tilespmem:s5+$0x228] =	vst.add.f32.msk $0xffff, v1  }
0x11a: {  	v1 =	vld [tilespmem:s2+$0x7338];
	_ =	sdelay $0x4  }
0x11b: {  	[tilespmem:s5+$0x238] =	vst.add.f32.msk $0xffff, v1  }
0x11c: {  	v1 =	vld [tilespmem:s2+$0x7348];
	_ =	sdelay $0x4  }
0x11d: {  	[tilespmem:s5+$0x248] =	vst.add.f32.msk $0xffff, v1  }
0x11e: {  	v1 =	vld [tilespmem:s2+$0x7358];
	_ =	sdelay $0x4  }
0x11f: {  	[tilespmem:s5+$0x258] =	vst.add.f32.msk $0xffff, v1  }
0x120: {  	v1 =	vld [tilespmem:s2+$0x7368];
	_ =	sdelay $0x4  }
0x121: {  	[tilespmem:s5+$0x268] =	vst.add.f32.msk $0xffff, v1  }
0x122: {  	v1 =	vld [tilespmem:s2+$0x7378];
	_ =	sdelay $0x4  }
0x123: {  	[tilespmem:s5+$0x278] =	vst.add.f32.msk $0xffff, v1  }
0x124: {  	v1 =	vld [tilespmem:s2+$0x7388];
	_ =	sdelay $0x4  }
0x125: {  	[tilespmem:s5+$0x288] =	vst.add.f32.msk $0xffff, v1  }
0x126: {  	v1 =	vld [tilespmem:s2+$0x7398];
	_ =	sdelay $0x4  }
0x127: {  	[tilespmem:s5+$0x298] =	vst.add.f32.msk $0xffff, v1  }
0x128: {  	v1 =	vld [tilespmem:s2+$0x73A8];
	_ =	sdelay $0x4  }
0x129: {  	[tilespmem:s5+$0x2A8] =	vst.add.f32.msk $0xffff, v1  }
0x12a: {  	v1 =	vld [tilespmem:s2+$0x73B8];
	_ =	sdelay $0x4  }
0x12b: {  	[tilespmem:s5+$0x2B8] =	vst.add.f32.msk $0xffff, v1  }
0x12c: {  	v1 =	vld [tilespmem:s2+$0x73C8];
	_ =	sdelay $0x4  }
0x12d: {  	[tilespmem:s5+$0x2C8] =	vst.add.f32.msk $0xffff, v1  }
0x12e: {  	v1 =	vld [tilespmem:s2+$0x73D8];
	_ =	sdelay $0x4  }
0x12f: {  	[tilespmem:s5+$0x2D8] =	vst.add.f32.msk $0xffff, v1  }
0x130: {  	v1 =	vld [tilespmem:s2+$0x73E8];
	_ =	sdelay $0x4  }
0x131: {  	[tilespmem:s5+$0x2E8] =	vst.add.f32.msk $0xffff, v1  }
0x132: {  	v1 =	vld [tilespmem:s2+$0x73F8];
	_ =	sdelay $0x2  }
0x133: {  	p2 =	sgt.u32 s31, $0x4E170  }
0x134: {  	s2 =	sand.u32 @!p2 $0x7FFF8, s31  }
0x135: {  	s3 =	sadd.s32 $0x208, s5;
	s9 =	sand.u32 @!p2 $0x7, s31;
	s2 =	sadd.s32 @!p2 s1, s2;
	[tilespmem:s5+$0x2F8] =	vst.add.f32.msk $0xffff, v1  }
0x136: {  	[hbm4b:s2+s9] =	stream.linear.scatter @!p2 [tilespmem:s3], [sflag:$0xC], $0x80, $0x38;
	[tilespmem:$0x1E678] =	vst v63  }
0x137: {  	s2 =	sadd.s32 @!p2 $0x80, s31  }
0x138: {  	s2 =	sand.u32 @!p2 $0xFFFF8, s2  }
0x139: {  	s3 =	sadd.s32 $0x288, s5;
	s2 =	sadd.s32 @!p2 s1, s2  }
0x13a: {  	[hbm4b:s2+s9] =	stream.linear.scatter @!p2 [tilespmem:s3], [sflag:$0xC], $0x80, $0x38;
	[tilespmem:$0x1E678] =	vst v63  }
0x13b: {  	s2 =	simm.s32 $0x0  }
0x13c: {  	s2 =	simm.s32 @!p2 $0x400  }
0x13d: {  	s4 =	sadd.s32 s2, s4  }
.LBB2_22:
0x13e: {  	s2 =	sadd.s32 $0x1, s24  }
0x13f: {  	s3 =	sshrl.u32 s2, $0x4  }
0x140: {  	s3 =	smulhi.u32 $0x24924925, s3  }
0x141: {  	v1 =	vld [tilespmem:s28+$0xFFFFFF80]  }
0x142: {  	s3 =	smul.u32 $0x70, s3;
	_ =	sdelay $0x1  }
0x143: {  	s24 =	ssub.s32 s2, s3  }
0x144: {  	s2 =	sshll.u32 s24, $0x8  }
0x145: {  	[tilespmem:s2+$0x208] =	vst v1  }
0x146: {  	v1 =	vld [tilespmem:s28+$0xFFFFFF90];
	_ =	sdelay $0x4  }
0x147: {  	[tilespmem:s2+$0x218] =	vst v1  }
0x148: {  	v1 =	vld [tilespmem:s28+$0xFFFFFFA0];
	_ =	sdelay $0x4  }
0x149: {  	[tilespmem:s2+$0x228] =	vst v1  }
0x14a: {  	v1 =	vld [tilespmem:s28+$0xFFFFFFB0];
	_ =	sdelay $0x4  }
0x14b: {  	[tilespmem:s2+$0x238] =	vst v1  }
0x14c: {  	v1 =	vld [tilespmem:s28+$0xFFFFFFC0];
	_ =	sdelay $0x4  }
0x14d: {  	[tilespmem:s2+$0x248] =	vst v1  }
0x14e: {  	v1 =	vld [tilespmem:s28+$0xFFFFFFD0];
	_ =	sdelay $0x4  }
0x14f: {  	[tilespmem:s2+$0x258] =	vst v1  }
0x150: {  	v1 =	vld [tilespmem:s28+$0xFFFFFFE0];
	_ =	sdelay $0x4  }
0x151: {  	[tilespmem:s2+$0x268] =	vst v1  }
0x152: {  	v1 =	vld [tilespmem:s28+$0xFFFFFFF0];
	_ =	sdelay $0x4  }
0x153: {  	[tilespmem:s2+$0x278] =	vst v1  }
0x154: {  	v1 =	vld [tilespmem:s28+$0x0];
	_ =	sdelay $0x4  }
0x155: {  	[tilespmem:s2+$0x288] =	vst v1  }
0x156: {  	v1 =	vld [tilespmem:s28+$0x10];
	_ =	sdelay $0x4  }
0x157: {  	[tilespmem:s2+$0x298] =	vst v1  }
0x158: {  	v1 =	vld [tilespmem:s28+$0x20];
	_ =	sdelay $0x4  }
0x159: {  	[tilespmem:s2+$0x2A8] =	vst v1  }
0x15a: {  	v1 =	vld [tilespmem:s28+$0x30];
	_ =	sdelay $0x4  }
0x15b: {  	[tilespmem:s2+$0x2B8] =	vst v1  }
0x15c: {  	v1 =	vld [tilespmem:s28+$0x40];
	_ =	sdelay $0x4  }
0x15d: {  	[tilespmem:s2+$0x2C8] =	vst v1  }
0x15e: {  	v1 =	vld [tilespmem:s28+$0x50];
	_ =	sdelay $0x4  }
0x15f: {  	[tilespmem:s2+$0x2D8] =	vst v1  }
0x160: {  	v1 =	vld [tilespmem:s28+$0x60];
	_ =	sdelay $0x4  }
0x161: {  	[tilespmem:s2+$0x2E8] =	vst v1  }
0x162: {  	v1 =	vld [tilespmem:s28+$0x70]  }
.Ltmp21:
0x163: {  	_ = 	snop;
	(pc) =	sbr.rel .LBB2_23-.Ltmp21, $2  }
0x164: {  	_ =	sdelay $0x2  }
0x165: {  	s30 =	sadd.s32 $0x1, s30;
	[tilespmem:s2+$0x2F8] =	vst v1  }
.LBB2_25:
.Ltmp22:
0x166: {  	(pc) =	sbr.rel .LBB2_26-.Ltmp22, $4  }
0x167: {  	_ = 	snop  }
0x168: {  	s0 =	simm.s32 $0x2  }
0x169: {  	_ =	swait.ge [sflag:s0], $0x0  }
0x16a: {  	s2 =	simm.s32 $0x0;
	[sflag:s0] =	ssyncset.done $0x0;
	s0 =	smov.u32 s31  }
.LBB2_28:
0x16b: {  	_ =	sfence.sel $0x180000  }
0x16c: {  	s0 =	simm.s32 $0x9;
	[bflag:$0x0] =	sbarrier.arrive $0xFFFF  }
0x16d: {  	s24 =	simm.s32 $0xA;
	[sflag:s0] =	ssyncpa.u1 $0x1  }
0x16e: {  	s25 =	simm.s32 $0xB;
	[sflag:s24] =	ssyncpa.u1 $0x1  }
0x16f: {  	s26 =	simm.s32 $0x2;
	[sflag:s25] =	ssyncpa.u1 $0x1  }
0x170: {  	[sflag:s26] =	ssyncpa.u1 $0x1  }
0x171: {  	v0 =	vld [tilespmem:$0xE408];
	_ =	sdelay $0x4  }
0x172: {  	(v2sf) =	vpush v0, $0x0  }
0x173: {  	(v2sf) =	vpush v0, $0x1;
	_ =	sdelay $0x1  }
0x174: {  	(v2sf) =	vpush v0, $0x2;
	_ =	sdelay $0xb  }
0x175: {  	s0 =	spop (v2sf)  }
0x176: {  	s2 =	spop (v2sf)  }
0x177: {  	s3 =	smov.u32 s0;
	p0 =	sne.s32 s0, s2  }
0x178: {  	s4 =	spop (v2sf);
	s3 =	simm.s32 @!p0 $0xFFFFFFFF  }
0x179: {  	v2 =	vimm.s32 $0x1;
	v3 =	vlaneseq.u32;
	p0 =	seq.s32 s4, $0xFFFFFFFF;
	v1 =	vmov s3  }
0x17a: {  	s15 =	stileid.u32;
	v0 =	vperm.xlane v0, v2;
	p1 =	sne.s32 @!p0 s0, s2;
	v1 =	vperm.xlane v1, v3  }
0x17b: {  	vm0 =	vcmask $0x3F04;
	s6 =	simm.s32 $0xE408;
	s0 =	simm.s32 @!p0 $0x1;
	p1 =	por !p1, p0  }
0x17c: {  	s3 =	sshll.u32 s15, $0x1;
	s2 =	sshll.u32 @!p0 s4, $0xA;
	s0 =	simm.s32 @p1 $0x0;
	v0 =	vsel vm0, v1, v0  }
0x17d: {  	s5 =	sor.u32 $0x2000, s3;
	s2 =	sshra.s32 @!p0 s2, $0x2;
	s0 =	sor.u32 @!p0 s0, s3;
	[tilespmem:$0xE408] =	vst v0  }
0x17e: {  	[spmem:s5] =	stream.linear.scatter [tilespmem:s6], [sflag:$0x1], $0x2, $0x38;
	[tilespmem:$0x1E678] =	vst v63  }
0x17f: {  	s2 =	sadd.s32 @!p0 $0x208, s2;
	s0 =	sshll.u32 @!p0 s0, $0x8  }
0x180: {  	[spmem:s0] =	stream.linear.scatter @!p0 [tilespmem:s2], [sflag:$0x1], $0x100, $0x38;
	[tilespmem:$0x1E678] =	vst v63  }
0x181: {  	s0 =	simm.s32 @!p0 $0x102  }
0x182: {  	s28 =	simm.s32 $0x1;
	s0 =	simm.s32 @p0 $0x2  }
0x183: {  	_ =	swait.ge [sflag:s28], s0  }
0x184: {  	s0 =	ssub.s32 $0x0, s0;
	[sflag:s28] =	ssyncset.done $0x0  }
0x185: {  	p0 =	sne.s32 s15, $0x0;
	[sflag:s28] =	ssyncadd.s32 s0  }
.Ltmp23:
0x186: {  	_ =	sfence.stream.spmem;
	(pc) =	sbr.rel @p0 .LBB2_45-.Ltmp23, $4  }
0x187: {  	s29 =	simm.s32 $0x3;
	[bflag:$0x0] =	sbarrier.arrive $0xFFFF  }
0x188: {  	s30 =	simm.s32 $0x4;
	[sflag:s29] =	ssyncpa.u1 $0x1  }
0x189: {  	s31 =	simm.s32 $0x3C;
	[sflag:s30] =	ssyncpa.u1 $0x1  }
0x18a: {  	s14 =	rddreg [dreg:$0x5];
	[sflag:s31] =	ssyncpa.u1 $0x1  }
0x18b: {  	_ =	sfence.stream.spmem;
	s0 =	simm.s32 $0x5  }
0x18c: {  	s2 =	simm.s32 $0x2000;
	s3 =	simm.s32 $0xE418;
	[sflag:s0] =	ssyncpa.u1 $0x0  }
0x18d: {  	[tilespmem:s3], [sflag:$0x5] =	stream.linear.gather [spmem:s2], $0x20, $0x38;
	[tilespmem:$0x1E678] =	vst v63  }
0x18e: {  	s26 =	simm.s32 $0x0;
	s28 =	simm.s32 $0xE438  }
0x18f: {  	[tilespmem:s28], [sflag:$0x5] =	stream.linear.gather [spmem:s26], $0x2000, $0x38;
	[tilespmem:$0x1E678] =	vst v63  }
0x190: {  	_ =	swait.ge [sflag:s0], $0x2020  }
0x191: {  	[sflag:s0] =	ssyncset.done $0x0  }
0x192: {  	s29 =	simm.s32 $0x0;
	[sflag:s0] =	ssyncadd.s32 $0xFFFFDFE0  }
0x193: {  	v0 =	vld.msk [tilespmem:s29+$0xE418], $0x1;
	_ =	sdelay $0x1  }
0x194: {  	s30 =	simm.s32 $0x1  }
0x195: {  	v1 =	vld.msk [tilespmem:s30+$0xE418], $0x1;
	_ =	sdelay $0x1  }
0x196: {  	(v2sf) =	vpush v0, $0x0;
	_ =	sdelay $0x2  }
0x197: {  	(v2sf) =	vpush v1, $0x0;
	_ =	sdelay $0x2  }
0x198: {  	s31 =	simm.s32 $0x2  }
0x199: {  	v0 =	vld.msk [tilespmem:s31+$0xE418], $0x1;
	_ =	sdelay $0x2  }
0x19a: {  	s2 =	simm.s32 $0xFFFFFFFF;
	s3 =	simm.s32 $0xFFFFFFFF;
	s0 =	simm.s32 $0xC  }
.LBB2_30:
0x19b: {  	s4 =	smov.u32 s3;
	s5 =	smov.u32 s2  }
0x19c: {  	s2 =	sshra.s32 s0, $0x2;
	p1 =	sne.s32 s0, $0x7C;
	s0 =	sadd.s32 $0x4, s0;
	(v2sf) =	vpush v0, $0x0  }
0x19d: {  	v0 =	vld.msk [tilespmem:s2+$0xE418], $0x1  }
.Ltmp24:
0x19e: {  	(pc) =	sbr.rel @p1 .LBB2_30-.Ltmp24, $4  }
0x19f: {  	s3 =	spop (v2sf)  }
0x1a0: {  	p2 =	sne.s32 s5, $0xFFFFFFFF;
	s2 =	smov.u32 s3  }
0x1a1: {  	p3 =	seq.s32 s3, $0xFFFFFFFF;
	s2 =	smov.u32 @p2 s5  }
0x1a2: {  	s3 =	smov.u32 @p3 s4;
	s2 =	smov.u32 @p3 s5  }
0x1a3: {  	(v2sf) =	vpush v0, $0x0;
	_ =	sdelay $0x8  }
0x1a4: {  	s0 =	spop (v2sf)  }
0x1a5: {  	p1 =	sne.s32 s2, $0xFFFFFFFF;
	s9 =	simm.s32 $0x6;
	s4 =	smov.u32 s0  }
0x1a6: {  	s6 =	simm.s32 $0x0;
	p2 =	seq.s32 s0, $0xFFFFFFFF;
	s4 =	smov.u32 @p1 s2  }
0x1a7: {  	s10 =	simm.s32 $0xE308;
	s4 =	smov.u32 @p2 s2;
	s2 =	spop (v2sf)  }
0x1a8: {  	s0 =	smov.u32 @p2 s3;
	p1 =	sne.s32 s4, $0xFFFFFFFF;
	s5 =	smov.u32 s2  }
.Ltmp25:
0x1a9: {  	p2 =	seq.s32 s2, $0xFFFFFFFF;
	s5 =	smov.u32 @p1 s4;
	(pc) =	sbr.rel .LBB2_32-.Ltmp25, $4  }
0x1aa: {  	s11 =	simm.s32 $0xE388;
	s5 =	smov.u32 @p2 s4;
	s7 =	spop (v2sf)  }
0x1ab: {  	s12 =	simm.s32 $0x0;
	p1 =	sne.s32 s5, $0xFFFFFFFF;
	s8 =	smov.u32 s7  }
0x1ac: {  	s2 =	smov.u32 @p2 s0;
	p2 =	seq.s32 s7, $0xFFFFFFFF;
	s8 =	smov.u32 @p1 s5  }
0x1ad: {  	[sflag:s9] =	ssyncpa.u1 $0x0;
	s7 =	smov.u32 @p2 s2;
	s8 =	smov.u32 @p2 s5  }
.LBB2_38:
0x1ae: {  	p1 =	sgt.u32 s0, $0x4E170  }
0x1af: {  	p2 =	seq.s32 @!p1 s0, s8  }
0x1b0: {  	p1 =	por p1, p2  }
0x1b1: {  	p2 =	sne.s32 @!p1 s0, s7  }
0x1b2: {  	p1 =	por p1, !p2  }
0x1b3: {  	s0 =	sshll.u32 @p1 s12, $0xA  }
0x1b4: {  	s2 =	sand.u32 @!p1 $0x7FFF8, s0;
	s3 =	sand.u32 @!p1 $0x7, s0;
	s0 =	sadd.s32 @!p1 $0x80, s0  }
0x1b5: {  	s2 =	sadd.s32 @!p1 s1, s2;
	s0 =	sand.u32 @!p1 $0xFFFF8, s0  }
0x1b6: {  	[tilespmem:s10], [sflag:$0x6] =	stream.linear.gather @!p1 [hbm4b:s2+s3], $0x80, $0x38;
	[tilespmem:$0x1E678] =	vst v63  }
0x1b7: {  	s0 =	sadd.s32 @!p1 s1, s0  }
0x1b8: {  	[tilespmem:s11], [sflag:$0x6] =	stream.linear.gather @!p1 [hbm4b:s0+s3], $0x80, $0x38;
	[tilespmem:$0x1E678] =	vst v63  }
0x1b9: {  	_ =	swait.ge @!p1 [sflag:s9], $0x100  }
0x1ba: {  	[sflag:s9] =	ssyncset.done @!p1 $0x0  }
0x1bb: {  	[sflag:s9] =	ssyncadd.s32 @!p1 $0xFFFFFF00  }
0x1bc: {  	v1 =	vld @!p1 [tilespmem:$0xE308];
	_ =	sdelay $0x2  }
0x1bd: {  	s0 =	sshll.u32 @!p1 s12, $0xA  }
0x1be: {  	s2 =	sshrl.u32 @!p1 s0, $0x2  }
0x1bf: {  	[tilespmem:s2+$0xE438] =	vst.add.f32.msk @!p1 $0xffff, v1  }
0x1c0: {  	v1 =	vld @!p1 [tilespmem:$0xE318];
	_ =	sdelay $0x4  }
0x1c1: {  	[tilespmem:s2+$0xE448] =	vst.add.f32.msk @!p1 $0xffff, v1  }
0x1c2: {  	v1 =	vld @!p1 [tilespmem:$0xE328];
	_ =	sdelay $0x4  }
0x1c3: {  	[tilespmem:s2+$0xE458] =	vst.add.f32.msk @!p1 $0xffff, v1  }
0x1c4: {  	v1 =	vld @!p1 [tilespmem:$0xE338];
	_ =	sdelay $0x4  }
0x1c5: {  	[tilespmem:s2+$0xE468] =	vst.add.f32.msk @!p1 $0xffff, v1  }
0x1c6: {  	v1 =	vld @!p1 [tilespmem:$0xE348];
	_ =	sdelay $0x4  }
0x1c7: {  	[tilespmem:s2+$0xE478] =	vst.add.f32.msk @!p1 $0xffff, v1  }
0x1c8: {  	v1 =	vld @!p1 [tilespmem:$0xE358];
	_ =	sdelay $0x4  }
0x1c9: {  	[tilespmem:s2+$0xE488] =	vst.add.f32.msk @!p1 $0xffff, v1  }
0x1ca: {  	v1 =	vld @!p1 [tilespmem:$0xE368];
	_ =	sdelay $0x4  }
0x1cb: {  	[tilespmem:s2+$0xE498] =	vst.add.f32.msk @!p1 $0xffff, v1  }
0x1cc: {  	v1 =	vld @!p1 [tilespmem:$0xE378];
	_ =	sdelay $0x4  }
0x1cd: {  	[tilespmem:s2+$0xE4A8] =	vst.add.f32.msk @!p1 $0xffff, v1  }
0x1ce: {  	v1 =	vld @!p1 [tilespmem:$0xE388];
	_ =	sdelay $0x4  }
0x1cf: {  	[tilespmem:s2+$0xE4B8] =	vst.add.f32.msk @!p1 $0xffff, v1  }
0x1d0: {  	v1 =	vld @!p1 [tilespmem:$0xE398];
	_ =	sdelay $0x4  }
0x1d1: {  	[tilespmem:s2+$0xE4C8] =	vst.add.f32.msk @!p1 $0xffff, v1  }
0x1d2: {  	v1 =	vld @!p1 [tilespmem:$0xE3A8];
	_ =	sdelay $0x4  }
0x1d3: {  	[tilespmem:s2+$0xE4D8] =	vst.add.f32.msk @!p1 $0xffff, v1  }
0x1d4: {  	v1 =	vld @!p1 [tilespmem:$0xE3B8];
	_ =	sdelay $0x4  }
0x1d5: {  	[tilespmem:s2+$0xE4E8] =	vst.add.f32.msk @!p1 $0xffff, v1  }
0x1d6: {  	v1 =	vld @!p1 [tilespmem:$0xE3C8];
	_ =	sdelay $0x4  }
0x1d7: {  	[tilespmem:s2+$0xE4F8] =	vst.add.f32.msk @!p1 $0xffff, v1  }
0x1d8: {  	v1 =	vld @!p1 [tilespmem:$0xE3D8];
	_ =	sdelay $0x4  }
0x1d9: {  	[tilespmem:s2+$0xE508] =	vst.add.f32.msk @!p1 $0xffff, v1  }
0x1da: {  	v1 =	vld @!p1 [tilespmem:$0xE3E8];
	_ =	sdelay $0x4  }
0x1db: {  	[tilespmem:s2+$0xE518] =	vst.add.f32.msk @!p1 $0xffff, v1  }
0x1dc: {  	v1 =	vld @!p1 [tilespmem:$0xE3F8];
	_ =	sdelay $0x4  }
0x1dd: {  	[tilespmem:s2+$0xE528] =	vst.add.f32.msk @!p1 $0xffff, v1  }
0x1de: {  	s0 =	sshrl.u32 s0, $0x2;
	[tilespmem:s6+$0xE418] =	vst.msk $0x1, v0  }
0x1df: {  	v0 =	vld [tilespmem:s0+$0xE438];
	_ =	sdelay $0x2  }
0x1e0: {  	s31 =	sshll.u32 s6, $0xA  }
0x1e1: {  	s2 =	sshra.s32 s31, $0x2  }
0x1e2: {  	[tilespmem:s2+$0xE438] =	vst v0  }
0x1e3: {  	v0 =	vld [tilespmem:s0+$0xE448];
	_ =	sdelay $0x4  }
0x1e4: {  	[tilespmem:s2+$0xE448] =	vst v0  }
0x1e5: {  	v0 =	vld [tilespmem:s0+$0xE458];
	_ =	sdelay $0x4  }
0x1e6: {  	[tilespmem:s2+$0xE458] =	vst v0  }
0x1e7: {  	v0 =	vld [tilespmem:s0+$0xE468];
	_ =	sdelay $0x4  }
0x1e8: {  	[tilespmem:s2+$0xE468] =	vst v0  }
0x1e9: {  	v0 =	vld [tilespmem:s0+$0xE478];
	_ =	sdelay $0x4  }
0x1ea: {  	[tilespmem:s2+$0xE478] =	vst v0  }
0x1eb: {  	v0 =	vld [tilespmem:s0+$0xE488];
	_ =	sdelay $0x4  }
0x1ec: {  	[tilespmem:s2+$0xE488] =	vst v0  }
0x1ed: {  	v0 =	vld [tilespmem:s0+$0xE498];
	_ =	sdelay $0x4  }
0x1ee: {  	[tilespmem:s2+$0xE498] =	vst v0  }
0x1ef: {  	v0 =	vld [tilespmem:s0+$0xE4A8];
	_ =	sdelay $0x4  }
0x1f0: {  	[tilespmem:s2+$0xE4A8] =	vst v0  }
0x1f1: {  	v0 =	vld [tilespmem:s0+$0xE4B8];
	_ =	sdelay $0x4  }
0x1f2: {  	[tilespmem:s2+$0xE4B8] =	vst v0  }
0x1f3: {  	v0 =	vld [tilespmem:s0+$0xE4C8];
	_ =	sdelay $0x4  }
0x1f4: {  	[tilespmem:s2+$0xE4C8] =	vst v0  }
0x1f5: {  	v0 =	vld [tilespmem:s0+$0xE4D8];
	_ =	sdelay $0x4  }
0x1f6: {  	[tilespmem:s2+$0xE4D8] =	vst v0  }
0x1f7: {  	v0 =	vld [tilespmem:s0+$0xE4E8];
	_ =	sdelay $0x4  }
0x1f8: {  	[tilespmem:s2+$0xE4E8] =	vst v0  }
0x1f9: {  	v0 =	vld [tilespmem:s0+$0xE4F8];
	_ =	sdelay $0x4  }
0x1fa: {  	[tilespmem:s2+$0xE4F8] =	vst v0  }
0x1fb: {  	v0 =	vld [tilespmem:s0+$0xE508];
	_ =	sdelay $0x4  }
0x1fc: {  	[tilespmem:s2+$0xE508] =	vst v0  }
0x1fd: {  	v0 =	vld [tilespmem:s0+$0xE518];
	_ =	sdelay $0x4  }
0x1fe: {  	[tilespmem:s2+$0xE518] =	vst v0  }
0x1ff: {  	v0 =	vld [tilespmem:s0+$0xE528];
	_ =	sdelay $0x4  }
0x200: {  	s6 =	sadd.s32 $0x1, s6;
	[tilespmem:s2+$0xE528] =	vst v0  }
.LBB2_39:
0x201: {  	s12 =	sadd.s32 $0x1, s12  }
0x202: {  	p1 =	sne.s32 s12, $0x20  }
.Ltmp26:
0x203: {  	_ = 	snop;
	(pc) =	sbr.rel @!p1 .LBB2_40-.Ltmp26, $1  }
0x204: {  	_ =	sdelay $0x3  }
.LBB2_32:
0x205: {  	v0 =	vld.msk [tilespmem:s12+$0xE418], $0x1;
	_ =	sdelay $0x4  }
0x206: {  	(v2sf) =	vpush v0, $0x0;
	_ =	sdelay $0xe  }
0x207: {  	s0 =	spop (v2sf)  }
0x208: {  	p1 =	seq.s32 s0, $0xFFFFFFFF  }
.Ltmp27:
0x209: {  	_ = 	snop;
	(pc) =	sbr.rel @p1 .LBB2_39-.Ltmp27, $1  }
0x20a: {  	_ =	sdelay $0x3  }
0x20b: {  	p1 =	slt.s32 s6, $0x1  }
.Ltmp28:
0x20c: {  	_ = 	snop;
	(pc) =	sbr.rel @p1 .LBB2_38-.Ltmp28, $1  }
0x20d: {  	_ =	sdelay $0x3  }
0x20e: {  	s4 =	simm.s32 $0xE418;
	p1 =	por $0x0, $0x0  }
0x20f: {  	v1 =	vld.msk @!p1 [tilespmem:s4+$0x0], $0x1;
	_ =	sdelay $0x4  }
0x210: {  	(v2sf) =	vpush @!p1 v1, $0x0;
	_ =	sdelay $0xd  }
0x211: {  	p3 =	sne.s32 s6, $0x1  }
.Ltmp29:
0x212: {  	s2 =	spop @!p1 (v2sf);
	(pc) =	sbr.rel @!p3 .LBB2_36-.Ltmp29, $4  }
0x213: {  	p2 =	seq.s32 @!p1 s0, s2  }
0x214: {  	s5 =	simm.s32 $0x0;
	p2 =	por !p2, p1  }
0x215: {  	s2 =	simm.s32 $0xFFFFFFFF;
	s5 =	simm.s32 @p2 $0xFFFFFFFF  }
0x216: {  	s13 =	simm.s32 $0x1;
	s5 =	smov.u32 @p1 s2  }
.LBB2_35:
0x217: {  	s2 =	smov.u32 s5;
	p1 =	sne.s32 s5, $0xFFFFFFFF  }
0x218: {  	s4 =	sadd.s32 $0x1, s4;
	s5 =	smov.u32 s13;
	s13 =	sadd.s32 $0x1, s13  }
0x219: {  	p2 =	sne.s32 s6, s13;
	v1 =	vld.msk @!p1 [tilespmem:s4+$0x0], $0x1;
	_ =	sdelay $0x4  }
0x21a: {  	(v2sf) =	vpush @!p1 v1, $0x0;
	_ =	sdelay $0xe  }
.Ltmp30:
0x21b: {  	s3 =	spop @!p1 (v2sf);
	(pc) =	sbr.rel @p2 .LBB2_35-.Ltmp30, $4  }
0x21c: {  	p3 =	seq.s32 @!p1 s0, s3  }
0x21d: {  	p3 =	por !p3, p1  }
0x21e: {  	s5 =	simm.s32 @p3 $0xFFFFFFFF  }
0x21f: {  	s5 =	smov.u32 @p1 s2  }
.LBB2_36:
0x220: {  	p1 =	seq.s32 s5, $0xFFFFFFFF  }
.Ltmp31:
0x221: {  	_ = 	snop;
	(pc) =	sbr.rel @p1 .LBB2_38-.Ltmp31, $1  }
0x222: {  	_ =	sdelay $0x3  }
0x223: {  	s0 =	sshll.u32 s12, $0x8  }
0x224: {  	s0 =	sand.u32 $0x3FFFFF00, s0  }
0x225: {  	v0 =	vld [tilespmem:s0+$0xE438];
	_ =	sdelay $0x2  }
0x226: {  	s2 =	sshll.u32 s5, $0xA  }
0x227: {  	s2 =	sshra.s32 s2, $0x2  }
0x228: {  	[tilespmem:s2+$0xE438] =	vst.add.f32.msk $0xffff, v0  }
0x229: {  	v0 =	vld [tilespmem:s0+$0xE448];
	_ =	sdelay $0x4  }
0x22a: {  	[tilespmem:s2+$0xE448] =	vst.add.f32.msk $0xffff, v0  }
0x22b: {  	v0 =	vld [tilespmem:s0+$0xE458];
	_ =	sdelay $0x4  }
0x22c: {  	[tilespmem:s2+$0xE458] =	vst.add.f32.msk $0xffff, v0  }
0x22d: {  	v0 =	vld [tilespmem:s0+$0xE468];
	_ =	sdelay $0x4  }
0x22e: {  	[tilespmem:s2+$0xE468] =	vst.add.f32.msk $0xffff, v0  }
0x22f: {  	v0 =	vld [tilespmem:s0+$0xE478];
	_ =	sdelay $0x4  }
0x230: {  	[tilespmem:s2+$0xE478] =	vst.add.f32.msk $0xffff, v0  }
0x231: {  	v0 =	vld [tilespmem:s0+$0xE488];
	_ =	sdelay $0x4  }
0x232: {  	[tilespmem:s2+$0xE488] =	vst.add.f32.msk $0xffff, v0  }
0x233: {  	v0 =	vld [tilespmem:s0+$0xE498];
	_ =	sdelay $0x4  }
0x234: {  	[tilespmem:s2+$0xE498] =	vst.add.f32.msk $0xffff, v0  }
0x235: {  	v0 =	vld [tilespmem:s0+$0xE4A8];
	_ =	sdelay $0x4  }
0x236: {  	[tilespmem:s2+$0xE4A8] =	vst.add.f32.msk $0xffff, v0  }
0x237: {  	v0 =	vld [tilespmem:s0+$0xE4B8];
	_ =	sdelay $0x4  }
0x238: {  	[tilespmem:s2+$0xE4B8] =	vst.add.f32.msk $0xffff, v0  }
0x239: {  	v0 =	vld [tilespmem:s0+$0xE4C8];
	_ =	sdelay $0x4  }
0x23a: {  	[tilespmem:s2+$0xE4C8] =	vst.add.f32.msk $0xffff, v0  }
0x23b: {  	v0 =	vld [tilespmem:s0+$0xE4D8];
	_ =	sdelay $0x4  }
0x23c: {  	[tilespmem:s2+$0xE4D8] =	vst.add.f32.msk $0xffff, v0  }
0x23d: {  	v0 =	vld [tilespmem:s0+$0xE4E8];
	_ =	sdelay $0x4  }
0x23e: {  	[tilespmem:s2+$0xE4E8] =	vst.add.f32.msk $0xffff, v0  }
0x23f: {  	v0 =	vld [tilespmem:s0+$0xE4F8];
	_ =	sdelay $0x4  }
0x240: {  	[tilespmem:s2+$0xE4F8] =	vst.add.f32.msk $0xffff, v0  }
0x241: {  	v0 =	vld [tilespmem:s0+$0xE508];
	_ =	sdelay $0x4  }
0x242: {  	[tilespmem:s2+$0xE508] =	vst.add.f32.msk $0xffff, v0  }
0x243: {  	v0 =	vld [tilespmem:s0+$0xE518];
	_ =	sdelay $0x4  }
0x244: {  	[tilespmem:s2+$0xE518] =	vst.add.f32.msk $0xffff, v0  }
0x245: {  	v0 =	vld [tilespmem:s0+$0xE528]  }
.Ltmp32:
0x246: {  	_ = 	snop;
	(pc) =	sbr.rel .LBB2_39-.Ltmp32, $2  }
0x247: {  	_ =	sdelay $0x2  }
0x248: {  	[tilespmem:s2+$0xE528] =	vst.add.f32.msk $0xffff, v0  }
.LBB2_40:
0x249: {  	s0 =	simm.s32 $0x6;
	p1 =	seq.s32 s6, $0x0  }
0x24a: {  	[sflag:s0] =	ssyncpa.u1 $0x1;
	v0 =	vimm.s32 @p1 $0xFFFFFFFF  }
0x24b: {  	s0 =	sadd.s32 $0xFFFFFFFF, s6;
	[tilespmem:$0x10438] =	vst @p1 v0  }
0x24c: {  	v0 =	vld.msk @!p1 [tilespmem:s0+$0xE418], $0x1;
	_ =	sdelay $0x1  }
0x24d: {  	v1 =	vld.msk @!p1 [tilespmem:$0xE418], $0x1;
	_ =	sdelay $0x2  }
0x24e: {  	p2 =	seq.s32 @!p1 s0, $0x0;
	v0 =	vbroadcast @!p1 v0, $0x0  }
0x24f: {  	vm0 =	vmmov @!p1 $0x1;
	p2 =	por !p2, p1  }
0x250: {  	v1 =	vnsel @!p1 vm0, $0xFFFFFFFF, v1;
	vm0 =	vcmask @!p1 $0x308;
	v0 =	vpsel !p2, $0xFFFFFFFF, v0  }
0x251: {  	p2 =	sne.s32 @!p1 s8, s7;
	v0 =	vsel @!p1 vm0, v1, v0  }
0x252: {  	s2 =	simm.s32 @!p1 $0xE438;
	s3 =	simm.s32 @!p1 $0x0;
	p3 =	por !p2, p1;
	[tilespmem:$0x10438] =	vst @!p1 v0  }
0x253: {  	[spmem:s3] =	stream.linear.scatter @!p1 [tilespmem:s2], [sflag:$0x1], $0x100, $0x38;
	[tilespmem:$0x1E678] =	vst v63  }
0x254: {  	s2 =	sshll.u32 @!p3 s0, $0xA  }
0x255: {  	s2 =	sshra.s32 @!p3 s2, $0x2  }
0x256: {  	s3 =	simm.s32 @!p3 $0x100;
	s2 =	sadd.s32 @!p3 $0xE438, s2  }
0x257: {  	[spmem:s3] =	stream.linear.scatter @!p3 [tilespmem:s2], [sflag:$0x1], $0x100, $0x38;
	[tilespmem:$0x1E678] =	vst v63  }
0x258: {  	s2 =	simm.s32 @!p3 $0x1  }
0x259: {  	_ =	swait.ge @!p3 [sflag:s2], $0x200  }
0x25a: {  	p1 =	por p2, p1;
	[sflag:s2] =	ssyncset.done @!p3 $0x0  }
0x25b: {  	[sflag:s2] =	ssyncadd.s32 @!p3 $0xFFFFFE00;
	s2 =	simm.s32 @!p1 $0x1  }
0x25c: {  	_ =	swait.ge @!p1 [sflag:s2], $0x100  }
0x25d: {  	s29 =	simm.s32 $0x10438;
	[sflag:s2] =	ssyncset.done @!p1 $0x0  }
0x25e: {  	s30 =	simm.s32 $0x2000;
	s31 =	simm.s32 $0x1;
	[sflag:s2] =	ssyncadd.s32 @!p1 $0xFFFFFF00  }
0x25f: {  	[spmem:s30] =	stream.linear.scatter [tilespmem:s29], [sflag:$0x1], $0x10, $0x38;
	[tilespmem:$0x1E678] =	vst v63  }
0x260: {  	_ =	swait.ge [sflag:s31], $0x10  }
0x261: {  	[sflag:s31] =	ssyncset.done $0x0  }
0x262: {  	p1 =	seq.s32 s14, $0x0;
	s9 =	rddreg [dreg:$0x2];
	[sflag:s31] =	ssyncadd.s32 $0xFFFFFFF0  }
0x263: {  	s3 =	sshll.u32 @p1 s9, $0xE;
	s8 =	rddreg [dreg:$0x3]  }
0x264: {  	s2 =	sadd.s32 @p1 $0x15C3C, s3;
	s3 =	sshll.u32 @p1 s8, $0x11  }
0x265: {  	_ =	sfence.stream.spmem;
	s2 =	sor.u32 @p1 s3, s2  }
0x266: {  	[sflag:s2] =	ssyncadd.remote.s32 @p1 $0x1;
	s2 =	simm.s32 @p1 $0x4  }
0x267: {  	s4 =	simm.s32 @!p1 $0x3C;
	s3 =	sand.u32 $0xFFFFFFFE, s9;
	_ =	swait.ge @p1 [sflag:s2], $0x42  }
0x268: {  	s5 =	simm.s32 @!p1 $0x0;
	s3 =	sadd.s32 @!p1 $0x4, s3;
	[sflag:s2] =	ssyncset.done @p1 $0x0  }
0x269: {  	s7 =	simm.s32 @!p1 $0x200;
	[sflag:s2] =	ssyncadd.s32 @p1 $0xFFFFFFBE;
	s2 =	sshll.u32 @!p1 s3, $0x1A  }
0x26a: {  	s3 =	sshll.u32 @!p1 s3, $0xD;
	s2 =	sor.u32 @!p1 s2, s8;
	_ =	swait.eq @!p1 [sflag:s4], $0x1  }
0x26b: {  	s3 =	sor.u32 @!p1 $0x1C04, s3;
	s4 =	simm.s32 @!p1 $0x1C03;
	s2 =	sor.u32 @!p1 $0x80004000, s2  }
0x26c: {  	[spmem:s7], [sflag:s3] =	dma.general @!p1 [spmem:s5], [sflag:s4], length:$0x40, [dreg:$0x0], stride_count:$0x0, ici_dest:s2, dma_misc:DstOpCode:WRITE  }
0x26d: {  	p2 =	slt.s32 s0, $0x2;
	s5 =	simm.s32 @!p1 $0x400;
	s7 =	simm.s32 @!p1 $0x402  }
0x26e: {  	[spmem:s7], [sflag:s3] =	dma.general @!p1 [spmem:s5], [sflag:s4], length:$0x2, [dreg:$0x0], stride_count:$0x0, ici_dest:s2, dma_misc:DstOpCode:WRITE  }
.Ltmp33:
0x26f: {  	s2 =	simm.s32 @!p1 $0x3;
	(pc) =	sbr.rel @p2 .LBB2_44-.Ltmp33, $4  }
0x270: {  	s3 =	sshll.u32 @!p1 s9, $0xE;
	_ =	swait.ge @!p1 [sflag:s2], $0x42  }
0x271: {  	s4 =	sshll.u32 @!p1 s8, $0x11;
	s3 =	sadd.s32 @!p1 $0x11C3C, s3;
	[sflag:s2] =	ssyncset.done @!p1 $0x0  }
0x272: {  	[sflag:s2] =	ssyncadd.s32 @!p1 $0xFFFFFFBE;
	s2 =	sor.u32 @!p1 s4, s3  }
0x273: {  	s0 =	simm.s32 $0x0;
	[sflag:s2] =	ssyncadd.remote.s32 @!p1 $0xFFFFFFFF  }
0x274: {  	s0 =	simm.s32 $0xE419  }
0x275: {  	v0 =	vld.msk [tilespmem:s0+$0x0], $0x1;
	_ =	sdelay $0x4  }
0x276: {  	(v2sf) =	vpush v0, $0x0;
	_ =	sdelay $0xd  }
0x277: {  	s31 =	sadd.s32 $0xFFFFFFFE, s6  }
0x278: {  	s6 =	simm.s32 $0x0;
	s0 =	sadd.s32 $0xFFFFFFFF, s31;
	s2 =	spop (v2sf)  }
0x279: {  	s3 =	simm.s32 $0xE538;
	p1 =	sne.s32 s0, $0x0;
	p2 =	sgt.u32 s2, $0x4E170  }
.Ltmp34:
0x27a: {  	s4 =	simm.s32 $0xE638;
	s5 =	sand.u32 @!p2 $0x7FFF8, s2;
	(pc) =	sbr.rel @!p1 .LBB2_43-.Ltmp34, $4  }
0x27b: {  	s7 =	sadd.s32 @!p2 $0x80, s2;
	s2 =	sand.u32 @!p2 $0x7, s2;
	s6 =	simm.s32 @!p2 $0x400  }
0x27c: {  	s5 =	sadd.s32 @!p2 s1, s5;
	s7 =	sand.u32 @!p2 $0xFFFF8, s7;
	s6 =	sadd.s32 $0x0, s6  }
0x27d: {  	[hbm4b:s5+s2] =	stream.linear.scatter @!p2 [tilespmem:s3], [sflag:$0x5], $0x80, $0x38;
	[tilespmem:$0x1E678] =	vst v63  }
0x27e: {  	s5 =	simm.s32 $0xE41A;
	s3 =	simm.s32 @!p2 $0xE5B8;
	s7 =	sadd.s32 @!p2 s1, s7  }
.LBB2_42:
0x27f: {  	[hbm4b:s7+s2] =	stream.linear.scatter @!p2 [tilespmem:s3], [sflag:$0x5], $0x80, $0x38;
	[tilespmem:$0x1E678] =	vst v63  }
0x280: {  	s0 =	sadd.s32 $0xFFFFFFFF, s0;
	s3 =	smov.u32 s4;
	v0 =	vld.msk [tilespmem:s5+$0x0], $0x1  }
0x281: {  	p1 =	sne.s32 s0, $0x0;
	_ =	sdelay $0x3  }
0x282: {  	(v2sf) =	vpush v0, $0x0;
	_ =	sdelay $0xe  }
0x283: {  	s4 =	sadd.s32 $0x100, s4;
	s8 =	simm.s32 $0x0;
	s2 =	spop (v2sf)  }
.Ltmp35:
0x284: {  	s5 =	sadd.s32 $0x1, s5;
	p2 =	sgt.u32 s2, $0x4E170;
	(pc) =	sbr.rel @p1 .LBB2_42-.Ltmp35, $4  }
0x285: {  	s8 =	simm.s32 @!p2 $0x400;
	s7 =	sand.u32 @!p2 $0x7FFF8, s2;
	s9 =	sadd.s32 @!p2 $0x80, s2  }
0x286: {  	s2 =	sand.u32 @!p2 $0x7, s2;
	s7 =	sadd.s32 @!p2 s1, s7;
	s9 =	sand.u32 @!p2 $0xFFFF8, s9  }
0x287: {  	[hbm4b:s7+s2] =	stream.linear.scatter @!p2 [tilespmem:s3], [sflag:$0x5], $0x80, $0x38;
	[tilespmem:$0x1E678] =	vst v63  }
0x288: {  	s6 =	sadd.s32 s6, s8;
	s3 =	sadd.s32 @!p2 $0x80, s3;
	s7 =	sadd.s32 @!p2 s1, s9  }
.LBB2_43:
0x289: {  	[hbm4b:s7+s2] =	stream.linear.scatter @!p2 [tilespmem:s3], [sflag:$0x5], $0x80, $0x38;
	[tilespmem:$0x1E678] =	vst v63  }
0x28a: {  	s0 =	sshrl.u32 s6, $0x2  }
.LBB2_44:
0x28b: {  	s2 =	simm.s32 $0x5  }
0x28c: {  	_ =	swait.ge [sflag:s2], s0  }
0x28d: {  	s31 =	ssub.s32 $0x0, s0;
	[sflag:s2] =	ssyncset.done $0x0  }
0x28e: {  	[sflag:s2] =	ssyncadd.s32 s31  }
0x28f: {  	[sflag:s2] =	ssyncpa.u1 $0x1  }
.LBB2_45:
0x290: {  	s0 =	sor.u32 s14, s15  }
0x291: {  	p1 =	sne.s32 s0, $0x0  }
.Ltmp36:
0x292: {  	_ = 	snop;
	(pc) =	sbr.rel @p1 .LBB2_60-.Ltmp36, $3  }
0x293: {  	_ =	sdelay $0x1  }
0x294: {  	[bflag:$0x0] =	sbarrier.arrive $0xFFFF  }
0x295: {  	_ =	sfence  }
0x296: {  	s0 =	simm.s32 $0x7  }
0x297: {  	s2 =	simm.s32 $0x2000;
	s3 =	simm.s32 $0xE418;
	[sflag:s0] =	ssyncpa.u1 $0x0  }
0x298: {  	[tilespmem:s3], [sflag:$0x7] =	stream.linear.gather [spmem:s2], $0x20, $0x38;
	[tilespmem:$0x1E678] =	vst v63  }
0x299: {  	s30 =	simm.s32 $0xE438;
	s2 =	simm.s32 $0x0  }
0x29a: {  	[tilespmem:s30], [sflag:$0x7] =	stream.linear.gather [spmem:s2], $0x2000, $0x38;
	[tilespmem:$0x1E678] =	vst v63  }
.Ltmp37:
0x29b: {  	_ = 	snop;
	(pc) =	sbr.rel .LBB2_47-.Ltmp37, $4  }
0x29c: {  	_ =	swait.ge [sflag:s0], $0x2020  }
0x29d: {  	[sflag:s0] =	ssyncset.done $0x0  }
0x29e: {  	s31 =	simm.s32 $0x8;
	[sflag:s0] =	ssyncadd.s32 $0xFFFFDFE0  }
0x29f: {  	s3 =	simm.s32 $0x0;
	[sflag:s31] =	ssyncpa.u1 $0x0  }
.LBB2_53:
0x2a0: {  	p1 =	slt.u32 s0, $0x4E171  }
0x2a1: {  	s4 =	sand.u32 @p1 $0x7FFF8, s0;
	s5 =	sand.u32 @p1 $0x7, s0;
	s0 =	sadd.s32 @p1 $0x80, s0  }
0x2a2: {  	s6 =	simm.s32 @p1 $0xE308;
	s4 =	sadd.s32 @p1 s1, s4;
	s0 =	sand.u32 @p1 $0xFFFF8, s0  }
0x2a3: {  	[tilespmem:s6], [sflag:$0x8] =	stream.linear.gather @p1 [hbm4b:s4+s5], $0x80, $0x38;
	[tilespmem:$0x1E678] =	vst v63  }
0x2a4: {  	s0 =	sadd.s32 @p1 s1, s0;
	s4 =	simm.s32 @p1 $0xE388  }
0x2a5: {  	[tilespmem:s4], [sflag:$0x8] =	stream.linear.gather @p1 [hbm4b:s0+s5], $0x80, $0x38;
	[tilespmem:$0x1E678] =	vst v63  }
0x2a6: {  	s0 =	simm.s32 @p1 $0x8  }
0x2a7: {  	_ =	swait.ge @p1 [sflag:s0], $0x100  }
0x2a8: {  	[sflag:s0] =	ssyncset.done @p1 $0x0  }
0x2a9: {  	[sflag:s0] =	ssyncadd.s32 @p1 $0xFFFFFF00  }
0x2aa: {  	v1 =	vld @p1 [tilespmem:$0xE308];
	_ =	sdelay $0x2  }
0x2ab: {  	s0 =	sshll.u32 @p1 s3, $0xA  }
0x2ac: {  	s4 =	sshrl.u32 @p1 s0, $0x2  }
0x2ad: {  	[tilespmem:s4+$0xE438] =	vst.add.f32.msk @p1 $0xffff, v1  }
0x2ae: {  	v1 =	vld @p1 [tilespmem:$0xE318];
	_ =	sdelay $0x4  }
0x2af: {  	[tilespmem:s4+$0xE448] =	vst.add.f32.msk @p1 $0xffff, v1  }
0x2b0: {  	v1 =	vld @p1 [tilespmem:$0xE328];
	_ =	sdelay $0x4  }
0x2b1: {  	[tilespmem:s4+$0xE458] =	vst.add.f32.msk @p1 $0xffff, v1  }
0x2b2: {  	v1 =	vld @p1 [tilespmem:$0xE338];
	_ =	sdelay $0x4  }
0x2b3: {  	[tilespmem:s4+$0xE468] =	vst.add.f32.msk @p1 $0xffff, v1  }
0x2b4: {  	v1 =	vld @p1 [tilespmem:$0xE348];
	_ =	sdelay $0x4  }
0x2b5: {  	[tilespmem:s4+$0xE478] =	vst.add.f32.msk @p1 $0xffff, v1  }
0x2b6: {  	v1 =	vld @p1 [tilespmem:$0xE358];
	_ =	sdelay $0x4  }
0x2b7: {  	[tilespmem:s4+$0xE488] =	vst.add.f32.msk @p1 $0xffff, v1  }
0x2b8: {  	v1 =	vld @p1 [tilespmem:$0xE368];
	_ =	sdelay $0x4  }
0x2b9: {  	[tilespmem:s4+$0xE498] =	vst.add.f32.msk @p1 $0xffff, v1  }
0x2ba: {  	v1 =	vld @p1 [tilespmem:$0xE378];
	_ =	sdelay $0x4  }
0x2bb: {  	[tilespmem:s4+$0xE4A8] =	vst.add.f32.msk @p1 $0xffff, v1  }
0x2bc: {  	v1 =	vld @p1 [tilespmem:$0xE388];
	_ =	sdelay $0x4  }
0x2bd: {  	[tilespmem:s4+$0xE4B8] =	vst.add.f32.msk @p1 $0xffff, v1  }
0x2be: {  	v1 =	vld @p1 [tilespmem:$0xE398];
	_ =	sdelay $0x4  }
0x2bf: {  	[tilespmem:s4+$0xE4C8] =	vst.add.f32.msk @p1 $0xffff, v1  }
0x2c0: {  	v1 =	vld @p1 [tilespmem:$0xE3A8];
	_ =	sdelay $0x4  }
0x2c1: {  	[tilespmem:s4+$0xE4D8] =	vst.add.f32.msk @p1 $0xffff, v1  }
0x2c2: {  	v1 =	vld @p1 [tilespmem:$0xE3B8];
	_ =	sdelay $0x4  }
0x2c3: {  	[tilespmem:s4+$0xE4E8] =	vst.add.f32.msk @p1 $0xffff, v1  }
0x2c4: {  	v1 =	vld @p1 [tilespmem:$0xE3C8];
	_ =	sdelay $0x4  }
0x2c5: {  	[tilespmem:s4+$0xE4F8] =	vst.add.f32.msk @p1 $0xffff, v1  }
0x2c6: {  	v1 =	vld @p1 [tilespmem:$0xE3D8];
	_ =	sdelay $0x4  }
0x2c7: {  	[tilespmem:s4+$0xE508] =	vst.add.f32.msk @p1 $0xffff, v1  }
0x2c8: {  	v1 =	vld @p1 [tilespmem:$0xE3E8];
	_ =	sdelay $0x4  }
0x2c9: {  	[tilespmem:s4+$0xE518] =	vst.add.f32.msk @p1 $0xffff, v1  }
0x2ca: {  	v1 =	vld @p1 [tilespmem:$0xE3F8];
	_ =	sdelay $0x3  }
0x2cb: {  	s5 =	sshll.u32 @!p1 s3, $0xA  }
0x2cc: {  	s5 =	smov.u32 @p1 s0;
	[tilespmem:s4+$0xE528] =	vst.add.f32.msk @p1 $0xffff, v1  }
0x2cd: {  	s0 =	sshrl.u32 s5, $0x2;
	[tilespmem:s2+$0xE418] =	vst.msk $0x1, v0  }
0x2ce: {  	v0 =	vld [tilespmem:s0+$0xE438];
	_ =	sdelay $0x2  }
0x2cf: {  	s31 =	sshll.u32 s2, $0xA  }
0x2d0: {  	s4 =	sshra.s32 s31, $0x2  }
0x2d1: {  	[tilespmem:s4+$0xE438] =	vst v0  }
0x2d2: {  	v0 =	vld [tilespmem:s0+$0xE448];
	_ =	sdelay $0x4  }
0x2d3: {  	[tilespmem:s4+$0xE448] =	vst v0  }
0x2d4: {  	v0 =	vld [tilespmem:s0+$0xE458];
	_ =	sdelay $0x4  }
0x2d5: {  	[tilespmem:s4+$0xE458] =	vst v0  }
0x2d6: {  	v0 =	vld [tilespmem:s0+$0xE468];
	_ =	sdelay $0x4  }
0x2d7: {  	[tilespmem:s4+$0xE468] =	vst v0  }
0x2d8: {  	v0 =	vld [tilespmem:s0+$0xE478];
	_ =	sdelay $0x4  }
0x2d9: {  	[tilespmem:s4+$0xE478] =	vst v0  }
0x2da: {  	v0 =	vld [tilespmem:s0+$0xE488];
	_ =	sdelay $0x4  }
0x2db: {  	[tilespmem:s4+$0xE488] =	vst v0  }
0x2dc: {  	v0 =	vld [tilespmem:s0+$0xE498];
	_ =	sdelay $0x4  }
0x2dd: {  	[tilespmem:s4+$0xE498] =	vst v0  }
0x2de: {  	v0 =	vld [tilespmem:s0+$0xE4A8];
	_ =	sdelay $0x4  }
0x2df: {  	[tilespmem:s4+$0xE4A8] =	vst v0  }
0x2e0: {  	v0 =	vld [tilespmem:s0+$0xE4B8];
	_ =	sdelay $0x4  }
0x2e1: {  	[tilespmem:s4+$0xE4B8] =	vst v0  }
0x2e2: {  	v0 =	vld [tilespmem:s0+$0xE4C8];
	_ =	sdelay $0x4  }
0x2e3: {  	[tilespmem:s4+$0xE4C8] =	vst v0  }
0x2e4: {  	v0 =	vld [tilespmem:s0+$0xE4D8];
	_ =	sdelay $0x4  }
0x2e5: {  	[tilespmem:s4+$0xE4D8] =	vst v0  }
0x2e6: {  	v0 =	vld [tilespmem:s0+$0xE4E8];
	_ =	sdelay $0x4  }
0x2e7: {  	[tilespmem:s4+$0xE4E8] =	vst v0  }
0x2e8: {  	v0 =	vld [tilespmem:s0+$0xE4F8];
	_ =	sdelay $0x4  }
0x2e9: {  	[tilespmem:s4+$0xE4F8] =	vst v0  }
0x2ea: {  	v0 =	vld [tilespmem:s0+$0xE508];
	_ =	sdelay $0x4  }
0x2eb: {  	[tilespmem:s4+$0xE508] =	vst v0  }
0x2ec: {  	v0 =	vld [tilespmem:s0+$0xE518];
	_ =	sdelay $0x4  }
0x2ed: {  	[tilespmem:s4+$0xE518] =	vst v0  }
0x2ee: {  	v0 =	vld [tilespmem:s0+$0xE528];
	_ =	sdelay $0x4  }
0x2ef: {  	s2 =	sadd.s32 $0x1, s2;
	[tilespmem:s4+$0xE528] =	vst v0  }
.LBB2_54:
0x2f0: {  	s3 =	sadd.s32 $0x1, s3  }
0x2f1: {  	p1 =	sne.s32 s3, $0x20  }
.Ltmp38:
0x2f2: {  	_ = 	snop;
	(pc) =	sbr.rel @!p1 .LBB2_55-.Ltmp38, $1  }
0x2f3: {  	_ =	sdelay $0x3  }
.LBB2_47:
0x2f4: {  	v0 =	vld.msk [tilespmem:s3+$0xE418], $0x1;
	_ =	sdelay $0x4  }
0x2f5: {  	(v2sf) =	vpush v0, $0x0;
	_ =	sdelay $0xe  }
0x2f6: {  	s0 =	spop (v2sf)  }
0x2f7: {  	p1 =	seq.s32 s0, $0xFFFFFFFF  }
.Ltmp39:
0x2f8: {  	_ = 	snop;
	(pc) =	sbr.rel @p1 .LBB2_54-.Ltmp39, $1  }
0x2f9: {  	_ =	sdelay $0x3  }
0x2fa: {  	p1 =	slt.s32 s2, $0x1  }
.Ltmp40:
0x2fb: {  	_ = 	snop;
	(pc) =	sbr.rel @p1 .LBB2_53-.Ltmp40, $1  }
0x2fc: {  	_ =	sdelay $0x3  }
0x2fd: {  	s4 =	simm.s32 $0xE418;
	p1 =	por $0x0, $0x0  }
0x2fe: {  	v1 =	vld.msk @!p1 [tilespmem:s4+$0x0], $0x1;
	_ =	sdelay $0x4  }
0x2ff: {  	(v2sf) =	vpush @!p1 v1, $0x0;
	_ =	sdelay $0xd  }
0x300: {  	p3 =	sne.s32 s2, $0x1  }
.Ltmp41:
0x301: {  	s5 =	spop @!p1 (v2sf);
	(pc) =	sbr.rel @!p3 .LBB2_51-.Ltmp41, $4  }
0x302: {  	p2 =	seq.s32 @!p1 s0, s5  }
0x303: {  	s5 =	simm.s32 $0x0;
	p2 =	por !p2, p1  }
0x304: {  	s7 =	simm.s32 $0xFFFFFFFF;
	s5 =	simm.s32 @p2 $0xFFFFFFFF  }
0x305: {  	s6 =	simm.s32 $0x1;
	s5 =	smov.u32 @p1 s7  }
.LBB2_50:
0x306: {  	s7 =	smov.u32 s5;
	p1 =	sne.s32 s5, $0xFFFFFFFF  }
0x307: {  	s4 =	sadd.s32 $0x1, s4;
	s5 =	smov.u32 s6;
	s6 =	sadd.s32 $0x1, s6  }
0x308: {  	p2 =	sne.s32 s2, s6;
	v1 =	vld.msk @!p1 [tilespmem:s4+$0x0], $0x1;
	_ =	sdelay $0x4  }
0x309: {  	(v2sf) =	vpush @!p1 v1, $0x0;
	_ =	sdelay $0xe  }
.Ltmp42:
0x30a: {  	s8 =	spop @!p1 (v2sf);
	(pc) =	sbr.rel @p2 .LBB2_50-.Ltmp42, $4  }
0x30b: {  	p3 =	seq.s32 @!p1 s0, s8  }
0x30c: {  	p3 =	por !p3, p1  }
0x30d: {  	s5 =	simm.s32 @p3 $0xFFFFFFFF  }
0x30e: {  	s5 =	smov.u32 @p1 s7  }
.LBB2_51:
0x30f: {  	p1 =	seq.s32 s5, $0xFFFFFFFF  }
.Ltmp43:
0x310: {  	_ = 	snop;
	(pc) =	sbr.rel @p1 .LBB2_53-.Ltmp43, $1  }
0x311: {  	_ =	sdelay $0x3  }
0x312: {  	s0 =	sshll.u32 s3, $0x8  }
0x313: {  	s0 =	sand.u32 $0x3FFFFF00, s0  }
0x314: {  	v0 =	vld [tilespmem:s0+$0xE438];
	_ =	sdelay $0x2  }
0x315: {  	s4 =	sshll.u32 s5, $0xA  }
0x316: {  	s4 =	sshra.s32 s4, $0x2  }
0x317: {  	[tilespmem:s4+$0xE438] =	vst.add.f32.msk $0xffff, v0  }
0x318: {  	v0 =	vld [tilespmem:s0+$0xE448];
	_ =	sdelay $0x4  }
0x319: {  	[tilespmem:s4+$0xE448] =	vst.add.f32.msk $0xffff, v0  }
0x31a: {  	v0 =	vld [tilespmem:s0+$0xE458];
	_ =	sdelay $0x4  }
0x31b: {  	[tilespmem:s4+$0xE458] =	vst.add.f32.msk $0xffff, v0  }
0x31c: {  	v0 =	vld [tilespmem:s0+$0xE468];
	_ =	sdelay $0x4  }
0x31d: {  	[tilespmem:s4+$0xE468] =	vst.add.f32.msk $0xffff, v0  }
0x31e: {  	v0 =	vld [tilespmem:s0+$0xE478];
	_ =	sdelay $0x4  }
0x31f: {  	[tilespmem:s4+$0xE478] =	vst.add.f32.msk $0xffff, v0  }
0x320: {  	v0 =	vld [tilespmem:s0+$0xE488];
	_ =	sdelay $0x4  }
0x321: {  	[tilespmem:s4+$0xE488] =	vst.add.f32.msk $0xffff, v0  }
0x322: {  	v0 =	vld [tilespmem:s0+$0xE498];
	_ =	sdelay $0x4  }
0x323: {  	[tilespmem:s4+$0xE498] =	vst.add.f32.msk $0xffff, v0  }
0x324: {  	v0 =	vld [tilespmem:s0+$0xE4A8];
	_ =	sdelay $0x4  }
0x325: {  	[tilespmem:s4+$0xE4A8] =	vst.add.f32.msk $0xffff, v0  }
0x326: {  	v0 =	vld [tilespmem:s0+$0xE4B8];
	_ =	sdelay $0x4  }
0x327: {  	[tilespmem:s4+$0xE4B8] =	vst.add.f32.msk $0xffff, v0  }
0x328: {  	v0 =	vld [tilespmem:s0+$0xE4C8];
	_ =	sdelay $0x4  }
0x329: {  	[tilespmem:s4+$0xE4C8] =	vst.add.f32.msk $0xffff, v0  }
0x32a: {  	v0 =	vld [tilespmem:s0+$0xE4D8];
	_ =	sdelay $0x4  }
0x32b: {  	[tilespmem:s4+$0xE4D8] =	vst.add.f32.msk $0xffff, v0  }
0x32c: {  	v0 =	vld [tilespmem:s0+$0xE4E8];
	_ =	sdelay $0x4  }
0x32d: {  	[tilespmem:s4+$0xE4E8] =	vst.add.f32.msk $0xffff, v0  }
0x32e: {  	v0 =	vld [tilespmem:s0+$0xE4F8];
	_ =	sdelay $0x4  }
0x32f: {  	[tilespmem:s4+$0xE4F8] =	vst.add.f32.msk $0xffff, v0  }
0x330: {  	v0 =	vld [tilespmem:s0+$0xE508];
	_ =	sdelay $0x4  }
0x331: {  	[tilespmem:s4+$0xE508] =	vst.add.f32.msk $0xffff, v0  }
0x332: {  	v0 =	vld [tilespmem:s0+$0xE518];
	_ =	sdelay $0x4  }
0x333: {  	[tilespmem:s4+$0xE518] =	vst.add.f32.msk $0xffff, v0  }
0x334: {  	v0 =	vld [tilespmem:s0+$0xE528]  }
.Ltmp44:
0x335: {  	_ = 	snop;
	(pc) =	sbr.rel .LBB2_54-.Ltmp44, $2  }
0x336: {  	_ =	sdelay $0x2  }
0x337: {  	[tilespmem:s4+$0xE528] =	vst.add.f32.msk $0xffff, v0  }
.LBB2_55:
0x338: {  	p1 =	slt.s32 s2, $0x1  }
.Ltmp45:
0x339: {  	_ = 	snop;
	(pc) =	sbr.rel @p1 .LBB2_59-.Ltmp45, $3  }
0x33a: {  	_ =	sdelay $0x1  }
0x33b: {  	s0 =	simm.s32 $0x8  }
0x33c: {  	s4 =	simm.s32 $0x0;
	[sflag:s0] =	ssyncpa.u1 $0x1  }
0x33d: {  	s0 =	simm.s32 $0xE418  }
0x33e: {  	v0 =	vld.msk [tilespmem:s0+$0x0], $0x1;
	_ =	sdelay $0x4  }
0x33f: {  	(v2sf) =	vpush v0, $0x0;
	_ =	sdelay $0xe  }
0x340: {  	s0 =	sadd.s32 $0xFFFFFFFF, s2;
	s3 =	spop (v2sf)  }
0x341: {  	s6 =	simm.s32 $0xE438;
	p1 =	sne.s32 s0, $0x0;
	p2 =	sgt.u32 s3, $0x4E170  }
.Ltmp46:
0x342: {  	s2 =	simm.s32 $0xE538;
	s5 =	sand.u32 @!p2 $0x7FFF8, s3;
	(pc) =	sbr.rel @!p1 .LBB2_58-.Ltmp46, $4  }
0x343: {  	s7 =	sadd.s32 @!p2 $0x80, s3;
	s4 =	simm.s32 @!p2 $0x400;
	s8 =	sadd.s32 @!p2 s1, s5  }
0x344: {  	s5 =	sand.u32 @!p2 $0x7, s3;
	s3 =	simm.s32 $0xE419;
	s7 =	sand.u32 @!p2 $0xFFFF8, s7  }
0x345: {  	[hbm4b:s8+s5] =	stream.linear.scatter @!p2 [tilespmem:s6], [sflag:$0x7], $0x80, $0x38;
	[tilespmem:$0x1E678] =	vst v63  }
0x346: {  	s4 =	sadd.s32 $0x0, s4;
	s6 =	simm.s32 @!p2 $0xE4B8;
	s7 =	sadd.s32 @!p2 s1, s7  }
.LBB2_57:
0x347: {  	[hbm4b:s7+s5] =	stream.linear.scatter @!p2 [tilespmem:s6], [sflag:$0x7], $0x80, $0x38;
	[tilespmem:$0x1E678] =	vst v63  }
0x348: {  	s0 =	sadd.s32 $0xFFFFFFFF, s0;
	s6 =	smov.u32 s2;
	v0 =	vld.msk [tilespmem:s3+$0x0], $0x1  }
0x349: {  	p1 =	sne.s32 s0, $0x0;
	_ =	sdelay $0x3  }
0x34a: {  	(v2sf) =	vpush v0, $0x0;
	_ =	sdelay $0xe  }
0x34b: {  	s2 =	sadd.s32 $0x100, s2;
	s8 =	simm.s32 $0x0;
	s5 =	spop (v2sf)  }
.Ltmp47:
0x34c: {  	s3 =	sadd.s32 $0x1, s3;
	p2 =	sgt.u32 s5, $0x4E170;
	(pc) =	sbr.rel @p1 .LBB2_57-.Ltmp47, $4  }
0x34d: {  	s8 =	simm.s32 @!p2 $0x400;
	s7 =	sand.u32 @!p2 $0x7FFF8, s5;
	s9 =	sadd.s32 @!p2 $0x80, s5  }
0x34e: {  	s5 =	sand.u32 @!p2 $0x7, s5;
	s7 =	sadd.s32 @!p2 s1, s7;
	s9 =	sand.u32 @!p2 $0xFFFF8, s9  }
0x34f: {  	[hbm4b:s7+s5] =	stream.linear.scatter @!p2 [tilespmem:s6], [sflag:$0x7], $0x80, $0x38;
	[tilespmem:$0x1E678] =	vst v63  }
0x350: {  	s4 =	sadd.s32 s4, s8;
	s6 =	sadd.s32 @!p2 $0x80, s6;
	s7 =	sadd.s32 @!p2 s1, s9  }
.LBB2_58:
0x351: {  	[hbm4b:s7+s5] =	stream.linear.scatter @!p2 [tilespmem:s6], [sflag:$0x7], $0x80, $0x38;
	[tilespmem:$0x1E678] =	vst v63  }
0x352: {  	s4 =	sshrl.u32 s4, $0x2  }
.LBB2_59:
0x353: {  	s0 =	simm.s32 $0x7  }
0x354: {  	_ =	swait.ge [sflag:s0], s4  }
0x355: {  	s1 =	ssub.s32 $0x0, s4;
	[sflag:s0] =	ssyncset.done $0x0  }
0x356: {  	[sflag:s0] =	ssyncadd.s32 s1  }
0x357: {  	[sflag:s0] =	ssyncpa.u1 $0x1  }
.LBB2_60:
0x358: {  	_ =	sfence;
	s0 =	simm.s32 $0x1  }
0x359: {  	[sflag:s0] =	ssyncpa.u1 $0x1  }
0x35a: {  	_ =	strace $0x90000053  }
0x35b: {  	[bflag:$0x2] =	sbarrier.arrive $0xFFFF  }
0x35c: {  	s0 =	rddreg [dreg:$0x4]  }
0x35d: {  	s0 =	sadd.s32 @!p0 $0x100000, s0  }
0x35e: {  	[sflag:s0] =	ssyncadd.tile.s32 @!p0 $0x1;
	_ =	shalt  }
.Lfunc_end2:
_tile_overlayer_lowered:
.L_overlay_start_2:
0x35f: {  	(tag) =	ssettag $0x2  }
0x360: {  	s0 =	rddreg [dreg:$0x0];
	s2 =	stileid.u32  }
0x361: {  	s1 =	rddreg [dreg:$0x1];
	p0 =	sne.s32 s2, $0x0  }
0x362: {  	s3 =	rddreg [dreg:$0x2];
	[bflag:$0x3] =	sbarrier.arrive $0xFFFF;
	s2 =	simm.s32 @!p0 $0x1C01  }
0x363: {  	[timem:s3], [sflag:s2] =	dma.local @!p0 [hbm:s0], s1  }
0x364: {  	s0 =	simm.s32 @!p0 $0x1  }
0x365: {  	_ =	swait.ge @!p0 [sflag:s0], s1  }
0x366: {  	s1 =	ssub.s32 @!p0 $0x0, s1;
	[sflag:s0] =	ssyncset.done @!p0 $0x0  }
0x367: {  	[sflag:s0] =	ssyncadd.s32 @!p0 s1  }
0x368: {  	[bflag:$0x3] =	sbarrier.arrive $0xFFFF  }
0x369: {  	_ =	shalt  }

// kernel: scatter_offload_async_start
scs
__scs_entry_jumppad:
0x0: {  	(pc) =	sbr.rel $0x88, $3  }
0x1: {  	(tag) =	ssettag $0x0;
	lr =	simm.s32 $0x1  }
0x2: {  	[smem:$0x3F95] =	sst lr;
	_ =	strace $0xD0000000  }
0x3: {  	_ = 	snop  }
0x4: {  	_ = 	snop  }
0x5: {  	_ = 	snop  }
0x6: {  	_ = 	snop  }
0x7: {  	_ = 	snop  }
__scs_overlays_trampoline_lowered:
0x8: {  	[smem:$0x3FA4] =	sst s0  }
0x9: {  	[smem:$0x3FA5] =	sst s1  }
0xa: {  	[smem:$0x3FA6] =	sst s2  }
0xb: {  	[smem:$0x3FA7] =	sst s3  }
0xc: {  	[smem:$0x3FA8] =	sst s4  }
0xd: {  	[smem:$0x3FA9] =	sst s5  }
0xe: {  	[smem:$0x3FAA] =	sst s6  }
0xf: {  	[smem:$0x3FAB] =	sst s7  }
0x10: {  	[smem:$0x3FAC] =	sst s8  }
0x11: {  	[smem:$0x3FAD] =	sst s9;
	s0 =	simm.s32 @!p0 $0x0  }
0x12: {  	s1 =	sld [smem:$0x3F93];
	s0 =	simm.s32 @p0 $0x1  }
0x13: {  	[smem:$0x3FAE] =	sst s0;
	s0 =	simm.s32 @!p1 $0x0  }
0x14: {  	s2 =	sld [smem:$0x3F92];
	s0 =	simm.s32 @p1 $0x1  }
0x15: {  	[smem:$0x3FAF] =	sst s0;
	s0 =	simm.s32 @!p2 $0x0  }
0x16: {  	s3 =	sld [smem:$0x3FDB];
	s0 =	simm.s32 @p2 $0x1  }
0x17: {  	s4 =	simm.s32 $0x1BF5;
	[smem:$0x3FB1] =	sst s0  }
0x18: {  	s0 =	sld [smem:$0x3F94];
	_ =	swait.ge [sflag:s4], $0x0  }
0x19: {  	s7 =	sld [smem:$0x3F95]  }
0x1a: {  	s8 =	sadd.s32 $0xFFFFE003, lr  }
0x1b: {  	s9 =	sadd.s32 $0xFFFFFEF7, lr;
	s5 =	simm.s32 $0xFFFFFFFF;
	p2 =	slt.u32 s8, $0xFFFFF086  }
0x1c: {  	p1 =	slt.u32 s9, $0xF7A;
	s5 =	simm.s32 @!p2 $0x0  }
0x1d: {  	s5 =	simm.s32 @p1 $0x1;
	p0 =	seq.s32 s7, s2  }
0x1e: {  	s7 =	smul.u32 @!p0 $0xF7A, s2;
	p2 =	seq.s32 @!p0 s5, $0x0  }
0x1f: {  	s9 =	smul.u32 $0xF7A, s1;
	s8 =	simm.s32 @!p0 $0x1BF5;
	p2 =	por !p2, p0  }
0x20: {  	[sflag:s8] =	ssyncset.s32 @!p0 $0xFFFFF086;
	s6 =	sadd.s32 @!p0 s3, s7;
	s7 =	simm.s32 @!p0 $0x108  }
0x21: {  	s3 =	sadd.s32 s3, s9;
	s6 =	sadd.s32 @!p0 $0x88, s6;
	s7 =	simm.s32 @p2 $0x1082  }
0x22: {  	[simem:s7], [sflag:s8] =	dma.local @!p0 [hbm:s6], $0xF7A  }
0x23: {  	s9 =	sor.u32 $0xD0000000, s2;
	s6 =	simm.s32 $0x108;
	_ =	swait.ge @!p0 [sflag:s8], $0x0  }
0x24: {  	s3 =	sadd.s32 $0x88, s3;
	s6 =	simm.s32 @!p1 $0x1082;
	[sflag:s4] =	ssyncset.s32 $0xFFFFF086  }
0x25: {  	[simem:s6], [sflag:s4] =	dma.local [hbm:s3], $0xF7A  }
0x26: {  	[smem:$0x3F95] =	sst s1;
	(tag) =	ssettag s2;
	_ =	strace s9  }
0x27: {  	s1 =	sld [smem:$0x3FA5]  }
0x28: {  	s2 =	sld [smem:$0x3FA6]  }
0x29: {  	s4 =	sld [smem:$0x3FA8]  }
0x2a: {  	p0 =	seq.s32 s5, $0x0;
	s5 =	sld [smem:$0x3FA9]  }
0x2b: {  	s6 =	sld [smem:$0x3FAA]  }
0x2c: {  	s7 =	sld [smem:$0x3FAB]  }
0x2d: {  	s3 =	simm.s32 $0x108;
	s8 =	sld [smem:$0x3FAC]  }
0x2e: {  	s3 =	simm.s32 @!p0 $0x1082;
	s9 =	sld [smem:$0x3FAD]  }
0x2f: {  	lr =	sadd.s32 s0, s3;
	s0 =	sld [smem:$0x3FA4]  }
0x30: {  	s3 =	sld [smem:$0x3FA7]  }
0x31: {  	[smem:$0x3FB0] =	sst s10  }
0x32: {  	s10 =	sld [smem:$0x3FAE];
	_ =	sdelay $0x3  }
0x33: {  	p0 =	seq.s32 s10, $0x1;
	s10 =	sld [smem:$0x3FB0];
	_ =	sdelay $0x3  }
0x34: {  	[smem:$0x3FB0] =	sst s10  }
0x35: {  	s10 =	sld [smem:$0x3FAF];
	_ =	sdelay $0x3  }
0x36: {  	p1 =	seq.s32 s10, $0x1;
	s10 =	sld [smem:$0x3FB0];
	_ =	sdelay $0x3  }
0x37: {  	[smem:$0x3FB0] =	sst s10  }
0x38: {  	s10 =	sld [smem:$0x3FB1]  }
0x39: {  	_ = 	snop;
	(pc) =	sbr.ind lr, $3  }
0x3a: {  	_ = 	snop  }
0x3b: {  	_ = 	snop  }
0x3c: {  	p2 =	seq.s32 s10, $0x1;
	s10 =	sld [smem:$0x3FB0]  }
0x3d: {  	_ =	shalt  }
0x3e: {  	_ =	shalt  }
0x3f: {  	_ =	shalt  }
0x40: {  	_ =	shalt  }
0x41: {  	_ =	shalt  }
0x42: {  	_ =	shalt  }
0x43: {  	_ =	shalt  }
0x44: {  	_ =	shalt  }
0x45: {  	_ =	shalt  }
0x46: {  	_ =	shalt  }
0x47: {  	_ =	shalt  }
0x48: {  	_ =	shalt  }
0x49: {  	_ =	shalt  }
0x4a: {  	_ =	shalt  }
0x4b: {  	_ =	shalt  }
0x4c: {  	_ =	shalt  }
0x4d: {  	_ =	shalt  }
0x4e: {  	_ =	shalt  }
0x4f: {  	_ =	shalt  }
0x50: {  	_ =	shalt  }
0x51: {  	_ =	shalt  }
0x52: {  	_ =	shalt  }
0x53: {  	_ =	shalt  }
0x54: {  	_ =	shalt  }
0x55: {  	_ =	shalt  }
0x56: {  	_ =	shalt  }
0x57: {  	_ =	shalt  }
0x58: {  	_ =	shalt  }
0x59: {  	_ =	shalt  }
0x5a: {  	_ =	shalt  }
0x5b: {  	_ =	shalt  }
0x5c: {  	_ =	shalt  }
0x5d: {  	_ =	shalt  }
0x5e: {  	_ =	shalt  }
0x5f: {  	_ =	shalt  }
0x60: {  	_ =	shalt  }
0x61: {  	_ =	shalt  }
0x62: {  	_ =	shalt  }
0x63: {  	_ =	shalt  }
0x64: {  	_ =	shalt  }
0x65: {  	_ =	shalt  }
0x66: {  	_ =	shalt  }
0x67: {  	_ =	shalt  }
0x68: {  	_ =	shalt  }
0x69: {  	_ =	shalt  }
0x6a: {  	_ =	shalt  }
0x6b: {  	_ =	shalt  }
0x6c: {  	_ =	shalt  }
0x6d: {  	_ =	shalt  }
0x6e: {  	_ =	shalt  }
0x6f: {  	_ =	shalt  }
0x70: {  	_ =	shalt  }
0x71: {  	_ =	shalt  }
0x72: {  	_ =	shalt  }
0x73: {  	_ =	shalt  }
0x74: {  	_ =	shalt  }
0x75: {  	_ =	shalt  }
0x76: {  	_ =	shalt  }
0x77: {  	_ =	shalt  }
0x78: {  	_ =	shalt  }
0x79: {  	_ =	shalt  }
0x7a: {  	_ =	shalt  }
0x7b: {  	_ =	shalt  }
0x7c: {  	_ =	shalt  }
0x7d: {  	_ =	shalt  }
0x7e: {  	_ =	shalt  }
0x7f: {  	_ =	shalt  }
0x80: {  	_ =	shalt  }
0x81: {  	_ =	shalt  }
0x82: {  	_ =	shalt  }
0x83: {  	_ =	shalt  }
0x84: {  	_ =	shalt  }
0x85: {  	_ =	shalt  }
0x86: {  	_ =	shalt  }
0x87: {  	_ =	shalt  }
.Lfunc_end0:
.L_simem_size_0:
called_computation_lowered:
.L_overlay_start_0:
0x88: {  	s2 =	sld [smem:$0x3FD9]  }
0x89: {  	s3 =	sld [smem:$0x3FFE];
	_ =	sdelay $0x1  }
0x8a: {  	s1 =	srdreg.scid  }
0x8b: {  	s0 =	sand.u32 $0x1, s1  }
0x8c: {  	s13 =	sshll.u32 s0, $0xA;
	s2 =	sadd.s32 s3, s2  }
0x8d: {  	s2 =	sadd.s32 s2, s13  }
0x8e: {  	[smem:$0x3FBC] =	sst s2  }
0x8f: {  	_ = 	snop  }
0x90: {  	s2 =	sld [smem:$0x3FD0];
	_ =	sdelay $0x2  }
0x91: {  	s14 =	simm.s32 $0xB;
	s4 =	simm.s32 $0x10  }
0x92: {  	[smem:s4], [sflag:s14] =	dma.local [hbm:s2], $0x1  }
0x93: {  	_ =	swait.eq [sflag:s14], $0x1  }
0x94: {  	[sflag:s14] =	ssyncset.done $0x0  }
0x95: {  	[sflag:s14] =	ssyncadd.s32 $0xFFFFFFFF  }
0x96: {  	s15 =	sld [smem:$0x11];
	(tm) =	ssettm $0x1  }
0x97: {  	s16 =	sld [smem:$0x3FFB];
	_ =	sdelay $0x3  }
0x98: {  	_ =	strace s16  }
0x99: {  	s2 =	sld [smem:$0x3FFC];
	_ =	sdelay $0x3  }
0x9a: {  	_ =	strace s2  }
0x9b: {  	s2 =	sld [smem:$0x3FFD];
	_ =	sdelay $0x3  }
0x9c: {  	_ =	strace s2  }
0x9d: {  	_ =	strace $0x8FFFFFFF  }
0x9e: {  	s17 =	sld [smem:$0x3FDB];
	_ =	sdelay $0x1  }
0x9f: {  	s18 =	simm.s32 $_scs_section_size  }
0xa0: {  	s5 =	simm.s32 $_size__tile_overlayer_lowered;
	s6 =	simm.s32 $_tile_overlayer_lowered  }
0xa1: {  	s7 =	simm.s32 $0x1BFF;
	s19 =	sshll.u32 s6, $0x1;
	s4 =	sadd.s32 s18, s17  }
0xa2: {  	s20 =	simm.s32 $0x0;
	s5 =	sshll.u32 s5, $0x1;
	s6 =	sadd.s32 s19, s4  }
0xa3: {  	[timem:s20], [sflag:s7] =	dma.local [hbm:s6], s5  }
0xa4: {  	_ =	swait.ge [sflag:s7], s5  }
0xa5: {  	s5 =	ssub.s32 $0x0, s5;
	[sflag:s7] =	ssyncset.done $0x0  }
0xa6: {  	[sflag:s7] =	ssyncadd.s32 s5;
	_ =	sdelay $0x1  }
0xa7: {  	s21 =	simm.s32 $0x1B8B  }
0xa8: {  	_ =	swait.ge [sflag:s21], $0x1  }
0xa9: {  	[sflag:s21] =	ssyncset.done $0x0  }
0xaa: {  	s22 =	sld [smem:$0x3FFE];
	[sflag:s21] =	ssyncadd.s32 $0xFFFFFFFF  }
0xab: {  	s24 =	simm.s32 $0x1B8E;
	s23 =	sld [smem:$0x0]  }
0xac: {  	s25 =	simm.s32 $execute0_lowered;
	[smem:$0x3FD2] =	sst s24  }
0xad: {  	s7 =	sshll.u32 s25, $0x1;
	_ =	strace $0x80000049;
	[dreg:$0x1] =	wrdreg $0xFFFFFFFF  }
0xae: {  	s8 =	simm.s32 $_size_execute0_lowered;
	s7 =	sadd.s32 s4, s7;
	[dreg:$0x0] =	wrdreg $0x0  }
0xaf: {  	s8 =	sshll.u32 s8, $0x1;
	[dreg:$0x2] =	wrdreg s7  }
0xb0: {  	[dreg:$0x3] =	wrdreg s8  }
0xb1: {  	[dreg:$0x4] =	wrdreg $0xC0  }
0xb2: {  	s26 =	simm.s32 $execute1_lowered;
	_ =	task [dreg:s20], $0x5FFFF  }
0xb3: {  	s7 =	sshll.u32 s26, $0x1;
	[dreg:$0x1] =	wrdreg $0xFFFFFFFF  }
0xb4: {  	s4 =	sadd.s32 s4, s7;
	[dreg:$0x0] =	wrdreg $0x60  }
0xb5: {  	[dreg:$0x2] =	wrdreg s4  }
0xb6: {  	[dreg:$0x3] =	wrdreg s15  }
0xb7: {  	[dreg:$0x4] =	wrdreg s22  }
0xb8: {  	[dreg:$0x5] =	wrdreg $0x9  }
0xb9: {  	_ =	task.clear_ibuf [dreg:s20], $0x6FFFF;
	_ =	strace $0x90000049  }
0xba: {  	s28 =	simm.s32 $0x9;
	_ =	strace $0x8000004B  }
0xbb: {  	_ =	swait.ge [sflag:s28], $0x1  }
0xbc: {  	[sflag:s28] =	ssyncadd.s32 $0xFFFFFFFF  }
0xbd: {  	_ =	strace $0x9000004B  }
0xbe: {  	s3 =	sld [smem:$0x0]  }
0xbf: {  	s4 =	sand.u32 $0xFFFFFFFE, s1  }
0xc0: {  	p0 =	sne.s32 s1, s4  }
0xc1: {  	s4 =	sshll.u32 @p0 s4, $0xE  }
0xc2: {  	s4 =	sadd.s32 @p0 $0x11BF3, s4;
	s7 =	sshll.u32 @p0 s3, $0x11  }
0xc3: {  	s4 =	sor.u32 @p0 s7, s4  }
0xc4: {  	[sflag:s4] =	ssyncadd.remote.s32 @p0 $0x1;
	_ =	sdelay $0x1  }
0xc5: {  	s4 =	simm.s32 @p0 $0x1BF3  }
0xc6: {  	_ =	swait.eq @p0 [sflag:s4], $0x1  }
0xc7: {  	[sflag:s4] =	ssyncadd.s32 @p0 $0xFFFFFFFF  }
0xc8: {  	s7 =	sshll.u32 @!p0 s1, $0xE  }
0xc9: {  	s7 =	sor.u32 @!p0 $0x4000, s7;
	s4 =	simm.s32 @!p0 $0x1BF3  }
0xca: {  	s3 =	sshll.u32 @!p0 s3, $0x11;
	s7 =	sadd.s32 @!p0 $0x11BF3, s7;
	_ =	swait.eq @!p0 [sflag:s4], $0x1  }
0xcb: {  	s3 =	sor.u32 @!p0 s3, s7;
	[sflag:s4] =	ssyncadd.s32 @!p0 $0xFFFFFFFF  }
0xcc: {  	[sflag:s3] =	ssyncadd.remote.s32 @!p0 $0x1  }
0xcd: {  	_ =	strace $0x8000004C;
	[dreg:$0x1] =	wrdreg $0xFFFFFFFF  }
0xce: {  	[dreg:$0x0] =	wrdreg $0x2030  }
0xcf: {  	[dreg:$0x2] =	wrdreg s22  }
0xd0: {  	[dreg:$0x3] =	wrdreg s1  }
0xd1: {  	[dreg:$0x4] =	wrdreg s23  }
0xd2: {  	[dreg:$0x5] =	wrdreg $0xA  }
0xd3: {  	_ =	task.clear_ibuf [dreg:s20], $0x6FFFF;
	_ =	strace $0x9000004C  }
0xd4: {  	s29 =	simm.s32 $0xA;
	_ =	strace $0x8000004E  }
0xd5: {  	_ =	swait.ge [sflag:s29], $0x1  }
0xd6: {  	[sflag:s29] =	ssyncadd.s32 $0xFFFFFFFF  }
0xd7: {  	_ =	strace $0x9000004E  }
0xd8: {  	_ =	sfence  }
0xd9: {  	s30 =	sld [smem:$0x0];
	_ =	sdelay $0x2  }
0xda: {  	s31 =	sshll.u32 s1, $0xD;
	s1 =	sshrl.u32 s1, $0x2  }
0xdb: {  	s4 =	sand.u32 $0x4000, s31;
	s1 =	sadd.s32 s1, s30  }
0xdc: {  	s0 =	sor.u32 s4, s0;
	s1 =	sshll.u32 s1, $0x11  }
0xdd: {  	s0 =	sor.u32 s1, s0  }
0xde: {  	s0 =	sadd.s32 $0x8F2B, s0  }
0xdf: {  	[sflag:s0] =	ssyncadd.remote.s32 $0x1  }
0xe0: {  	_ =	sfence.sel $0xFFFF  }
0xe1: {  	[dreg:$0x0] =	wrdreg $0xFFFFFFFF;
	(pc) =	sbr.abs _section_cstart, $3  }
0xe2: {  	[dreg:$0x1] =	wrdreg $0xFFFFFFFF  }
0xe3: {  	_ =	task.clear_ibuf [dreg:s20], $0x2FFFF;
	_ =	strace $0x9FFFFFFF  }
0xe4: {  	(tm) =	ssettm $0x7FFFFFFF  }
0xe5: {  	_ =	shalt  }
tec
execute0_lowered:
.L_overlay_start_1:
0x0: {  	(tag) =	ssettag $0x1  }
0x1: {  	s3 =	rddreg [dreg:$0x0]  }
0x2: {  	s25 =	rddreg [dreg:$0x1]  }
0x3: {  	s4 =	rddreg [dreg:$0x2];
	s5 =	stileid.u32;
	[bflag:$0x3] =	sbarrier.arrive $0xFFFF  }
0x4: {  	s1 =	simm.s32 $_size_execute1_lowered;
	s26 =	srdreg.scid;
	s29 =	simm.s32 $0x1  }
0x5: {  	s31 =	simm.s32 $0x2;
	p0 =	sne.s32 s5, $0x0;
	s0 =	sshll.u32 s1, $0x1  }
0x6: {  	s6 =	simm.s32 @!p0 $0x1C3F;
	s7 =	simm.s32 @!p0 $0x4060;
	[dreg:$0x4] =	wrdreg s0  }
0x7: {  	[timem:s7], [sflag:s6] =	dma.local @!p0 [hbm:s3], s0  }
0x8: {  	s12 =	simm.s32 $0x0;
	s10 =	simm.s32 $0x0;
	s3 =	sshll.u32 s26, $0x6  }
.Ltmp0:
0x9: {  	s5 =	sshll.u32 s5, $0x7;
	s3 =	sand.u32 $0x40, s3;
	(pc) =	sbr.rel .LBB2_1-.Ltmp0, $4  }
0xa: {  	s11 =	simm.s32 $0x0;
	_ =	strace $0x8000004A;
	s3 =	sor.u32 s5, s3  }
0xb: {  	s28 =	sadd.s32 $0x59E400, s4;
	[sflag:s29] =	ssyncpa.u1 $0x0;
	s30 =	ssub.s32 $0x2700, s3  }
0xc: {  	[dreg:$0x5] =	wrdreg s28;
	[sflag:s31] =	ssyncpa.u1 $0x0;
	s6 =	sshrl.u32 s30, $0xB  }
0xd: {  	s9 =	smov.u32 s3;
	[dreg:$0x6] =	wrdreg s3;
	s7 =	sadd.s32 $0x2, s6  }
.LBB2_4:
0xe: {  	_ = 	snop  }
.LBB2_9:
0xf: {  	_ =	sdelay $0x3  }
0x10: {  	[tilespmem:v0+s23+$0x0 ss:$0x1] =	vst.idx.msk @p1 $0xffff, v2  }
0x11: {  	s0 =	sor.u32 s29, s28;
	v2 =	vld.idx.msk @p1 [tilespmem:v1+s15+$0x0 ss:$0x1], $0xffff;
	[tilespmem:v0+s22+$0x0 ss:$0x1] =	vst.idx.msk @p1 $0xffff, v3  }
0x12: {  	s1 =	sand.u32 $0x80, s18;
	v3 =	vld.idx.msk @p1 [tilespmem:v1+s16+$0x0 ss:$0x1], $0xffff;
	[tilespmem:v0+s19+$0x0 ss:$0x1] =	vst.idx.msk @p1 $0xffff, v6;
	s2 =	sand.u32 $0x3B00, s0  }
0x13: {  	v6 =	vld.idx.msk @p1 [tilespmem:v1+s17+$0x0 ss:$0x1], $0xffff;
	[tilespmem:v0+s24+$0x0 ss:$0x1] =	vst.idx.msk @p1 $0xffff, v4;
	s0 =	sand.u32 $0x3B80, s0;
	s1 =	sor.u32 s1, s2  }
0x14: {  	[tilespmem:v0+s21+$0x0 ss:$0x1] =	vst.idx.msk @p1 $0xffff, v5;
	s24 =	sor.u32 $0x410, s0;
	v48 =	vld.idx.msk [tilespmem:v1+s1+$0x0 ss:$0x1], $0xffff  }
0x15: {  	s26 =	sor.u32 $0x420, s0;
	[tilespmem:v0+s20+$0x0 ss:$0x1] =	vst.idx.msk @p1 $0xffff, v7;
	v57 =	vld.idx.msk [tilespmem:v1+s24+$0x0 ss:$0x1], $0xffff  }
0x16: {  	s28 =	sor.u32 $0x430, s0;
	v58 =	vld.idx.msk [tilespmem:v1+s26+$0x0 ss:$0x1], $0xffff;
	[tilespmem:v0+s15+$0x0 ss:$0x1] =	vst.idx.msk @p1 $0xffff, v2  }
0x17: {  	s29 =	sor.u32 $0x440, s0;
	v59 =	vld.idx.msk [tilespmem:v1+s28+$0x0 ss:$0x1], $0xffff;
	[tilespmem:v0+s16+$0x0 ss:$0x1] =	vst.idx.msk @p1 $0xffff, v3  }
0x18: {  	s30 =	sor.u32 $0x450, s0;
	v60 =	vld.idx.msk [tilespmem:v1+s29+$0x0 ss:$0x1], $0xffff;
	[tilespmem:v0+s17+$0x0 ss:$0x1] =	vst.idx.msk @p1 $0xffff, v6  }
0x19: {  	s31 =	sor.u32 $0x460, s0;
	v61 =	vld.idx.msk [tilespmem:v1+s30+$0x0 ss:$0x1], $0xffff;
	[tilespmem:v0+s1+$0x0 ss:$0x1] =	vst.idx.msk $0xffff, v48  }
0x1a: {  	s0 =	sor.u32 $0x470, s0;
	v62 =	vld.idx.msk [tilespmem:v1+s31+$0x0 ss:$0x1], $0xffff;
	[tilespmem:v0+s24+$0x0 ss:$0x1] =	vst.idx.msk $0xffff, v57  }
0x1b: {  	s2 =	sor.u32 $0x400, s1;
	v63 =	vld.idx.msk [tilespmem:v1+s0+$0x0 ss:$0x1], $0xffff;
	[tilespmem:v0+s26+$0x0 ss:$0x1] =	vst.idx.msk $0xffff, v58  }
0x1c: {  	s4 =	sor.u32 $0x10, s1;
	v49 =	vld.idx.msk [tilespmem:v1+s2+$0x0 ss:$0x1], $0xffff;
	[tilespmem:v0+s28+$0x0 ss:$0x1] =	vst.idx.msk $0xffff, v59  }
0x1d: {  	s5 =	sor.u32 $0x20, s1;
	v50 =	vld.idx.msk [tilespmem:v1+s4+$0x0 ss:$0x1], $0xffff;
	[tilespmem:v0+s29+$0x0 ss:$0x1] =	vst.idx.msk $0xffff, v60  }
0x1e: {  	s8 =	sor.u32 $0x30, s1;
	v51 =	vld.idx.msk [tilespmem:v1+s5+$0x0 ss:$0x1], $0xffff;
	[tilespmem:v0+s30+$0x0 ss:$0x1] =	vst.idx.msk $0xffff, v61  }
0x1f: {  	s21 =	sor.u32 $0x40, s1;
	v52 =	vld.idx.msk [tilespmem:v1+s8+$0x0 ss:$0x1], $0xffff;
	[tilespmem:v0+s31+$0x0 ss:$0x1] =	vst.idx.msk $0xffff, v62  }
0x20: {  	s22 =	sor.u32 $0x50, s1;
	v53 =	vld.idx.msk [tilespmem:v1+s21+$0x0 ss:$0x1], $0xffff;
	[tilespmem:v0+s0+$0x0 ss:$0x1] =	vst.idx.msk $0xffff, v63  }
0x21: {  	s23 =	sor.u32 $0x60, s1;
	v54 =	vld.idx.msk [tilespmem:v1+s22+$0x0 ss:$0x1], $0xffff;
	[tilespmem:v0+s2+$0x0 ss:$0x1] =	vst.idx.msk $0xffff, v49  }
0x22: {  	v55 =	vld.idx.msk [tilespmem:v1+s23+$0x0 ss:$0x1], $0xffff;
	s1 =	sor.u32 $0x70, s1;
	[tilespmem:v0+s4+$0x0 ss:$0x1] =	vst.idx.msk $0xffff, v50  }
0x23: {  	v56 =	vld.idx.msk [tilespmem:v1+s1+$0x0 ss:$0x1], $0xffff;
	[tilespmem:v0+s5+$0x0 ss:$0x1] =	vst.idx.msk $0xffff, v51  }
0x24: {  	[tilespmem:v0+s8+$0x0 ss:$0x1] =	vst.idx.msk $0xffff, v52  }
0x25: {  	[tilespmem:v0+s21+$0x0 ss:$0x1] =	vst.idx.msk $0xffff, v53  }
0x26: {  	[tilespmem:v0+s22+$0x0 ss:$0x1] =	vst.idx.msk $0xffff, v54  }
0x27: {  	[tilespmem:v0+s23+$0x0 ss:$0x1] =	vst.idx.msk $0xffff, v55  }
0x28: {  	[tilespmem:v0+s1+$0x0 ss:$0x1] =	vst.idx.msk $0xffff, v56  }
.LBB2_10:
0x29: {  	s0 =	sshll.u32 s10, $0x8;
	s1 =	sshll.u32 s10, $0x7  }
0x2a: {  	s0 =	sand.u32 $0xFFFFF800, s0;
	s1 =	sand.u32 $0x300, s1  }
0x2b: {  	s0 =	sor.u32 s1, s0  }
0x2c: {  	s0 =	sshrl.u32 s0, $0x8  }
0x2d: {  	s28 =	smulhi.u32 $0x1A36E3, s0;
	_ =	sdelay $0x1  }
0x2e: {  	s1 =	sshrl.u32 s28, $0x2  }
0x2f: {  	s1 =	smul.u32 $0x2710, s1  }
0x30: {  	s2 =	sshll.u32 s10, $0x4  }
0x31: {  	s30 =	rddreg [dreg:$0x5];
	s29 =	sand.u32 $0x10, s2;
	s0 =	ssub.s32 s0, s1  }
0x32: {  	s1 =	sadd.s32 s30, s29;
	s0 =	sshll.u32 s0, $0x5  }
0x33: {  	s31 =	simm.s32 $0x0;
	s0 =	sadd.s32 s0, s1  }
0x34: {  	[hbm4b:s0+s31] =	stream.linear.scatter [tilespmem:s14], [sflag:$0x2], s13, $0x38;
	[tilespmem:$0x10000] =	vst v63  }
.LBB2_11:
0x35: {  	p1 =	slt.u32 s11, $0x2  }
0x36: {  	p2 =	sgt.s32 @!p1 s12, $0x26D0  }
0x37: {  	s0 =	smov.u32 s12;
	s1 =	sshra.s32 @!p1 s12, $0x1F;
	p2 =	por !p2, p1  }
0x38: {  	s1 =	sand.u32 @!p1 s1, s12;
	s0 =	simm.s32 @p2 $0x26D0  }
0x39: {  	s0 =	ssub.s32 @!p1 s0, s1  }
0x3a: {  	s0 =	sadd.s32 @!p1 $0xFFFFD930, s0  }
0x3b: {  	s1 =	sshll.u32 @!p1 s0, $0xA  }
0x3c: {  	p2 =	sgt.s32 @!p1 s0, $0x3F;
	s0 =	ssub.s32 @!p1 $0x10000, s1  }
0x3d: {  	s2 =	sadd.s32 $0x800, s9;
	p2 =	por !p2, p1;
	s0 =	sshrl.u32 @!p1 s0, $0x2  }
0x3e: {  	s0 =	simm.s32 @!p2 $0x0;
	p2 =	sgt.s32 s2, $0x270F  }
0x3f: {  	s2 =	smov.u32 @p2 s3;
	p2 =	sne.s32 s11, s7  }
.Ltmp1:
0x40: {  	_ = 	snop;
	(pc) =	sbr.rel @!p2 .LBB2_12-.Ltmp1, $4  }
0x41: {  	s1 =	simm.s32 @!p1 $0x2  }
0x42: {  	s12 =	smov.u32 s10;
	_ =	swait.ge @!p1 [sflag:s1], s0  }
0x43: {  	s10 =	smov.u32 s9;
	s0 =	ssub.s32 @!p1 $0x0, s0;
	[sflag:s1] =	ssyncset.done @!p1 $0x0  }
0x44: {  	s11 =	sadd.s32 $0x1, s11;
	s9 =	smov.u32 s2;
	[sflag:s1] =	ssyncadd.s32 @!p1 s0  }
.LBB2_1:
0x45: {  	p1 =	sgt.u32 s11, s6  }
0x46: {  	s13 =	sshll.u32 @!p1 s9, $0x8;
	s14 =	sshll.u32 @!p1 s9, $0x7  }
0x47: {  	s13 =	sand.u32 @!p1 $0xFFFFF800, s13;
	s14 =	sand.u32 @!p1 $0x300, s14  }
0x48: {  	s13 =	sor.u32 @!p1 s14, s13  }
0x49: {  	s15 =	smov.u32 s9;
	p2 =	sgt.s32 @!p1 s9, $0x26D0;
	s13 =	sshrl.u32 @!p1 s13, $0x8  }
0x4a: {  	s16 =	sshra.s32 @!p1 s9, $0x1F;
	p2 =	por !p2, p1;
	s14 =	smulhi.u32 @!p1 $0x1A36E3, s13  }
0x4b: {  	s16 =	sand.u32 @!p1 s16, s9;
	s15 =	simm.s32 @p2 $0x26D0  }
0x4c: {  	s15 =	ssub.s32 @!p1 s15, s16;
	s16 =	sxor.u32 @!p1 $0xFFFFFFFF, s11;
	s14 =	sshrl.u32 @!p1 s14, $0x2  }
0x4d: {  	s15 =	sadd.s32 @!p1 $0xFFFFD930, s15;
	s16 =	sshll.u32 @!p1 s16, $0xE;
	s14 =	smul.u32 @!p1 $0x2710, s14  }
0x4e: {  	p2 =	sgt.s32 @!p1 s15, $0x3F;
	s16 =	sand.u32 @!p1 $0x4000, s16  }
0x4f: {  	s13 =	ssub.s32 @!p1 s13, s14;
	s14 =	sshll.u32 @!p1 s15, $0xA;
	s15 =	sshll.u32 @!p1 s9, $0x4  }
0x50: {  	p2 =	por !p2, p1;
	s14 =	ssub.s32 @!p1 $0x10000, s14;
	s15 =	sand.u32 @!p1 $0x10, s15  }
0x51: {  	s13 =	sshll.u32 @!p1 s13, $0x5;
	s14 =	sshrl.u32 @!p1 s14, $0x2;
	s15 =	sadd.s32 @!p1 s25, s15  }
0x52: {  	s14 =	simm.s32 @!p2 $0x0;
	s13 =	sadd.s32 @!p1 s13, s15;
	s15 =	simm.s32 @!p1 $0x0  }
0x53: {  	[tilespmem:s16], [sflag:$0x1] =	stream.linear.gather @!p1 [hbm4b:s13+s15], s14, $0x38;
	[tilespmem:$0x10000] =	vst v63  }
0x54: {  	p1 =	seq.s32 s11, $0x0  }
0x55: {  	p2 =	sge.u32 @!p1 s11, s7  }
0x56: {  	p1 =	por p1, p2  }
.Ltmp2:
0x57: {  	_ = 	snop;
	(pc) =	sbr.rel @p1 .LBB2_11-.Ltmp2, $1  }
0x58: {  	_ =	sdelay $0x3  }
0x59: {  	p1 =	sgt.s32 s10, $0x26D0;
	s13 =	smov.u32 s10;
	s14 =	sshra.s32 s10, $0x1F  }
0x5a: {  	s13 =	simm.s32 @!p1 $0x26D0;
	s14 =	sand.u32 s14, s10  }
0x5b: {  	s13 =	ssub.s32 s13, s14  }
0x5c: {  	s13 =	sadd.s32 $0xFFFFD930, s13  }
0x5d: {  	s31 =	sshll.u32 s13, $0xA  }
0x5e: {  	s14 =	ssub.s32 $0x10000, s31  }
0x5f: {  	p1 =	sgt.s32 s13, $0x3F;
	s13 =	sshrl.u32 s14, $0x2;
	s14 =	sadd.s32 $0x40, s10  }
0x60: {  	s13 =	simm.s32 @p1 $0x0;
	p1 =	slt.s32 s14, $0x2710  }
0x61: {  	s14 =	simm.s32 @!p1 $0x2710  }
0x62: {  	s15 =	ssub.s32 s14, s10  }
0x63: {  	p1 =	slt.s32 s15, $0x1  }
.Ltmp3:
0x64: {  	_ = 	snop;
	(pc) =	sbr.rel @p1 .LBB2_10-.Ltmp3, $4  }
0x65: {  	s0 =	simm.s32 $0x1  }
0x66: {  	s16 =	sshll.u32 s11, $0xE;
	_ =	swait.ge [sflag:s0], s13  }
0x67: {  	s16 =	sand.u32 $0x4000, s16;
	s17 =	ssub.s32 $0x0, s13;
	[sflag:s0] =	ssyncset.done $0x0  }
0x68: {  	s14 =	sor.u32 $0x8000, s16;
	[sflag:s0] =	ssyncadd.s32 s17  }
0x69: {  	p2 =	sne.s32 s15, $0x1  }
.Ltmp4:
0x6a: {  	v1 =	vmov s16;
	v0 =	vmov s14;
	(pc) =	sbr.rel @!p2 .LBB2_4-.Ltmp4, $3  }
0x6b: {  	_ =	sdelay $0x1  }
0x6c: {  	s18 =	simm.s32 $0x0;
	s26 =	sadd.s32 $0xFFFFFFFF, s15  }
0x6d: {  	p1 =	por $0x0, $0x0;
	s28 =	sand.u32 $0xFFFFF800, s18;
	s29 =	sand.u32 $0x380, s18  }
0x6e: {  	_ = 	snop  }
0x6f: {  	s15 =	sor.u32 s29, s28  }
0x70: {  	s16 =	sand.u32 $0x80, s18;
	s17 =	sand.u32 $0x3B00, s15  }
0x71: {  	s31 =	sand.u32 $0x3B80, s15;
	s16 =	sor.u32 s16, s17  }
0x72: {  	s19 =	sor.u32 $0x410, s31;
	v2 =	vld.idx.msk [tilespmem:v1+s16+$0x0 ss:$0x1], $0xffff  }
0x73: {  	s17 =	sor.u32 $0x400, s16;
	v6 =	vld.idx.msk [tilespmem:v1+s19+$0x0 ss:$0x1], $0xffff  }
0x74: {  	s5 =	sor.u32 $0x10, s16;
	v3 =	vld.idx.msk [tilespmem:v1+s17+$0x0 ss:$0x1], $0xffff  }
0x75: {  	s8 =	sor.u32 $0x20, s16;
	v4 =	vld.idx.msk [tilespmem:v1+s5+$0x0 ss:$0x1], $0xffff  }
0x76: {  	s28 =	sor.u32 $0x30, s16;
	v5 =	vld.idx.msk [tilespmem:v1+s8+$0x0 ss:$0x1], $0xffff  }
0x77: {  	s29 =	sor.u32 $0x40, s16;
	v7 =	vld.idx.msk [tilespmem:v1+s28+$0x0 ss:$0x1], $0xffff  }
0x78: {  	s30 =	sor.u32 $0x50, s16;
	v8 =	vld.idx.msk [tilespmem:v1+s29+$0x0 ss:$0x1], $0xffff;
	[tilespmem:v0+s16+$0x0 ss:$0x1] =	vst.idx.msk $0xffff, v2  }
0x79: {  	s3 =	smov.u32 s6;
	p2 =	sne.s32 s26, $0x1;
	s23 =	sor.u32 $0x60, s16;
	v9 =	vld.idx.msk [tilespmem:v1+s30+$0x0 ss:$0x1], $0xffff;
	[tilespmem:v0+s17+$0x0 ss:$0x1] =	vst.idx.msk $0xffff, v3  }
.Ltmp5:
0x7a: {  	s6 =	smov.u32 s25;
	s22 =	sor.u32 $0x70, s16;
	v2 =	vld.idx.msk [tilespmem:v1+s23+$0x0 ss:$0x1], $0xffff;
	[tilespmem:v0+s5+$0x0 ss:$0x1] =	vst.idx.msk $0xffff, v4;
	(pc) =	sbr.rel @!p2 .LBB2_6-.Ltmp5, $4  }
0x7b: {  	s25 =	simm.s32 $0x100;
	s18 =	simm.s32 $0x80;
	s24 =	sor.u32 $0x420, s31;
	v3 =	vld.idx.msk [tilespmem:v1+s22+$0x0 ss:$0x1], $0xffff;
	[tilespmem:v0+s8+$0x0 ss:$0x1] =	vst.idx.msk $0xffff, v5  }
0x7c: {  	s26 =	sadd.s32 $0xFFFFFFFF, s26;
	p1 =	por $0x1, $0x1;
	s21 =	sor.u32 $0x430, s31;
	[tilespmem:v0+s28+$0x0 ss:$0x1] =	vst.idx.msk $0xffff, v7;
	v4 =	vld.idx.msk [tilespmem:v1+s24+$0x0 ss:$0x1], $0xffff  }
0x7d: {  	s20 =	sor.u32 $0x440, s31;
	s15 =	sor.u32 $0x450, s31;
	s16 =	sor.u32 $0x460, s31;
	[tilespmem:v0+s29+$0x0 ss:$0x1] =	vst.idx.msk $0xffff, v8;
	v5 =	vld.idx.msk [tilespmem:v1+s21+$0x0 ss:$0x1], $0xffff  }
0x7e: {  	s17 =	sor.u32 $0x470, s31;
	s28 =	sand.u32 $0xFFFFF800, s25;
	s29 =	sand.u32 $0x380, s18;
	[tilespmem:v0+s30+$0x0 ss:$0x1] =	vst.idx.msk $0xffff, v9;
	v7 =	vld.idx.msk [tilespmem:v1+s20+$0x0 ss:$0x1], $0xffff  }
.LBB2_7:
0x7f: {  	p2 =	sne.s32 s26, $0x1;
	s28 =	sor.u32 s29, s28;
	[tilespmem:v0+s23+$0x0 ss:$0x1] =	vst.idx.msk $0xffff, v2;
	v2 =	vld.idx.msk [tilespmem:v1+s15+$0x0 ss:$0x1], $0xffff  }
0x80: {  	s23 =	sand.u32 $0x80, s18;
	s29 =	sand.u32 $0x3B00, s28;
	s28 =	sand.u32 $0x3B80, s28;
	[tilespmem:v0+s22+$0x0 ss:$0x1] =	vst.idx.msk $0xffff, v3;
	v3 =	vld.idx.msk [tilespmem:v1+s16+$0x0 ss:$0x1], $0xffff  }
0x81: {  	s29 =	sor.u32 s23, s29;
	s30 =	sor.u32 $0x420, s28;
	[tilespmem:v0+s19+$0x0 ss:$0x1] =	vst.idx.msk $0xffff, v6;
	s19 =	sor.u32 $0x410, s28;
	v6 =	vld.idx.msk [tilespmem:v1+s17+$0x0 ss:$0x1], $0xffff  }
0x82: {  	v8 =	vld.idx.msk [tilespmem:v1+s29+$0x0 ss:$0x1], $0xffff;
	s31 =	sor.u32 $0x10, s29;
	s0 =	sor.u32 $0x20, s29;
	s1 =	sor.u32 $0x400, s29;
	[tilespmem:v0+s24+$0x0 ss:$0x1] =	vst.idx.msk $0xffff, v4  }
0x83: {  	s8 =	sor.u32 $0x30, s29;
	s2 =	sor.u32 $0x40, s29;
	s4 =	sor.u32 $0x50, s29;
	v4 =	vld.idx.msk [tilespmem:v1+s1+$0x0 ss:$0x1], $0xffff;
	[tilespmem:v0+s21+$0x0 ss:$0x1] =	vst.idx.msk $0xffff, v5  }
0x84: {  	s23 =	sor.u32 $0x60, s29;
	s22 =	sor.u32 $0x70, s29;
	s21 =	sor.u32 $0x430, s28;
	v5 =	vld.idx.msk [tilespmem:v1+s31+$0x0 ss:$0x1], $0xffff;
	[tilespmem:v0+s20+$0x0 ss:$0x1] =	vst.idx.msk $0xffff, v7  }
0x85: {  	s5 =	sor.u32 $0x460, s28;
	s20 =	sor.u32 $0x440, s28;
	v7 =	vld.idx.msk [tilespmem:v1+s0+$0x0 ss:$0x1], $0xffff;
	[tilespmem:v0+s15+$0x0 ss:$0x1] =	vst.idx.msk $0xffff, v2;
	s15 =	sor.u32 $0x450, s28  }
0x86: {  	s24 =	smov.u32 s30;
	s28 =	sor.u32 $0x470, s28;
	v9 =	vld.idx.msk [tilespmem:v1+s8+$0x0 ss:$0x1], $0xffff;
	[tilespmem:v0+s16+$0x0 ss:$0x1] =	vst.idx.msk $0xffff, v3;
	s16 =	smov.u32 s5  }
0x87: {  	v10 =	vld.idx.msk [tilespmem:v1+s2+$0x0 ss:$0x1], $0xffff;
	[tilespmem:v0+s17+$0x0 ss:$0x1] =	vst.idx.msk $0xffff, v6;
	s17 =	smov.u32 s28  }
0x88: {  	[tilespmem:v0+s29+$0x0 ss:$0x1] =	vst.idx.msk $0xffff, v8;
	v8 =	vld.idx.msk [tilespmem:v1+s4+$0x0 ss:$0x1], $0xffff  }
0x89: {  	v2 =	vld.idx.msk [tilespmem:v1+s23+$0x0 ss:$0x1], $0xffff;
	[tilespmem:v0+s1+$0x0 ss:$0x1] =	vst.idx.msk $0xffff, v4  }
.Ltmp6:
0x8a: {  	[tilespmem:v0+s31+$0x0 ss:$0x1] =	vst.idx.msk $0xffff, v5;
	v3 =	vld.idx.msk [tilespmem:v1+s22+$0x0 ss:$0x1], $0xffff;
	(pc) =	sbr.rel @p2 .LBB2_7-.Ltmp6, $4  }
0x8b: {  	[tilespmem:v0+s0+$0x0 ss:$0x1] =	vst.idx.msk $0xffff, v7;
	v6 =	vld.idx.msk [tilespmem:v1+s19+$0x0 ss:$0x1], $0xffff  }
0x8c: {  	[tilespmem:v0+s8+$0x0 ss:$0x1] =	vst.idx.msk $0xffff, v9;
	v4 =	vld.idx.msk [tilespmem:v1+s24+$0x0 ss:$0x1], $0xffff  }
0x8d: {  	s18 =	sadd.s32 $0x80, s18;
	s25 =	sadd.s32 $0x100, s25;
	[tilespmem:v0+s2+$0x0 ss:$0x1] =	vst.idx.msk $0xffff, v10;
	v5 =	vld.idx.msk [tilespmem:v1+s21+$0x0 ss:$0x1], $0xffff  }
0x8e: {  	s26 =	sadd.s32 $0xFFFFFFFF, s26;
	s28 =	sand.u32 $0xFFFFF800, s25;
	s29 =	sand.u32 $0x380, s18;
	[tilespmem:v0+s4+$0x0 ss:$0x1] =	vst.idx.msk $0xffff, v8;
	v7 =	vld.idx.msk [tilespmem:v1+s20+$0x0 ss:$0x1], $0xffff  }
.Ltmp7:
0x8f: {  	(pc) =	sbr.rel .LBB2_9-.Ltmp7, $2  }
0x90: {  	_ =	sdelay $0x2  }
0x91: {  	s25 =	smov.u32 s6;
	s6 =	smov.u32 s3;
	s3 =	rddreg [dreg:$0x6]  }
.LBB2_6:
.Ltmp8:
0x92: {  	(pc) =	sbr.rel .LBB2_9-.Ltmp8, $2  }
0x93: {  	_ =	sdelay $0x2  }
0x94: {  	s25 =	smov.u32 s6;
	s6 =	smov.u32 s3;
	s3 =	rddreg [dreg:$0x6]  }
.LBB2_12:
0x95: {  	_ =	sfence.sel $0x180000  }
0x96: {  	s0 =	simm.s32 $0x1;
	[bflag:$0x0] =	sbarrier.arrive $0xFFFF  }
0x97: {  	s31 =	simm.s32 $0x2;
	[sflag:s0] =	ssyncpa.u1 $0x1  }
0x98: {  	[sflag:s31] =	ssyncpa.u1 $0x1  }
0x99: {  	_ =	strace $0x9000004A  }
0x9a: {  	[bflag:$0x2] =	sbarrier.arrive $0xFFFF  }
0x9b: {  	s0 =	rddreg [dreg:$0x3]  }
0x9c: {  	s0 =	sadd.s32 @!p0 $0x100000, s0  }
0x9d: {  	s1 =	rddreg [dreg:$0x4];
	[sflag:s0] =	ssyncadd.tile.s32 @!p0 $0x1;
	s0 =	simm.s32 @!p0 $0x3F  }
0x9e: {  	_ =	swait.ge @!p0 [sflag:s0], s1  }
0x9f: {  	s1 =	ssub.s32 @!p0 $0x0, s1;
	[sflag:s0] =	ssyncset.done @!p0 $0x0  }
0xa0: {  	[sflag:s0] =	ssyncadd.s32 @!p0 s1  }
0xa1: {  	[bflag:$0x3] =	sbarrier.arrive $0xFFFF  }
0xa2: {  	_ =	shalt  }
.Lfunc_end2:
execute1_lowered:
.L_overlay_start_2:
0xa3: {  	(tag) =	ssettag $0x2  }
0xa4: {  	s2 =	rddreg [dreg:$0x0]  }
0xa5: {  	s3 =	rddreg [dreg:$0x1];
	_ =	strace $0x8000004D;
	s0 =	simm.s32 $0x1  }
0xa6: {  	s5 =	simm.s32 $0x208;
	v0 =	vimm.s32 $0x0;
	[sflag:s0] =	ssyncpa.u1 $0x0  }
0xa7: {  	[tilespmem:s5+$0x70] =	vst v0  }
0xa8: {  	[tilespmem:s5+$0x60] =	vst v0  }
0xa9: {  	[tilespmem:s5+$0x50] =	vst v0  }
0xaa: {  	[tilespmem:s5+$0x40] =	vst v0  }
0xab: {  	[tilespmem:s5+$0x30] =	vst v0  }
0xac: {  	s1 =	sadd.s32 $0x59E400, s2;
	s0 =	sadd.s32 $0xDC00, s2;
	s6 =	sadd.s32 $0x1E400, s2;
	[tilespmem:s5+$0x20] =	vst v0  }
0xad: {  	s4 =	sadd.s32 $0x13400, s2;
	s10 =	sand.u32 $0x1, s3;
	s2 =	simm.s32 $0x40;
	[tilespmem:s5+$0x10] =	vst v0  }
.LBB3_1:
0xae: {  	s2 =	sadd.s32 $0x40, s2;
	[tilespmem:s5+$0x0] =	vst v0;
	s5 =	sadd.s32 $0x80, s5  }
0xaf: {  	p0 =	slt.u32 s2, $0x3880;
	[tilespmem:s5+$0x70] =	vst v0  }
0xb0: {  	[tilespmem:s5+$0x60] =	vst v0  }
.Ltmp9:
0xb1: {  	[tilespmem:s5+$0x50] =	vst v0;
	(pc) =	sbr.rel @p0 .LBB3_1-.Ltmp9, $4  }
0xb2: {  	[tilespmem:s5+$0x40] =	vst v0  }
0xb3: {  	[tilespmem:s5+$0x30] =	vst v0  }
0xb4: {  	[tilespmem:s5+$0x20] =	vst v0  }
0xb5: {  	[tilespmem:s5+$0x10] =	vst v0  }
0xb6: {  	s11 =	stileid.u32  }
0xb7: {  	s2 =	smul.u32 $0x32, s11  }
0xb8: {  	s3 =	smin.u32 s11, $0x5  }
0xb9: {  	s2 =	sadd.s32 s3, s2  }
0xba: {  	p0 =	slt.u32 s11, $0x5;
	s20 =	smul.u32 $0x70, s2;
	s2 =	simm.s32 $0x1650  }
0xbb: {  	s2 =	simm.s32 @!p0 $0x15E0  }
0xbc: {  	s2 =	sadd.s32 s2, s20  }
0xbd: {  	s8 =	smin.u32 s2, $0x16000  }
0xbe: {  	s26 =	simm.s32 $0x2;
	s2 =	ssub.s32 s8, s20  }
0xbf: {  	s9 =	simm.s32 $0x9;
	s29 =	simm.s32 $0xA;
	p0 =	sgt.s32 s2, $0x0  }
0xc0: {  	s30 =	simm.s32 $0xB;
	s31 =	smul.u32 $0x2C00, s10;
	s2 =	simm.s32 @!p0 $0x0  }
0xc1: {  	[dreg:$0x4] =	wrdreg s10;
	s12 =	simm.s32 $0x1;
	s25 =	smulhi.u32 $0x92492493, s2  }
0xc2: {  	s24 =	simm.s32 $0x0;
	p1 =	por $0x0, $0x0;
	s18 =	simm.s32 $0x80  }
0xc3: {  	s19 =	simm.s32 $0x400;
	s17 =	simm.s32 $0xC;
	s3 =	sshrl.u32 s25, $0x6  }
0xc4: {  	s21 =	simm.s32 $0x0;
	s23 =	simm.s32 $0x0;
	s28 =	smul.u32 $0x70, s3  }
.Ltmp10:
0xc5: {  	[tilespmem:s5+$0x0] =	vst v0;
	v0 =	vimm.s32 $0xFFFFFFFF;
	[sflag:s26] =	ssyncpa.u1 $0x0;
	s16 =	sshll.u32 s11, $0x9;
	(pc) =	sbr.rel .LBB3_3-.Ltmp10, $4  }
0xc6: {  	[tilespmem:$0xE408] =	vst v0;
	[sflag:s9] =	ssyncpa.u1 $0x0;
	p0 =	sne.s32 s2, s28;
	s2 =	simm.s32 $0x1  }
0xc7: {  	s14 =	sadd.s32 s31, s4;
	[sflag:s29] =	ssyncpa.u1 $0x0;
	s2 =	simm.s32 @!p0 $0x0  }
0xc8: {  	s15 =	sadd.s32 s31, s0;
	[sflag:s30] =	ssyncpa.u1 $0x0;
	s13 =	sadd.s32 s2, s3  }
0xc9: {  	v0 =	vlaneseq.u32;
	s22 =	smov.u32 s20;
	p0 =	por $0x1, $0x1;
	s11 =	sadd.s32 $0x1, s13  }
.LBB3_24:
0xca: {  	s2 =	sshrl.u32 s4, $0x2  }
.LBB3_26:
0xcb: {  	_ =	swait.ge [sflag:s17], s2  }
0xcc: {  	s31 =	ssub.s32 $0x0, s2;
	v1 =	vmov s26;
	vm0 =	veq.s32 v0, $0x0;
	[sflag:s17] =	ssyncset.done $0x0  }
0xcd: {  	vm15 =	veq.s32 v0, $0x2;
	v1 =	vsel vm0, s0, v1;
	[sflag:s17] =	ssyncadd.s32 s31  }
0xce: {  	v1 =	vsel vm15, s24, v1;
	[sflag:s17] =	ssyncpa.u1 $0x1  }
0xcf: {  	[tilespmem:$0xE408] =	vst v1  }
.LBB3_27:
0xd0: {  	s0 =	sadd.s32 $0x70, s22  }
0xd1: {  	s2 =	smov.u32 s20;
	p2 =	slt.s32 s0, s8  }
0xd2: {  	s2 =	smov.u32 @p2 s0;
	p2 =	sne.s32 s23, s11  }
.Ltmp11:
0xd3: {  	_ = 	snop;
	(pc) =	sbr.rel @!p2 .LBB3_28-.Ltmp11, $4  }
0xd4: {  	_ = 	snop  }
0xd5: {  	s24 =	smov.u32 s21  }
0xd6: {  	s31 =	sadd.s32 $0x1, s23;
	s21 =	smov.u32 s22;
	p0 =	por !p0, !p0  }
0xd7: {  	p1 =	por !p1, !p1;
	s23 =	smov.u32 s31;
	s22 =	smov.u32 s2  }
.LBB3_3:
0xd8: {  	p2 =	sge.u32 s23, s13  }
0xd9: {  	s0 =	smulhi.u32 @!p2 $0xAAAAAAAB, s23  }
0xda: {  	s2 =	smov.u32 s22;
	p3 =	sgt.s32 @!p2 s22, $0x15F90  }
0xdb: {  	s3 =	sshra.s32 @!p2 s22, $0x1F;
	p3 =	por !p3, p2;
	s0 =	sshrl.u32 @!p2 s0, $0x1  }
0xdc: {  	s3 =	sand.u32 @!p2 s3, s22;
	s2 =	simm.s32 @p3 $0x15F90;
	s0 =	smul.u32 @!p2 $0x3, s0  }
0xdd: {  	s2 =	ssub.s32 @!p2 s2, s3  }
0xde: {  	s2 =	sadd.s32 @!p2 $0xFFFEA070, s2;
	s0 =	ssub.s32 @!p2 s23, s0  }
0xdf: {  	s3 =	sshll.u32 @!p2 s2, $0x2;
	p3 =	sgt.s32 @!p2 s2, $0x6F;
	s0 =	smul.u32 @!p2 $0x1C0, s0  }
0xe0: {  	s4 =	sand.u32 @!p2 $0x7, s22;
	s2 =	ssub.s32 @!p2 $0x1C0, s3;
	p3 =	por !p3, p2  }
0xe1: {  	s3 =	sshrl.u32 @!p2 s22, $0x3;
	s2 =	sshrl.u32 @!p2 s2, $0x2;
	s0 =	sshrl.u32 @!p2 s0, $0x2  }
0xe2: {  	s3 =	sadd.s32 @!p2 s3, s14;
	s2 =	simm.s32 @!p3 $0x0;
	s0 =	sadd.s32 @!p2 $0x10448, s0  }
0xe3: {  	[tilespmem:s0], [sflag:$0xA] =	stream.linear.gather @!p2 [hbm4b:s3+s4], s2, $0x38;
	[tilespmem:$0x1E678] =	vst v63  }
0xe4: {  	s2 =	sadd.s32 $0xFFFFFFFF, s23  }
0xe5: {  	p2 =	sge.u32 s2, s13  }
0xe6: {  	p3 =	sgt.s32 @!p2 s21, $0x15F90  }
0xe7: {  	s0 =	smov.u32 s21;
	s3 =	sshra.s32 @!p2 s21, $0x1F;
	p3 =	por !p3, p2  }
0xe8: {  	s3 =	sand.u32 @!p2 s3, s21;
	s0 =	simm.s32 @p3 $0x15F90  }
0xe9: {  	s0 =	ssub.s32 @!p2 s0, s3  }
0xea: {  	s0 =	sadd.s32 @!p2 $0xFFFEA070, s0  }
0xeb: {  	s3 =	sshll.u32 @!p2 s0, $0x2  }
0xec: {  	p3 =	sgt.s32 @!p2 s0, $0x6F;
	s0 =	ssub.s32 @!p2 $0x1C0, s3  }
0xed: {  	p3 =	por !p3, p2;
	s0 =	sshrl.u32 @!p2 s0, $0x2  }
0xee: {  	s4 =	simm.s32 @!p2 $0xA;
	s3 =	sand.u32 @!p2 $0x1, s2;
	s0 =	simm.s32 @!p3 $0x0  }
0xef: {  	s3 =	smul.u32 @!p2 $0x1C0, s3;
	_ =	swait.ge @!p2 [sflag:s4], s0  }
0xf0: {  	s5 =	ssub.s32 @!p2 $0x0, s0;
	[sflag:s4] =	ssyncset.done @!p2 $0x0  }
0xf1: {  	s3 =	sshrl.u32 @!p2 s3, $0x2;
	[sflag:s4] =	ssyncadd.s32 @!p2 s5;
	s4 =	sshrl.u32 @!p2 s21, $0x3  }
0xf2: {  	s3 =	sadd.s32 @!p2 $0x10598, s3;
	s5 =	sand.u32 @!p2 $0x7, s21;
	s4 =	sadd.s32 @!p2 s4, s15  }
0xf3: {  	[tilespmem:s3], [sflag:$0xB] =	stream.linear.gather @!p2 [hbm4b:s4+s5], s0, $0x38;
	[tilespmem:$0x1E678] =	vst v63  }
0xf4: {  	s0 =	ssub.s32 @!p2 $0x16000, s21  }
0xf5: {  	p3 =	slt.s32 @!p2 s0, $0x1  }
0xf6: {  	p3 =	por p2, p3  }
.Ltmp12:
0xf7: {  	_ = 	snop;
	(pc) =	sbr.rel @p3 .LBB3_9-.Ltmp12, $1  }
0xf8: {  	_ =	sdelay $0x3  }
0xf9: {  	s3 =	smulhi.u32 $0xAAAAAAAB, s2;
	_ =	sdelay $0x1  }
0xfa: {  	s3 =	sshrl.u32 s3, $0x1  }
0xfb: {  	s3 =	smul.u32 $0x3, s3;
	_ =	sdelay $0x1  }
0xfc: {  	s30 =	ssub.s32 s2, s3  }
0xfd: {  	s4 =	simm.s32 $0x1;
	s2 =	smul.u32 $0x1C0, s30  }
.Ltmp13:
0xfe: {  	s4 =	simm.s32 @!p0 $0x0;
	(pc) =	sbr.rel .LBB3_6-.Ltmp13, $4  }
0xff: {  	s31 =	smul.u32 $0x1C000, s4  }
0x100: {  	p3 =	slt.s32 @!p2 s0, $0x70;
	s2 =	sshrl.u32 s2, $0x2  }
0x101: {  	p2 =	por !p3, p2;
	s3 =	sshrl.u32 s31, $0x2;
	s5 =	sadd.s32 $0x10448, s2  }
0x102: {  	s0 =	simm.s32 @p2 $0x70;
	s4 =	sor.u32 $0x10678, s3;
	s2 =	simm.s32 $0x0;
	v1 =	vmov s5  }
.LBB3_5:
0x103: {  	p2 =	sge.s32 s2, s0  }
.Ltmp14:
0x104: {  	_ = 	snop;
	(pc) =	sbr.rel @p2 .LBB3_9-.Ltmp14, $2  }
0x105: {  	_ =	sdelay $0x2  }
0x106: {  	s4 =	sadd.s32 $0x1000, s4  }
.LBB3_6:
0x107: {  	p2 =	sle.s32 s0, s2  }
.Ltmp15:
0x108: {  	_ = 	snop;
	(pc) =	sbr.rel @p2 .LBB3_5-.Ltmp15, $2  }
0x109: {  	_ =	sdelay $0x2  }
0x10a: {  	s5 =	smov.u32 s2;
	s2 =	sadd.s32 $0x10, s2  }
0x10b: {  	s3 =	ssub.s32 s0, s5  }
0x10c: {  	p2 =	slt.s32 s3, $0x10  }
0x10d: {  	s3 =	simm.s32 @!p2 $0x10  }
0x10e: {  	v2 =	vmov s3  }
0x10f: {  	vm0 =	vgt.s32 v2, v0;
	_ =	sdelay $0x5  }
0x110: {  	v2 =	vld.idx.msk [tilespmem:v1+s5+$0x0 ss:$0x1], vm0;
	_ =	sdelay $0x2  }
0x111: {  	p2 =	slt.s32 s2, s0;
	s3 =	smov.u32 s0  }
0x112: {  	s9 =	smov.u32 s4;
	s25 =	simm.s32 $0x0;
	s3 =	smov.u32 @p2 s2  }
.LBB3_8:
0x113: {  	(v2sf) =	vpush v2, s25;
	_ =	sdelay $0xe  }
0x114: {  	s25 =	sadd.s32 $0x1, s25;
	s10 =	spop (v2sf)  }
0x115: {  	s31 =	sadd.s32 s25, s5;
	s26 =	sshll.u32 s10, $0x8;
	s10 =	sshll.u32 s10, $0x7  }
0x116: {  	p2 =	slt.s32 s31, s3;
	s26 =	sand.u32 $0xFFFFF800, s26;
	s10 =	sand.u32 $0x380, s10  }
.Ltmp16:
0x117: {  	s10 =	sor.u32 s10, s26;
	(pc) =	sbr.rel @p2 .LBB3_8-.Ltmp16, $4  }
0x118: {  	s10 =	sshrl.u32 s10, $0x3  }
0x119: {  	s10 =	sadd.s32 s6, s10  }
0x11a: {  	[tilespmem:s9], [sflag:$0x9] =	stream.strided.gather [hbm4b:s10+s18], $0x100, s19, s18, $0x38;
	[tilespmem:$0x1E678] =	vst v63  }
0x11b: {  	s9 =	sadd.s32 $0x100, s9  }
.Ltmp17:
0x11c: {  	_ = 	snop;
	(pc) =	sbr.rel .LBB3_5-.Ltmp17, $1  }
0x11d: {  	_ =	sdelay $0x3  }
.LBB3_9:
0x11e: {  	p2 =	slt.u32 s23, $0x2  }
.Ltmp18:
0x11f: {  	_ = 	snop;
	(pc) =	sbr.rel @p2 .LBB3_27-.Ltmp18, $1  }
0x120: {  	_ =	sdelay $0x3  }
0x121: {  	p2 =	sgt.s32 s24, $0x15F90  }
0x122: {  	s0 =	smov.u32 s24;
	s2 =	sshra.s32 s24, $0x1F;
	s3 =	ssub.s32 $0x16000, s24  }
0x123: {  	s0 =	simm.s32 @!p2 $0x15F90;
	s2 =	sand.u32 s2, s24;
	p2 =	slt.s32 s3, $0x70  }
0x124: {  	s0 =	ssub.s32 s0, s2;
	s3 =	simm.s32 @!p2 $0x70  }
0x125: {  	s0 =	sadd.s32 $0xFFFEA070, s0;
	s9 =	sshll.u32 s3, $0x8  }
0x126: {  	s26 =	simm.s32 $0x9;
	s10 =	sshll.u32 s0, $0x2;
	s2 =	sand.u32 $0x3FFFFF00, s9  }
0x127: {  	p2 =	sgt.s32 s0, $0x6F;
	s25 =	ssub.s32 $0x1C0, s10;
	_ =	swait.ge [sflag:s26], s2  }
0x128: {  	s2 =	ssub.s32 $0x0, s2;
	[sflag:s26] =	ssyncset.done $0x0;
	s0 =	sshrl.u32 s25, $0x2  }
0x129: {  	s29 =	simm.s32 $0xB;
	[sflag:s26] =	ssyncadd.s32 s2;
	s0 =	simm.s32 @p2 $0x0  }
0x12a: {  	_ =	swait.ge [sflag:s29], s0  }
0x12b: {  	s0 =	ssub.s32 $0x0, s0;
	[sflag:s29] =	ssyncset.done $0x0  }
0x12c: {  	[sflag:s29] =	ssyncadd.s32 s0  }
0x12d: {  	v1 =	vld [tilespmem:$0xE408];
	_ =	sdelay $0x4  }
0x12e: {  	(v2sf) =	vpush v1, $0x0  }
0x12f: {  	(v2sf) =	vpush v1, $0x1  }
0x130: {  	(v2sf) =	vpush v1, $0x2;
	_ =	sdelay $0x3  }
0x131: {  	s0 =	sadd.s32 $0x70, s24  }
0x132: {  	s2 =	ssub.s32 $0x2C000, s24;
	p2 =	slt.s32 s8, s0  }
0x133: {  	s0 =	smov.u32 @p2 s8;
	p2 =	sgt.s32 s2, $0x0  }
0x134: {  	s0 =	ssub.s32 s0, s24;
	s2 =	simm.s32 @!p2 $0x0  }
0x135: {  	p2 =	slt.s32 s2, s0  }
0x136: {  	s0 =	smov.u32 @p2 s2  }
0x137: {  	s4 =	simm.s32 $0x1;
	p2 =	slt.s32 s0, $0x1  }
.Ltmp19:
0x138: {  	s4 =	simm.s32 @!p1 $0x0;
	(pc) =	sbr.rel @p2 .LBB3_14-.Ltmp19, $4  }
0x139: {  	s30 =	smul.u32 $0x1C0, s4  }
0x13a: {  	s5 =	spop (v2sf)  }
0x13b: {  	s31 =	sshrl.u32 s30, $0x2;
	s28 =	spop (v2sf)  }
0x13c: {  	s25 =	sadd.s32 $0x10598, s31;
	s24 =	spop (v2sf)  }
0x13d: {  	s2 =	smin.u32 s0, $0x10  }
0x13e: {  	v1 =	vmov s2  }
0x13f: {  	vm1 =	vgt.u32 v1, v0  }
0x140: {  	p3 =	sgt.s32 s0, $0x10  }
.Ltmp20:
0x141: {  	_ = 	snop;
	(pc) =	sbr.rel @!p3 .LBB3_13-.Ltmp20, $2  }
0x142: {  	_ =	sdelay $0x2  }
0x143: {  	s26 =	simm.s32 $0x10;
	s29 =	sadd.s32 $0xFFFFFFF0, s0;
	s2 =	smov.u32 s25;
	vm0 =	vmmov vm1;
	v1 =	vld.msk [tilespmem:s25+$0x0 ss:$0x1], vm1  }
.LBB3_12:
0x144: {  	s3 =	smin.u32 s29, $0x10;
	s26 =	sadd.s32 $0x10, s26  }
0x145: {  	v2 =	vmov s3;
	p3 =	slt.s32 s26, s0  }
0x146: {  	vm1 =	vgt.u32 v2, v0;
	_ =	sdelay $0x1  }
0x147: {  	v2 =	vshll.u32 v1, $0x5;
	v1 =	vshll.u32 v1, $0x4  }
.Ltmp21:
0x148: {  	v2 =	vand.u32 $0xFFFFFF00, v2;
	v1 =	vand.u32 $0x70, v1;
	(pc) =	sbr.rel @p3 .LBB3_12-.Ltmp21, $4  }
0x149: {  	v1 =	vor.u32 v1, v2  }
0x14a: {  	[tilespmem:s2+$0x0] =	vst.msk vm0, v1;
	s2 =	sadd.s32 $0x10, s2;
	vm0 =	vmmov vm1  }
0x14b: {  	v1 =	vld.msk [tilespmem:s2+$0x0 ss:$0x1], vm1  }
0x14c: {  	s29 =	sadd.s32 $0xFFFFFFF0, s29  }
.LBB3_13:
0x14d: {  	_ =	sdelay $0x3  }
0x14e: {  	v2 =	vshll.u32 v1, $0x5;
	v1 =	vshll.u32 v1, $0x4  }
0x14f: {  	v2 =	vand.u32 $0xFFFFFF00, v2;
	v1 =	vand.u32 $0x70, v1  }
0x150: {  	v1 =	vor.u32 v1, v2  }
0x151: {  	[tilespmem:s2+$0x0] =	vst.msk vm0, v1  }
.LBB3_14:
0x152: {  	s2 =	sand.u32 $0x1, s23  }
0x153: {  	s2 =	smul.u32 $0x70, s2  }
0x154: {  	p3 =	sne.s32 s28, $0xFFFFFFFF  }
0x155: {  	v1 =	vld.msk @!p3 [tilespmem:s2+$0x10598], $0x1;
	_ =	sdelay $0x4  }
0x156: {  	(v2sf) =	vpush @!p3 v1, $0x0;
	_ =	sdelay $0xc  }
.Ltmp22:
0x157: {  	_ = 	snop;
	(pc) =	sbr.rel @p2 .LBB3_25-.Ltmp22, $4  }
0x158: {  	_ = 	snop  }
0x159: {  	s31 =	spop @!p3 (v2sf)  }
0x15a: {  	s24 =	simm.s32 @!p3 $0x0;
	s26 =	smov.u32 s31  }
0x15b: {  	[sflag:s17] =	ssyncpa.u1 $0x0;
	s31 =	smov.u32 @p3 s5;
	s26 =	smov.u32 @p3 s28  }
0x15c: {  	v1 =	vld.msk [tilespmem:s25+$0x0], $0x1;
	_ =	sdelay $0x4  }
0x15d: {  	(v2sf) =	vpush v1, $0x0;
	_ =	sdelay $0xe  }
0x15e: {  	s7 =	smov.u32 s11;
	s5 =	spop (v2sf)  }
0x15f: {  	s17 =	smov.u32 s15;
	s2 =	smul.u32 $0x1C000, s4;
	p2 =	seq.s32 s31, s5  }
0x160: {  	s3 =	smov.u32 s31;
	s29 =	ssub.s32 $0x0, s0;
	p3 =	sgt.s32 @!p2 s31, $0x0  }
0x161: {  	s30 =	simm.s32 $0x0;
	s2 =	sshrl.u32 s2, $0x2;
	p3 =	por !p3, p2  }
0x162: {  	s0 =	sadd.s32 $0x1, s29;
	s28 =	sor.u32 $0x106F8, s2;
	s3 =	simm.s32 @p3 $0x0  }
0x163: {  	s2 =	simm.s32 @!p2 $0x1;
	p3 =	seq.s32 s0, $0x0;
	s3 =	smin.u32 @!p2 s3, $0x4E170  }
.Ltmp23:
0x164: {  	s4 =	simm.s32 @!p2 $0x7308;
	s9 =	sand.u32 @!p2 $0x7FFF8, s3;
	(pc) =	sbr.rel @p3 .LBB3_17-.Ltmp23, $4  }
0x165: {  	s10 =	sadd.s32 @!p2 $0x80, s3;
	s11 =	sadd.s32 @!p2 s1, s9;
	s9 =	sand.u32 @!p2 $0x7, s3  }
0x166: {  	[tilespmem:s4], [sflag:$0x2] =	stream.linear.gather @!p2 [hbm4b:s11+s9], $0x80, $0x38;
	[tilespmem:$0x1E678] =	vst v63  }
0x167: {  	s15 =	smov.u32 s14;
	s2 =	smov.u32 @p2 s30;
	s4 =	sand.u32 @!p2 $0xFFFF8, s10  }
0x168: {  	s3 =	simm.s32 @!p2 $0x7388;
	s10 =	sadd.s32 @!p2 s1, s4;
	s4 =	sadd.s32 $0x1, s25  }
.LBB3_16:
0x169: {  	s11 =	smov.u32 s2  }
0x16a: {  	[tilespmem:s3], [sflag:$0x2] =	stream.linear.gather @!p2 [hbm4b:s10+s9], $0x80, $0x38;
	[tilespmem:$0x1E678] =	vst v63  }
0x16b: {  	s0 =	sadd.s32 $0x1, s0;
	s9 =	smov.u32 s5;
	v1 =	vld.msk [tilespmem:s4+$0x0], $0x1  }
0x16c: {  	p3 =	seq.s32 s0, $0x0;
	_ =	sdelay $0x3  }
0x16d: {  	(v2sf) =	vpush v1, $0x0;
	_ =	sdelay $0xe  }
0x16e: {  	s5 =	spop (v2sf)  }
0x16f: {  	p2 =	seq.s32 s9, s5  }
0x170: {  	p4 =	sgt.s32 @!p2 s9, $0x0;
	s3 =	sshll.u32 @!p2 s2, $0xA;
	s2 =	sadd.s32 @!p2 $0x1, s2  }
0x171: {  	p4 =	por !p4, p2;
	s3 =	sshra.s32 @!p2 s3, $0x2;
	s2 =	smov.u32 @p2 s11  }
0x172: {  	s9 =	simm.s32 @p4 $0x0;
	s10 =	sadd.s32 @!p2 $0x7308, s3;
	s3 =	sadd.s32 @!p2 $0x7388, s3  }
.Ltmp24:
0x173: {  	s9 =	smin.u32 @!p2 s9, $0x4E170;
	(pc) =	sbr.rel @!p3 .LBB3_16-.Ltmp24, $4  }
0x174: {  	s11 =	sand.u32 @!p2 $0x7FFF8, s9;
	s14 =	sadd.s32 @!p2 $0x80, s9  }
0x175: {  	s9 =	sand.u32 @!p2 $0x7, s9;
	s11 =	sadd.s32 @!p2 s1, s11;
	s14 =	sand.u32 @!p2 $0xFFFF8, s14  }
0x176: {  	[tilespmem:s10], [sflag:$0x2] =	stream.linear.gather @!p2 [hbm4b:s11+s9], $0x80, $0x38;
	[tilespmem:$0x1E678] =	vst v63  }
0x177: {  	s4 =	sadd.s32 $0x1, s4;
	s10 =	sadd.s32 @!p2 s1, s14  }
.LBB3_17:
0x178: {  	[tilespmem:s3], [sflag:$0x2] =	stream.linear.gather @!p2 [hbm4b:s10+s9], $0x80, $0x38;
	[tilespmem:$0x1E678] =	vst v63  }
0x179: {  	s0 =	sshll.u32 s2, $0x8  }
.Ltmp25:
0x17a: {  	s14 =	simm.s32 $0x2;
	s0 =	sand.u32 $0x3FFFFF00, s0;
	(pc) =	sbr.rel .LBB3_18-.Ltmp25, $4  }
0x17b: {  	_ =	swait.ge [sflag:s14], s0  }
0x17c: {  	s0 =	ssub.s32 $0x0, s0;
	[sflag:s14] =	ssyncset.done $0x0  }
0x17d: {  	s4 =	simm.s32 $0x0;
	s11 =	smov.u32 s7;
	[sflag:s14] =	ssyncadd.s32 s0  }
0x17e: {  	s14 =	smov.u32 s15;
	s15 =	smov.u32 s17;
	s17 =	simm.s32 $0xC  }
.LBB3_19:
0x17f: {  	v1 =	vld [tilespmem:s28+$0xFFFFFF80];
	_ =	sdelay $0x4  }
0x180: {  	[tilespmem:s5+$0x208] =	vst.add.f32.msk $0xffff, v1  }
0x181: {  	v1 =	vld [tilespmem:s28+$0xFFFFFF90];
	_ =	sdelay $0x4  }
0x182: {  	[tilespmem:s5+$0x218] =	vst.add.f32.msk $0xffff, v1  }
0x183: {  	v1 =	vld [tilespmem:s28+$0xFFFFFFA0];
	_ =	sdelay $0x4  }
0x184: {  	[tilespmem:s5+$0x228] =	vst.add.f32.msk $0xffff, v1  }
0x185: {  	v1 =	vld [tilespmem:s28+$0xFFFFFFB0];
	_ =	sdelay $0x4  }
0x186: {  	[tilespmem:s5+$0x238] =	vst.add.f32.msk $0xffff, v1  }
0x187: {  	v1 =	vld [tilespmem:s28+$0xFFFFFFC0];
	_ =	sdelay $0x4  }
0x188: {  	[tilespmem:s5+$0x248] =	vst.add.f32.msk $0xffff, v1  }
0x189: {  	v1 =	vld [tilespmem:s28+$0xFFFFFFD0];
	_ =	sdelay $0x4  }
0x18a: {  	[tilespmem:s5+$0x258] =	vst.add.f32.msk $0xffff, v1  }
0x18b: {  	v1 =	vld [tilespmem:s28+$0xFFFFFFE0];
	_ =	sdelay $0x4  }
0x18c: {  	[tilespmem:s5+$0x268] =	vst.add.f32.msk $0xffff, v1  }
0x18d: {  	v1 =	vld [tilespmem:s28+$0xFFFFFFF0];
	_ =	sdelay $0x4  }
0x18e: {  	[tilespmem:s5+$0x278] =	vst.add.f32.msk $0xffff, v1  }
0x18f: {  	v1 =	vld [tilespmem:s28+$0x0];
	_ =	sdelay $0x4  }
0x190: {  	[tilespmem:s5+$0x288] =	vst.add.f32.msk $0xffff, v1  }
0x191: {  	v1 =	vld [tilespmem:s28+$0x10];
	_ =	sdelay $0x4  }
0x192: {  	[tilespmem:s5+$0x298] =	vst.add.f32.msk $0xffff, v1  }
0x193: {  	v1 =	vld [tilespmem:s28+$0x20];
	_ =	sdelay $0x4  }
0x194: {  	[tilespmem:s5+$0x2A8] =	vst.add.f32.msk $0xffff, v1  }
0x195: {  	v1 =	vld [tilespmem:s28+$0x30];
	_ =	sdelay $0x4  }
0x196: {  	[tilespmem:s5+$0x2B8] =	vst.add.f32.msk $0xffff, v1  }
0x197: {  	v1 =	vld [tilespmem:s28+$0x40];
	_ =	sdelay $0x4  }
0x198: {  	[tilespmem:s5+$0x2C8] =	vst.add.f32.msk $0xffff, v1  }
0x199: {  	v1 =	vld [tilespmem:s28+$0x50];
	_ =	sdelay $0x4  }
0x19a: {  	[tilespmem:s5+$0x2D8] =	vst.add.f32.msk $0xffff, v1  }
0x19b: {  	v1 =	vld [tilespmem:s28+$0x60];
	_ =	sdelay $0x4  }
0x19c: {  	[tilespmem:s5+$0x2E8] =	vst.add.f32.msk $0xffff, v1  }
0x19d: {  	v1 =	vld [tilespmem:s28+$0x70];
	_ =	sdelay $0x4  }
0x19e: {  	[tilespmem:s5+$0x2F8] =	vst.add.f32.msk $0xffff, v1  }
.LBB3_23:
0x19f: {  	s29 =	sadd.s32 $0x1, s29  }
0x1a0: {  	p2 =	seq.s32 s29, $0x0  }
.Ltmp26:
0x1a1: {  	_ = 	snop;
	(pc) =	sbr.rel @p2 .LBB3_24-.Ltmp26, $2  }
0x1a2: {  	_ =	sdelay $0x2  }
0x1a3: {  	s25 =	sadd.s32 $0x1, s25;
	s28 =	sadd.s32 $0x100, s28;
	s31 =	smov.u32 s0  }
.LBB3_18:
0x1a4: {  	v1 =	vld.msk [tilespmem:s25+$0x0], $0x1;
	_ =	sdelay $0x4  }
0x1a5: {  	(v2sf) =	vpush v1, $0x0;
	_ =	sdelay $0xe  }
0x1a6: {  	s0 =	spop (v2sf)  }
0x1a7: {  	p2 =	sne.s32 s31, s0  }
.Ltmp27:
0x1a8: {  	_ = 	snop;
	(pc) =	sbr.rel @!p2 .LBB3_19-.Ltmp27, $3  }
0x1a9: {  	_ =	sdelay $0x1  }
0x1aa: {  	s2 =	sshll.u32 s24, $0xA  }
0x1ab: {  	s5 =	sshra.s32 s2, $0x2  }
0x1ac: {  	p2 =	seq.s32 s31, s26  }
.Ltmp28:
0x1ad: {  	_ = 	snop;
	(pc) =	sbr.rel @!p2 .LBB3_21-.Ltmp28, $1  }
0x1ae: {  	_ =	sdelay $0x3  }
.Ltmp29:
0x1af: {  	s2 =	sadd.s32 $0x208, s5;
	(pc) =	sbr.rel .LBB3_22-.Ltmp29, $4  }
0x1b0: {  	[spmem:s16] =	stream.linear.scatter [tilespmem:s2], [sflag:$0x1], $0x100, $0x38;
	[tilespmem:$0x1E678] =	vst v63  }
0x1b1: {  	_ =	swait.ge [sflag:s12], $0x100  }
0x1b2: {  	[sflag:s12] =	ssyncset.done $0x0  }
0x1b3: {  	[sflag:s12] =	ssyncadd.s32 $0xFFFFFF00  }
.LBB3_21:
0x1b4: {  	s2 =	sshll.u32 s30, $0xA  }
0x1b5: {  	s2 =	sshra.s32 s2, $0x2  }
0x1b6: {  	v1 =	vld [tilespmem:s2+$0x7308];
	_ =	sdelay $0x4  }
0x1b7: {  	[tilespmem:s5+$0x208] =	vst.add.f32.msk $0xffff, v1  }
0x1b8: {  	v1 =	vld [tilespmem:s2+$0x7318];
	_ =	sdelay $0x4  }
0x1b9: {  	[tilespmem:s5+$0x218] =	vst.add.f32.msk $0xffff, v1  }
0x1ba: {  	v1 =	vld [tilespmem:s2+$0x7328];
	_ =	sdelay $0x4  }
0x1bb: {  	[tilespmem:s5+$0x228] =	vst.add.f32.msk $0xffff, v1  }
0x1bc: {  	v1 =	vld [tilespmem:s2+$0x7338];
	_ =	sdelay $0x4  }
0x1bd: {  	[tilespmem:s5+$0x238] =	vst.add.f32.msk $0xffff, v1  }
0x1be: {  	v1 =	vld [tilespmem:s2+$0x7348];
	_ =	sdelay $0x4  }
0x1bf: {  	[tilespmem:s5+$0x248] =	vst.add.f32.msk $0xffff, v1  }
0x1c0: {  	v1 =	vld [tilespmem:s2+$0x7358];
	_ =	sdelay $0x4  }
0x1c1: {  	[tilespmem:s5+$0x258] =	vst.add.f32.msk $0xffff, v1  }
0x1c2: {  	v1 =	vld [tilespmem:s2+$0x7368];
	_ =	sdelay $0x4  }
0x1c3: {  	[tilespmem:s5+$0x268] =	vst.add.f32.msk $0xffff, v1  }
0x1c4: {  	v1 =	vld [tilespmem:s2+$0x7378];
	_ =	sdelay $0x4  }
0x1c5: {  	[tilespmem:s5+$0x278] =	vst.add.f32.msk $0xffff, v1  }
0x1c6: {  	v1 =	vld [tilespmem:s2+$0x7388];
	_ =	sdelay $0x4  }
0x1c7: {  	[tilespmem:s5+$0x288] =	vst.add.f32.msk $0xffff, v1  }
0x1c8: {  	v1 =	vld [tilespmem:s2+$0x7398];
	_ =	sdelay $0x4  }
0x1c9: {  	[tilespmem:s5+$0x298] =	vst.add.f32.msk $0xffff, v1  }
0x1ca: {  	v1 =	vld [tilespmem:s2+$0x73A8];
	_ =	sdelay $0x4  }
0x1cb: {  	[tilespmem:s5+$0x2A8] =	vst.add.f32.msk $0xffff, v1  }
0x1cc: {  	v1 =	vld [tilespmem:s2+$0x73B8];
	_ =	sdelay $0x4  }
0x1cd: {  	[tilespmem:s5+$0x2B8] =	vst.add.f32.msk $0xffff, v1  }
0x1ce: {  	v1 =	vld [tilespmem:s2+$0x73C8];
	_ =	sdelay $0x4  }
0x1cf: {  	[tilespmem:s5+$0x2C8] =	vst.add.f32.msk $0xffff, v1  }
0x1d0: {  	v1 =	vld [tilespmem:s2+$0x73D8];
	_ =	sdelay $0x4  }
0x1d1: {  	[tilespmem:s5+$0x2D8] =	vst.add.f32.msk $0xffff, v1  }
0x1d2: {  	v1 =	vld [tilespmem:s2+$0x73E8];
	_ =	sdelay $0x4  }
0x1d3: {  	[tilespmem:s5+$0x2E8] =	vst.add.f32.msk $0xffff, v1  }
0x1d4: {  	v1 =	vld [tilespmem:s2+$0x73F8];
	_ =	sdelay $0x2  }
0x1d5: {  	p2 =	sgt.u32 s31, $0x4E170  }
0x1d6: {  	s2 =	sand.u32 @!p2 $0x7FFF8, s31  }
0x1d7: {  	s3 =	sadd.s32 $0x208, s5;
	s9 =	sand.u32 @!p2 $0x7, s31;
	s2 =	sadd.s32 @!p2 s1, s2;
	[tilespmem:s5+$0x2F8] =	vst.add.f32.msk $0xffff, v1  }
0x1d8: {  	[hbm4b:s2+s9] =	stream.linear.scatter @!p2 [tilespmem:s3], [sflag:$0xC], $0x80, $0x38;
	[tilespmem:$0x1E678] =	vst v63  }
0x1d9: {  	s2 =	sadd.s32 @!p2 $0x80, s31  }
0x1da: {  	s2 =	sand.u32 @!p2 $0xFFFF8, s2  }
0x1db: {  	s3 =	sadd.s32 $0x288, s5;
	s2 =	sadd.s32 @!p2 s1, s2  }
0x1dc: {  	[hbm4b:s2+s9] =	stream.linear.scatter @!p2 [tilespmem:s3], [sflag:$0xC], $0x80, $0x38;
	[tilespmem:$0x1E678] =	vst v63  }
0x1dd: {  	s2 =	simm.s32 $0x0  }
0x1de: {  	s2 =	simm.s32 @!p2 $0x400  }
0x1df: {  	s4 =	sadd.s32 s2, s4  }
.LBB3_22:
0x1e0: {  	s2 =	sadd.s32 $0x1, s24  }
0x1e1: {  	s3 =	sshrl.u32 s2, $0x4  }
0x1e2: {  	s3 =	smulhi.u32 $0x24924925, s3  }
0x1e3: {  	v1 =	vld [tilespmem:s28+$0xFFFFFF80]  }
0x1e4: {  	s3 =	smul.u32 $0x70, s3;
	_ =	sdelay $0x1  }
0x1e5: {  	s24 =	ssub.s32 s2, s3  }
0x1e6: {  	s2 =	sshll.u32 s24, $0x8  }
0x1e7: {  	[tilespmem:s2+$0x208] =	vst v1  }
0x1e8: {  	v1 =	vld [tilespmem:s28+$0xFFFFFF90];
	_ =	sdelay $0x4  }
0x1e9: {  	[tilespmem:s2+$0x218] =	vst v1  }
0x1ea: {  	v1 =	vld [tilespmem:s28+$0xFFFFFFA0];
	_ =	sdelay $0x4  }
0x1eb: {  	[tilespmem:s2+$0x228] =	vst v1  }
0x1ec: {  	v1 =	vld [tilespmem:s28+$0xFFFFFFB0];
	_ =	sdelay $0x4  }
0x1ed: {  	[tilespmem:s2+$0x238] =	vst v1  }
0x1ee: {  	v1 =	vld [tilespmem:s28+$0xFFFFFFC0];
	_ =	sdelay $0x4  }
0x1ef: {  	[tilespmem:s2+$0x248] =	vst v1  }
0x1f0: {  	v1 =	vld [tilespmem:s28+$0xFFFFFFD0];
	_ =	sdelay $0x4  }
0x1f1: {  	[tilespmem:s2+$0x258] =	vst v1  }
0x1f2: {  	v1 =	vld [tilespmem:s28+$0xFFFFFFE0];
	_ =	sdelay $0x4  }
0x1f3: {  	[tilespmem:s2+$0x268] =	vst v1  }
0x1f4: {  	v1 =	vld [tilespmem:s28+$0xFFFFFFF0];
	_ =	sdelay $0x4  }
0x1f5: {  	[tilespmem:s2+$0x278] =	vst v1  }
0x1f6: {  	v1 =	vld [tilespmem:s28+$0x0];
	_ =	sdelay $0x4  }
0x1f7: {  	[tilespmem:s2+$0x288] =	vst v1  }
0x1f8: {  	v1 =	vld [tilespmem:s28+$0x10];
	_ =	sdelay $0x4  }
0x1f9: {  	[tilespmem:s2+$0x298] =	vst v1  }
0x1fa: {  	v1 =	vld [tilespmem:s28+$0x20];
	_ =	sdelay $0x4  }
0x1fb: {  	[tilespmem:s2+$0x2A8] =	vst v1  }
0x1fc: {  	v1 =	vld [tilespmem:s28+$0x30];
	_ =	sdelay $0x4  }
0x1fd: {  	[tilespmem:s2+$0x2B8] =	vst v1  }
0x1fe: {  	v1 =	vld [tilespmem:s28+$0x40];
	_ =	sdelay $0x4  }
0x1ff: {  	[tilespmem:s2+$0x2C8] =	vst v1  }
0x200: {  	v1 =	vld [tilespmem:s28+$0x50];
	_ =	sdelay $0x4  }
0x201: {  	[tilespmem:s2+$0x2D8] =	vst v1  }
0x202: {  	v1 =	vld [tilespmem:s28+$0x60];
	_ =	sdelay $0x4  }
0x203: {  	[tilespmem:s2+$0x2E8] =	vst v1  }
0x204: {  	v1 =	vld [tilespmem:s28+$0x70]  }
.Ltmp30:
0x205: {  	_ = 	snop;
	(pc) =	sbr.rel .LBB3_23-.Ltmp30, $2  }
0x206: {  	_ =	sdelay $0x2  }
0x207: {  	s30 =	sadd.s32 $0x1, s30;
	[tilespmem:s2+$0x2F8] =	vst v1  }
.LBB3_25:
.Ltmp31:
0x208: {  	(pc) =	sbr.rel .LBB3_26-.Ltmp31, $4  }
0x209: {  	_ = 	snop  }
0x20a: {  	s0 =	simm.s32 $0x2  }
0x20b: {  	_ =	swait.ge [sflag:s0], $0x0  }
0x20c: {  	s2 =	simm.s32 $0x0;
	[sflag:s0] =	ssyncset.done $0x0;
	s0 =	smov.u32 s31  }
.LBB3_28:
0x20d: {  	_ =	sfence.sel $0x180000  }
0x20e: {  	s0 =	simm.s32 $0x9;
	[bflag:$0x0] =	sbarrier.arrive $0xFFFF  }
0x20f: {  	s24 =	simm.s32 $0xA;
	[sflag:s0] =	ssyncpa.u1 $0x1  }
0x210: {  	s25 =	simm.s32 $0xB;
	[sflag:s24] =	ssyncpa.u1 $0x1  }
0x211: {  	s26 =	simm.s32 $0x2;
	[sflag:s25] =	ssyncpa.u1 $0x1  }
0x212: {  	[sflag:s26] =	ssyncpa.u1 $0x1  }
0x213: {  	v0 =	vld [tilespmem:$0xE408];
	_ =	sdelay $0x4  }
0x214: {  	(v2sf) =	vpush v0, $0x0  }
0x215: {  	(v2sf) =	vpush v0, $0x1;
	_ =	sdelay $0x1  }
0x216: {  	(v2sf) =	vpush v0, $0x2;
	_ =	sdelay $0xb  }
0x217: {  	s0 =	spop (v2sf)  }
0x218: {  	s2 =	spop (v2sf)  }
0x219: {  	s3 =	smov.u32 s0;
	p0 =	sne.s32 s0, s2  }
0x21a: {  	s4 =	spop (v2sf);
	s3 =	simm.s32 @!p0 $0xFFFFFFFF  }
0x21b: {  	v2 =	vimm.s32 $0x1;
	v3 =	vlaneseq.u32;
	p0 =	seq.s32 s4, $0xFFFFFFFF;
	v1 =	vmov s3  }
0x21c: {  	s15 =	stileid.u32;
	v0 =	vperm.xlane v0, v2;
	p1 =	sne.s32 @!p0 s0, s2;
	v1 =	vperm.xlane v1, v3  }
0x21d: {  	vm0 =	vcmask $0x3F04;
	s6 =	simm.s32 $0xE408;
	s0 =	simm.s32 @!p0 $0x1;
	p1 =	por !p1, p0  }
0x21e: {  	s3 =	sshll.u32 s15, $0x1;
	s2 =	sshll.u32 @!p0 s4, $0xA;
	s0 =	simm.s32 @p1 $0x0;
	v0 =	vsel vm0, v1, v0  }
0x21f: {  	s5 =	sor.u32 $0x2000, s3;
	s2 =	sshra.s32 @!p0 s2, $0x2;
	s0 =	sor.u32 @!p0 s0, s3;
	[tilespmem:$0xE408] =	vst v0  }
0x220: {  	[spmem:s5] =	stream.linear.scatter [tilespmem:s6], [sflag:$0x1], $0x2, $0x38;
	[tilespmem:$0x1E678] =	vst v63  }
0x221: {  	s2 =	sadd.s32 @!p0 $0x208, s2;
	s0 =	sshll.u32 @!p0 s0, $0x8  }
0x222: {  	[spmem:s0] =	stream.linear.scatter @!p0 [tilespmem:s2], [sflag:$0x1], $0x100, $0x38;
	[tilespmem:$0x1E678] =	vst v63  }
0x223: {  	s0 =	simm.s32 @!p0 $0x102  }
0x224: {  	s28 =	simm.s32 $0x1;
	s0 =	simm.s32 @p0 $0x2  }
0x225: {  	_ =	swait.ge [sflag:s28], s0  }
0x226: {  	s0 =	ssub.s32 $0x0, s0;
	[sflag:s28] =	ssyncset.done $0x0  }
0x227: {  	p0 =	sne.s32 s15, $0x0;
	[sflag:s28] =	ssyncadd.s32 s0  }
.Ltmp32:
0x228: {  	_ =	sfence.stream.spmem;
	(pc) =	sbr.rel @p0 .LBB3_45-.Ltmp32, $4  }
0x229: {  	s29 =	simm.s32 $0x3;
	[bflag:$0x0] =	sbarrier.arrive $0xFFFF  }
0x22a: {  	s30 =	simm.s32 $0x4;
	[sflag:s29] =	ssyncpa.u1 $0x1  }
0x22b: {  	s31 =	simm.s32 $0x3C;
	[sflag:s30] =	ssyncpa.u1 $0x1  }
0x22c: {  	s14 =	rddreg [dreg:$0x4];
	[sflag:s31] =	ssyncpa.u1 $0x1  }
0x22d: {  	_ =	sfence.stream.spmem;
	s0 =	simm.s32 $0x5  }
0x22e: {  	s2 =	simm.s32 $0x2000;
	s3 =	simm.s32 $0xE418;
	[sflag:s0] =	ssyncpa.u1 $0x0  }
0x22f: {  	[tilespmem:s3], [sflag:$0x5] =	stream.linear.gather [spmem:s2], $0x20, $0x38;
	[tilespmem:$0x1E678] =	vst v63  }
0x230: {  	s26 =	simm.s32 $0x0;
	s28 =	simm.s32 $0xE438  }
0x231: {  	[tilespmem:s28], [sflag:$0x5] =	stream.linear.gather [spmem:s26], $0x2000, $0x38;
	[tilespmem:$0x1E678] =	vst v63  }
0x232: {  	_ =	swait.ge [sflag:s0], $0x2020  }
0x233: {  	[sflag:s0] =	ssyncset.done $0x0  }
0x234: {  	s29 =	simm.s32 $0x0;
	[sflag:s0] =	ssyncadd.s32 $0xFFFFDFE0  }
0x235: {  	v0 =	vld.msk [tilespmem:s29+$0xE418], $0x1;
	_ =	sdelay $0x1  }
0x236: {  	s30 =	simm.s32 $0x1  }
0x237: {  	v1 =	vld.msk [tilespmem:s30+$0xE418], $0x1;
	_ =	sdelay $0x1  }
0x238: {  	(v2sf) =	vpush v0, $0x0;
	_ =	sdelay $0x2  }
0x239: {  	(v2sf) =	vpush v1, $0x0;
	_ =	sdelay $0x2  }
0x23a: {  	s31 =	simm.s32 $0x2  }
0x23b: {  	v0 =	vld.msk [tilespmem:s31+$0xE418], $0x1;
	_ =	sdelay $0x2  }
0x23c: {  	s2 =	simm.s32 $0xFFFFFFFF;
	s3 =	simm.s32 $0xFFFFFFFF;
	s0 =	simm.s32 $0xC  }
.LBB3_30:
0x23d: {  	s4 =	smov.u32 s3;
	s5 =	smov.u32 s2  }
0x23e: {  	s2 =	sshra.s32 s0, $0x2;
	p1 =	sne.s32 s0, $0x7C;
	s0 =	sadd.s32 $0x4, s0;
	(v2sf) =	vpush v0, $0x0  }
0x23f: {  	v0 =	vld.msk [tilespmem:s2+$0xE418], $0x1  }
.Ltmp33:
0x240: {  	(pc) =	sbr.rel @p1 .LBB3_30-.Ltmp33, $4  }
0x241: {  	s3 =	spop (v2sf)  }
0x242: {  	p2 =	sne.s32 s5, $0xFFFFFFFF;
	s2 =	smov.u32 s3  }
0x243: {  	p3 =	seq.s32 s3, $0xFFFFFFFF;
	s2 =	smov.u32 @p2 s5  }
0x244: {  	s3 =	smov.u32 @p3 s4;
	s2 =	smov.u32 @p3 s5  }
0x245: {  	(v2sf) =	vpush v0, $0x0;
	_ =	sdelay $0x8  }
0x246: {  	s0 =	spop (v2sf)  }
0x247: {  	p1 =	sne.s32 s2, $0xFFFFFFFF;
	s9 =	simm.s32 $0x6;
	s4 =	smov.u32 s0  }
0x248: {  	s6 =	simm.s32 $0x0;
	p2 =	seq.s32 s0, $0xFFFFFFFF;
	s4 =	smov.u32 @p1 s2  }
0x249: {  	s10 =	simm.s32 $0xE308;
	s4 =	smov.u32 @p2 s2;
	s2 =	spop (v2sf)  }
0x24a: {  	s0 =	smov.u32 @p2 s3;
	p1 =	sne.s32 s4, $0xFFFFFFFF;
	s5 =	smov.u32 s2  }
.Ltmp34:
0x24b: {  	p2 =	seq.s32 s2, $0xFFFFFFFF;
	s5 =	smov.u32 @p1 s4;
	(pc) =	sbr.rel .LBB3_32-.Ltmp34, $4  }
0x24c: {  	s11 =	simm.s32 $0xE388;
	s5 =	smov.u32 @p2 s4;
	s7 =	spop (v2sf)  }
0x24d: {  	s12 =	simm.s32 $0x0;
	p1 =	sne.s32 s5, $0xFFFFFFFF;
	s8 =	smov.u32 s7  }
0x24e: {  	s2 =	smov.u32 @p2 s0;
	p2 =	seq.s32 s7, $0xFFFFFFFF;
	s8 =	smov.u32 @p1 s5  }
0x24f: {  	[sflag:s9] =	ssyncpa.u1 $0x0;
	s7 =	smov.u32 @p2 s2;
	s8 =	smov.u32 @p2 s5  }
.LBB3_38:
0x250: {  	p1 =	sgt.u32 s0, $0x4E170  }
0x251: {  	p2 =	seq.s32 @!p1 s0, s8  }
0x252: {  	p1 =	por p1, p2  }
0x253: {  	p2 =	sne.s32 @!p1 s0, s7  }
0x254: {  	p1 =	por p1, !p2  }
0x255: {  	s0 =	sshll.u32 @p1 s12, $0xA  }
0x256: {  	s2 =	sand.u32 @!p1 $0x7FFF8, s0;
	s3 =	sand.u32 @!p1 $0x7, s0;
	s0 =	sadd.s32 @!p1 $0x80, s0  }
0x257: {  	s2 =	sadd.s32 @!p1 s1, s2;
	s0 =	sand.u32 @!p1 $0xFFFF8, s0  }
0x258: {  	[tilespmem:s10], [sflag:$0x6] =	stream.linear.gather @!p1 [hbm4b:s2+s3], $0x80, $0x38;
	[tilespmem:$0x1E678] =	vst v63  }
0x259: {  	s0 =	sadd.s32 @!p1 s1, s0  }
0x25a: {  	[tilespmem:s11], [sflag:$0x6] =	stream.linear.gather @!p1 [hbm4b:s0+s3], $0x80, $0x38;
	[tilespmem:$0x1E678] =	vst v63  }
0x25b: {  	_ =	swait.ge @!p1 [sflag:s9], $0x100  }
0x25c: {  	[sflag:s9] =	ssyncset.done @!p1 $0x0  }
0x25d: {  	[sflag:s9] =	ssyncadd.s32 @!p1 $0xFFFFFF00  }
0x25e: {  	v1 =	vld @!p1 [tilespmem:$0xE308];
	_ =	sdelay $0x2  }
0x25f: {  	s0 =	sshll.u32 @!p1 s12, $0xA  }
0x260: {  	s2 =	sshrl.u32 @!p1 s0, $0x2  }
0x261: {  	[tilespmem:s2+$0xE438] =	vst.add.f32.msk @!p1 $0xffff, v1  }
0x262: {  	v1 =	vld @!p1 [tilespmem:$0xE318];
	_ =	sdelay $0x4  }
0x263: {  	[tilespmem:s2+$0xE448] =	vst.add.f32.msk @!p1 $0xffff, v1  }
0x264: {  	v1 =	vld @!p1 [tilespmem:$0xE328];
	_ =	sdelay $0x4  }
0x265: {  	[tilespmem:s2+$0xE458] =	vst.add.f32.msk @!p1 $0xffff, v1  }
0x266: {  	v1 =	vld @!p1 [tilespmem:$0xE338];
	_ =	sdelay $0x4  }
0x267: {  	[tilespmem:s2+$0xE468] =	vst.add.f32.msk @!p1 $0xffff, v1  }
0x268: {  	v1 =	vld @!p1 [tilespmem:$0xE348];
	_ =	sdelay $0x4  }
0x269: {  	[tilespmem:s2+$0xE478] =	vst.add.f32.msk @!p1 $0xffff, v1  }
0x26a: {  	v1 =	vld @!p1 [tilespmem:$0xE358];
	_ =	sdelay $0x4  }
0x26b: {  	[tilespmem:s2+$0xE488] =	vst.add.f32.msk @!p1 $0xffff, v1  }
0x26c: {  	v1 =	vld @!p1 [tilespmem:$0xE368];
	_ =	sdelay $0x4  }
0x26d: {  	[tilespmem:s2+$0xE498] =	vst.add.f32.msk @!p1 $0xffff, v1  }
0x26e: {  	v1 =	vld @!p1 [tilespmem:$0xE378];
	_ =	sdelay $0x4  }
0x26f: {  	[tilespmem:s2+$0xE4A8] =	vst.add.f32.msk @!p1 $0xffff, v1  }
0x270: {  	v1 =	vld @!p1 [tilespmem:$0xE388];
	_ =	sdelay $0x4  }
0x271: {  	[tilespmem:s2+$0xE4B8] =	vst.add.f32.msk @!p1 $0xffff, v1  }
0x272: {  	v1 =	vld @!p1 [tilespmem:$0xE398];
	_ =	sdelay $0x4  }
0x273: {  	[tilespmem:s2+$0xE4C8] =	vst.add.f32.msk @!p1 $0xffff, v1  }
0x274: {  	v1 =	vld @!p1 [tilespmem:$0xE3A8];
	_ =	sdelay $0x4  }
0x275: {  	[tilespmem:s2+$0xE4D8] =	vst.add.f32.msk @!p1 $0xffff, v1  }
0x276: {  	v1 =	vld @!p1 [tilespmem:$0xE3B8];
	_ =	sdelay $0x4  }
0x277: {  	[tilespmem:s2+$0xE4E8] =	vst.add.f32.msk @!p1 $0xffff, v1  }
0x278: {  	v1 =	vld @!p1 [tilespmem:$0xE3C8];
	_ =	sdelay $0x4  }
0x279: {  	[tilespmem:s2+$0xE4F8] =	vst.add.f32.msk @!p1 $0xffff, v1  }
0x27a: {  	v1 =	vld @!p1 [tilespmem:$0xE3D8];
	_ =	sdelay $0x4  }
0x27b: {  	[tilespmem:s2+$0xE508] =	vst.add.f32.msk @!p1 $0xffff, v1  }
0x27c: {  	v1 =	vld @!p1 [tilespmem:$0xE3E8];
	_ =	sdelay $0x4  }
0x27d: {  	[tilespmem:s2+$0xE518] =	vst.add.f32.msk @!p1 $0xffff, v1  }
0x27e: {  	v1 =	vld @!p1 [tilespmem:$0xE3F8];
	_ =	sdelay $0x4  }
0x27f: {  	[tilespmem:s2+$0xE528] =	vst.add.f32.msk @!p1 $0xffff, v1  }
0x280: {  	s0 =	sshrl.u32 s0, $0x2;
	[tilespmem:s6+$0xE418] =	vst.msk $0x1, v0  }
0x281: {  	v0 =	vld [tilespmem:s0+$0xE438];
	_ =	sdelay $0x2  }
0x282: {  	s31 =	sshll.u32 s6, $0xA  }
0x283: {  	s2 =	sshra.s32 s31, $0x2  }
0x284: {  	[tilespmem:s2+$0xE438] =	vst v0  }
0x285: {  	v0 =	vld [tilespmem:s0+$0xE448];
	_ =	sdelay $0x4  }
0x286: {  	[tilespmem:s2+$0xE448] =	vst v0  }
0x287: {  	v0 =	vld [tilespmem:s0+$0xE458];
	_ =	sdelay $0x4  }
0x288: {  	[tilespmem:s2+$0xE458] =	vst v0  }
0x289: {  	v0 =	vld [tilespmem:s0+$0xE468];
	_ =	sdelay $0x4  }
0x28a: {  	[tilespmem:s2+$0xE468] =	vst v0  }
0x28b: {  	v0 =	vld [tilespmem:s0+$0xE478];
	_ =	sdelay $0x4  }
0x28c: {  	[tilespmem:s2+$0xE478] =	vst v0  }
0x28d: {  	v0 =	vld [tilespmem:s0+$0xE488];
	_ =	sdelay $0x4  }
0x28e: {  	[tilespmem:s2+$0xE488] =	vst v0  }
0x28f: {  	v0 =	vld [tilespmem:s0+$0xE498];
	_ =	sdelay $0x4  }
0x290: {  	[tilespmem:s2+$0xE498] =	vst v0  }
0x291: {  	v0 =	vld [tilespmem:s0+$0xE4A8];
	_ =	sdelay $0x4  }
0x292: {  	[tilespmem:s2+$0xE4A8] =	vst v0  }
0x293: {  	v0 =	vld [tilespmem:s0+$0xE4B8];
	_ =	sdelay $0x4  }
0x294: {  	[tilespmem:s2+$0xE4B8] =	vst v0  }
0x295: {  	v0 =	vld [tilespmem:s0+$0xE4C8];
	_ =	sdelay $0x4  }
0x296: {  	[tilespmem:s2+$0xE4C8] =	vst v0  }
0x297: {  	v0 =	vld [tilespmem:s0+$0xE4D8];
	_ =	sdelay $0x4  }
0x298: {  	[tilespmem:s2+$0xE4D8] =	vst v0  }
0x299: {  	v0 =	vld [tilespmem:s0+$0xE4E8];
	_ =	sdelay $0x4  }
0x29a: {  	[tilespmem:s2+$0xE4E8] =	vst v0  }
0x29b: {  	v0 =	vld [tilespmem:s0+$0xE4F8];
	_ =	sdelay $0x4  }
0x29c: {  	[tilespmem:s2+$0xE4F8] =	vst v0  }
0x29d: {  	v0 =	vld [tilespmem:s0+$0xE508];
	_ =	sdelay $0x4  }
0x29e: {  	[tilespmem:s2+$0xE508] =	vst v0  }
0x29f: {  	v0 =	vld [tilespmem:s0+$0xE518];
	_ =	sdelay $0x4  }
0x2a0: {  	[tilespmem:s2+$0xE518] =	vst v0  }
0x2a1: {  	v0 =	vld [tilespmem:s0+$0xE528];
	_ =	sdelay $0x4  }
0x2a2: {  	s6 =	sadd.s32 $0x1, s6;
	[tilespmem:s2+$0xE528] =	vst v0  }
.LBB3_39:
0x2a3: {  	s12 =	sadd.s32 $0x1, s12  }
0x2a4: {  	p1 =	sne.s32 s12, $0x20  }
.Ltmp35:
0x2a5: {  	_ = 	snop;
	(pc) =	sbr.rel @!p1 .LBB3_40-.Ltmp35, $1  }
0x2a6: {  	_ =	sdelay $0x3  }
.LBB3_32:
0x2a7: {  	v0 =	vld.msk [tilespmem:s12+$0xE418], $0x1;
	_ =	sdelay $0x4  }
0x2a8: {  	(v2sf) =	vpush v0, $0x0;
	_ =	sdelay $0xe  }
0x2a9: {  	s0 =	spop (v2sf)  }
0x2aa: {  	p1 =	seq.s32 s0, $0xFFFFFFFF  }
.Ltmp36:
0x2ab: {  	_ = 	snop;
	(pc) =	sbr.rel @p1 .LBB3_39-.Ltmp36, $1  }
0x2ac: {  	_ =	sdelay $0x3  }
0x2ad: {  	p1 =	slt.s32 s6, $0x1  }
.Ltmp37:
0x2ae: {  	_ = 	snop;
	(pc) =	sbr.rel @p1 .LBB3_38-.Ltmp37, $1  }
0x2af: {  	_ =	sdelay $0x3  }
0x2b0: {  	s4 =	simm.s32 $0xE418;
	p1 =	por $0x0, $0x0  }
0x2b1: {  	v1 =	vld.msk @!p1 [tilespmem:s4+$0x0], $0x1;
	_ =	sdelay $0x4  }
0x2b2: {  	(v2sf) =	vpush @!p1 v1, $0x0;
	_ =	sdelay $0xd  }
0x2b3: {  	p3 =	sne.s32 s6, $0x1  }
.Ltmp38:
0x2b4: {  	s2 =	spop @!p1 (v2sf);
	(pc) =	sbr.rel @!p3 .LBB3_36-.Ltmp38, $4  }
0x2b5: {  	p2 =	seq.s32 @!p1 s0, s2  }
0x2b6: {  	s5 =	simm.s32 $0x0;
	p2 =	por !p2, p1  }
0x2b7: {  	s2 =	simm.s32 $0xFFFFFFFF;
	s5 =	simm.s32 @p2 $0xFFFFFFFF  }
0x2b8: {  	s13 =	simm.s32 $0x1;
	s5 =	smov.u32 @p1 s2  }
.LBB3_35:
0x2b9: {  	s2 =	smov.u32 s5;
	p1 =	sne.s32 s5, $0xFFFFFFFF  }
0x2ba: {  	s4 =	sadd.s32 $0x1, s4;
	s5 =	smov.u32 s13;
	s13 =	sadd.s32 $0x1, s13  }
0x2bb: {  	p2 =	sne.s32 s6, s13;
	v1 =	vld.msk @!p1 [tilespmem:s4+$0x0], $0x1;
	_ =	sdelay $0x4  }
0x2bc: {  	(v2sf) =	vpush @!p1 v1, $0x0;
	_ =	sdelay $0xe  }
.Ltmp39:
0x2bd: {  	s3 =	spop @!p1 (v2sf);
	(pc) =	sbr.rel @p2 .LBB3_35-.Ltmp39, $4  }
0x2be: {  	p3 =	seq.s32 @!p1 s0, s3  }
0x2bf: {  	p3 =	por !p3, p1  }
0x2c0: {  	s5 =	simm.s32 @p3 $0xFFFFFFFF  }
0x2c1: {  	s5 =	smov.u32 @p1 s2  }
.LBB3_36:
0x2c2: {  	p1 =	seq.s32 s5, $0xFFFFFFFF  }
.Ltmp40:
0x2c3: {  	_ = 	snop;
	(pc) =	sbr.rel @p1 .LBB3_38-.Ltmp40, $1  }
0x2c4: {  	_ =	sdelay $0x3  }
0x2c5: {  	s0 =	sshll.u32 s12, $0x8  }
0x2c6: {  	s0 =	sand.u32 $0x3FFFFF00, s0  }
0x2c7: {  	v0 =	vld [tilespmem:s0+$0xE438];
	_ =	sdelay $0x2  }
0x2c8: {  	s2 =	sshll.u32 s5, $0xA  }
0x2c9: {  	s2 =	sshra.s32 s2, $0x2  }
0x2ca: {  	[tilespmem:s2+$0xE438] =	vst.add.f32.msk $0xffff, v0  }
0x2cb: {  	v0 =	vld [tilespmem:s0+$0xE448];
	_ =	sdelay $0x4  }
0x2cc: {  	[tilespmem:s2+$0xE448] =	vst.add.f32.msk $0xffff, v0  }
0x2cd: {  	v0 =	vld [tilespmem:s0+$0xE458];
	_ =	sdelay $0x4  }
0x2ce: {  	[tilespmem:s2+$0xE458] =	vst.add.f32.msk $0xffff, v0  }
0x2cf: {  	v0 =	vld [tilespmem:s0+$0xE468];
	_ =	sdelay $0x4  }
0x2d0: {  	[tilespmem:s2+$0xE468] =	vst.add.f32.msk $0xffff, v0  }
0x2d1: {  	v0 =	vld [tilespmem:s0+$0xE478];
	_ =	sdelay $0x4  }
0x2d2: {  	[tilespmem:s2+$0xE478] =	vst.add.f32.msk $0xffff, v0  }
0x2d3: {  	v0 =	vld [tilespmem:s0+$0xE488];
	_ =	sdelay $0x4  }
0x2d4: {  	[tilespmem:s2+$0xE488] =	vst.add.f32.msk $0xffff, v0  }
0x2d5: {  	v0 =	vld [tilespmem:s0+$0xE498];
	_ =	sdelay $0x4  }
0x2d6: {  	[tilespmem:s2+$0xE498] =	vst.add.f32.msk $0xffff, v0  }
0x2d7: {  	v0 =	vld [tilespmem:s0+$0xE4A8];
	_ =	sdelay $0x4  }
0x2d8: {  	[tilespmem:s2+$0xE4A8] =	vst.add.f32.msk $0xffff, v0  }
0x2d9: {  	v0 =	vld [tilespmem:s0+$0xE4B8];
	_ =	sdelay $0x4  }
0x2da: {  	[tilespmem:s2+$0xE4B8] =	vst.add.f32.msk $0xffff, v0  }
0x2db: {  	v0 =	vld [tilespmem:s0+$0xE4C8];
	_ =	sdelay $0x4  }
0x2dc: {  	[tilespmem:s2+$0xE4C8] =	vst.add.f32.msk $0xffff, v0  }
0x2dd: {  	v0 =	vld [tilespmem:s0+$0xE4D8];
	_ =	sdelay $0x4  }
0x2de: {  	[tilespmem:s2+$0xE4D8] =	vst.add.f32.msk $0xffff, v0  }
0x2df: {  	v0 =	vld [tilespmem:s0+$0xE4E8];
	_ =	sdelay $0x4  }
0x2e0: {  	[tilespmem:s2+$0xE4E8] =	vst.add.f32.msk $0xffff, v0  }
0x2e1: {  	v0 =	vld [tilespmem:s0+$0xE4F8];
	_ =	sdelay $0x4  }
0x2e2: {  	[tilespmem:s2+$0xE4F8] =	vst.add.f32.msk $0xffff, v0  }
0x2e3: {  	v0 =	vld [tilespmem:s0+$0xE508];
	_ =	sdelay $0x4  }
0x2e4: {  	[tilespmem:s2+$0xE508] =	vst.add.f32.msk $0xffff, v0  }
0x2e5: {  	v0 =	vld [tilespmem:s0+$0xE518];
	_ =	sdelay $0x4  }
0x2e6: {  	[tilespmem:s2+$0xE518] =	vst.add.f32.msk $0xffff, v0  }
0x2e7: {  	v0 =	vld [tilespmem:s0+$0xE528]  }
.Ltmp41:
0x2e8: {  	_ = 	snop;
	(pc) =	sbr.rel .LBB3_39-.Ltmp41, $2  }
0x2e9: {  	_ =	sdelay $0x2  }
0x2ea: {  	[tilespmem:s2+$0xE528] =	vst.add.f32.msk $0xffff, v0  }
.LBB3_40:
0x2eb: {  	s0 =	simm.s32 $0x6;
	p1 =	seq.s32 s6, $0x0  }
0x2ec: {  	[sflag:s0] =	ssyncpa.u1 $0x1;
	v0 =	vimm.s32 @p1 $0xFFFFFFFF  }
0x2ed: {  	s0 =	sadd.s32 $0xFFFFFFFF, s6;
	[tilespmem:$0x10438] =	vst @p1 v0  }
0x2ee: {  	v0 =	vld.msk @!p1 [tilespmem:s0+$0xE418], $0x1;
	_ =	sdelay $0x1  }
0x2ef: {  	v1 =	vld.msk @!p1 [tilespmem:$0xE418], $0x1;
	_ =	sdelay $0x2  }
0x2f0: {  	p2 =	seq.s32 @!p1 s0, $0x0;
	v0 =	vbroadcast @!p1 v0, $0x0  }
0x2f1: {  	vm0 =	vmmov @!p1 $0x1;
	p2 =	por !p2, p1  }
0x2f2: {  	v1 =	vnsel @!p1 vm0, $0xFFFFFFFF, v1;
	vm0 =	vcmask @!p1 $0x308;
	v0 =	vpsel !p2, $0xFFFFFFFF, v0  }
0x2f3: {  	p2 =	sne.s32 @!p1 s8, s7;
	v0 =	vsel @!p1 vm0, v1, v0  }
0x2f4: {  	s2 =	simm.s32 @!p1 $0xE438;
	s3 =	simm.s32 @!p1 $0x0;
	p3 =	por !p2, p1;
	[tilespmem:$0x10438] =	vst @!p1 v0  }
0x2f5: {  	[spmem:s3] =	stream.linear.scatter @!p1 [tilespmem:s2], [sflag:$0x1], $0x100, $0x38;
	[tilespmem:$0x1E678] =	vst v63  }
0x2f6: {  	s2 =	sshll.u32 @!p3 s0, $0xA  }
0x2f7: {  	s2 =	sshra.s32 @!p3 s2, $0x2  }
0x2f8: {  	s3 =	simm.s32 @!p3 $0x100;
	s2 =	sadd.s32 @!p3 $0xE438, s2  }
0x2f9: {  	[spmem:s3] =	stream.linear.scatter @!p3 [tilespmem:s2], [sflag:$0x1], $0x100, $0x38;
	[tilespmem:$0x1E678] =	vst v63  }
0x2fa: {  	s2 =	simm.s32 @!p3 $0x1  }
0x2fb: {  	_ =	swait.ge @!p3 [sflag:s2], $0x200  }
0x2fc: {  	p1 =	por p2, p1;
	[sflag:s2] =	ssyncset.done @!p3 $0x0  }
0x2fd: {  	[sflag:s2] =	ssyncadd.s32 @!p3 $0xFFFFFE00;
	s2 =	simm.s32 @!p1 $0x1  }
0x2fe: {  	_ =	swait.ge @!p1 [sflag:s2], $0x100  }
0x2ff: {  	s29 =	simm.s32 $0x10438;
	[sflag:s2] =	ssyncset.done @!p1 $0x0  }
0x300: {  	s30 =	simm.s32 $0x2000;
	s31 =	simm.s32 $0x1;
	[sflag:s2] =	ssyncadd.s32 @!p1 $0xFFFFFF00  }
0x301: {  	[spmem:s30] =	stream.linear.scatter [tilespmem:s29], [sflag:$0x1], $0x10, $0x38;
	[tilespmem:$0x1E678] =	vst v63  }
0x302: {  	_ =	swait.ge [sflag:s31], $0x10  }
0x303: {  	[sflag:s31] =	ssyncset.done $0x0  }
0x304: {  	p1 =	seq.s32 s14, $0x0;
	s9 =	rddreg [dreg:$0x1];
	[sflag:s31] =	ssyncadd.s32 $0xFFFFFFF0  }
0x305: {  	s3 =	sshll.u32 @p1 s9, $0xE;
	s8 =	rddreg [dreg:$0x2]  }
0x306: {  	s2 =	sadd.s32 @p1 $0x15C3C, s3;
	s3 =	sshll.u32 @p1 s8, $0x11  }
0x307: {  	_ =	sfence.stream.spmem;
	s2 =	sor.u32 @p1 s3, s2  }
0x308: {  	[sflag:s2] =	ssyncadd.remote.s32 @p1 $0x1;
	s2 =	simm.s32 @p1 $0x4  }
0x309: {  	s4 =	simm.s32 @!p1 $0x3C;
	s3 =	sand.u32 $0xFFFFFFFE, s9;
	_ =	swait.ge @p1 [sflag:s2], $0x42  }
0x30a: {  	s5 =	simm.s32 @!p1 $0x0;
	s3 =	sadd.s32 @!p1 $0x4, s3;
	[sflag:s2] =	ssyncset.done @p1 $0x0  }
0x30b: {  	s7 =	simm.s32 @!p1 $0x200;
	[sflag:s2] =	ssyncadd.s32 @p1 $0xFFFFFFBE;
	s2 =	sshll.u32 @!p1 s3, $0x1A  }
0x30c: {  	s3 =	sshll.u32 @!p1 s3, $0xD;
	s2 =	sor.u32 @!p1 s2, s8;
	_ =	swait.eq @!p1 [sflag:s4], $0x1  }
0x30d: {  	s3 =	sor.u32 @!p1 $0x1C04, s3;
	s4 =	simm.s32 @!p1 $0x1C03;
	s2 =	sor.u32 @!p1 $0x80004000, s2  }
0x30e: {  	[spmem:s7], [sflag:s3] =	dma.general @!p1 [spmem:s5], [sflag:s4], length:$0x40, [dreg:$0x0], stride_count:$0x0, ici_dest:s2, dma_misc:DstOpCode:WRITE  }
0x30f: {  	p2 =	slt.s32 s0, $0x2;
	s5 =	simm.s32 @!p1 $0x400;
	s7 =	simm.s32 @!p1 $0x402  }
0x310: {  	[spmem:s7], [sflag:s3] =	dma.general @!p1 [spmem:s5], [sflag:s4], length:$0x2, [dreg:$0x0], stride_count:$0x0, ici_dest:s2, dma_misc:DstOpCode:WRITE  }
.Ltmp42:
0x311: {  	s2 =	simm.s32 @!p1 $0x3;
	(pc) =	sbr.rel @p2 .LBB3_44-.Ltmp42, $4  }
0x312: {  	s3 =	sshll.u32 @!p1 s9, $0xE;
	_ =	swait.ge @!p1 [sflag:s2], $0x42  }
0x313: {  	s4 =	sshll.u32 @!p1 s8, $0x11;
	s3 =	sadd.s32 @!p1 $0x11C3C, s3;
	[sflag:s2] =	ssyncset.done @!p1 $0x0  }
0x314: {  	[sflag:s2] =	ssyncadd.s32 @!p1 $0xFFFFFFBE;
	s2 =	sor.u32 @!p1 s4, s3  }
0x315: {  	s0 =	simm.s32 $0x0;
	[sflag:s2] =	ssyncadd.remote.s32 @!p1 $0xFFFFFFFF  }
0x316: {  	s0 =	simm.s32 $0xE419  }
0x317: {  	v0 =	vld.msk [tilespmem:s0+$0x0], $0x1;
	_ =	sdelay $0x4  }
0x318: {  	(v2sf) =	vpush v0, $0x0;
	_ =	sdelay $0xd  }
0x319: {  	s31 =	sadd.s32 $0xFFFFFFFE, s6  }
0x31a: {  	s6 =	simm.s32 $0x0;
	s0 =	sadd.s32 $0xFFFFFFFF, s31;
	s2 =	spop (v2sf)  }
0x31b: {  	s3 =	simm.s32 $0xE538;
	p1 =	sne.s32 s0, $0x0;
	p2 =	sgt.u32 s2, $0x4E170  }
.Ltmp43:
0x31c: {  	s4 =	simm.s32 $0xE638;
	s5 =	sand.u32 @!p2 $0x7FFF8, s2;
	(pc) =	sbr.rel @!p1 .LBB3_43-.Ltmp43, $4  }
0x31d: {  	s7 =	sadd.s32 @!p2 $0x80, s2;
	s2 =	sand.u32 @!p2 $0x7, s2;
	s6 =	simm.s32 @!p2 $0x400  }
0x31e: {  	s5 =	sadd.s32 @!p2 s1, s5;
	s7 =	sand.u32 @!p2 $0xFFFF8, s7;
	s6 =	sadd.s32 $0x0, s6  }
0x31f: {  	[hbm4b:s5+s2] =	stream.linear.scatter @!p2 [tilespmem:s3], [sflag:$0x5], $0x80, $0x38;
	[tilespmem:$0x1E678] =	vst v63  }
0x320: {  	s5 =	simm.s32 $0xE41A;
	s3 =	simm.s32 @!p2 $0xE5B8;
	s7 =	sadd.s32 @!p2 s1, s7  }
.LBB3_42:
0x321: {  	[hbm4b:s7+s2] =	stream.linear.scatter @!p2 [tilespmem:s3], [sflag:$0x5], $0x80, $0x38;
	[tilespmem:$0x1E678] =	vst v63  }
0x322: {  	s0 =	sadd.s32 $0xFFFFFFFF, s0;
	s3 =	smov.u32 s4;
	v0 =	vld.msk [tilespmem:s5+$0x0], $0x1  }
0x323: {  	p1 =	sne.s32 s0, $0x0;
	_ =	sdelay $0x3  }
0x324: {  	(v2sf) =	vpush v0, $0x0;
	_ =	sdelay $0xe  }
0x325: {  	s4 =	sadd.s32 $0x100, s4;
	s8 =	simm.s32 $0x0;
	s2 =	spop (v2sf)  }
.Ltmp44:
0x326: {  	s5 =	sadd.s32 $0x1, s5;
	p2 =	sgt.u32 s2, $0x4E170;
	(pc) =	sbr.rel @p1 .LBB3_42-.Ltmp44, $4  }
0x327: {  	s8 =	simm.s32 @!p2 $0x400;
	s7 =	sand.u32 @!p2 $0x7FFF8, s2;
	s9 =	sadd.s32 @!p2 $0x80, s2  }
0x328: {  	s2 =	sand.u32 @!p2 $0x7, s2;
	s7 =	sadd.s32 @!p2 s1, s7;
	s9 =	sand.u32 @!p2 $0xFFFF8, s9  }
0x329: {  	[hbm4b:s7+s2] =	stream.linear.scatter @!p2 [tilespmem:s3], [sflag:$0x5], $0x80, $0x38;
	[tilespmem:$0x1E678] =	vst v63  }
0x32a: {  	s6 =	sadd.s32 s6, s8;
	s3 =	sadd.s32 @!p2 $0x80, s3;
	s7 =	sadd.s32 @!p2 s1, s9  }
.LBB3_43:
0x32b: {  	[hbm4b:s7+s2] =	stream.linear.scatter @!p2 [tilespmem:s3], [sflag:$0x5], $0x80, $0x38;
	[tilespmem:$0x1E678] =	vst v63  }
0x32c: {  	s0 =	sshrl.u32 s6, $0x2  }
.LBB3_44:
0x32d: {  	s2 =	simm.s32 $0x5  }
0x32e: {  	_ =	swait.ge [sflag:s2], s0  }
0x32f: {  	s31 =	ssub.s32 $0x0, s0;
	[sflag:s2] =	ssyncset.done $0x0  }
0x330: {  	[sflag:s2] =	ssyncadd.s32 s31  }
0x331: {  	[sflag:s2] =	ssyncpa.u1 $0x1  }
.LBB3_45:
0x332: {  	s0 =	sor.u32 s14, s15  }
0x333: {  	p1 =	sne.s32 s0, $0x0  }
.Ltmp45:
0x334: {  	_ = 	snop;
	(pc) =	sbr.rel @p1 .LBB3_60-.Ltmp45, $3  }
0x335: {  	_ =	sdelay $0x1  }
0x336: {  	[bflag:$0x0] =	sbarrier.arrive $0xFFFF  }
0x337: {  	_ =	sfence  }
0x338: {  	s0 =	simm.s32 $0x7  }
0x339: {  	s2 =	simm.s32 $0x2000;
	s3 =	simm.s32 $0xE418;
	[sflag:s0] =	ssyncpa.u1 $0x0  }
0x33a: {  	[tilespmem:s3], [sflag:$0x7] =	stream.linear.gather [spmem:s2], $0x20, $0x38;
	[tilespmem:$0x1E678] =	vst v63  }
0x33b: {  	s30 =	simm.s32 $0xE438;
	s2 =	simm.s32 $0x0  }
0x33c: {  	[tilespmem:s30], [sflag:$0x7] =	stream.linear.gather [spmem:s2], $0x2000, $0x38;
	[tilespmem:$0x1E678] =	vst v63  }
.Ltmp46:
0x33d: {  	_ = 	snop;
	(pc) =	sbr.rel .LBB3_47-.Ltmp46, $4  }
0x33e: {  	_ =	swait.ge [sflag:s0], $0x2020  }
0x33f: {  	[sflag:s0] =	ssyncset.done $0x0  }
0x340: {  	s31 =	simm.s32 $0x8;
	[sflag:s0] =	ssyncadd.s32 $0xFFFFDFE0  }
0x341: {  	s3 =	simm.s32 $0x0;
	[sflag:s31] =	ssyncpa.u1 $0x0  }
.LBB3_53:
0x342: {  	p1 =	slt.u32 s0, $0x4E171  }
0x343: {  	s4 =	sand.u32 @p1 $0x7FFF8, s0;
	s5 =	sand.u32 @p1 $0x7, s0;
	s0 =	sadd.s32 @p1 $0x80, s0  }
0x344: {  	s6 =	simm.s32 @p1 $0xE308;
	s4 =	sadd.s32 @p1 s1, s4;
	s0 =	sand.u32 @p1 $0xFFFF8, s0  }
0x345: {  	[tilespmem:s6], [sflag:$0x8] =	stream.linear.gather @p1 [hbm4b:s4+s5], $0x80, $0x38;
	[tilespmem:$0x1E678] =	vst v63  }
0x346: {  	s0 =	sadd.s32 @p1 s1, s0;
	s4 =	simm.s32 @p1 $0xE388  }
0x347: {  	[tilespmem:s4], [sflag:$0x8] =	stream.linear.gather @p1 [hbm4b:s0+s5], $0x80, $0x38;
	[tilespmem:$0x1E678] =	vst v63  }
0x348: {  	s0 =	simm.s32 @p1 $0x8  }
0x349: {  	_ =	swait.ge @p1 [sflag:s0], $0x100  }
0x34a: {  	[sflag:s0] =	ssyncset.done @p1 $0x0  }
0x34b: {  	[sflag:s0] =	ssyncadd.s32 @p1 $0xFFFFFF00  }
0x34c: {  	v1 =	vld @p1 [tilespmem:$0xE308];
	_ =	sdelay $0x2  }
0x34d: {  	s0 =	sshll.u32 @p1 s3, $0xA  }
0x34e: {  	s4 =	sshrl.u32 @p1 s0, $0x2  }
0x34f: {  	[tilespmem:s4+$0xE438] =	vst.add.f32.msk @p1 $0xffff, v1  }
0x350: {  	v1 =	vld @p1 [tilespmem:$0xE318];
	_ =	sdelay $0x4  }
0x351: {  	[tilespmem:s4+$0xE448] =	vst.add.f32.msk @p1 $0xffff, v1  }
0x352: {  	v1 =	vld @p1 [tilespmem:$0xE328];
	_ =	sdelay $0x4  }
0x353: {  	[tilespmem:s4+$0xE458] =	vst.add.f32.msk @p1 $0xffff, v1  }
0x354: {  	v1 =	vld @p1 [tilespmem:$0xE338];
	_ =	sdelay $0x4  }
0x355: {  	[tilespmem:s4+$0xE468] =	vst.add.f32.msk @p1 $0xffff, v1  }
0x356: {  	v1 =	vld @p1 [tilespmem:$0xE348];
	_ =	sdelay $0x4  }
0x357: {  	[tilespmem:s4+$0xE478] =	vst.add.f32.msk @p1 $0xffff, v1  }
0x358: {  	v1 =	vld @p1 [tilespmem:$0xE358];
	_ =	sdelay $0x4  }
0x359: {  	[tilespmem:s4+$0xE488] =	vst.add.f32.msk @p1 $0xffff, v1  }
0x35a: {  	v1 =	vld @p1 [tilespmem:$0xE368];
	_ =	sdelay $0x4  }
0x35b: {  	[tilespmem:s4+$0xE498] =	vst.add.f32.msk @p1 $0xffff, v1  }
0x35c: {  	v1 =	vld @p1 [tilespmem:$0xE378];
	_ =	sdelay $0x4  }
0x35d: {  	[tilespmem:s4+$0xE4A8] =	vst.add.f32.msk @p1 $0xffff, v1  }
0x35e: {  	v1 =	vld @p1 [tilespmem:$0xE388];
	_ =	sdelay $0x4  }
0x35f: {  	[tilespmem:s4+$0xE4B8] =	vst.add.f32.msk @p1 $0xffff, v1  }
0x360: {  	v1 =	vld @p1 [tilespmem:$0xE398];
	_ =	sdelay $0x4  }
0x361: {  	[tilespmem:s4+$0xE4C8] =	vst.add.f32.msk @p1 $0xffff, v1  }
0x362: {  	v1 =	vld @p1 [tilespmem:$0xE3A8];
	_ =	sdelay $0x4  }
0x363: {  	[tilespmem:s4+$0xE4D8] =	vst.add.f32.msk @p1 $0xffff, v1  }
0x364: {  	v1 =	vld @p1 [tilespmem:$0xE3B8];
	_ =	sdelay $0x4  }
0x365: {  	[tilespmem:s4+$0xE4E8] =	vst.add.f32.msk @p1 $0xffff, v1  }
0x366: {  	v1 =	vld @p1 [tilespmem:$0xE3C8];
	_ =	sdelay $0x4  }
0x367: {  	[tilespmem:s4+$0xE4F8] =	vst.add.f32.msk @p1 $0xffff, v1  }
0x368: {  	v1 =	vld @p1 [tilespmem:$0xE3D8];
	_ =	sdelay $0x4  }
0x369: {  	[tilespmem:s4+$0xE508] =	vst.add.f32.msk @p1 $0xffff, v1  }
0x36a: {  	v1 =	vld @p1 [tilespmem:$0xE3E8];
	_ =	sdelay $0x4  }
0x36b: {  	[tilespmem:s4+$0xE518] =	vst.add.f32.msk @p1 $0xffff, v1  }
0x36c: {  	v1 =	vld @p1 [tilespmem:$0xE3F8];
	_ =	sdelay $0x3  }
0x36d: {  	s5 =	sshll.u32 @!p1 s3, $0xA  }
0x36e: {  	s5 =	smov.u32 @p1 s0;
	[tilespmem:s4+$0xE528] =	vst.add.f32.msk @p1 $0xffff, v1  }
0x36f: {  	s0 =	sshrl.u32 s5, $0x2;
	[tilespmem:s2+$0xE418] =	vst.msk $0x1, v0  }
0x370: {  	v0 =	vld [tilespmem:s0+$0xE438];
	_ =	sdelay $0x2  }
0x371: {  	s31 =	sshll.u32 s2, $0xA  }
0x372: {  	s4 =	sshra.s32 s31, $0x2  }
0x373: {  	[tilespmem:s4+$0xE438] =	vst v0  }
0x374: {  	v0 =	vld [tilespmem:s0+$0xE448];
	_ =	sdelay $0x4  }
0x375: {  	[tilespmem:s4+$0xE448] =	vst v0  }
0x376: {  	v0 =	vld [tilespmem:s0+$0xE458];
	_ =	sdelay $0x4  }
0x377: {  	[tilespmem:s4+$0xE458] =	vst v0  }
0x378: {  	v0 =	vld [tilespmem:s0+$0xE468];
	_ =	sdelay $0x4  }
0x379: {  	[tilespmem:s4+$0xE468] =	vst v0  }
0x37a: {  	v0 =	vld [tilespmem:s0+$0xE478];
	_ =	sdelay $0x4  }
0x37b: {  	[tilespmem:s4+$0xE478] =	vst v0  }
0x37c: {  	v0 =	vld [tilespmem:s0+$0xE488];
	_ =	sdelay $0x4  }
0x37d: {  	[tilespmem:s4+$0xE488] =	vst v0  }
0x37e: {  	v0 =	vld [tilespmem:s0+$0xE498];
	_ =	sdelay $0x4  }
0x37f: {  	[tilespmem:s4+$0xE498] =	vst v0  }
0x380: {  	v0 =	vld [tilespmem:s0+$0xE4A8];
	_ =	sdelay $0x4  }
0x381: {  	[tilespmem:s4+$0xE4A8] =	vst v0  }
0x382: {  	v0 =	vld [tilespmem:s0+$0xE4B8];
	_ =	sdelay $0x4  }
0x383: {  	[tilespmem:s4+$0xE4B8] =	vst v0  }
0x384: {  	v0 =	vld [tilespmem:s0+$0xE4C8];
	_ =	sdelay $0x4  }
0x385: {  	[tilespmem:s4+$0xE4C8] =	vst v0  }
0x386: {  	v0 =	vld [tilespmem:s0+$0xE4D8];
	_ =	sdelay $0x4  }
0x387: {  	[tilespmem:s4+$0xE4D8] =	vst v0  }
0x388: {  	v0 =	vld [tilespmem:s0+$0xE4E8];
	_ =	sdelay $0x4  }
0x389: {  	[tilespmem:s4+$0xE4E8] =	vst v0  }
0x38a: {  	v0 =	vld [tilespmem:s0+$0xE4F8];
	_ =	sdelay $0x4  }
0x38b: {  	[tilespmem:s4+$0xE4F8] =	vst v0  }
0x38c: {  	v0 =	vld [tilespmem:s0+$0xE508];
	_ =	sdelay $0x4  }
0x38d: {  	[tilespmem:s4+$0xE508] =	vst v0  }
0x38e: {  	v0 =	vld [tilespmem:s0+$0xE518];
	_ =	sdelay $0x4  }
0x38f: {  	[tilespmem:s4+$0xE518] =	vst v0  }
0x390: {  	v0 =	vld [tilespmem:s0+$0xE528];
	_ =	sdelay $0x4  }
0x391: {  	s2 =	sadd.s32 $0x1, s2;
	[tilespmem:s4+$0xE528] =	vst v0  }
.LBB3_54:
0x392: {  	s3 =	sadd.s32 $0x1, s3  }
0x393: {  	p1 =	sne.s32 s3, $0x20  }
.Ltmp47:
0x394: {  	_ = 	snop;
	(pc) =	sbr.rel @!p1 .LBB3_55-.Ltmp47, $1  }
0x395: {  	_ =	sdelay $0x3  }
.LBB3_47:
0x396: {  	v0 =	vld.msk [tilespmem:s3+$0xE418], $0x1;
	_ =	sdelay $0x4  }
0x397: {  	(v2sf) =	vpush v0, $0x0;
	_ =	sdelay $0xe  }
0x398: {  	s0 =	spop (v2sf)  }
0x399: {  	p1 =	seq.s32 s0, $0xFFFFFFFF  }
.Ltmp48:
0x39a: {  	_ = 	snop;
	(pc) =	sbr.rel @p1 .LBB3_54-.Ltmp48, $1  }
0x39b: {  	_ =	sdelay $0x3  }
0x39c: {  	p1 =	slt.s32 s2, $0x1  }
.Ltmp49:
0x39d: {  	_ = 	snop;
	(pc) =	sbr.rel @p1 .LBB3_53-.Ltmp49, $1  }
0x39e: {  	_ =	sdelay $0x3  }
0x39f: {  	s4 =	simm.s32 $0xE418;
	p1 =	por $0x0, $0x0  }
0x3a0: {  	v1 =	vld.msk @!p1 [tilespmem:s4+$0x0], $0x1;
	_ =	sdelay $0x4  }
0x3a1: {  	(v2sf) =	vpush @!p1 v1, $0x0;
	_ =	sdelay $0xd  }
0x3a2: {  	p3 =	sne.s32 s2, $0x1  }
.Ltmp50:
0x3a3: {  	s5 =	spop @!p1 (v2sf);
	(pc) =	sbr.rel @!p3 .LBB3_51-.Ltmp50, $4  }
0x3a4: {  	p2 =	seq.s32 @!p1 s0, s5  }
0x3a5: {  	s5 =	simm.s32 $0x0;
	p2 =	por !p2, p1  }
0x3a6: {  	s7 =	simm.s32 $0xFFFFFFFF;
	s5 =	simm.s32 @p2 $0xFFFFFFFF  }
0x3a7: {  	s6 =	simm.s32 $0x1;
	s5 =	smov.u32 @p1 s7  }
.LBB3_50:
0x3a8: {  	s7 =	smov.u32 s5;
	p1 =	sne.s32 s5, $0xFFFFFFFF  }
0x3a9: {  	s4 =	sadd.s32 $0x1, s4;
	s5 =	smov.u32 s6;
	s6 =	sadd.s32 $0x1, s6  }
0x3aa: {  	p2 =	sne.s32 s2, s6;
	v1 =	vld.msk @!p1 [tilespmem:s4+$0x0], $0x1;
	_ =	sdelay $0x4  }
0x3ab: {  	(v2sf) =	vpush @!p1 v1, $0x0;
	_ =	sdelay $0xe  }
.Ltmp51:
0x3ac: {  	s8 =	spop @!p1 (v2sf);
	(pc) =	sbr.rel @p2 .LBB3_50-.Ltmp51, $4  }
0x3ad: {  	p3 =	seq.s32 @!p1 s0, s8  }
0x3ae: {  	p3 =	por !p3, p1  }
0x3af: {  	s5 =	simm.s32 @p3 $0xFFFFFFFF  }
0x3b0: {  	s5 =	smov.u32 @p1 s7  }
.LBB3_51:
0x3b1: {  	p1 =	seq.s32 s5, $0xFFFFFFFF  }
.Ltmp52:
0x3b2: {  	_ = 	snop;
	(pc) =	sbr.rel @p1 .LBB3_53-.Ltmp52, $1  }
0x3b3: {  	_ =	sdelay $0x3  }
0x3b4: {  	s0 =	sshll.u32 s3, $0x8  }
0x3b5: {  	s0 =	sand.u32 $0x3FFFFF00, s0  }
0x3b6: {  	v0 =	vld [tilespmem:s0+$0xE438];
	_ =	sdelay $0x2  }
0x3b7: {  	s4 =	sshll.u32 s5, $0xA  }
0x3b8: {  	s4 =	sshra.s32 s4, $0x2  }
0x3b9: {  	[tilespmem:s4+$0xE438] =	vst.add.f32.msk $0xffff, v0  }
0x3ba: {  	v0 =	vld [tilespmem:s0+$0xE448];
	_ =	sdelay $0x4  }
0x3bb: {  	[tilespmem:s4+$0xE448] =	vst.add.f32.msk $0xffff, v0  }
0x3bc: {  	v0 =	vld [tilespmem:s0+$0xE458];
	_ =	sdelay $0x4  }
0x3bd: {  	[tilespmem:s4+$0xE458] =	vst.add.f32.msk $0xffff, v0  }
0x3be: {  	v0 =	vld [tilespmem:s0+$0xE468];
	_ =	sdelay $0x4  }
0x3bf: {  	[tilespmem:s4+$0xE468] =	vst.add.f32.msk $0xffff, v0  }
0x3c0: {  	v0 =	vld [tilespmem:s0+$0xE478];
	_ =	sdelay $0x4  }
0x3c1: {  	[tilespmem:s4+$0xE478] =	vst.add.f32.msk $0xffff, v0  }
0x3c2: {  	v0 =	vld [tilespmem:s0+$0xE488];
	_ =	sdelay $0x4  }
0x3c3: {  	[tilespmem:s4+$0xE488] =	vst.add.f32.msk $0xffff, v0  }
0x3c4: {  	v0 =	vld [tilespmem:s0+$0xE498];
	_ =	sdelay $0x4  }
0x3c5: {  	[tilespmem:s4+$0xE498] =	vst.add.f32.msk $0xffff, v0  }
0x3c6: {  	v0 =	vld [tilespmem:s0+$0xE4A8];
	_ =	sdelay $0x4  }
0x3c7: {  	[tilespmem:s4+$0xE4A8] =	vst.add.f32.msk $0xffff, v0  }
0x3c8: {  	v0 =	vld [tilespmem:s0+$0xE4B8];
	_ =	sdelay $0x4  }
0x3c9: {  	[tilespmem:s4+$0xE4B8] =	vst.add.f32.msk $0xffff, v0  }
0x3ca: {  	v0 =	vld [tilespmem:s0+$0xE4C8];
	_ =	sdelay $0x4  }
0x3cb: {  	[tilespmem:s4+$0xE4C8] =	vst.add.f32.msk $0xffff, v0  }
0x3cc: {  	v0 =	vld [tilespmem:s0+$0xE4D8];
	_ =	sdelay $0x4  }
0x3cd: {  	[tilespmem:s4+$0xE4D8] =	vst.add.f32.msk $0xffff, v0  }
0x3ce: {  	v0 =	vld [tilespmem:s0+$0xE4E8];
	_ =	sdelay $0x4  }
0x3cf: {  	[tilespmem:s4+$0xE4E8] =	vst.add.f32.msk $0xffff, v0  }
0x3d0: {  	v0 =	vld [tilespmem:s0+$0xE4F8];
	_ =	sdelay $0x4  }
0x3d1: {  	[tilespmem:s4+$0xE4F8] =	vst.add.f32.msk $0xffff, v0  }
0x3d2: {  	v0 =	vld [tilespmem:s0+$0xE508];
	_ =	sdelay $0x4  }
0x3d3: {  	[tilespmem:s4+$0xE508] =	vst.add.f32.msk $0xffff, v0  }
0x3d4: {  	v0 =	vld [tilespmem:s0+$0xE518];
	_ =	sdelay $0x4  }
0x3d5: {  	[tilespmem:s4+$0xE518] =	vst.add.f32.msk $0xffff, v0  }
0x3d6: {  	v0 =	vld [tilespmem:s0+$0xE528]  }
.Ltmp53:
0x3d7: {  	_ = 	snop;
	(pc) =	sbr.rel .LBB3_54-.Ltmp53, $2  }
0x3d8: {  	_ =	sdelay $0x2  }
0x3d9: {  	[tilespmem:s4+$0xE528] =	vst.add.f32.msk $0xffff, v0  }
.LBB3_55:
0x3da: {  	p1 =	slt.s32 s2, $0x1  }
.Ltmp54:
0x3db: {  	_ = 	snop;
	(pc) =	sbr.rel @p1 .LBB3_59-.Ltmp54, $3  }
0x3dc: {  	_ =	sdelay $0x1  }
0x3dd: {  	s0 =	simm.s32 $0x8  }
0x3de: {  	s4 =	simm.s32 $0x0;
	[sflag:s0] =	ssyncpa.u1 $0x1  }
0x3df: {  	s0 =	simm.s32 $0xE418  }
0x3e0: {  	v0 =	vld.msk [tilespmem:s0+$0x0], $0x1;
	_ =	sdelay $0x4  }
0x3e1: {  	(v2sf) =	vpush v0, $0x0;
	_ =	sdelay $0xe  }
0x3e2: {  	s0 =	sadd.s32 $0xFFFFFFFF, s2;
	s3 =	spop (v2sf)  }
0x3e3: {  	s6 =	simm.s32 $0xE438;
	p1 =	sne.s32 s0, $0x0;
	p2 =	sgt.u32 s3, $0x4E170  }
.Ltmp55:
0x3e4: {  	s2 =	simm.s32 $0xE538;
	s5 =	sand.u32 @!p2 $0x7FFF8, s3;
	(pc) =	sbr.rel @!p1 .LBB3_58-.Ltmp55, $4  }
0x3e5: {  	s7 =	sadd.s32 @!p2 $0x80, s3;
	s4 =	simm.s32 @!p2 $0x400;
	s8 =	sadd.s32 @!p2 s1, s5  }
0x3e6: {  	s5 =	sand.u32 @!p2 $0x7, s3;
	s3 =	simm.s32 $0xE419;
	s7 =	sand.u32 @!p2 $0xFFFF8, s7  }
0x3e7: {  	[hbm4b:s8+s5] =	stream.linear.scatter @!p2 [tilespmem:s6], [sflag:$0x7], $0x80, $0x38;
	[tilespmem:$0x1E678] =	vst v63  }
0x3e8: {  	s4 =	sadd.s32 $0x0, s4;
	s6 =	simm.s32 @!p2 $0xE4B8;
	s7 =	sadd.s32 @!p2 s1, s7  }
.LBB3_57:
0x3e9: {  	[hbm4b:s7+s5] =	stream.linear.scatter @!p2 [tilespmem:s6], [sflag:$0x7], $0x80, $0x38;
	[tilespmem:$0x1E678] =	vst v63  }
0x3ea: {  	s0 =	sadd.s32 $0xFFFFFFFF, s0;
	s6 =	smov.u32 s2;
	v0 =	vld.msk [tilespmem:s3+$0x0], $0x1  }
0x3eb: {  	p1 =	sne.s32 s0, $0x0;
	_ =	sdelay $0x3  }
0x3ec: {  	(v2sf) =	vpush v0, $0x0;
	_ =	sdelay $0xe  }
0x3ed: {  	s2 =	sadd.s32 $0x100, s2;
	s8 =	simm.s32 $0x0;
	s5 =	spop (v2sf)  }
.Ltmp56:
0x3ee: {  	s3 =	sadd.s32 $0x1, s3;
	p2 =	sgt.u32 s5, $0x4E170;
	(pc) =	sbr.rel @p1 .LBB3_57-.Ltmp56, $4  }
0x3ef: {  	s8 =	simm.s32 @!p2 $0x400;
	s7 =	sand.u32 @!p2 $0x7FFF8, s5;
	s9 =	sadd.s32 @!p2 $0x80, s5  }
0x3f0: {  	s5 =	sand.u32 @!p2 $0x7, s5;
	s7 =	sadd.s32 @!p2 s1, s7;
	s9 =	sand.u32 @!p2 $0xFFFF8, s9  }
0x3f1: {  	[hbm4b:s7+s5] =	stream.linear.scatter @!p2 [tilespmem:s6], [sflag:$0x7], $0x80, $0x38;
	[tilespmem:$0x1E678] =	vst v63  }
0x3f2: {  	s4 =	sadd.s32 s4, s8;
	s6 =	sadd.s32 @!p2 $0x80, s6;
	s7 =	sadd.s32 @!p2 s1, s9  }
.LBB3_58:
0x3f3: {  	[hbm4b:s7+s5] =	stream.linear.scatter @!p2 [tilespmem:s6], [sflag:$0x7], $0x80, $0x38;
	[tilespmem:$0x1E678] =	vst v63  }
0x3f4: {  	s4 =	sshrl.u32 s4, $0x2  }
.LBB3_59:
0x3f5: {  	s0 =	simm.s32 $0x7  }
0x3f6: {  	_ =	swait.ge [sflag:s0], s4  }
0x3f7: {  	s1 =	ssub.s32 $0x0, s4;
	[sflag:s0] =	ssyncset.done $0x0  }
0x3f8: {  	[sflag:s0] =	ssyncadd.s32 s1  }
0x3f9: {  	[sflag:s0] =	ssyncpa.u1 $0x1  }
.LBB3_60:
0x3fa: {  	_ =	sfence;
	s0 =	simm.s32 $0x1  }
0x3fb: {  	[sflag:s0] =	ssyncpa.u1 $0x1  }
0x3fc: {  	_ =	strace $0x9000004D  }
0x3fd: {  	[bflag:$0x2] =	sbarrier.arrive $0xFFFF  }
0x3fe: {  	s0 =	rddreg [dreg:$0x3]  }
0x3ff: {  	s0 =	sadd.s32 @!p0 $0x100000, s0  }
0x400: {  	[sflag:s0] =	ssyncadd.tile.s32 @!p0 $0x1;
	_ =	shalt  }
.Lfunc_end3:
_tile_overlayer_lowered:
.L_overlay_start_3:
0x401: {  	(tag) =	ssettag $0x3  }
0x402: {  	s0 =	rddreg [dreg:$0x0];
	s2 =	stileid.u32  }
0x403: {  	s1 =	rddreg [dreg:$0x1];
	p0 =	sne.s32 s2, $0x0  }
0x404: {  	s3 =	rddreg [dreg:$0x2];
	[bflag:$0x3] =	sbarrier.arrive $0xFFFF;
	s2 =	simm.s32 @!p0 $0x1C01  }
0x405: {  	[timem:s3], [sflag:s2] =	dma.local @!p0 [hbm:s0], s1  }
0x406: {  	s0 =	simm.s32 @!p0 $0x1  }
0x407: {  	_ =	swait.ge @!p0 [sflag:s0], s1  }
0x408: {  	s1 =	ssub.s32 @!p0 $0x0, s1;
	[sflag:s0] =	ssyncset.done @!p0 $0x0  }
0x409: {  	[sflag:s0] =	ssyncadd.s32 @!p0 s1  }
0x40a: {  	[bflag:$0x3] =	sbarrier.arrive $0xFFFF  }
0x40b: {  	_ =	shalt  }

</sc_bundles>
